<compile_context>
chip_gen: v7x
topology: tpu7x:2x2x1
jax: 0.10.2.dev20260603
libtpu: 0.0.44.dev20260713+nightly
codegen_flags: <defaults>
</compile_context>

<pallas_src>
import jax
import jax.numpy as jnp
from jax import lax
from jax.experimental import pallas as pl
from jax.experimental.pallas import tpu as pltpu
from jax.experimental.pallas import tpu_sc as plsc

N_NODES = 10000
N_EDGES = 320000
D_IN = 128
D_HID = 128
D_OUT = 64

NC = 2
NS = 16
NW = NC * NS
EDGES_PER_W = N_EDGES // NW
RING = 5
CHUNK = 80
N_CHUNKS = EDGES_PER_W // CHUNK
N_GROUPS = N_CHUNKS // RING
DCHUNK = 40
DN_CHUNKS = EDGES_PER_W // DCHUNK
DN_GROUPS = DN_CHUNKS // RING
STRIPE_A = 632
STRIPE_B = N_NODES - 15 * STRIPE_A

_SC_PARAMS = pltpu.CompilerParams(use_tc_tiling_on_sc=False)


def _stripe_copy(s, src_at, dst_at):
  r0 = s * STRIPE_A

  @pl.when(s < NS - 1)
  def _():
    pltpu.sync_copy(src_at(pl.ds(r0, STRIPE_A)), dst_at(pl.ds(r0, STRIPE_A)))

  @pl.when(s == NS - 1)
  def _():
    pltpu.sync_copy(src_at(pl.ds(15 * STRIPE_A, STRIPE_B)),
                    dst_at(pl.ds(15 * STRIPE_A, STRIPE_B)))


def _make_propagate(d: int, dtype=jnp.bfloat16):
  mesh = plsc.VectorSubcoreMesh(core_axis_name="c", subcore_axis_name="s")

  def body(table_hbm, src_hbm, dst_hbm, p_hbm, srcv, dstv, rows, acc,
           gsems, ssems):
    c = lax.axis_index("c")
    s = lax.axis_index("s")
    w = c * NS + s

    pltpu.sync_copy(src_hbm.at[w], srcv)
    pltpu.sync_copy(dst_hbm.at[w], dstv)
    _stripe_copy(s, lambda sl: table_hbm.at[sl], lambda sl: acc.at[sl])
    plsc.subcore_barrier()

    def fire_gather(i, j):
      return pltpu.async_copy(table_hbm.at[srcv.at[i]], rows[j], gsems[j])

    def fire_scatter(i, j):
      return pltpu.async_copy(rows[j], acc.at[dstv.at[i]], ssems[j], add=True)

    for j in range(RING):
      fire_gather(j, j)

    def group(n, carry):
      for j in range(RING):
        i = n * RING + j
        pltpu.make_async_copy(table_hbm.at[srcv.at[i]], rows[j],
                              gsems[j]).wait()
        fire_scatter(i, j)

        @pl.when(i + RING < N_CHUNKS)
        def _():
          pltpu.make_async_copy(rows[j], acc.at[dstv.at[i]], ssems[j]).wait()
          fire_gather(i + RING, j)
      return carry

    lax.fori_loop(0, N_GROUPS, group, 0)
    for j in range(RING):
      i = N_CHUNKS - RING + j
      pltpu.make_async_copy(rows[j], acc.at[dstv.at[i]], ssems[j]).wait()

    plsc.subcore_barrier()
    _stripe_copy(s, lambda sl: acc.at[sl], lambda sl: p_hbm.at[c, sl])

  return pl.kernel(
      body,
      out_type=jax.ShapeDtypeStruct((NC, N_NODES, d), dtype),
      mesh=mesh,
      compiler_params=_SC_PARAMS,
      scratch_types=[
          pltpu.VMEM((N_CHUNKS, CHUNK), jnp.int32),
          pltpu.VMEM((N_CHUNKS, CHUNK), jnp.int32),
          [pltpu.VMEM((CHUNK, d), dtype) for _ in range(RING)],
          pltpu.VMEM_SHARED((N_NODES, d), dtype),
          [pltpu.SemaphoreType.DMA for _ in range(RING)],
          [pltpu.SemaphoreType.DMA for _ in range(RING)],
      ],
  )


_propagate_128 = _make_propagate(D_HID)
_propagate_64 = _make_propagate(D_OUT)


def _make_degree():
  mesh = plsc.VectorSubcoreMesh(core_axis_name="c", subcore_axis_name="s")
  DD = 16

  def body(ones_hbm, dst_hbm, p_hbm, dstv, ones_v, acc, ssems):
    c = lax.axis_index("c")
    s = lax.axis_index("s")
    w = c * NS + s

    pltpu.sync_copy(dst_hbm.at[w], dstv)
    pltpu.sync_copy(ones_hbm.at[pl.ds(0, DCHUNK)], ones_v)
    _stripe_copy(s, lambda sl: ones_hbm.at[sl], lambda sl: acc.at[sl])
    plsc.subcore_barrier()

    def fire(i, j):
      return pltpu.async_copy(ones_v, acc.at[dstv.at[i]], ssems[j], add=True)

    def group(n, carry):
      for j in range(RING):
        i = n * RING + j

        @pl.when(n > 0)
        def _():
          pltpu.make_async_copy(ones_v, acc.at[dstv.at[i]], ssems[j]).wait()

        fire(i, j)
      return carry

    lax.fori_loop(0, DN_GROUPS, group, 0)
    for j in range(RING):
      pltpu.make_async_copy(ones_v, acc.at[dstv.at[0]], ssems[j]).wait()

    plsc.subcore_barrier()
    _stripe_copy(s, lambda sl: acc.at[sl], lambda sl: p_hbm.at[c, sl])

  return pl.kernel(
      body,
      out_type=jax.ShapeDtypeStruct((NC, N_NODES, DD), jnp.float32),
      mesh=mesh,
      compiler_params=_SC_PARAMS,
      scratch_types=[
          pltpu.VMEM((DN_CHUNKS, DCHUNK), jnp.int32),
          pltpu.VMEM((DCHUNK, DD), jnp.float32),
          pltpu.VMEM_SHARED((N_NODES, DD), jnp.float32),
          [pltpu.SemaphoreType.DMA for _ in range(RING)],
      ],
  )


_degree = _make_degree()


BN = 1000
GRID = N_NODES // BN


def _dinv_from_degp(degp_blk):
  deg = degp_blk[0, :, 0:1] + degp_blk[1, :, 0:1] - 1.0
  return lax.rsqrt(jnp.maximum(deg, 1e-12))


def _mm_first_body(x_ref, w_ref, degp_ref, out_ref):
  dinv = _dinv_from_degp(degp_ref[...])
  out_ref[...] = (dinv * jnp.dot(x_ref[...], w_ref[...],
                                 preferred_element_type=jnp.float32)
                  ).astype(out_ref.dtype)


def _mm_mid_body(p_ref, hp_ref, b_ref, w_ref, degp_ref, out_ref):
  dinv = _dinv_from_degp(degp_ref[...])
  pp = p_ref[...].astype(jnp.float32)
  z = dinv * (pp[0] + pp[1] - hp_ref[...].astype(jnp.float32)) + b_ref[...]
  a = jnp.maximum(z, 0.0)
  out_ref[...] = (dinv * jnp.dot(a, w_ref[...],
                                 preferred_element_type=jnp.float32)
                  ).astype(out_ref.dtype)


def _soft_body(p_ref, hp_ref, b_ref, degp_ref, out_ref):
  dinv = _dinv_from_degp(degp_ref[...])
  pp = p_ref[...].astype(jnp.float32)
  z = dinv * (pp[0] + pp[1] - hp_ref[...].astype(jnp.float32)) + b_ref[...]
  z = z - jnp.max(z, axis=1, keepdims=True)
  ez = jnp.exp(z)
  out_ref[...] = ez / jnp.sum(ez, axis=1, keepdims=True)


def _row_blk(d):
  return pl.BlockSpec((BN, d), lambda i: (i, 0))


def _p_blk(d):
  return pl.BlockSpec((NC, BN, d), lambda i: (0, i, 0))


_DEGP_BLK = pl.BlockSpec((NC, BN, 16), lambda i: (0, i, 0))


def _full_blk(a, b):
  return pl.BlockSpec((a, b), lambda i: (0, 0))


def _mm_first(x, w, degp):
  return pl.pallas_call(
      _mm_first_body,
      grid=(GRID,),
      in_specs=[_row_blk(D_IN), _full_blk(D_IN, D_HID), _DEGP_BLK],
      out_specs=_row_blk(D_HID),
      out_shape=jax.ShapeDtypeStruct((N_NODES, D_HID), jnp.bfloat16),
  )(x, w, degp)


def _mm_mid(p, hp, b, w, degp, d_out):
  return pl.pallas_call(
      _mm_mid_body,
      grid=(GRID,),
      in_specs=[_p_blk(D_HID), _row_blk(D_HID), _full_blk(1, D_HID),
                _full_blk(D_HID, d_out), _DEGP_BLK],
      out_specs=_row_blk(d_out),
      out_shape=jax.ShapeDtypeStruct((N_NODES, d_out), jnp.bfloat16),
  )(p, hp, b, w, degp)


def _softmax_out(p, hp, b, degp):
  return pl.pallas_call(
      _soft_body,
      grid=(GRID,),
      in_specs=[_p_blk(D_OUT), _row_blk(D_OUT), _full_blk(1, D_OUT), _DEGP_BLK],
      out_specs=_row_blk(D_OUT),
      out_shape=jax.ShapeDtypeStruct((N_NODES, D_OUT), jnp.float32),
  )(p, hp, b, degp)


def kernel(x, edge_index, W1, b1, W2, b2, W3, b3, W4, b4):
  src32 = edge_index[0].astype(jnp.int32)
  dst32 = edge_index[1].astype(jnp.int32)
  src = src32.reshape(NW, N_CHUNKS, CHUNK)
  dst = dst32.reshape(NW, N_CHUNKS, CHUNK)
  dst40 = dst32.reshape(NW, DN_CHUNKS, DCHUNK)
  x = x.astype(jnp.float32)

  ones_tab = jnp.ones((N_NODES, 16), jnp.float32)
  degp = _degree(ones_tab, dst40)

  h1p = _mm_first(x, W1, degp)
  p1 = _propagate_128(h1p, src, dst)
  h2p = _mm_mid(p1, h1p, b1.reshape(1, -1), W2, degp, D_HID)
  p2 = _propagate_128(h2p, src, dst)
  h3p = _mm_mid(p2, h2p, b2.reshape(1, -1), W3, degp, D_HID)
  p3 = _propagate_128(h3p, src, dst)
  h4p = _mm_mid(p3, h3p, b3.reshape(1, -1), W4, degp, D_OUT)
  p4 = _propagate_64(h4p, src, dst)
  return _softmax_out(p4, h4p, b4.reshape(1, -1), degp)

# --- scband reference (transcript-rebuilt; emitter-appended) ---
"""Pipeline reference for scband-simple-gnn-45028437131723 (READ-ONLY COPY).

The authoritative reference and input builder live on the scoring server;
editing this copy changes nothing except your own understanding.
"""

import jax, jax.numpy as jnp
import numpy as np

N_NODES = 10000
N_EDGES = 320000
D_IN = 128
D_HID = 128
D_OUT = 64


def gcn_conv(x, src, dst, W, b, num_nodes):
    # PyG GCNConv: add self-loops, symmetric normalization D^-1/2 (A+I) D^-1/2 X W + b
    loop = jnp.arange(num_nodes, dtype=src.dtype)
    s = jnp.concatenate([src, loop])
    d = jnp.concatenate([dst, loop])
    deg = jnp.zeros((num_nodes,), dtype=x.dtype).at[d].add(1.0)
    dinv = jax.lax.rsqrt(jnp.maximum(deg, 1e-12))
    norm = dinv[s] * dinv[d]
    h = x @ W
    msg = h[s] * norm[:, None]
    out = jnp.zeros((num_nodes, W.shape[1]), dtype=x.dtype).at[d].add(msg)
    return out + b


def setup_inputs(seed: int = 0) -> dict:
    key = jax.random.key(seed)
    ks = jax.random.split(key, 12)
    x = jax.random.normal(ks[0], (N_NODES, D_IN), dtype=jnp.float32)
    edge_index = jax.random.randint(ks[1], (2, N_EDGES), 0, N_NODES, dtype=jnp.int64)
    def glorot(k, fan_in, fan_out):
        lim = np.sqrt(6.0 / (fan_in + fan_out))
        return jax.random.uniform(k, (fan_in, fan_out), dtype=jnp.float32, minval=-lim, maxval=lim)
    return {
        "x": x,
        "edge_index": edge_index,
        "W1": glorot(ks[2], D_IN, D_HID), "b1": jnp.zeros((D_HID,), jnp.float32),
        "W2": glorot(ks[3], D_HID, D_HID), "b2": jnp.zeros((D_HID,), jnp.float32),
        "W3": glorot(ks[4], D_HID, D_HID), "b3": jnp.zeros((D_HID,), jnp.float32),
        "W4": glorot(ks[5], D_HID, D_OUT), "b4": jnp.zeros((D_OUT,), jnp.float32),
    }


def reference(x, edge_index, W1, b1, W2, b2, W3, b3, W4, b4):
    # eval mode: dropout is identity
    num_nodes = x.shape[0]
    src, dst = edge_index[0], edge_index[1]
    h = x.astype(jnp.float32)
    h = jax.nn.relu(gcn_conv(h, src, dst, W1, b1, num_nodes))
    h = jax.nn.relu(gcn_conv(h, src, dst, W2, b2, num_nodes))
    h = jax.nn.relu(gcn_conv(h, src, dst, W3, b3, num_nodes))
    h = gcn_conv(h, src, dst, W4, b4, num_nodes)
    return jax.nn.softmax(h, axis=1)

if __name__ == "__main__":
    import jax
    _d = setup_inputs()
    print(jax.jit(kernel)(*tuple(_d.values())))

</pallas_src>

<mosaic_0001>
#map = affine_map<(d0, d1) -> (0, 0)>
#map1 = affine_map<(d0, d1) -> (0, 0, 0)>
module attributes {stable_mosaic.version = 14 : i64} {
  func.func @body(%arg0: i32, %arg1: i32, %arg2: memref<10000x128xbf16, #tpu.memory_space<hbm>>, %arg3: memref<32x125x80xi32, #tpu.memory_space<hbm>>, %arg4: memref<32x125x80xi32, #tpu.memory_space<hbm>>, %arg5: memref<2x10000x128xbf16, #tpu.memory_space<hbm>>, %arg6: memref<125x80xi32, #tpu.memory_space<vmem>>, %arg7: memref<125x80xi32, #tpu.memory_space<vmem>>, %arg8: memref<80x128xbf16, #tpu.memory_space<vmem>>, %arg9: memref<80x128xbf16, #tpu.memory_space<vmem>>, %arg10: memref<80x128xbf16, #tpu.memory_space<vmem>>, %arg11: memref<80x128xbf16, #tpu.memory_space<vmem>>, %arg12: memref<80x128xbf16, #tpu.memory_space<vmem>>, %arg13: memref<10000x128xbf16, #tpu.memory_space<vmem_shared>>, %arg14: memref<!tpu.dma_semaphore, #tpu.memory_space<semaphore_mem>>, %arg15: memref<!tpu.dma_semaphore, #tpu.memory_space<semaphore_mem>>, %arg16: memref<!tpu.dma_semaphore, #tpu.memory_space<semaphore_mem>>, %arg17: memref<!tpu.dma_semaphore, #tpu.memory_space<semaphore_mem>>, %arg18: memref<!tpu.dma_semaphore, #tpu.memory_space<semaphore_mem>>, %arg19: memref<!tpu.dma_semaphore, #tpu.memory_space<semaphore_mem>>, %arg20: memref<!tpu.dma_semaphore, #tpu.memory_space<semaphore_mem>>, %arg21: memref<!tpu.dma_semaphore, #tpu.memory_space<semaphore_mem>>, %arg22: memref<!tpu.dma_semaphore, #tpu.memory_space<semaphore_mem>>, %arg23: memref<!tpu.dma_semaphore, #tpu.memory_space<semaphore_mem>>) attributes {dimension_semantics = [#tpu.dimension_semantics<core_parallel>, #tpu.dimension_semantics<subcore_parallel>], iteration_bounds = array<i64: 2, 16>, scalar_prefetch = 0 : i64, scratch_operands = 18 : i64, tpu.core_type = #tpu.core_type<sc_vector_subcore>, window_params = [{transform_indices = #map}, {transform_indices = #map1}, {transform_indices = #map1}, {transform_indices = #map1}]} {
    %mul3A = arith.constant 16 : i32
    %mul3A_0 = arith.muli %arg0, %mul3A : i32
    %add3A = arith.addi %mul3A_0, %arg1 : i32
    "tpu.region"() ({
      %run_scoped3A = tpu.sem_alloc : memref<!tpu.dma_semaphore, #tpu.memory_space<semaphore_mem>>
      %dma_start3A_95 = arith.constant 0 : i32
      %dma_start3A_96 = arith.constant 0 : i32
      %dma_start3A_97 = tpu.memref_slice %arg3[%add3A, %dma_start3A_95, %dma_start3A_96] : memref<32x125x80xi32, #tpu.memory_space<hbm>> -> memref<1x125x80xi32, #tpu.memory_space<hbm>>
      %dma_start3A_98 = tpu.memref_squeeze %dma_start3A_97 : memref<1x125x80xi32, #tpu.memory_space<hbm>> -> memref<125x80xi32, #tpu.memory_space<hbm>>
      %dma_start3A_99 = arith.constant 0 : i32
      %dma_start3A_100 = arith.constant 0 : i32
      %dma_start3A_101 = tpu.memref_slice %arg3[%add3A, %dma_start3A_99, %dma_start3A_100] : memref<32x125x80xi32, #tpu.memory_space<hbm>> -> memref<1x125x80xi32, #tpu.memory_space<hbm>>
      %dma_start3A_102 = tpu.memref_squeeze %dma_start3A_101 : memref<1x125x80xi32, #tpu.memory_space<hbm>> -> memref<125x80xi32, #tpu.memory_space<hbm>>
      tpu.enqueue_dma source(%dma_start3A_102 : memref<125x80xi32, #tpu.memory_space<hbm>>) target(%arg6 : memref<125x80xi32, #tpu.memory_space<vmem>>) target_semaphore(%run_scoped3A : memref<!tpu.dma_semaphore, #tpu.memory_space<semaphore_mem>>)
      %dma_wait3A_103 = arith.constant 0 : i32
      %dma_wait3A_104 = arith.constant 0 : i32
      %dma_wait3A_105 = tpu.memref_slice %arg3[%add3A, %dma_wait3A_103, %dma_wait3A_104] : memref<32x125x80xi32, #tpu.memory_space<hbm>> -> memref<1x125x80xi32, #tpu.memory_space<hbm>>
      %dma_wait3A_106 = tpu.memref_squeeze %dma_wait3A_105 : memref<1x125x80xi32, #tpu.memory_space<hbm>> -> memref<125x80xi32, #tpu.memory_space<hbm>>
      %dma_wait3A_107 = arith.constant 0 : i32
      %dma_wait3A_108 = arith.constant 0 : i32
      %dma_wait3A_109 = tpu.memref_slice %arg3[%add3A, %dma_wait3A_107, %dma_wait3A_108] : memref<32x125x80xi32, #tpu.memory_space<hbm>> -> memref<1x125x80xi32, #tpu.memory_space<hbm>>
      %dma_wait3A_110 = tpu.memref_squeeze %dma_wait3A_109 : memref<1x125x80xi32, #tpu.memory_space<hbm>> -> memref<125x80xi32, #tpu.memory_space<hbm>>
      tpu.wait_dma2 semaphore(%run_scoped3A : memref<!tpu.dma_semaphore, #tpu.memory_space<semaphore_mem>>) src(%dma_wait3A_110 : memref<125x80xi32, #tpu.memory_space<hbm>>) dst(%arg6 : memref<125x80xi32, #tpu.memory_space<vmem>>)
      tpu.yield
    }) : () -> ()
    "tpu.region"() ({
      %run_scoped3A = tpu.sem_alloc : memref<!tpu.dma_semaphore, #tpu.memory_space<semaphore_mem>>
      %dma_start3A_95 = arith.constant 0 : i32
      %dma_start3A_96 = arith.constant 0 : i32
      %dma_start3A_97 = tpu.memref_slice %arg4[%add3A, %dma_start3A_95, %dma_start3A_96] : memref<32x125x80xi32, #tpu.memory_space<hbm>> -> memref<1x125x80xi32, #tpu.memory_space<hbm>>
      %dma_start3A_98 = tpu.memref_squeeze %dma_start3A_97 : memref<1x125x80xi32, #tpu.memory_space<hbm>> -> memref<125x80xi32, #tpu.memory_space<hbm>>
      %dma_start3A_99 = arith.constant 0 : i32
      %dma_start3A_100 = arith.constant 0 : i32
      %dma_start3A_101 = tpu.memref_slice %arg4[%add3A, %dma_start3A_99, %dma_start3A_100] : memref<32x125x80xi32, #tpu.memory_space<hbm>> -> memref<1x125x80xi32, #tpu.memory_space<hbm>>
      %dma_start3A_102 = tpu.memref_squeeze %dma_start3A_101 : memref<1x125x80xi32, #tpu.memory_space<hbm>> -> memref<125x80xi32, #tpu.memory_space<hbm>>
      tpu.enqueue_dma source(%dma_start3A_102 : memref<125x80xi32, #tpu.memory_space<hbm>>) target(%arg7 : memref<125x80xi32, #tpu.memory_space<vmem>>) target_semaphore(%run_scoped3A : memref<!tpu.dma_semaphore, #tpu.memory_space<semaphore_mem>>)
      %dma_wait3A_103 = arith.constant 0 : i32
      %dma_wait3A_104 = arith.constant 0 : i32
      %dma_wait3A_105 = tpu.memref_slice %arg4[%add3A, %dma_wait3A_103, %dma_wait3A_104] : memref<32x125x80xi32, #tpu.memory_space<hbm>> -> memref<1x125x80xi32, #tpu.memory_space<hbm>>
      %dma_wait3A_106 = tpu.memref_squeeze %dma_wait3A_105 : memref<1x125x80xi32, #tpu.memory_space<hbm>> -> memref<125x80xi32, #tpu.memory_space<hbm>>
      %dma_wait3A_107 = arith.constant 0 : i32
      %dma_wait3A_108 = arith.constant 0 : i32
      %dma_wait3A_109 = tpu.memref_slice %arg4[%add3A, %dma_wait3A_107, %dma_wait3A_108] : memref<32x125x80xi32, #tpu.memory_space<hbm>> -> memref<1x125x80xi32, #tpu.memory_space<hbm>>
      %dma_wait3A_110 = tpu.memref_squeeze %dma_wait3A_109 : memref<1x125x80xi32, #tpu.memory_space<hbm>> -> memref<125x80xi32, #tpu.memory_space<hbm>>
      tpu.wait_dma2 semaphore(%run_scoped3A : memref<!tpu.dma_semaphore, #tpu.memory_space<semaphore_mem>>) src(%dma_wait3A_110 : memref<125x80xi32, #tpu.memory_space<hbm>>) dst(%arg7 : memref<125x80xi32, #tpu.memory_space<vmem>>)
      tpu.yield
    }) : () -> ()
    %mul3A_1 = arith.constant 632 : i32
    %mul3A_2 = arith.muli %arg1, %mul3A_1 : i32
    %lt3A = arith.constant 15 : i32
    %lt3A_3 = arith.cmpi slt, %arg1, %lt3A : i32
    %convert_element_type3A = arith.extui %lt3A_3 : i1 to i32
    %cond3A = arith.constant 0 : i32
    %cond3A_4 = arith.cmpi ne, %convert_element_type3A, %cond3A : i32
    scf.if %cond3A_4 {
      "tpu.region"() ({
        %run_scoped3A = tpu.sem_alloc : memref<!tpu.dma_semaphore, #tpu.memory_space<semaphore_mem>>
        %dma_start3A_95 = arith.constant 0 : i32
        %dma_start3A_96 = tpu.memref_slice %arg13[%mul3A_2, %dma_start3A_95] : memref<10000x128xbf16, #tpu.memory_space<vmem_shared>> -> memref<632x128xbf16, #tpu.memory_space<vmem_shared>>
        %dma_start3A_97 = arith.constant 0 : i32
        %dma_start3A_98 = tpu.memref_slice %arg2[%mul3A_2, %dma_start3A_97] : memref<10000x128xbf16, #tpu.memory_space<hbm>> -> memref<632x128xbf16, #tpu.memory_space<hbm>>
        tpu.enqueue_dma source(%dma_start3A_98 : memref<632x128xbf16, #tpu.memory_space<hbm>>) target(%dma_start3A_96 : memref<632x128xbf16, #tpu.memory_space<vmem_shared>>) target_semaphore(%run_scoped3A : memref<!tpu.dma_semaphore, #tpu.memory_space<semaphore_mem>>)
        %dma_wait3A_99 = arith.constant 0 : i32
        %dma_wait3A_100 = tpu.memref_slice %arg13[%mul3A_2, %dma_wait3A_99] : memref<10000x128xbf16, #tpu.memory_space<vmem_shared>> -> memref<632x128xbf16, #tpu.memory_space<vmem_shared>>
        %dma_wait3A_101 = arith.constant 0 : i32
        %dma_wait3A_102 = tpu.memref_slice %arg2[%mul3A_2, %dma_wait3A_101] : memref<10000x128xbf16, #tpu.memory_space<hbm>> -> memref<632x128xbf16, #tpu.memory_space<hbm>>
        tpu.wait_dma2 semaphore(%run_scoped3A : memref<!tpu.dma_semaphore, #tpu.memory_space<semaphore_mem>>) src(%dma_wait3A_102 : memref<632x128xbf16, #tpu.memory_space<hbm>>) dst(%dma_wait3A_100 : memref<632x128xbf16, #tpu.memory_space<vmem_shared>>)
        tpu.yield
      }) : () -> ()
    } else {
    }
    %eq3A = arith.constant 15 : i32
    %eq3A_5 = arith.cmpi eq, %arg1, %eq3A : i32
    %convert_element_type3A_6 = arith.extui %eq3A_5 : i1 to i32
    %cond3A_7 = arith.constant 0 : i32
    %cond3A_8 = arith.cmpi ne, %convert_element_type3A_6, %cond3A_7 : i32
    scf.if %cond3A_8 {
      "tpu.region"() ({
        %run_scoped3A = tpu.sem_alloc : memref<!tpu.dma_semaphore, #tpu.memory_space<semaphore_mem>>
        %dma_start3A_95 = arith.constant 9480 : i32
        %dma_start3A_96 = arith.constant 0 : i32
        %dma_start3A_97 = tpu.memref_slice %arg13[%dma_start3A_95, %dma_start3A_96] : memref<10000x128xbf16, #tpu.memory_space<vmem_shared>> -> memref<520x128xbf16, #tpu.memory_space<vmem_shared>>
        %dma_start3A_98 = arith.constant 9480 : i32
        %dma_start3A_99 = arith.constant 0 : i32
        %dma_start3A_100 = tpu.memref_slice %arg2[%dma_start3A_98, %dma_start3A_99] : memref<10000x128xbf16, #tpu.memory_space<hbm>> -> memref<520x128xbf16, #tpu.memory_space<hbm>>
        tpu.enqueue_dma source(%dma_start3A_100 : memref<520x128xbf16, #tpu.memory_space<hbm>>) target(%dma_start3A_97 : memref<520x128xbf16, #tpu.memory_space<vmem_shared>>) target_semaphore(%run_scoped3A : memref<!tpu.dma_semaphore, #tpu.memory_space<semaphore_mem>>)
        %dma_wait3A_101 = arith.constant 9480 : i32
        %dma_wait3A_102 = arith.constant 0 : i32
        %dma_wait3A_103 = tpu.memref_slice %arg13[%dma_wait3A_101, %dma_wait3A_102] : memref<10000x128xbf16, #tpu.memory_space<vmem_shared>> -> memref<520x128xbf16, #tpu.memory_space<vmem_shared>>
        %dma_wait3A_104 = arith.constant 9480 : i32
        %dma_wait3A_105 = arith.constant 0 : i32
        %dma_wait3A_106 = tpu.memref_slice %arg2[%dma_wait3A_104, %dma_wait3A_105] : memref<10000x128xbf16, #tpu.memory_space<hbm>> -> memref<520x128xbf16, #tpu.memory_space<hbm>>
        tpu.wait_dma2 semaphore(%run_scoped3A : memref<!tpu.dma_semaphore, #tpu.memory_space<semaphore_mem>>) src(%dma_wait3A_106 : memref<520x128xbf16, #tpu.memory_space<hbm>>) dst(%dma_wait3A_103 : memref<520x128xbf16, #tpu.memory_space<vmem_shared>>)
        tpu.yield
      }) : () -> ()
    } else {
    }
    %barrier3A = arith.constant 0 : index
    tpu.barrier barrier_id(%barrier3A)
    %dma_start3A = arith.constant 0 : i32
    %dma_start3A_9 = arith.constant 0 : i32
    %dma_start3A_10 = tpu.memref_slice %arg6[%dma_start3A, %dma_start3A_9] : memref<125x80xi32, #tpu.memory_space<vmem>> -> memref<1x80xi32, #tpu.memory_space<vmem>>
    %dma_start3A_11 = tpu.memref_squeeze %dma_start3A_10 : memref<1x80xi32, #tpu.memory_space<vmem>> -> memref<80xi32, #tpu.memory_space<vmem>>
    %dma_start3A_12 = arith.constant 0 : i32
    %dma_start3A_13 = arith.constant 0 : i32
    %dma_start3A_14 = tpu.memref_slice %arg2[%dma_start3A_12, %dma_start3A_13] : memref<10000x128xbf16, #tpu.memory_space<hbm>> -> memref<10000x128xbf16, #tpu.memory_space<hbm>>
    tpu.enqueue_indirect_dma source(%dma_start3A_14 : memref<10000x128xbf16, #tpu.memory_space<hbm>>) target(%arg8 : memref<80x128xbf16, #tpu.memory_space<vmem>>) offsets(%dma_start3A_11 : memref<80xi32, #tpu.memory_space<vmem>>) semaphore(%arg14 : memref<!tpu.dma_semaphore, #tpu.memory_space<semaphore_mem>>)
    %dma_start3A_15 = arith.constant 1 : i32
    %dma_start3A_16 = arith.constant 0 : i32
    %dma_start3A_17 = tpu.memref_slice %arg6[%dma_start3A_15, %dma_start3A_16] : memref<125x80xi32, #tpu.memory_space<vmem>> -> memref<1x80xi32, #tpu.memory_space<vmem>>
    %dma_start3A_18 = tpu.memref_squeeze %dma_start3A_17 : memref<1x80xi32, #tpu.memory_space<vmem>> -> memref<80xi32, #tpu.memory_space<vmem>>
    %dma_start3A_19 = arith.constant 0 : i32
    %dma_start3A_20 = arith.constant 0 : i32
    %dma_start3A_21 = tpu.memref_slice %arg2[%dma_start3A_19, %dma_start3A_20] : memref<10000x128xbf16, #tpu.memory_space<hbm>> -> memref<10000x128xbf16, #tpu.memory_space<hbm>>
    tpu.enqueue_indirect_dma source(%dma_start3A_21 : memref<10000x128xbf16, #tpu.memory_space<hbm>>) target(%arg9 : memref<80x128xbf16, #tpu.memory_space<vmem>>) offsets(%dma_start3A_18 : memref<80xi32, #tpu.memory_space<vmem>>) semaphore(%arg15 : memref<!tpu.dma_semaphore, #tpu.memory_space<semaphore_mem>>)
    %dma_start3A_22 = arith.constant 2 : i32
    %dma_start3A_23 = arith.constant 0 : i32
    %dma_start3A_24 = tpu.memref_slice %arg6[%dma_start3A_22, %dma_start3A_23] : memref<125x80xi32, #tpu.memory_space<vmem>> -> memref<1x80xi32, #tpu.memory_space<vmem>>
    %dma_start3A_25 = tpu.memref_squeeze %dma_start3A_24 : memref<1x80xi32, #tpu.memory_space<vmem>> -> memref<80xi32, #tpu.memory_space<vmem>>
    %dma_start3A_26 = arith.constant 0 : i32
    %dma_start3A_27 = arith.constant 0 : i32
    %dma_start3A_28 = tpu.memref_slice %arg2[%dma_start3A_26, %dma_start3A_27] : memref<10000x128xbf16, #tpu.memory_space<hbm>> -> memref<10000x128xbf16, #tpu.memory_space<hbm>>
    tpu.enqueue_indirect_dma source(%dma_start3A_28 : memref<10000x128xbf16, #tpu.memory_space<hbm>>) target(%arg10 : memref<80x128xbf16, #tpu.memory_space<vmem>>) offsets(%dma_start3A_25 : memref<80xi32, #tpu.memory_space<vmem>>) semaphore(%arg16 : memref<!tpu.dma_semaphore, #tpu.memory_space<semaphore_mem>>)
    %dma_start3A_29 = arith.constant 3 : i32
    %dma_start3A_30 = arith.constant 0 : i32
    %dma_start3A_31 = tpu.memref_slice %arg6[%dma_start3A_29, %dma_start3A_30] : memref<125x80xi32, #tpu.memory_space<vmem>> -> memref<1x80xi32, #tpu.memory_space<vmem>>
    %dma_start3A_32 = tpu.memref_squeeze %dma_start3A_31 : memref<1x80xi32, #tpu.memory_space<vmem>> -> memref<80xi32, #tpu.memory_space<vmem>>
    %dma_start3A_33 = arith.constant 0 : i32
    %dma_start3A_34 = arith.constant 0 : i32
    %dma_start3A_35 = tpu.memref_slice %arg2[%dma_start3A_33, %dma_start3A_34] : memref<10000x128xbf16, #tpu.memory_space<hbm>> -> memref<10000x128xbf16, #tpu.memory_space<hbm>>
    tpu.enqueue_indirect_dma source(%dma_start3A_35 : memref<10000x128xbf16, #tpu.memory_space<hbm>>) target(%arg11 : memref<80x128xbf16, #tpu.memory_space<vmem>>) offsets(%dma_start3A_32 : memref<80xi32, #tpu.memory_space<vmem>>) semaphore(%arg17 : memref<!tpu.dma_semaphore, #tpu.memory_space<semaphore_mem>>)
    %dma_start3A_36 = arith.constant 4 : i32
    %dma_start3A_37 = arith.constant 0 : i32
    %dma_start3A_38 = tpu.memref_slice %arg6[%dma_start3A_36, %dma_start3A_37] : memref<125x80xi32, #tpu.memory_space<vmem>> -> memref<1x80xi32, #tpu.memory_space<vmem>>
    %dma_start3A_39 = tpu.memref_squeeze %dma_start3A_38 : memref<1x80xi32, #tpu.memory_space<vmem>> -> memref<80xi32, #tpu.memory_space<vmem>>
    %dma_start3A_40 = arith.constant 0 : i32
    %dma_start3A_41 = arith.constant 0 : i32
    %dma_start3A_42 = tpu.memref_slice %arg2[%dma_start3A_40, %dma_start3A_41] : memref<10000x128xbf16, #tpu.memory_space<hbm>> -> memref<10000x128xbf16, #tpu.memory_space<hbm>>
    tpu.enqueue_indirect_dma source(%dma_start3A_42 : memref<10000x128xbf16, #tpu.memory_space<hbm>>) target(%arg12 : memref<80x128xbf16, #tpu.memory_space<vmem>>) offsets(%dma_start3A_39 : memref<80xi32, #tpu.memory_space<vmem>>) semaphore(%arg18 : memref<!tpu.dma_semaphore, #tpu.memory_space<semaphore_mem>>)
    %scan3A = arith.constant 0 : i32
    %scan3A_43 = arith.constant 0 : i32
    %scan3A_44 = arith.constant 25 : i32
    %scan3A_45 = arith.addi %scan3A_43, %scan3A_44 : i32
    %scan3A_46 = arith.constant 1 : i32
    scf.for %scan3A_95 = %scan3A_43 to %scan3A_45 step %scan3A_46  : i32 {
      %mul3A_96 = arith.constant 5 : i32
      %mul3A_97 = arith.muli %scan3A_95, %mul3A_96 : i32
      %add3A_98 = arith.constant 0 : i32
      %add3A_99 = arith.addi %mul3A_97, %add3A_98 : i32
      %dma_wait3A_100 = arith.constant 0 : i32
      %dma_wait3A_101 = tpu.memref_slice %arg6[%add3A_99, %dma_wait3A_100] : memref<125x80xi32, #tpu.memory_space<vmem>> -> memref<1x80xi32, #tpu.memory_space<vmem>>
      %dma_wait3A_102 = tpu.memref_squeeze %dma_wait3A_101 : memref<1x80xi32, #tpu.memory_space<vmem>> -> memref<80xi32, #tpu.memory_space<vmem>>
      %dma_wait3A_103 = arith.constant 0 : i32
      %dma_wait3A_104 = arith.constant 0 : i32
      %dma_wait3A_105 = tpu.memref_slice %arg2[%dma_wait3A_103, %dma_wait3A_104] : memref<10000x128xbf16, #tpu.memory_space<hbm>> -> memref<10000x128xbf16, #tpu.memory_space<hbm>>
      tpu.wait_indirect_dma semaphore(%arg14 : memref<!tpu.dma_semaphore, #tpu.memory_space<semaphore_mem>>) src(%dma_wait3A_105 : memref<10000x128xbf16, #tpu.memory_space<hbm>>) dst(%arg8 : memref<80x128xbf16, #tpu.memory_space<vmem>>)
      %dma_start3A_106 = arith.constant 0 : i32
      %dma_start3A_107 = tpu.memref_slice %arg7[%add3A_99, %dma_start3A_106] : memref<125x80xi32, #tpu.memory_space<vmem>> -> memref<1x80xi32, #tpu.memory_space<vmem>>
      %dma_start3A_108 = tpu.memref_squeeze %dma_start3A_107 : memref<1x80xi32, #tpu.memory_space<vmem>> -> memref<80xi32, #tpu.memory_space<vmem>>
      %dma_start3A_109 = arith.constant 0 : i32
      %dma_start3A_110 = arith.constant 0 : i32
      %dma_start3A_111 = tpu.memref_slice %arg13[%dma_start3A_109, %dma_start3A_110] : memref<10000x128xbf16, #tpu.memory_space<vmem_shared>> -> memref<10000x128xbf16, #tpu.memory_space<vmem_shared>>
      tpu.enqueue_indirect_dma source(%arg8 : memref<80x128xbf16, #tpu.memory_space<vmem>>) target(%dma_start3A_111 : memref<10000x128xbf16, #tpu.memory_space<vmem_shared>>) offsets(%dma_start3A_108 : memref<80xi32, #tpu.memory_space<vmem>>) semaphore(%arg19 : memref<!tpu.dma_semaphore, #tpu.memory_space<semaphore_mem>>) {add = true}
      %add3A_112 = arith.constant 5 : i32
      %add3A_113 = arith.addi %add3A_99, %add3A_112 : i32
      %lt3A_114 = arith.constant 125 : i32
      %lt3A_115 = arith.cmpi slt, %add3A_113, %lt3A_114 : i32
      %convert_element_type3A_116 = arith.extui %lt3A_115 : i1 to i32
      %cond3A_117 = arith.constant 0 : i32
      %cond3A_118 = arith.cmpi ne, %convert_element_type3A_116, %cond3A_117 : i32
      scf.if %cond3A_118 {
        %dma_wait3A_211 = arith.constant 0 : i32
        %dma_wait3A_212 = tpu.memref_slice %arg7[%add3A_99, %dma_wait3A_211] : memref<125x80xi32, #tpu.memory_space<vmem>> -> memref<1x80xi32, #tpu.memory_space<vmem>>
        %dma_wait3A_213 = tpu.memref_squeeze %dma_wait3A_212 : memref<1x80xi32, #tpu.memory_space<vmem>> -> memref<80xi32, #tpu.memory_space<vmem>>
        %dma_wait3A_214 = arith.constant 0 : i32
        %dma_wait3A_215 = arith.constant 0 : i32
        %dma_wait3A_216 = tpu.memref_slice %arg13[%dma_wait3A_214, %dma_wait3A_215] : memref<10000x128xbf16, #tpu.memory_space<vmem_shared>> -> memref<10000x128xbf16, #tpu.memory_space<vmem_shared>>
        tpu.wait_indirect_dma semaphore(%arg19 : memref<!tpu.dma_semaphore, #tpu.memory_space<semaphore_mem>>) src(%arg8 : memref<80x128xbf16, #tpu.memory_space<vmem>>) dst(%dma_wait3A_216 : memref<10000x128xbf16, #tpu.memory_space<vmem_shared>>)
        %add3A_217 = arith.constant 5 : i32
        %add3A_218 = arith.addi %add3A_99, %add3A_217 : i32
        %dma_start3A_219 = arith.constant 0 : i32
        %dma_start3A_220 = tpu.memref_slice %arg6[%add3A_218, %dma_start3A_219] : memref<125x80xi32, #tpu.memory_space<vmem>> -> memref<1x80xi32, #tpu.memory_space<vmem>>
        %dma_start3A_221 = tpu.memref_squeeze %dma_start3A_220 : memref<1x80xi32, #tpu.memory_space<vmem>> -> memref<80xi32, #tpu.memory_space<vmem>>
        %dma_start3A_222 = arith.constant 0 : i32
        %dma_start3A_223 = arith.constant 0 : i32
        %dma_start3A_224 = tpu.memref_slice %arg2[%dma_start3A_222, %dma_start3A_223] : memref<10000x128xbf16, #tpu.memory_space<hbm>> -> memref<10000x128xbf16, #tpu.memory_space<hbm>>
        tpu.enqueue_indirect_dma source(%dma_start3A_224 : memref<10000x128xbf16, #tpu.memory_space<hbm>>) target(%arg8 : memref<80x128xbf16, #tpu.memory_space<vmem>>) offsets(%dma_start3A_221 : memref<80xi32, #tpu.memory_space<vmem>>) semaphore(%arg14 : memref<!tpu.dma_semaphore, #tpu.memory_space<semaphore_mem>>)
      } else {
      }
      %mul3A_119 = arith.constant 5 : i32
      %mul3A_120 = arith.muli %scan3A_95, %mul3A_119 : i32
      %add3A_121 = arith.constant 1 : i32
      %add3A_122 = arith.addi %mul3A_120, %add3A_121 : i32
      %dma_wait3A_123 = arith.constant 0 : i32
      %dma_wait3A_124 = tpu.memref_slice %arg6[%add3A_122, %dma_wait3A_123] : memref<125x80xi32, #tpu.memory_space<vmem>> -> memref<1x80xi32, #tpu.memory_space<vmem>>
      %dma_wait3A_125 = tpu.memref_squeeze %dma_wait3A_124 : memref<1x80xi32, #tpu.memory_space<vmem>> -> memref<80xi32, #tpu.memory_space<vmem>>
      %dma_wait3A_126 = arith.constant 0 : i32
      %dma_wait3A_127 = arith.constant 0 : i32
      %dma_wait3A_128 = tpu.memref_slice %arg2[%dma_wait3A_126, %dma_wait3A_127] : memref<10000x128xbf16, #tpu.memory_space<hbm>> -> memref<10000x128xbf16, #tpu.memory_space<hbm>>
      tpu.wait_indirect_dma semaphore(%arg15 : memref<!tpu.dma_semaphore, #tpu.memory_space<semaphore_mem>>) src(%dma_wait3A_128 : memref<10000x128xbf16, #tpu.memory_space<hbm>>) dst(%arg9 : memref<80x128xbf16, #tpu.memory_space<vmem>>)
      %dma_start3A_129 = arith.constant 0 : i32
      %dma_start3A_130 = tpu.memref_slice %arg7[%add3A_122, %dma_start3A_129] : memref<125x80xi32, #tpu.memory_space<vmem>> -> memref<1x80xi32, #tpu.memory_space<vmem>>
      %dma_start3A_131 = tpu.memref_squeeze %dma_start3A_130 : memref<1x80xi32, #tpu.memory_space<vmem>> -> memref<80xi32, #tpu.memory_space<vmem>>
      %dma_start3A_132 = arith.constant 0 : i32
      %dma_start3A_133 = arith.constant 0 : i32
      %dma_start3A_134 = tpu.memref_slice %arg13[%dma_start3A_132, %dma_start3A_133] : memref<10000x128xbf16, #tpu.memory_space<vmem_shared>> -> memref<10000x128xbf16, #tpu.memory_space<vmem_shared>>
      tpu.enqueue_indirect_dma source(%arg9 : memref<80x128xbf16, #tpu.memory_space<vmem>>) target(%dma_start3A_134 : memref<10000x128xbf16, #tpu.memory_space<vmem_shared>>) offsets(%dma_start3A_131 : memref<80xi32, #tpu.memory_space<vmem>>) semaphore(%arg20 : memref<!tpu.dma_semaphore, #tpu.memory_space<semaphore_mem>>) {add = true}
      %add3A_135 = arith.constant 5 : i32
      %add3A_136 = arith.addi %add3A_122, %add3A_135 : i32
      %lt3A_137 = arith.constant 125 : i32
      %lt3A_138 = arith.cmpi slt, %add3A_136, %lt3A_137 : i32
      %convert_element_type3A_139 = arith.extui %lt3A_138 : i1 to i32
      %cond3A_140 = arith.constant 0 : i32
      %cond3A_141 = arith.cmpi ne, %convert_element_type3A_139, %cond3A_140 : i32
      scf.if %cond3A_141 {
        %dma_wait3A_211 = arith.constant 0 : i32
        %dma_wait3A_212 = tpu.memref_slice %arg7[%add3A_122, %dma_wait3A_211] : memref<125x80xi32, #tpu.memory_space<vmem>> -> memref<1x80xi32, #tpu.memory_space<vmem>>
        %dma_wait3A_213 = tpu.memref_squeeze %dma_wait3A_212 : memref<1x80xi32, #tpu.memory_space<vmem>> -> memref<80xi32, #tpu.memory_space<vmem>>
        %dma_wait3A_214 = arith.constant 0 : i32
        %dma_wait3A_215 = arith.constant 0 : i32
        %dma_wait3A_216 = tpu.memref_slice %arg13[%dma_wait3A_214, %dma_wait3A_215] : memref<10000x128xbf16, #tpu.memory_space<vmem_shared>> -> memref<10000x128xbf16, #tpu.memory_space<vmem_shared>>
        tpu.wait_indirect_dma semaphore(%arg20 : memref<!tpu.dma_semaphore, #tpu.memory_space<semaphore_mem>>) src(%arg9 : memref<80x128xbf16, #tpu.memory_space<vmem>>) dst(%dma_wait3A_216 : memref<10000x128xbf16, #tpu.memory_space<vmem_shared>>)
        %add3A_217 = arith.constant 5 : i32
        %add3A_218 = arith.addi %add3A_122, %add3A_217 : i32
        %dma_start3A_219 = arith.constant 0 : i32
        %dma_start3A_220 = tpu.memref_slice %arg6[%add3A_218, %dma_start3A_219] : memref<125x80xi32, #tpu.memory_space<vmem>> -> memref<1x80xi32, #tpu.memory_space<vmem>>
        %dma_start3A_221 = tpu.memref_squeeze %dma_start3A_220 : memref<1x80xi32, #tpu.memory_space<vmem>> -> memref<80xi32, #tpu.memory_space<vmem>>
        %dma_start3A_222 = arith.constant 0 : i32
        %dma_start3A_223 = arith.constant 0 : i32
        %dma_start3A_224 = tpu.memref_slice %arg2[%dma_start3A_222, %dma_start3A_223] : memref<10000x128xbf16, #tpu.memory_space<hbm>> -> memref<10000x128xbf16, #tpu.memory_space<hbm>>
        tpu.enqueue_indirect_dma source(%dma_start3A_224 : memref<10000x128xbf16, #tpu.memory_space<hbm>>) target(%arg9 : memref<80x128xbf16, #tpu.memory_space<vmem>>) offsets(%dma_start3A_221 : memref<80xi32, #tpu.memory_space<vmem>>) semaphore(%arg15 : memref<!tpu.dma_semaphore, #tpu.memory_space<semaphore_mem>>)
      } else {
      }
      %mul3A_142 = arith.constant 5 : i32
      %mul3A_143 = arith.muli %scan3A_95, %mul3A_142 : i32
      %add3A_144 = arith.constant 2 : i32
      %add3A_145 = arith.addi %mul3A_143, %add3A_144 : i32
      %dma_wait3A_146 = arith.constant 0 : i32
      %dma_wait3A_147 = tpu.memref_slice %arg6[%add3A_145, %dma_wait3A_146] : memref<125x80xi32, #tpu.memory_space<vmem>> -> memref<1x80xi32, #tpu.memory_space<vmem>>
      %dma_wait3A_148 = tpu.memref_squeeze %dma_wait3A_147 : memref<1x80xi32, #tpu.memory_space<vmem>> -> memref<80xi32, #tpu.memory_space<vmem>>
      %dma_wait3A_149 = arith.constant 0 : i32
      %dma_wait3A_150 = arith.constant 0 : i32
      %dma_wait3A_151 = tpu.memref_slice %arg2[%dma_wait3A_149, %dma_wait3A_150] : memref<10000x128xbf16, #tpu.memory_space<hbm>> -> memref<10000x128xbf16, #tpu.memory_space<hbm>>
      tpu.wait_indirect_dma semaphore(%arg16 : memref<!tpu.dma_semaphore, #tpu.memory_space<semaphore_mem>>) src(%dma_wait3A_151 : memref<10000x128xbf16, #tpu.memory_space<hbm>>) dst(%arg10 : memref<80x128xbf16, #tpu.memory_space<vmem>>)
      %dma_start3A_152 = arith.constant 0 : i32
      %dma_start3A_153 = tpu.memref_slice %arg7[%add3A_145, %dma_start3A_152] : memref<125x80xi32, #tpu.memory_space<vmem>> -> memref<1x80xi32, #tpu.memory_space<vmem>>
      %dma_start3A_154 = tpu.memref_squeeze %dma_start3A_153 : memref<1x80xi32, #tpu.memory_space<vmem>> -> memref<80xi32, #tpu.memory_space<vmem>>
      %dma_start3A_155 = arith.constant 0 : i32
      %dma_start3A_156 = arith.constant 0 : i32
      %dma_start3A_157 = tpu.memref_slice %arg13[%dma_start3A_155, %dma_start3A_156] : memref<10000x128xbf16, #tpu.memory_space<vmem_shared>> -> memref<10000x128xbf16, #tpu.memory_space<vmem_shared>>
      tpu.enqueue_indirect_dma source(%arg10 : memref<80x128xbf16, #tpu.memory_space<vmem>>) target(%dma_start3A_157 : memref<10000x128xbf16, #tpu.memory_space<vmem_shared>>) offsets(%dma_start3A_154 : memref<80xi32, #tpu.memory_space<vmem>>) semaphore(%arg21 : memref<!tpu.dma_semaphore, #tpu.memory_space<semaphore_mem>>) {add = true}
      %add3A_158 = arith.constant 5 : i32
      %add3A_159 = arith.addi %add3A_145, %add3A_158 : i32
      %lt3A_160 = arith.constant 125 : i32
      %lt3A_161 = arith.cmpi slt, %add3A_159, %lt3A_160 : i32
      %convert_element_type3A_162 = arith.extui %lt3A_161 : i1 to i32
      %cond3A_163 = arith.constant 0 : i32
      %cond3A_164 = arith.cmpi ne, %convert_element_type3A_162, %cond3A_163 : i32
      scf.if %cond3A_164 {
        %dma_wait3A_211 = arith.constant 0 : i32
        %dma_wait3A_212 = tpu.memref_slice %arg7[%add3A_145, %dma_wait3A_211] : memref<125x80xi32, #tpu.memory_space<vmem>> -> memref<1x80xi32, #tpu.memory_space<vmem>>
        %dma_wait3A_213 = tpu.memref_squeeze %dma_wait3A_212 : memref<1x80xi32, #tpu.memory_space<vmem>> -> memref<80xi32, #tpu.memory_space<vmem>>
        %dma_wait3A_214 = arith.constant 0 : i32
        %dma_wait3A_215 = arith.constant 0 : i32
        %dma_wait3A_216 = tpu.memref_slice %arg13[%dma_wait3A_214, %dma_wait3A_215] : memref<10000x128xbf16, #tpu.memory_space<vmem_shared>> -> memref<10000x128xbf16, #tpu.memory_space<vmem_shared>>
        tpu.wait_indirect_dma semaphore(%arg21 : memref<!tpu.dma_semaphore, #tpu.memory_space<semaphore_mem>>) src(%arg10 : memref<80x128xbf16, #tpu.memory_space<vmem>>) dst(%dma_wait3A_216 : memref<10000x128xbf16, #tpu.memory_space<vmem_shared>>)
        %add3A_217 = arith.constant 5 : i32
        %add3A_218 = arith.addi %add3A_145, %add3A_217 : i32
        %dma_start3A_219 = arith.constant 0 : i32
        %dma_start3A_220 = tpu.memref_slice %arg6[%add3A_218, %dma_start3A_219] : memref<125x80xi32, #tpu.memory_space<vmem>> -> memref<1x80xi32, #tpu.memory_space<vmem>>
        %dma_start3A_221 = tpu.memref_squeeze %dma_start3A_220 : memref<1x80xi32, #tpu.memory_space<vmem>> -> memref<80xi32, #tpu.memory_space<vmem>>
        %dma_start3A_222 = arith.constant 0 : i32
        %dma_start3A_223 = arith.constant 0 : i32
        %dma_start3A_224 = tpu.memref_slice %arg2[%dma_start3A_222, %dma_start3A_223] : memref<10000x128xbf16, #tpu.memory_space<hbm>> -> memref<10000x128xbf16, #tpu.memory_space<hbm>>
        tpu.enqueue_indirect_dma source(%dma_start3A_224 : memref<10000x128xbf16, #tpu.memory_space<hbm>>) target(%arg10 : memref<80x128xbf16, #tpu.memory_space<vmem>>) offsets(%dma_start3A_221 : memref<80xi32, #tpu.memory_space<vmem>>) semaphore(%arg16 : memref<!tpu.dma_semaphore, #tpu.memory_space<semaphore_mem>>)
      } else {
      }
      %mul3A_165 = arith.constant 5 : i32
      %mul3A_166 = arith.muli %scan3A_95, %mul3A_165 : i32
      %add3A_167 = arith.constant 3 : i32
      %add3A_168 = arith.addi %mul3A_166, %add3A_167 : i32
      %dma_wait3A_169 = arith.constant 0 : i32
      %dma_wait3A_170 = tpu.memref_slice %arg6[%add3A_168, %dma_wait3A_169] : memref<125x80xi32, #tpu.memory_space<vmem>> -> memref<1x80xi32, #tpu.memory_space<vmem>>
      %dma_wait3A_171 = tpu.memref_squeeze %dma_wait3A_170 : memref<1x80xi32, #tpu.memory_space<vmem>> -> memref<80xi32, #tpu.memory_space<vmem>>
      %dma_wait3A_172 = arith.constant 0 : i32
      %dma_wait3A_173 = arith.constant 0 : i32
      %dma_wait3A_174 = tpu.memref_slice %arg2[%dma_wait3A_172, %dma_wait3A_173] : memref<10000x128xbf16, #tpu.memory_space<hbm>> -> memref<10000x128xbf16, #tpu.memory_space<hbm>>
      tpu.wait_indirect_dma semaphore(%arg17 : memref<!tpu.dma_semaphore, #tpu.memory_space<semaphore_mem>>) src(%dma_wait3A_174 : memref<10000x128xbf16, #tpu.memory_space<hbm>>) dst(%arg11 : memref<80x128xbf16, #tpu.memory_space<vmem>>)
      %dma_start3A_175 = arith.constant 0 : i32
      %dma_start3A_176 = tpu.memref_slice %arg7[%add3A_168, %dma_start3A_175] : memref<125x80xi32, #tpu.memory_space<vmem>> -> memref<1x80xi32, #tpu.memory_space<vmem>>
      %dma_start3A_177 = tpu.memref_squeeze %dma_start3A_176 : memref<1x80xi32, #tpu.memory_space<vmem>> -> memref<80xi32, #tpu.memory_space<vmem>>
      %dma_start3A_178 = arith.constant 0 : i32
      %dma_start3A_179 = arith.constant 0 : i32
      %dma_start3A_180 = tpu.memref_slice %arg13[%dma_start3A_178, %dma_start3A_179] : memref<10000x128xbf16, #tpu.memory_space<vmem_shared>> -> memref<10000x128xbf16, #tpu.memory_space<vmem_shared>>
      tpu.enqueue_indirect_dma source(%arg11 : memref<80x128xbf16, #tpu.memory_space<vmem>>) target(%dma_start3A_180 : memref<10000x128xbf16, #tpu.memory_space<vmem_shared>>) offsets(%dma_start3A_177 : memref<80xi32, #tpu.memory_space<vmem>>) semaphore(%arg22 : memref<!tpu.dma_semaphore, #tpu.memory_space<semaphore_mem>>) {add = true}
      %add3A_181 = arith.constant 5 : i32
      %add3A_182 = arith.addi %add3A_168, %add3A_181 : i32
      %lt3A_183 = arith.constant 125 : i32
      %lt3A_184 = arith.cmpi slt, %add3A_182, %lt3A_183 : i32
      %convert_element_type3A_185 = arith.extui %lt3A_184 : i1 to i32
      %cond3A_186 = arith.constant 0 : i32
      %cond3A_187 = arith.cmpi ne, %convert_element_type3A_185, %cond3A_186 : i32
      scf.if %cond3A_187 {
        %dma_wait3A_211 = arith.constant 0 : i32
        %dma_wait3A_212 = tpu.memref_slice %arg7[%add3A_168, %dma_wait3A_211] : memref<125x80xi32, #tpu.memory_space<vmem>> -> memref<1x80xi32, #tpu.memory_space<vmem>>
        %dma_wait3A_213 = tpu.memref_squeeze %dma_wait3A_212 : memref<1x80xi32, #tpu.memory_space<vmem>> -> memref<80xi32, #tpu.memory_space<vmem>>
        %dma_wait3A_214 = arith.constant 0 : i32
        %dma_wait3A_215 = arith.constant 0 : i32
        %dma_wait3A_216 = tpu.memref_slice %arg13[%dma_wait3A_214, %dma_wait3A_215] : memref<10000x128xbf16, #tpu.memory_space<vmem_shared>> -> memref<10000x128xbf16, #tpu.memory_space<vmem_shared>>
        tpu.wait_indirect_dma semaphore(%arg22 : memref<!tpu.dma_semaphore, #tpu.memory_space<semaphore_mem>>) src(%arg11 : memref<80x128xbf16, #tpu.memory_space<vmem>>) dst(%dma_wait3A_216 : memref<10000x128xbf16, #tpu.memory_space<vmem_shared>>)
        %add3A_217 = arith.constant 5 : i32
        %add3A_218 = arith.addi %add3A_168, %add3A_217 : i32
        %dma_start3A_219 = arith.constant 0 : i32
        %dma_start3A_220 = tpu.memref_slice %arg6[%add3A_218, %dma_start3A_219] : memref<125x80xi32, #tpu.memory_space<vmem>> -> memref<1x80xi32, #tpu.memory_space<vmem>>
        %dma_start3A_221 = tpu.memref_squeeze %dma_start3A_220 : memref<1x80xi32, #tpu.memory_space<vmem>> -> memref<80xi32, #tpu.memory_space<vmem>>
        %dma_start3A_222 = arith.constant 0 : i32
        %dma_start3A_223 = arith.constant 0 : i32
        %dma_start3A_224 = tpu.memref_slice %arg2[%dma_start3A_222, %dma_start3A_223] : memref<10000x128xbf16, #tpu.memory_space<hbm>> -> memref<10000x128xbf16, #tpu.memory_space<hbm>>
        tpu.enqueue_indirect_dma source(%dma_start3A_224 : memref<10000x128xbf16, #tpu.memory_space<hbm>>) target(%arg11 : memref<80x128xbf16, #tpu.memory_space<vmem>>) offsets(%dma_start3A_221 : memref<80xi32, #tpu.memory_space<vmem>>) semaphore(%arg17 : memref<!tpu.dma_semaphore, #tpu.memory_space<semaphore_mem>>)
      } else {
      }
      %mul3A_188 = arith.constant 5 : i32
      %mul3A_189 = arith.muli %scan3A_95, %mul3A_188 : i32
      %add3A_190 = arith.constant 4 : i32
      %add3A_191 = arith.addi %mul3A_189, %add3A_190 : i32
      %dma_wait3A_192 = arith.constant 0 : i32
      %dma_wait3A_193 = tpu.memref_slice %arg6[%add3A_191, %dma_wait3A_192] : memref<125x80xi32, #tpu.memory_space<vmem>> -> memref<1x80xi32, #tpu.memory_space<vmem>>
      %dma_wait3A_194 = tpu.memref_squeeze %dma_wait3A_193 : memref<1x80xi32, #tpu.memory_space<vmem>> -> memref<80xi32, #tpu.memory_space<vmem>>
      %dma_wait3A_195 = arith.constant 0 : i32
      %dma_wait3A_196 = arith.constant 0 : i32
      %dma_wait3A_197 = tpu.memref_slice %arg2[%dma_wait3A_195, %dma_wait3A_196] : memref<10000x128xbf16, #tpu.memory_space<hbm>> -> memref<10000x128xbf16, #tpu.memory_space<hbm>>
      tpu.wait_indirect_dma semaphore(%arg18 : memref<!tpu.dma_semaphore, #tpu.memory_space<semaphore_mem>>) src(%dma_wait3A_197 : memref<10000x128xbf16, #tpu.memory_space<hbm>>) dst(%arg12 : memref<80x128xbf16, #tpu.memory_space<vmem>>)
      %dma_start3A_198 = arith.constant 0 : i32
      %dma_start3A_199 = tpu.memref_slice %arg7[%add3A_191, %dma_start3A_198] : memref<125x80xi32, #tpu.memory_space<vmem>> -> memref<1x80xi32, #tpu.memory_space<vmem>>
      %dma_start3A_200 = tpu.memref_squeeze %dma_start3A_199 : memref<1x80xi32, #tpu.memory_space<vmem>> -> memref<80xi32, #tpu.memory_space<vmem>>
      %dma_start3A_201 = arith.constant 0 : i32
      %dma_start3A_202 = arith.constant 0 : i32
      %dma_start3A_203 = tpu.memref_slice %arg13[%dma_start3A_201, %dma_start3A_202] : memref<10000x128xbf16, #tpu.memory_space<vmem_shared>> -> memref<10000x128xbf16, #tpu.memory_space<vmem_shared>>
      tpu.enqueue_indirect_dma source(%arg12 : memref<80x128xbf16, #tpu.memory_space<vmem>>) target(%dma_start3A_203 : memref<10000x128xbf16, #tpu.memory_space<vmem_shared>>) offsets(%dma_start3A_200 : memref<80xi32, #tpu.memory_space<vmem>>) semaphore(%arg23 : memref<!tpu.dma_semaphore, #tpu.memory_space<semaphore_mem>>) {add = true}
      %add3A_204 = arith.constant 5 : i32
      %add3A_205 = arith.addi %add3A_191, %add3A_204 : i32
      %lt3A_206 = arith.constant 125 : i32
      %lt3A_207 = arith.cmpi slt, %add3A_205, %lt3A_206 : i32
      %convert_element_type3A_208 = arith.extui %lt3A_207 : i1 to i32
      %cond3A_209 = arith.constant 0 : i32
      %cond3A_210 = arith.cmpi ne, %convert_element_type3A_208, %cond3A_209 : i32
      scf.if %cond3A_210 {
        %dma_wait3A_211 = arith.constant 0 : i32
        %dma_wait3A_212 = tpu.memref_slice %arg7[%add3A_191, %dma_wait3A_211] : memref<125x80xi32, #tpu.memory_space<vmem>> -> memref<1x80xi32, #tpu.memory_space<vmem>>
        %dma_wait3A_213 = tpu.memref_squeeze %dma_wait3A_212 : memref<1x80xi32, #tpu.memory_space<vmem>> -> memref<80xi32, #tpu.memory_space<vmem>>
        %dma_wait3A_214 = arith.constant 0 : i32
        %dma_wait3A_215 = arith.constant 0 : i32
        %dma_wait3A_216 = tpu.memref_slice %arg13[%dma_wait3A_214, %dma_wait3A_215] : memref<10000x128xbf16, #tpu.memory_space<vmem_shared>> -> memref<10000x128xbf16, #tpu.memory_space<vmem_shared>>
        tpu.wait_indirect_dma semaphore(%arg23 : memref<!tpu.dma_semaphore, #tpu.memory_space<semaphore_mem>>) src(%arg12 : memref<80x128xbf16, #tpu.memory_space<vmem>>) dst(%dma_wait3A_216 : memref<10000x128xbf16, #tpu.memory_space<vmem_shared>>)
        %add3A_217 = arith.constant 5 : i32
        %add3A_218 = arith.addi %add3A_191, %add3A_217 : i32
        %dma_start3A_219 = arith.constant 0 : i32
        %dma_start3A_220 = tpu.memref_slice %arg6[%add3A_218, %dma_start3A_219] : memref<125x80xi32, #tpu.memory_space<vmem>> -> memref<1x80xi32, #tpu.memory_space<vmem>>
        %dma_start3A_221 = tpu.memref_squeeze %dma_start3A_220 : memref<1x80xi32, #tpu.memory_space<vmem>> -> memref<80xi32, #tpu.memory_space<vmem>>
        %dma_start3A_222 = arith.constant 0 : i32
        %dma_start3A_223 = arith.constant 0 : i32
        %dma_start3A_224 = tpu.memref_slice %arg2[%dma_start3A_222, %dma_start3A_223] : memref<10000x128xbf16, #tpu.memory_space<hbm>> -> memref<10000x128xbf16, #tpu.memory_space<hbm>>
        tpu.enqueue_indirect_dma source(%dma_start3A_224 : memref<10000x128xbf16, #tpu.memory_space<hbm>>) target(%arg12 : memref<80x128xbf16, #tpu.memory_space<vmem>>) offsets(%dma_start3A_221 : memref<80xi32, #tpu.memory_space<vmem>>) semaphore(%arg18 : memref<!tpu.dma_semaphore, #tpu.memory_space<semaphore_mem>>)
      } else {
      }
    }
    %scan3A_47 = arith.constant 25 : i32
    %dma_wait3A = arith.constant 120 : i32
    %dma_wait3A_48 = arith.constant 0 : i32
    %dma_wait3A_49 = tpu.memref_slice %arg7[%dma_wait3A, %dma_wait3A_48] : memref<125x80xi32, #tpu.memory_space<vmem>> -> memref<1x80xi32, #tpu.memory_space<vmem>>
    %dma_wait3A_50 = tpu.memref_squeeze %dma_wait3A_49 : memref<1x80xi32, #tpu.memory_space<vmem>> -> memref<80xi32, #tpu.memory_space<vmem>>
    %dma_wait3A_51 = arith.constant 0 : i32
    %dma_wait3A_52 = arith.constant 0 : i32
    %dma_wait3A_53 = tpu.memref_slice %arg13[%dma_wait3A_51, %dma_wait3A_52] : memref<10000x128xbf16, #tpu.memory_space<vmem_shared>> -> memref<10000x128xbf16, #tpu.memory_space<vmem_shared>>
    tpu.wait_indirect_dma semaphore(%arg19 : memref<!tpu.dma_semaphore, #tpu.memory_space<semaphore_mem>>) src(%arg8 : memref<80x128xbf16, #tpu.memory_space<vmem>>) dst(%dma_wait3A_53 : memref<10000x128xbf16, #tpu.memory_space<vmem_shared>>)
    %dma_wait3A_54 = arith.constant 121 : i32
    %dma_wait3A_55 = arith.constant 0 : i32
    %dma_wait3A_56 = tpu.memref_slice %arg7[%dma_wait3A_54, %dma_wait3A_55] : memref<125x80xi32, #tpu.memory_space<vmem>> -> memref<1x80xi32, #tpu.memory_space<vmem>>
    %dma_wait3A_57 = tpu.memref_squeeze %dma_wait3A_56 : memref<1x80xi32, #tpu.memory_space<vmem>> -> memref<80xi32, #tpu.memory_space<vmem>>
    %dma_wait3A_58 = arith.constant 0 : i32
    %dma_wait3A_59 = arith.constant 0 : i32
    %dma_wait3A_60 = tpu.memref_slice %arg13[%dma_wait3A_58, %dma_wait3A_59] : memref<10000x128xbf16, #tpu.memory_space<vmem_shared>> -> memref<10000x128xbf16, #tpu.memory_space<vmem_shared>>
    tpu.wait_indirect_dma semaphore(%arg20 : memref<!tpu.dma_semaphore, #tpu.memory_space<semaphore_mem>>) src(%arg9 : memref<80x128xbf16, #tpu.memory_space<vmem>>) dst(%dma_wait3A_60 : memref<10000x128xbf16, #tpu.memory_space<vmem_shared>>)
    %dma_wait3A_61 = arith.constant 122 : i32
    %dma_wait3A_62 = arith.constant 0 : i32
    %dma_wait3A_63 = tpu.memref_slice %arg7[%dma_wait3A_61, %dma_wait3A_62] : memref<125x80xi32, #tpu.memory_space<vmem>> -> memref<1x80xi32, #tpu.memory_space<vmem>>
    %dma_wait3A_64 = tpu.memref_squeeze %dma_wait3A_63 : memref<1x80xi32, #tpu.memory_space<vmem>> -> memref<80xi32, #tpu.memory_space<vmem>>
    %dma_wait3A_65 = arith.constant 0 : i32
    %dma_wait3A_66 = arith.constant 0 : i32
    %dma_wait3A_67 = tpu.memref_slice %arg13[%dma_wait3A_65, %dma_wait3A_66] : memref<10000x128xbf16, #tpu.memory_space<vmem_shared>> -> memref<10000x128xbf16, #tpu.memory_space<vmem_shared>>
    tpu.wait_indirect_dma semaphore(%arg21 : memref<!tpu.dma_semaphore, #tpu.memory_space<semaphore_mem>>) src(%arg10 : memref<80x128xbf16, #tpu.memory_space<vmem>>) dst(%dma_wait3A_67 : memref<10000x128xbf16, #tpu.memory_space<vmem_shared>>)
    %dma_wait3A_68 = arith.constant 123 : i32
    %dma_wait3A_69 = arith.constant 0 : i32
    %dma_wait3A_70 = tpu.memref_slice %arg7[%dma_wait3A_68, %dma_wait3A_69] : memref<125x80xi32, #tpu.memory_space<vmem>> -> memref<1x80xi32, #tpu.memory_space<vmem>>
    %dma_wait3A_71 = tpu.memref_squeeze %dma_wait3A_70 : memref<1x80xi32, #tpu.memory_space<vmem>> -> memref<80xi32, #tpu.memory_space<vmem>>
    %dma_wait3A_72 = arith.constant 0 : i32
    %dma_wait3A_73 = arith.constant 0 : i32
    %dma_wait3A_74 = tpu.memref_slice %arg13[%dma_wait3A_72, %dma_wait3A_73] : memref<10000x128xbf16, #tpu.memory_space<vmem_shared>> -> memref<10000x128xbf16, #tpu.memory_space<vmem_shared>>
    tpu.wait_indirect_dma semaphore(%arg22 : memref<!tpu.dma_semaphore, #tpu.memory_space<semaphore_mem>>) src(%arg11 : memref<80x128xbf16, #tpu.memory_space<vmem>>) dst(%dma_wait3A_74 : memref<10000x128xbf16, #tpu.memory_space<vmem_shared>>)
    %dma_wait3A_75 = arith.constant 124 : i32
    %dma_wait3A_76 = arith.constant 0 : i32
    %dma_wait3A_77 = tpu.memref_slice %arg7[%dma_wait3A_75, %dma_wait3A_76] : memref<125x80xi32, #tpu.memory_space<vmem>> -> memref<1x80xi32, #tpu.memory_space<vmem>>
    %dma_wait3A_78 = tpu.memref_squeeze %dma_wait3A_77 : memref<1x80xi32, #tpu.memory_space<vmem>> -> memref<80xi32, #tpu.memory_space<vmem>>
    %dma_wait3A_79 = arith.constant 0 : i32
    %dma_wait3A_80 = arith.constant 0 : i32
    %dma_wait3A_81 = tpu.memref_slice %arg13[%dma_wait3A_79, %dma_wait3A_80] : memref<10000x128xbf16, #tpu.memory_space<vmem_shared>> -> memref<10000x128xbf16, #tpu.memory_space<vmem_shared>>
    tpu.wait_indirect_dma semaphore(%arg23 : memref<!tpu.dma_semaphore, #tpu.memory_space<semaphore_mem>>) src(%arg12 : memref<80x128xbf16, #tpu.memory_space<vmem>>) dst(%dma_wait3A_81 : memref<10000x128xbf16, #tpu.memory_space<vmem_shared>>)
    %barrier3A_82 = arith.constant 0 : index
    tpu.barrier barrier_id(%barrier3A_82)
    %mul3A_83 = arith.constant 632 : i32
    %mul3A_84 = arith.muli %arg1, %mul3A_83 : i32
    %lt3A_85 = arith.constant 15 : i32
    %lt3A_86 = arith.cmpi slt, %arg1, %lt3A_85 : i32
    %convert_element_type3A_87 = arith.extui %lt3A_86 : i1 to i32
    %cond3A_88 = arith.constant 0 : i32
    %cond3A_89 = arith.cmpi ne, %convert_element_type3A_87, %cond3A_88 : i32
    scf.if %cond3A_89 {
      "tpu.region"() ({
        %run_scoped3A = tpu.sem_alloc : memref<!tpu.dma_semaphore, #tpu.memory_space<semaphore_mem>>
        %dma_start3A_95 = arith.constant 0 : i32
        %dma_start3A_96 = tpu.memref_slice %arg5[%arg0, %mul3A_84, %dma_start3A_95] : memref<2x10000x128xbf16, #tpu.memory_space<hbm>> -> memref<1x632x128xbf16, #tpu.memory_space<hbm>>
        %dma_start3A_97 = tpu.memref_squeeze %dma_start3A_96 : memref<1x632x128xbf16, #tpu.memory_space<hbm>> -> memref<632x128xbf16, #tpu.memory_space<hbm>>
        %dma_start3A_98 = arith.constant 0 : i32
        %dma_start3A_99 = tpu.memref_slice %arg13[%mul3A_84, %dma_start3A_98] : memref<10000x128xbf16, #tpu.memory_space<vmem_shared>> -> memref<632x128xbf16, #tpu.memory_space<vmem_shared>>
        tpu.enqueue_dma source(%dma_start3A_99 : memref<632x128xbf16, #tpu.memory_space<vmem_shared>>) target(%dma_start3A_97 : memref<632x128xbf16, #tpu.memory_space<hbm>>) target_semaphore(%run_scoped3A : memref<!tpu.dma_semaphore, #tpu.memory_space<semaphore_mem>>)
        %dma_wait3A_100 = arith.constant 0 : i32
        %dma_wait3A_101 = tpu.memref_slice %arg5[%arg0, %mul3A_84, %dma_wait3A_100] : memref<2x10000x128xbf16, #tpu.memory_space<hbm>> -> memref<1x632x128xbf16, #tpu.memory_space<hbm>>
        %dma_wait3A_102 = tpu.memref_squeeze %dma_wait3A_101 : memref<1x632x128xbf16, #tpu.memory_space<hbm>> -> memref<632x128xbf16, #tpu.memory_space<hbm>>
        %dma_wait3A_103 = arith.constant 0 : i32
        %dma_wait3A_104 = tpu.memref_slice %arg13[%mul3A_84, %dma_wait3A_103] : memref<10000x128xbf16, #tpu.memory_space<vmem_shared>> -> memref<632x128xbf16, #tpu.memory_space<vmem_shared>>
        tpu.wait_dma2 semaphore(%run_scoped3A : memref<!tpu.dma_semaphore, #tpu.memory_space<semaphore_mem>>) src(%dma_wait3A_104 : memref<632x128xbf16, #tpu.memory_space<vmem_shared>>) dst(%dma_wait3A_102 : memref<632x128xbf16, #tpu.memory_space<hbm>>)
        tpu.yield
      }) : () -> ()
    } else {
    }
    %eq3A_90 = arith.constant 15 : i32
    %eq3A_91 = arith.cmpi eq, %arg1, %eq3A_90 : i32
    %convert_element_type3A_92 = arith.extui %eq3A_91 : i1 to i32
    %cond3A_93 = arith.constant 0 : i32
    %cond3A_94 = arith.cmpi ne, %convert_element_type3A_92, %cond3A_93 : i32
    scf.if %cond3A_94 {
      "tpu.region"() ({
        %run_scoped3A = tpu.sem_alloc : memref<!tpu.dma_semaphore, #tpu.memory_space<semaphore_mem>>
        %dma_start3A_95 = arith.constant 9480 : i32
        %dma_start3A_96 = arith.constant 0 : i32
        %dma_start3A_97 = tpu.memref_slice %arg5[%arg0, %dma_start3A_95, %dma_start3A_96] : memref<2x10000x128xbf16, #tpu.memory_space<hbm>> -> memref<1x520x128xbf16, #tpu.memory_space<hbm>>
        %dma_start3A_98 = tpu.memref_squeeze %dma_start3A_97 : memref<1x520x128xbf16, #tpu.memory_space<hbm>> -> memref<520x128xbf16, #tpu.memory_space<hbm>>
        %dma_start3A_99 = arith.constant 9480 : i32
        %dma_start3A_100 = arith.constant 0 : i32
        %dma_start3A_101 = tpu.memref_slice %arg13[%dma_start3A_99, %dma_start3A_100] : memref<10000x128xbf16, #tpu.memory_space<vmem_shared>> -> memref<520x128xbf16, #tpu.memory_space<vmem_shared>>
        tpu.enqueue_dma source(%dma_start3A_101 : memref<520x128xbf16, #tpu.memory_space<vmem_shared>>) target(%dma_start3A_98 : memref<520x128xbf16, #tpu.memory_space<hbm>>) target_semaphore(%run_scoped3A : memref<!tpu.dma_semaphore, #tpu.memory_space<semaphore_mem>>)
        %dma_wait3A_102 = arith.constant 9480 : i32
        %dma_wait3A_103 = arith.constant 0 : i32
        %dma_wait3A_104 = tpu.memref_slice %arg5[%arg0, %dma_wait3A_102, %dma_wait3A_103] : memref<2x10000x128xbf16, #tpu.memory_space<hbm>> -> memref<1x520x128xbf16, #tpu.memory_space<hbm>>
        %dma_wait3A_105 = tpu.memref_squeeze %dma_wait3A_104 : memref<1x520x128xbf16, #tpu.memory_space<hbm>> -> memref<520x128xbf16, #tpu.memory_space<hbm>>
        %dma_wait3A_106 = arith.constant 9480 : i32
        %dma_wait3A_107 = arith.constant 0 : i32
        %dma_wait3A_108 = tpu.memref_slice %arg13[%dma_wait3A_106, %dma_wait3A_107] : memref<10000x128xbf16, #tpu.memory_space<vmem_shared>> -> memref<520x128xbf16, #tpu.memory_space<vmem_shared>>
        tpu.wait_dma2 semaphore(%run_scoped3A : memref<!tpu.dma_semaphore, #tpu.memory_space<semaphore_mem>>) src(%dma_wait3A_108 : memref<520x128xbf16, #tpu.memory_space<vmem_shared>>) dst(%dma_wait3A_105 : memref<520x128xbf16, #tpu.memory_space<hbm>>)
        tpu.yield
      }) : () -> ()
    } else {
    }
    return
  }
}

#map = affine_map<(d0, d1) -> (0, 0)>
#map1 = affine_map<(d0, d1) -> (0, 0, 0)>
module attributes {stable_mosaic.version = 14 : i64} {
  func.func @body(%arg0: i32, %arg1: i32, %arg2: memref<10000x128xbf16, #tpu.memory_space<hbm>>, %arg3: memref<32x125x80xi32, #tpu.memory_space<hbm>>, %arg4: memref<32x125x80xi32, #tpu.memory_space<hbm>>, %arg5: memref<2x10000x128xbf16, #tpu.memory_space<hbm>>, %arg6: memref<125x80xi32, #tpu.memory_space<vmem>>, %arg7: memref<125x80xi32, #tpu.memory_space<vmem>>, %arg8: memref<80x128xbf16, #tpu.memory_space<vmem>>, %arg9: memref<80x128xbf16, #tpu.memory_space<vmem>>, %arg10: memref<80x128xbf16, #tpu.memory_space<vmem>>, %arg11: memref<80x128xbf16, #tpu.memory_space<vmem>>, %arg12: memref<80x128xbf16, #tpu.memory_space<vmem>>, %arg13: memref<10000x128xbf16, #tpu.memory_space<vmem_shared>>, %arg14: memref<!tpu.dma_semaphore, #tpu.memory_space<semaphore_mem>>, %arg15: memref<!tpu.dma_semaphore, #tpu.memory_space<semaphore_mem>>, %arg16: memref<!tpu.dma_semaphore, #tpu.memory_space<semaphore_mem>>, %arg17: memref<!tpu.dma_semaphore, #tpu.memory_space<semaphore_mem>>, %arg18: memref<!tpu.dma_semaphore, #tpu.memory_space<semaphore_mem>>, %arg19: memref<!tpu.dma_semaphore, #tpu.memory_space<semaphore_mem>>, %arg20: memref<!tpu.dma_semaphore, #tpu.memory_space<semaphore_mem>>, %arg21: memref<!tpu.dma_semaphore, #tpu.memory_space<semaphore_mem>>, %arg22: memref<!tpu.dma_semaphore, #tpu.memory_space<semaphore_mem>>, %arg23: memref<!tpu.dma_semaphore, #tpu.memory_space<semaphore_mem>>) attributes {dimension_semantics = [#tpu.dimension_semantics<core_parallel>, #tpu.dimension_semantics<subcore_parallel>], iteration_bounds = array<i64: 2, 16>, scalar_prefetch = 0 : i64, scratch_operands = 18 : i64, tpu.core_type = #tpu.core_type<sc_vector_subcore>, window_params = [{transform_indices = #map}, {transform_indices = #map1}, {transform_indices = #map1}, {transform_indices = #map1}]} {
    %mul3A = arith.constant 16 : i32
    %mul3A_0 = arith.muli %arg0, %mul3A : i32
    %add3A = arith.addi %mul3A_0, %arg1 : i32
    "tpu.region"() ({
      %run_scoped3A = tpu.sem_alloc : memref<!tpu.dma_semaphore, #tpu.memory_space<semaphore_mem>>
      %dma_start3A_95 = arith.constant 0 : i32
      %dma_start3A_96 = arith.constant 0 : i32
      %dma_start3A_97 = tpu.memref_slice %arg3[%add3A, %dma_start3A_95, %dma_start3A_96] : memref<32x125x80xi32, #tpu.memory_space<hbm>> -> memref<1x125x80xi32, #tpu.memory_space<hbm>>
      %dma_start3A_98 = tpu.memref_squeeze %dma_start3A_97 : memref<1x125x80xi32, #tpu.memory_space<hbm>> -> memref<125x80xi32, #tpu.memory_space<hbm>>
      %dma_start3A_99 = arith.constant 0 : i32
      %dma_start3A_100 = arith.constant 0 : i32
      %dma_start3A_101 = tpu.memref_slice %arg3[%add3A, %dma_start3A_99, %dma_start3A_100] : memref<32x125x80xi32, #tpu.memory_space<hbm>> -> memref<1x125x80xi32, #tpu.memory_space<hbm>>
      %dma_start3A_102 = tpu.memref_squeeze %dma_start3A_101 : memref<1x125x80xi32, #tpu.memory_space<hbm>> -> memref<125x80xi32, #tpu.memory_space<hbm>>
      tpu.enqueue_dma source(%dma_start3A_102 : memref<125x80xi32, #tpu.memory_space<hbm>>) target(%arg6 : memref<125x80xi32, #tpu.memory_space<vmem>>) target_semaphore(%run_scoped3A : memref<!tpu.dma_semaphore, #tpu.memory_space<semaphore_mem>>)
      %dma_wait3A_103 = arith.constant 0 : i32
      %dma_wait3A_104 = arith.constant 0 : i32
      %dma_wait3A_105 = tpu.memref_slice %arg3[%add3A, %dma_wait3A_103, %dma_wait3A_104] : memref<32x125x80xi32, #tpu.memory_space<hbm>> -> memref<1x125x80xi32, #tpu.memory_space<hbm>>
      %dma_wait3A_106 = tpu.memref_squeeze %dma_wait3A_105 : memref<1x125x80xi32, #tpu.memory_space<hbm>> -> memref<125x80xi32, #tpu.memory_space<hbm>>
      %dma_wait3A_107 = arith.constant 0 : i32
      %dma_wait3A_108 = arith.constant 0 : i32
      %dma_wait3A_109 = tpu.memref_slice %arg3[%add3A, %dma_wait3A_107, %dma_wait3A_108] : memref<32x125x80xi32, #tpu.memory_space<hbm>> -> memref<1x125x80xi32, #tpu.memory_space<hbm>>
      %dma_wait3A_110 = tpu.memref_squeeze %dma_wait3A_109 : memref<1x125x80xi32, #tpu.memory_space<hbm>> -> memref<125x80xi32, #tpu.memory_space<hbm>>
      tpu.wait_dma2 semaphore(%run_scoped3A : memref<!tpu.dma_semaphore, #tpu.memory_space<semaphore_mem>>) src(%dma_wait3A_110 : memref<125x80xi32, #tpu.memory_space<hbm>>) dst(%arg6 : memref<125x80xi32, #tpu.memory_space<vmem>>)
      tpu.yield
    }) : () -> ()
    "tpu.region"() ({
      %run_scoped3A = tpu.sem_alloc : memref<!tpu.dma_semaphore, #tpu.memory_space<semaphore_mem>>
      %dma_start3A_95 = arith.constant 0 : i32
      %dma_start3A_96 = arith.constant 0 : i32
      %dma_start3A_97 = tpu.memref_slice %arg4[%add3A, %dma_start3A_95, %dma_start3A_96] : memref<32x125x80xi32, #tpu.memory_space<hbm>> -> memref<1x125x80xi32, #tpu.memory_space<hbm>>
      %dma_start3A_98 = tpu.memref_squeeze %dma_start3A_97 : memref<1x125x80xi32, #tpu.memory_space<hbm>> -> memref<125x80xi32, #tpu.memory_space<hbm>>
      %dma_start3A_99 = arith.constant 0 : i32
      %dma_start3A_100 = arith.constant 0 : i32
      %dma_start3A_101 = tpu.memref_slice %arg4[%add3A, %dma_start3A_99, %dma_start3A_100] : memref<32x125x80xi32, #tpu.memory_space<hbm>> -> memref<1x125x80xi32, #tpu.memory_space<hbm>>
      %dma_start3A_102 = tpu.memref_squeeze %dma_start3A_101 : memref<1x125x80xi32, #tpu.memory_space<hbm>> -> memref<125x80xi32, #tpu.memory_space<hbm>>
      tpu.enqueue_dma source(%dma_start3A_102 : memref<125x80xi32, #tpu.memory_space<hbm>>) target(%arg7 : memref<125x80xi32, #tpu.memory_space<vmem>>) target_semaphore(%run_scoped3A : memref<!tpu.dma_semaphore, #tpu.memory_space<semaphore_mem>>)
      %dma_wait3A_103 = arith.constant 0 : i32
      %dma_wait3A_104 = arith.constant 0 : i32
      %dma_wait3A_105 = tpu.memref_slice %arg4[%add3A, %dma_wait3A_103, %dma_wait3A_104] : memref<32x125x80xi32, #tpu.memory_space<hbm>> -> memref<1x125x80xi32, #tpu.memory_space<hbm>>
      %dma_wait3A_106 = tpu.memref_squeeze %dma_wait3A_105 : memref<1x125x80xi32, #tpu.memory_space<hbm>> -> memref<125x80xi32, #tpu.memory_space<hbm>>
      %dma_wait3A_107 = arith.constant 0 : i32
      %dma_wait3A_108 = arith.constant 0 : i32
      %dma_wait3A_109 = tpu.memref_slice %arg4[%add3A, %dma_wait3A_107, %dma_wait3A_108] : memref<32x125x80xi32, #tpu.memory_space<hbm>> -> memref<1x125x80xi32, #tpu.memory_space<hbm>>
      %dma_wait3A_110 = tpu.memref_squeeze %dma_wait3A_109 : memref<1x125x80xi32, #tpu.memory_space<hbm>> -> memref<125x80xi32, #tpu.memory_space<hbm>>
      tpu.wait_dma2 semaphore(%run_scoped3A : memref<!tpu.dma_semaphore, #tpu.memory_space<semaphore_mem>>) src(%dma_wait3A_110 : memref<125x80xi32, #tpu.memory_space<hbm>>) dst(%arg7 : memref<125x80xi32, #tpu.memory_space<vmem>>)
      tpu.yield
    }) : () -> ()
    %mul3A_1 = arith.constant 632 : i32
    %mul3A_2 = arith.muli %arg1, %mul3A_1 : i32
    %lt3A = arith.constant 15 : i32
    %lt3A_3 = arith.cmpi slt, %arg1, %lt3A : i32
    %convert_element_type3A = arith.extui %lt3A_3 : i1 to i32
    %cond3A = arith.constant 0 : i32
    %cond3A_4 = arith.cmpi ne, %convert_element_type3A, %cond3A : i32
    scf.if %cond3A_4 {
      "tpu.region"() ({
        %run_scoped3A = tpu.sem_alloc : memref<!tpu.dma_semaphore, #tpu.memory_space<semaphore_mem>>
        %dma_start3A_95 = arith.constant 0 : i32
        %dma_start3A_96 = tpu.memref_slice %arg13[%mul3A_2, %dma_start3A_95] : memref<10000x128xbf16, #tpu.memory_space<vmem_shared>> -> memref<632x128xbf16, #tpu.memory_space<vmem_shared>>
        %dma_start3A_97 = arith.constant 0 : i32
        %dma_start3A_98 = tpu.memref_slice %arg2[%mul3A_2, %dma_start3A_97] : memref<10000x128xbf16, #tpu.memory_space<hbm>> -> memref<632x128xbf16, #tpu.memory_space<hbm>>
        tpu.enqueue_dma source(%dma_start3A_98 : memref<632x128xbf16, #tpu.memory_space<hbm>>) target(%dma_start3A_96 : memref<632x128xbf16, #tpu.memory_space<vmem_shared>>) target_semaphore(%run_scoped3A : memref<!tpu.dma_semaphore, #tpu.memory_space<semaphore_mem>>)
        %dma_wait3A_99 = arith.constant 0 : i32
        %dma_wait3A_100 = tpu.memref_slice %arg13[%mul3A_2, %dma_wait3A_99] : memref<10000x128xbf16, #tpu.memory_space<vmem_shared>> -> memref<632x128xbf16, #tpu.memory_space<vmem_shared>>
        %dma_wait3A_101 = arith.constant 0 : i32
        %dma_wait3A_102 = tpu.memref_slice %arg2[%mul3A_2, %dma_wait3A_101] : memref<10000x128xbf16, #tpu.memory_space<hbm>> -> memref<632x128xbf16, #tpu.memory_space<hbm>>
        tpu.wait_dma2 semaphore(%run_scoped3A : memref<!tpu.dma_semaphore, #tpu.memory_space<semaphore_mem>>) src(%dma_wait3A_102 : memref<632x128xbf16, #tpu.memory_space<hbm>>) dst(%dma_wait3A_100 : memref<632x128xbf16, #tpu.memory_space<vmem_shared>>)
        tpu.yield
      }) : () -> ()
    } else {
    }
    %eq3A = arith.constant 15 : i32
    %eq3A_5 = arith.cmpi eq, %arg1, %eq3A : i32
    %convert_element_type3A_6 = arith.extui %eq3A_5 : i1 to i32
    %cond3A_7 = arith.constant 0 : i32
    %cond3A_8 = arith.cmpi ne, %convert_element_type3A_6, %cond3A_7 : i32
    scf.if %cond3A_8 {
      "tpu.region"() ({
        %run_scoped3A = tpu.sem_alloc : memref<!tpu.dma_semaphore, #tpu.memory_space<semaphore_mem>>
        %dma_start3A_95 = arith.constant 9480 : i32
        %dma_start3A_96 = arith.constant 0 : i32
        %dma_start3A_97 = tpu.memref_slice %arg13[%dma_start3A_95, %dma_start3A_96] : memref<10000x128xbf16, #tpu.memory_space<vmem_shared>> -> memref<520x128xbf16, #tpu.memory_space<vmem_shared>>
        %dma_start3A_98 = arith.constant 9480 : i32
        %dma_start3A_99 = arith.constant 0 : i32
        %dma_start3A_100 = tpu.memref_slice %arg2[%dma_start3A_98, %dma_start3A_99] : memref<10000x128xbf16, #tpu.memory_space<hbm>> -> memref<520x128xbf16, #tpu.memory_space<hbm>>
        tpu.enqueue_dma source(%dma_start3A_100 : memref<520x128xbf16, #tpu.memory_space<hbm>>) target(%dma_start3A_97 : memref<520x128xbf16, #tpu.memory_space<vmem_shared>>) target_semaphore(%run_scoped3A : memref<!tpu.dma_semaphore, #tpu.memory_space<semaphore_mem>>)
        %dma_wait3A_101 = arith.constant 9480 : i32
        %dma_wait3A_102 = arith.constant 0 : i32
        %dma_wait3A_103 = tpu.memref_slice %arg13[%dma_wait3A_101, %dma_wait3A_102] : memref<10000x128xbf16, #tpu.memory_space<vmem_shared>> -> memref<520x128xbf16, #tpu.memory_space<vmem_shared>>
        %dma_wait3A_104 = arith.constant 9480 : i32
        %dma_wait3A_105 = arith.constant 0 : i32
        %dma_wait3A_106 = tpu.memref_slice %arg2[%dma_wait3A_104, %dma_wait3A_105] : memref<10000x128xbf16, #tpu.memory_space<hbm>> -> memref<520x128xbf16, #tpu.memory_space<hbm>>
        tpu.wait_dma2 semaphore(%run_scoped3A : memref<!tpu.dma_semaphore, #tpu.memory_space<semaphore_mem>>) src(%dma_wait3A_106 : memref<520x128xbf16, #tpu.memory_space<hbm>>) dst(%dma_wait3A_103 : memref<520x128xbf16, #tpu.memory_space<vmem_shared>>)
        tpu.yield
      }) : () -> ()
    } else {
    }
    %barrier3A = arith.constant 0 : index
    tpu.barrier barrier_id(%barrier3A)
    %dma_start3A = arith.constant 0 : i32
    %dma_start3A_9 = arith.constant 0 : i32
    %dma_start3A_10 = tpu.memref_slice %arg6[%dma_start3A, %dma_start3A_9] : memref<125x80xi32, #tpu.memory_space<vmem>> -> memref<1x80xi32, #tpu.memory_space<vmem>>
    %dma_start3A_11 = tpu.memref_squeeze %dma_start3A_10 : memref<1x80xi32, #tpu.memory_space<vmem>> -> memref<80xi32, #tpu.memory_space<vmem>>
    %dma_start3A_12 = arith.constant 0 : i32
    %dma_start3A_13 = arith.constant 0 : i32
    %dma_start3A_14 = tpu.memref_slice %arg2[%dma_start3A_12, %dma_start3A_13] : memref<10000x128xbf16, #tpu.memory_space<hbm>> -> memref<10000x128xbf16, #tpu.memory_space<hbm>>
    tpu.enqueue_indirect_dma source(%dma_start3A_14 : memref<10000x128xbf16, #tpu.memory_space<hbm>>) target(%arg8 : memref<80x128xbf16, #tpu.memory_space<vmem>>) offsets(%dma_start3A_11 : memref<80xi32, #tpu.memory_space<vmem>>) semaphore(%arg14 : memref<!tpu.dma_semaphore, #tpu.memory_space<semaphore_mem>>)
    %dma_start3A_15 = arith.constant 1 : i32
    %dma_start3A_16 = arith.constant 0 : i32
    %dma_start3A_17 = tpu.memref_slice %arg6[%dma_start3A_15, %dma_start3A_16] : memref<125x80xi32, #tpu.memory_space<vmem>> -> memref<1x80xi32, #tpu.memory_space<vmem>>
    %dma_start3A_18 = tpu.memref_squeeze %dma_start3A_17 : memref<1x80xi32, #tpu.memory_space<vmem>> -> memref<80xi32, #tpu.memory_space<vmem>>
    %dma_start3A_19 = arith.constant 0 : i32
    %dma_start3A_20 = arith.constant 0 : i32
    %dma_start3A_21 = tpu.memref_slice %arg2[%dma_start3A_19, %dma_start3A_20] : memref<10000x128xbf16, #tpu.memory_space<hbm>> -> memref<10000x128xbf16, #tpu.memory_space<hbm>>
    tpu.enqueue_indirect_dma source(%dma_start3A_21 : memref<10000x128xbf16, #tpu.memory_space<hbm>>) target(%arg9 : memref<80x128xbf16, #tpu.memory_space<vmem>>) offsets(%dma_start3A_18 : memref<80xi32, #tpu.memory_space<vmem>>) semaphore(%arg15 : memref<!tpu.dma_semaphore, #tpu.memory_space<semaphore_mem>>)
    %dma_start3A_22 = arith.constant 2 : i32
    %dma_start3A_23 = arith.constant 0 : i32
    %dma_start3A_24 = tpu.memref_slice %arg6[%dma_start3A_22, %dma_start3A_23] : memref<125x80xi32, #tpu.memory_space<vmem>> -> memref<1x80xi32, #tpu.memory_space<vmem>>
    %dma_start3A_25 = tpu.memref_squeeze %dma_start3A_24 : memref<1x80xi32, #tpu.memory_space<vmem>> -> memref<80xi32, #tpu.memory_space<vmem>>
    %dma_start3A_26 = arith.constant 0 : i32
    %dma_start3A_27 = arith.constant 0 : i32
    %dma_start3A_28 = tpu.memref_slice %arg2[%dma_start3A_26, %dma_start3A_27] : memref<10000x128xbf16, #tpu.memory_space<hbm>> -> memref<10000x128xbf16, #tpu.memory_space<hbm>>
    tpu.enqueue_indirect_dma source(%dma_start3A_28 : memref<10000x128xbf16, #tpu.memory_space<hbm>>) target(%arg10 : memref<80x128xbf16, #tpu.memory_space<vmem>>) offsets(%dma_start3A_25 : memref<80xi32, #tpu.memory_space<vmem>>) semaphore(%arg16 : memref<!tpu.dma_semaphore, #tpu.memory_space<semaphore_mem>>)
    %dma_start3A_29 = arith.constant 3 : i32
    %dma_start3A_30 = arith.constant 0 : i32
    %dma_start3A_31 = tpu.memref_slice %arg6[%dma_start3A_29, %dma_start3A_30] : memref<125x80xi32, #tpu.memory_space<vmem>> -> memref<1x80xi32, #tpu.memory_space<vmem>>
    %dma_start3A_32 = tpu.memref_squeeze %dma_start3A_31 : memref<1x80xi32, #tpu.memory_space<vmem>> -> memref<80xi32, #tpu.memory_space<vmem>>
    %dma_start3A_33 = arith.constant 0 : i32
    %dma_start3A_34 = arith.constant 0 : i32
    %dma_start3A_35 = tpu.memref_slice %arg2[%dma_start3A_33, %dma_start3A_34] : memref<10000x128xbf16, #tpu.memory_space<hbm>> -> memref<10000x128xbf16, #tpu.memory_space<hbm>>
    tpu.enqueue_indirect_dma source(%dma_start3A_35 : memref<10000x128xbf16, #tpu.memory_space<hbm>>) target(%arg11 : memref<80x128xbf16, #tpu.memory_space<vmem>>) offsets(%dma_start3A_32 : memref<80xi32, #tpu.memory_space<vmem>>) semaphore(%arg17 : memref<!tpu.dma_semaphore, #tpu.memory_space<semaphore_mem>>)
    %dma_start3A_36 = arith.constant 4 : i32
    %dma_start3A_37 = arith.constant 0 : i32
    %dma_start3A_38 = tpu.memref_slice %arg6[%dma_start3A_36, %dma_start3A_37] : memref<125x80xi32, #tpu.memory_space<vmem>> -> memref<1x80xi32, #tpu.memory_space<vmem>>
    %dma_start3A_39 = tpu.memref_squeeze %dma_start3A_38 : memref<1x80xi32, #tpu.memory_space<vmem>> -> memref<80xi32, #tpu.memory_space<vmem>>
    %dma_start3A_40 = arith.constant 0 : i32
    %dma_start3A_41 = arith.constant 0 : i32
    %dma_start3A_42 = tpu.memref_slice %arg2[%dma_start3A_40, %dma_start3A_41] : memref<10000x128xbf16, #tpu.memory_space<hbm>> -> memref<10000x128xbf16, #tpu.memory_space<hbm>>
    tpu.enqueue_indirect_dma source(%dma_start3A_42 : memref<10000x128xbf16, #tpu.memory_space<hbm>>) target(%arg12 : memref<80x128xbf16, #tpu.memory_space<vmem>>) offsets(%dma_start3A_39 : memref<80xi32, #tpu.memory_space<vmem>>) semaphore(%arg18 : memref<!tpu.dma_semaphore, #tpu.memory_space<semaphore_mem>>)
    %scan3A = arith.constant 0 : i32
    %scan3A_43 = arith.constant 0 : i32
    %scan3A_44 = arith.constant 25 : i32
    %scan3A_45 = arith.addi %scan3A_43, %scan3A_44 : i32
    %scan3A_46 = arith.constant 1 : i32
    scf.for %scan3A_95 = %scan3A_43 to %scan3A_45 step %scan3A_46  : i32 {
      %mul3A_96 = arith.constant 5 : i32
      %mul3A_97 = arith.muli %scan3A_95, %mul3A_96 : i32
      %add3A_98 = arith.constant 0 : i32
      %add3A_99 = arith.addi %mul3A_97, %add3A_98 : i32
      %dma_wait3A_100 = arith.constant 0 : i32
      %dma_wait3A_101 = tpu.memref_slice %arg6[%add3A_99, %dma_wait3A_100] : memref<125x80xi32, #tpu.memory_space<vmem>> -> memref<1x80xi32, #tpu.memory_space<vmem>>
      %dma_wait3A_102 = tpu.memref_squeeze %dma_wait3A_101 : memref<1x80xi32, #tpu.memory_space<vmem>> -> memref<80xi32, #tpu.memory_space<vmem>>
      %dma_wait3A_103 = arith.constant 0 : i32
      %dma_wait3A_104 = arith.constant 0 : i32
      %dma_wait3A_105 = tpu.memref_slice %arg2[%dma_wait3A_103, %dma_wait3A_104] : memref<10000x128xbf16, #tpu.memory_space<hbm>> -> memref<10000x128xbf16, #tpu.memory_space<hbm>>
      tpu.wait_indirect_dma semaphore(%arg14 : memref<!tpu.dma_semaphore, #tpu.memory_space<semaphore_mem>>) src(%dma_wait3A_105 : memref<10000x128xbf16, #tpu.memory_space<hbm>>) dst(%arg8 : memref<80x128xbf16, #tpu.memory_space<vmem>>)
      %dma_start3A_106 = arith.constant 0 : i32
      %dma_start3A_107 = tpu.memref_slice %arg7[%add3A_99, %dma_start3A_106] : memref<125x80xi32, #tpu.memory_space<vmem>> -> memref<1x80xi32, #tpu.memory_space<vmem>>
      %dma_start3A_108 = tpu.memref_squeeze %dma_start3A_107 : memref<1x80xi32, #tpu.memory_space<vmem>> -> memref<80xi32, #tpu.memory_space<vmem>>
      %dma_start3A_109 = arith.constant 0 : i32
      %dma_start3A_110 = arith.constant 0 : i32
      %dma_start3A_111 = tpu.memref_slice %arg13[%dma_start3A_109, %dma_start3A_110] : memref<10000x128xbf16, #tpu.memory_space<vmem_shared>> -> memref<10000x128xbf16, #tpu.memory_space<vmem_shared>>
      tpu.enqueue_indirect_dma source(%arg8 : memref<80x128xbf16, #tpu.memory_space<vmem>>) target(%dma_start3A_111 : memref<10000x128xbf16, #tpu.memory_space<vmem_shared>>) offsets(%dma_start3A_108 : memref<80xi32, #tpu.memory_space<vmem>>) semaphore(%arg19 : memref<!tpu.dma_semaphore, #tpu.memory_space<semaphore_mem>>) {add = true}
      %add3A_112 = arith.constant 5 : i32
      %add3A_113 = arith.addi %add3A_99, %add3A_112 : i32
      %lt3A_114 = arith.constant 125 : i32
      %lt3A_115 = arith.cmpi slt, %add3A_113, %lt3A_114 : i32
      %convert_element_type3A_116 = arith.extui %lt3A_115 : i1 to i32
      %cond3A_117 = arith.constant 0 : i32
      %cond3A_118 = arith.cmpi ne, %convert_element_type3A_116, %cond3A_117 : i32
      scf.if %cond3A_118 {
        %dma_wait3A_211 = arith.constant 0 : i32
        %dma_wait3A_212 = tpu.memref_slice %arg7[%add3A_99, %dma_wait3A_211] : memref<125x80xi32, #tpu.memory_space<vmem>> -> memref<1x80xi32, #tpu.memory_space<vmem>>
        %dma_wait3A_213 = tpu.memref_squeeze %dma_wait3A_212 : memref<1x80xi32, #tpu.memory_space<vmem>> -> memref<80xi32, #tpu.memory_space<vmem>>
        %dma_wait3A_214 = arith.constant 0 : i32
        %dma_wait3A_215 = arith.constant 0 : i32
        %dma_wait3A_216 = tpu.memref_slice %arg13[%dma_wait3A_214, %dma_wait3A_215] : memref<10000x128xbf16, #tpu.memory_space<vmem_shared>> -> memref<10000x128xbf16, #tpu.memory_space<vmem_shared>>
        tpu.wait_indirect_dma semaphore(%arg19 : memref<!tpu.dma_semaphore, #tpu.memory_space<semaphore_mem>>) src(%arg8 : memref<80x128xbf16, #tpu.memory_space<vmem>>) dst(%dma_wait3A_216 : memref<10000x128xbf16, #tpu.memory_space<vmem_shared>>)
        %add3A_217 = arith.constant 5 : i32
        %add3A_218 = arith.addi %add3A_99, %add3A_217 : i32
        %dma_start3A_219 = arith.constant 0 : i32
        %dma_start3A_220 = tpu.memref_slice %arg6[%add3A_218, %dma_start3A_219] : memref<125x80xi32, #tpu.memory_space<vmem>> -> memref<1x80xi32, #tpu.memory_space<vmem>>
        %dma_start3A_221 = tpu.memref_squeeze %dma_start3A_220 : memref<1x80xi32, #tpu.memory_space<vmem>> -> memref<80xi32, #tpu.memory_space<vmem>>
        %dma_start3A_222 = arith.constant 0 : i32
        %dma_start3A_223 = arith.constant 0 : i32
        %dma_start3A_224 = tpu.memref_slice %arg2[%dma_start3A_222, %dma_start3A_223] : memref<10000x128xbf16, #tpu.memory_space<hbm>> -> memref<10000x128xbf16, #tpu.memory_space<hbm>>
        tpu.enqueue_indirect_dma source(%dma_start3A_224 : memref<10000x128xbf16, #tpu.memory_space<hbm>>) target(%arg8 : memref<80x128xbf16, #tpu.memory_space<vmem>>) offsets(%dma_start3A_221 : memref<80xi32, #tpu.memory_space<vmem>>) semaphore(%arg14 : memref<!tpu.dma_semaphore, #tpu.memory_space<semaphore_mem>>)
      } else {
      }
      %mul3A_119 = arith.constant 5 : i32
      %mul3A_120 = arith.muli %scan3A_95, %mul3A_119 : i32
      %add3A_121 = arith.constant 1 : i32
      %add3A_122 = arith.addi %mul3A_120, %add3A_121 : i32
      %dma_wait3A_123 = arith.constant 0 : i32
      %dma_wait3A_124 = tpu.memref_slice %arg6[%add3A_122, %dma_wait3A_123] : memref<125x80xi32, #tpu.memory_space<vmem>> -> memref<1x80xi32, #tpu.memory_space<vmem>>
      %dma_wait3A_125 = tpu.memref_squeeze %dma_wait3A_124 : memref<1x80xi32, #tpu.memory_space<vmem>> -> memref<80xi32, #tpu.memory_space<vmem>>
      %dma_wait3A_126 = arith.constant 0 : i32
      %dma_wait3A_127 = arith.constant 0 : i32
      %dma_wait3A_128 = tpu.memref_slice %arg2[%dma_wait3A_126, %dma_wait3A_127] : memref<10000x128xbf16, #tpu.memory_space<hbm>> -> memref<10000x128xbf16, #tpu.memory_space<hbm>>
      tpu.wait_indirect_dma semaphore(%arg15 : memref<!tpu.dma_semaphore, #tpu.memory_space<semaphore_mem>>) src(%dma_wait3A_128 : memref<10000x128xbf16, #tpu.memory_space<hbm>>) dst(%arg9 : memref<80x128xbf16, #tpu.memory_space<vmem>>)
      %dma_start3A_129 = arith.constant 0 : i32
      %dma_start3A_130 = tpu.memref_slice %arg7[%add3A_122, %dma_start3A_129] : memref<125x80xi32, #tpu.memory_space<vmem>> -> memref<1x80xi32, #tpu.memory_space<vmem>>
      %dma_start3A_131 = tpu.memref_squeeze %dma_start3A_130 : memref<1x80xi32, #tpu.memory_space<vmem>> -> memref<80xi32, #tpu.memory_space<vmem>>
      %dma_start3A_132 = arith.constant 0 : i32
      %dma_start3A_133 = arith.constant 0 : i32
      %dma_start3A_134 = tpu.memref_slice %arg13[%dma_start3A_132, %dma_start3A_133] : memref<10000x128xbf16, #tpu.memory_space<vmem_shared>> -> memref<10000x128xbf16, #tpu.memory_space<vmem_shared>>
      tpu.enqueue_indirect_dma source(%arg9 : memref<80x128xbf16, #tpu.memory_space<vmem>>) target(%dma_start3A_134 : memref<10000x128xbf16, #tpu.memory_space<vmem_shared>>) offsets(%dma_start3A_131 : memref<80xi32, #tpu.memory_space<vmem>>) semaphore(%arg20 : memref<!tpu.dma_semaphore, #tpu.memory_space<semaphore_mem>>) {add = true}
      %add3A_135 = arith.constant 5 : i32
      %add3A_136 = arith.addi %add3A_122, %add3A_135 : i32
      %lt3A_137 = arith.constant 125 : i32
      %lt3A_138 = arith.cmpi slt, %add3A_136, %lt3A_137 : i32
      %convert_element_type3A_139 = arith.extui %lt3A_138 : i1 to i32
      %cond3A_140 = arith.constant 0 : i32
      %cond3A_141 = arith.cmpi ne, %convert_element_type3A_139, %cond3A_140 : i32
      scf.if %cond3A_141 {
        %dma_wait3A_211 = arith.constant 0 : i32
        %dma_wait3A_212 = tpu.memref_slice %arg7[%add3A_122, %dma_wait3A_211] : memref<125x80xi32, #tpu.memory_space<vmem>> -> memref<1x80xi32, #tpu.memory_space<vmem>>
        %dma_wait3A_213 = tpu.memref_squeeze %dma_wait3A_212 : memref<1x80xi32, #tpu.memory_space<vmem>> -> memref<80xi32, #tpu.memory_space<vmem>>
        %dma_wait3A_214 = arith.constant 0 : i32
        %dma_wait3A_215 = arith.constant 0 : i32
        %dma_wait3A_216 = tpu.memref_slice %arg13[%dma_wait3A_214, %dma_wait3A_215] : memref<10000x128xbf16, #tpu.memory_space<vmem_shared>> -> memref<10000x128xbf16, #tpu.memory_space<vmem_shared>>
        tpu.wait_indirect_dma semaphore(%arg20 : memref<!tpu.dma_semaphore, #tpu.memory_space<semaphore_mem>>) src(%arg9 : memref<80x128xbf16, #tpu.memory_space<vmem>>) dst(%dma_wait3A_216 : memref<10000x128xbf16, #tpu.memory_space<vmem_shared>>)
        %add3A_217 = arith.constant 5 : i32
        %add3A_218 = arith.addi %add3A_122, %add3A_217 : i32
        %dma_start3A_219 = arith.constant 0 : i32
        %dma_start3A_220 = tpu.memref_slice %arg6[%add3A_218, %dma_start3A_219] : memref<125x80xi32, #tpu.memory_space<vmem>> -> memref<1x80xi32, #tpu.memory_space<vmem>>
        %dma_start3A_221 = tpu.memref_squeeze %dma_start3A_220 : memref<1x80xi32, #tpu.memory_space<vmem>> -> memref<80xi32, #tpu.memory_space<vmem>>
        %dma_start3A_222 = arith.constant 0 : i32
        %dma_start3A_223 = arith.constant 0 : i32
        %dma_start3A_224 = tpu.memref_slice %arg2[%dma_start3A_222, %dma_start3A_223] : memref<10000x128xbf16, #tpu.memory_space<hbm>> -> memref<10000x128xbf16, #tpu.memory_space<hbm>>
        tpu.enqueue_indirect_dma source(%dma_start3A_224 : memref<10000x128xbf16, #tpu.memory_space<hbm>>) target(%arg9 : memref<80x128xbf16, #tpu.memory_space<vmem>>) offsets(%dma_start3A_221 : memref<80xi32, #tpu.memory_space<vmem>>) semaphore(%arg15 : memref<!tpu.dma_semaphore, #tpu.memory_space<semaphore_mem>>)
      } else {
      }
      %mul3A_142 = arith.constant 5 : i32
      %mul3A_143 = arith.muli %scan3A_95, %mul3A_142 : i32
      %add3A_144 = arith.constant 2 : i32
      %add3A_145 = arith.addi %mul3A_143, %add3A_144 : i32
      %dma_wait3A_146 = arith.constant 0 : i32
      %dma_wait3A_147 = tpu.memref_slice %arg6[%add3A_145, %dma_wait3A_146] : memref<125x80xi32, #tpu.memory_space<vmem>> -> memref<1x80xi32, #tpu.memory_space<vmem>>
      %dma_wait3A_148 = tpu.memref_squeeze %dma_wait3A_147 : memref<1x80xi32, #tpu.memory_space<vmem>> -> memref<80xi32, #tpu.memory_space<vmem>>
      %dma_wait3A_149 = arith.constant 0 : i32
      %dma_wait3A_150 = arith.constant 0 : i32
      %dma_wait3A_151 = tpu.memref_slice %arg2[%dma_wait3A_149, %dma_wait3A_150] : memref<10000x128xbf16, #tpu.memory_space<hbm>> -> memref<10000x128xbf16, #tpu.memory_space<hbm>>
      tpu.wait_indirect_dma semaphore(%arg16 : memref<!tpu.dma_semaphore, #tpu.memory_space<semaphore_mem>>) src(%dma_wait3A_151 : memref<10000x128xbf16, #tpu.memory_space<hbm>>) dst(%arg10 : memref<80x128xbf16, #tpu.memory_space<vmem>>)
      %dma_start3A_152 = arith.constant 0 : i32
      %dma_start3A_153 = tpu.memref_slice %arg7[%add3A_145, %dma_start3A_152] : memref<125x80xi32, #tpu.memory_space<vmem>> -> memref<1x80xi32, #tpu.memory_space<vmem>>
      %dma_start3A_154 = tpu.memref_squeeze %dma_start3A_153 : memref<1x80xi32, #tpu.memory_space<vmem>> -> memref<80xi32, #tpu.memory_space<vmem>>
      %dma_start3A_155 = arith.constant 0 : i32
      %dma_start3A_156 = arith.constant 0 : i32
      %dma_start3A_157 = tpu.memref_slice %arg13[%dma_start3A_155, %dma_start3A_156] : memref<10000x128xbf16, #tpu.memory_space<vmem_shared>> -> memref<10000x128xbf16, #tpu.memory_space<vmem_shared>>
      tpu.enqueue_indirect_dma source(%arg10 : memref<80x128xbf16, #tpu.memory_space<vmem>>) target(%dma_start3A_157 : memref<10000x128xbf16, #tpu.memory_space<vmem_shared>>) offsets(%dma_start3A_154 : memref<80xi32, #tpu.memory_space<vmem>>) semaphore(%arg21 : memref<!tpu.dma_semaphore, #tpu.memory_space<semaphore_mem>>) {add = true}
      %add3A_158 = arith.constant 5 : i32
      %add3A_159 = arith.addi %add3A_145, %add3A_158 : i32
      %lt3A_160 = arith.constant 125 : i32
      %lt3A_161 = arith.cmpi slt, %add3A_159, %lt3A_160 : i32
      %convert_element_type3A_162 = arith.extui %lt3A_161 : i1 to i32
      %cond3A_163 = arith.constant 0 : i32
      %cond3A_164 = arith.cmpi ne, %convert_element_type3A_162, %cond3A_163 : i32
      scf.if %cond3A_164 {
        %dma_wait3A_211 = arith.constant 0 : i32
        %dma_wait3A_212 = tpu.memref_slice %arg7[%add3A_145, %dma_wait3A_211] : memref<125x80xi32, #tpu.memory_space<vmem>> -> memref<1x80xi32, #tpu.memory_space<vmem>>
        %dma_wait3A_213 = tpu.memref_squeeze %dma_wait3A_212 : memref<1x80xi32, #tpu.memory_space<vmem>> -> memref<80xi32, #tpu.memory_space<vmem>>
        %dma_wait3A_214 = arith.constant 0 : i32
        %dma_wait3A_215 = arith.constant 0 : i32
        %dma_wait3A_216 = tpu.memref_slice %arg13[%dma_wait3A_214, %dma_wait3A_215] : memref<10000x128xbf16, #tpu.memory_space<vmem_shared>> -> memref<10000x128xbf16, #tpu.memory_space<vmem_shared>>
        tpu.wait_indirect_dma semaphore(%arg21 : memref<!tpu.dma_semaphore, #tpu.memory_space<semaphore_mem>>) src(%arg10 : memref<80x128xbf16, #tpu.memory_space<vmem>>) dst(%dma_wait3A_216 : memref<10000x128xbf16, #tpu.memory_space<vmem_shared>>)
        %add3A_217 = arith.constant 5 : i32
        %add3A_218 = arith.addi %add3A_145, %add3A_217 : i32
        %dma_start3A_219 = arith.constant 0 : i32
        %dma_start3A_220 = tpu.memref_slice %arg6[%add3A_218, %dma_start3A_219] : memref<125x80xi32, #tpu.memory_space<vmem>> -> memref<1x80xi32, #tpu.memory_space<vmem>>
        %dma_start3A_221 = tpu.memref_squeeze %dma_start3A_220 : memref<1x80xi32, #tpu.memory_space<vmem>> -> memref<80xi32, #tpu.memory_space<vmem>>
        %dma_start3A_222 = arith.constant 0 : i32
        %dma_start3A_223 = arith.constant 0 : i32
        %dma_start3A_224 = tpu.memref_slice %arg2[%dma_start3A_222, %dma_start3A_223] : memref<10000x128xbf16, #tpu.memory_space<hbm>> -> memref<10000x128xbf16, #tpu.memory_space<hbm>>
        tpu.enqueue_indirect_dma source(%dma_start3A_224 : memref<10000x128xbf16, #tpu.memory_space<hbm>>) target(%arg10 : memref<80x128xbf16, #tpu.memory_space<vmem>>) offsets(%dma_start3A_221 : memref<80xi32, #tpu.memory_space<vmem>>) semaphore(%arg16 : memref<!tpu.dma_semaphore, #tpu.memory_space<semaphore_mem>>)
      } else {
      }
      %mul3A_165 = arith.constant 5 : i32
      %mul3A_166 = arith.muli %scan3A_95, %mul3A_165 : i32
      %add3A_167 = arith.constant 3 : i32
      %add3A_168 = arith.addi %mul3A_166, %add3A_167 : i32
      %dma_wait3A_169 = arith.constant 0 : i32
      %dma_wait3A_170 = tpu.memref_slice %arg6[%add3A_168, %dma_wait3A_169] : memref<125x80xi32, #tpu.memory_space<vmem>> -> memref<1x80xi32, #tpu.memory_space<vmem>>
      %dma_wait3A_171 = tpu.memref_squeeze %dma_wait3A_170 : memref<1x80xi32, #tpu.memory_space<vmem>> -> memref<80xi32, #tpu.memory_space<vmem>>
      %dma_wait3A_172 = arith.constant 0 : i32
      %dma_wait3A_173 = arith.constant 0 : i32
      %dma_wait3A_174 = tpu.memref_slice %arg2[%dma_wait3A_172, %dma_wait3A_173] : memref<10000x128xbf16, #tpu.memory_space<hbm>> -> memref<10000x128xbf16, #tpu.memory_space<hbm>>
      tpu.wait_indirect_dma semaphore(%arg17 : memref<!tpu.dma_semaphore, #tpu.memory_space<semaphore_mem>>) src(%dma_wait3A_174 : memref<10000x128xbf16, #tpu.memory_space<hbm>>) dst(%arg11 : memref<80x128xbf16, #tpu.memory_space<vmem>>)
      %dma_start3A_175 = arith.constant 0 : i32
      %dma_start3A_176 = tpu.memref_slice %arg7[%add3A_168, %dma_start3A_175] : memref<125x80xi32, #tpu.memory_space<vmem>> -> memref<1x80xi32, #tpu.memory_space<vmem>>
      %dma_start3A_177 = tpu.memref_squeeze %dma_start3A_176 : memref<1x80xi32, #tpu.memory_space<vmem>> -> memref<80xi32, #tpu.memory_space<vmem>>
      %dma_start3A_178 = arith.constant 0 : i32
      %dma_start3A_179 = arith.constant 0 : i32
      %dma_start3A_180 = tpu.memref_slice %arg13[%dma_start3A_178, %dma_start3A_179] : memref<10000x128xbf16, #tpu.memory_space<vmem_shared>> -> memref<10000x128xbf16, #tpu.memory_space<vmem_shared>>
      tpu.enqueue_indirect_dma source(%arg11 : memref<80x128xbf16, #tpu.memory_space<vmem>>) target(%dma_start3A_180 : memref<10000x128xbf16, #tpu.memory_space<vmem_shared>>) offsets(%dma_start3A_177 : memref<80xi32, #tpu.memory_space<vmem>>) semaphore(%arg22 : memref<!tpu.dma_semaphore, #tpu.memory_space<semaphore_mem>>) {add = true}
      %add3A_181 = arith.constant 5 : i32
      %add3A_182 = arith.addi %add3A_168, %add3A_181 : i32
      %lt3A_183 = arith.constant 125 : i32
      %lt3A_184 = arith.cmpi slt, %add3A_182, %lt3A_183 : i32
      %convert_element_type3A_185 = arith.extui %lt3A_184 : i1 to i32
      %cond3A_186 = arith.constant 0 : i32
      %cond3A_187 = arith.cmpi ne, %convert_element_type3A_185, %cond3A_186 : i32
      scf.if %cond3A_187 {
        %dma_wait3A_211 = arith.constant 0 : i32
        %dma_wait3A_212 = tpu.memref_slice %arg7[%add3A_168, %dma_wait3A_211] : memref<125x80xi32, #tpu.memory_space<vmem>> -> memref<1x80xi32, #tpu.memory_space<vmem>>
        %dma_wait3A_213 = tpu.memref_squeeze %dma_wait3A_212 : memref<1x80xi32, #tpu.memory_space<vmem>> -> memref<80xi32, #tpu.memory_space<vmem>>
        %dma_wait3A_214 = arith.constant 0 : i32
        %dma_wait3A_215 = arith.constant 0 : i32
        %dma_wait3A_216 = tpu.memref_slice %arg13[%dma_wait3A_214, %dma_wait3A_215] : memref<10000x128xbf16, #tpu.memory_space<vmem_shared>> -> memref<10000x128xbf16, #tpu.memory_space<vmem_shared>>
        tpu.wait_indirect_dma semaphore(%arg22 : memref<!tpu.dma_semaphore, #tpu.memory_space<semaphore_mem>>) src(%arg11 : memref<80x128xbf16, #tpu.memory_space<vmem>>) dst(%dma_wait3A_216 : memref<10000x128xbf16, #tpu.memory_space<vmem_shared>>)
        %add3A_217 = arith.constant 5 : i32
        %add3A_218 = arith.addi %add3A_168, %add3A_217 : i32
        %dma_start3A_219 = arith.constant 0 : i32
        %dma_start3A_220 = tpu.memref_slice %arg6[%add3A_218, %dma_start3A_219] : memref<125x80xi32, #tpu.memory_space<vmem>> -> memref<1x80xi32, #tpu.memory_space<vmem>>
        %dma_start3A_221 = tpu.memref_squeeze %dma_start3A_220 : memref<1x80xi32, #tpu.memory_space<vmem>> -> memref<80xi32, #tpu.memory_space<vmem>>
        %dma_start3A_222 = arith.constant 0 : i32
        %dma_start3A_223 = arith.constant 0 : i32
        %dma_start3A_224 = tpu.memref_slice %arg2[%dma_start3A_222, %dma_start3A_223] : memref<10000x128xbf16, #tpu.memory_space<hbm>> -> memref<10000x128xbf16, #tpu.memory_space<hbm>>
        tpu.enqueue_indirect_dma source(%dma_start3A_224 : memref<10000x128xbf16, #tpu.memory_space<hbm>>) target(%arg11 : memref<80x128xbf16, #tpu.memory_space<vmem>>) offsets(%dma_start3A_221 : memref<80xi32, #tpu.memory_space<vmem>>) semaphore(%arg17 : memref<!tpu.dma_semaphore, #tpu.memory_space<semaphore_mem>>)
      } else {
      }
      %mul3A_188 = arith.constant 5 : i32
      %mul3A_189 = arith.muli %scan3A_95, %mul3A_188 : i32
      %add3A_190 = arith.constant 4 : i32
      %add3A_191 = arith.addi %mul3A_189, %add3A_190 : i32
      %dma_wait3A_192 = arith.constant 0 : i32
      %dma_wait3A_193 = tpu.memref_slice %arg6[%add3A_191, %dma_wait3A_192] : memref<125x80xi32, #tpu.memory_space<vmem>> -> memref<1x80xi32, #tpu.memory_space<vmem>>
      %dma_wait3A_194 = tpu.memref_squeeze %dma_wait3A_193 : memref<1x80xi32, #tpu.memory_space<vmem>> -> memref<80xi32, #tpu.memory_space<vmem>>
      %dma_wait3A_195 = arith.constant 0 : i32
      %dma_wait3A_196 = arith.constant 0 : i32
      %dma_wait3A_197 = tpu.memref_slice %arg2[%dma_wait3A_195, %dma_wait3A_196] : memref<10000x128xbf16, #tpu.memory_space<hbm>> -> memref<10000x128xbf16, #tpu.memory_space<hbm>>
      tpu.wait_indirect_dma semaphore(%arg18 : memref<!tpu.dma_semaphore, #tpu.memory_space<semaphore_mem>>) src(%dma_wait3A_197 : memref<10000x128xbf16, #tpu.memory_space<hbm>>) dst(%arg12 : memref<80x128xbf16, #tpu.memory_space<vmem>>)
      %dma_start3A_198 = arith.constant 0 : i32
      %dma_start3A_199 = tpu.memref_slice %arg7[%add3A_191, %dma_start3A_198] : memref<125x80xi32, #tpu.memory_space<vmem>> -> memref<1x80xi32, #tpu.memory_space<vmem>>
      %dma_start3A_200 = tpu.memref_squeeze %dma_start3A_199 : memref<1x80xi32, #tpu.memory_space<vmem>> -> memref<80xi32, #tpu.memory_space<vmem>>
      %dma_start3A_201 = arith.constant 0 : i32
      %dma_start3A_202 = arith.constant 0 : i32
      %dma_start3A_203 = tpu.memref_slice %arg13[%dma_start3A_201, %dma_start3A_202] : memref<10000x128xbf16, #tpu.memory_space<vmem_shared>> -> memref<10000x128xbf16, #tpu.memory_space<vmem_shared>>
      tpu.enqueue_indirect_dma source(%arg12 : memref<80x128xbf16, #tpu.memory_space<vmem>>) target(%dma_start3A_203 : memref<10000x128xbf16, #tpu.memory_space<vmem_shared>>) offsets(%dma_start3A_200 : memref<80xi32, #tpu.memory_space<vmem>>) semaphore(%arg23 : memref<!tpu.dma_semaphore, #tpu.memory_space<semaphore_mem>>) {add = true}
      %add3A_204 = arith.constant 5 : i32
      %add3A_205 = arith.addi %add3A_191, %add3A_204 : i32
      %lt3A_206 = arith.constant 125 : i32
      %lt3A_207 = arith.cmpi slt, %add3A_205, %lt3A_206 : i32
      %convert_element_type3A_208 = arith.extui %lt3A_207 : i1 to i32
      %cond3A_209 = arith.constant 0 : i32
      %cond3A_210 = arith.cmpi ne, %convert_element_type3A_208, %cond3A_209 : i32
      scf.if %cond3A_210 {
        %dma_wait3A_211 = arith.constant 0 : i32
        %dma_wait3A_212 = tpu.memref_slice %arg7[%add3A_191, %dma_wait3A_211] : memref<125x80xi32, #tpu.memory_space<vmem>> -> memref<1x80xi32, #tpu.memory_space<vmem>>
        %dma_wait3A_213 = tpu.memref_squeeze %dma_wait3A_212 : memref<1x80xi32, #tpu.memory_space<vmem>> -> memref<80xi32, #tpu.memory_space<vmem>>
        %dma_wait3A_214 = arith.constant 0 : i32
        %dma_wait3A_215 = arith.constant 0 : i32
        %dma_wait3A_216 = tpu.memref_slice %arg13[%dma_wait3A_214, %dma_wait3A_215] : memref<10000x128xbf16, #tpu.memory_space<vmem_shared>> -> memref<10000x128xbf16, #tpu.memory_space<vmem_shared>>
        tpu.wait_indirect_dma semaphore(%arg23 : memref<!tpu.dma_semaphore, #tpu.memory_space<semaphore_mem>>) src(%arg12 : memref<80x128xbf16, #tpu.memory_space<vmem>>) dst(%dma_wait3A_216 : memref<10000x128xbf16, #tpu.memory_space<vmem_shared>>)
        %add3A_217 = arith.constant 5 : i32
        %add3A_218 = arith.addi %add3A_191, %add3A_217 : i32
        %dma_start3A_219 = arith.constant 0 : i32
        %dma_start3A_220 = tpu.memref_slice %arg6[%add3A_218, %dma_start3A_219] : memref<125x80xi32, #tpu.memory_space<vmem>> -> memref<1x80xi32, #tpu.memory_space<vmem>>
        %dma_start3A_221 = tpu.memref_squeeze %dma_start3A_220 : memref<1x80xi32, #tpu.memory_space<vmem>> -> memref<80xi32, #tpu.memory_space<vmem>>
        %dma_start3A_222 = arith.constant 0 : i32
        %dma_start3A_223 = arith.constant 0 : i32
        %dma_start3A_224 = tpu.memref_slice %arg2[%dma_start3A_222, %dma_start3A_223] : memref<10000x128xbf16, #tpu.memory_space<hbm>> -> memref<10000x128xbf16, #tpu.memory_space<hbm>>
        tpu.enqueue_indirect_dma source(%dma_start3A_224 : memref<10000x128xbf16, #tpu.memory_space<hbm>>) target(%arg12 : memref<80x128xbf16, #tpu.memory_space<vmem>>) offsets(%dma_start3A_221 : memref<80xi32, #tpu.memory_space<vmem>>) semaphore(%arg18 : memref<!tpu.dma_semaphore, #tpu.memory_space<semaphore_mem>>)
      } else {
      }
    }
    %scan3A_47 = arith.constant 25 : i32
    %dma_wait3A = arith.constant 120 : i32
    %dma_wait3A_48 = arith.constant 0 : i32
    %dma_wait3A_49 = tpu.memref_slice %arg7[%dma_wait3A, %dma_wait3A_48] : memref<125x80xi32, #tpu.memory_space<vmem>> -> memref<1x80xi32, #tpu.memory_space<vmem>>
    %dma_wait3A_50 = tpu.memref_squeeze %dma_wait3A_49 : memref<1x80xi32, #tpu.memory_space<vmem>> -> memref<80xi32, #tpu.memory_space<vmem>>
    %dma_wait3A_51 = arith.constant 0 : i32
    %dma_wait3A_52 = arith.constant 0 : i32
    %dma_wait3A_53 = tpu.memref_slice %arg13[%dma_wait3A_51, %dma_wait3A_52] : memref<10000x128xbf16, #tpu.memory_space<vmem_shared>> -> memref<10000x128xbf16, #tpu.memory_space<vmem_shared>>
    tpu.wait_indirect_dma semaphore(%arg19 : memref<!tpu.dma_semaphore, #tpu.memory_space<semaphore_mem>>) src(%arg8 : memref<80x128xbf16, #tpu.memory_space<vmem>>) dst(%dma_wait3A_53 : memref<10000x128xbf16, #tpu.memory_space<vmem_shared>>)
    %dma_wait3A_54 = arith.constant 121 : i32
    %dma_wait3A_55 = arith.constant 0 : i32
    %dma_wait3A_56 = tpu.memref_slice %arg7[%dma_wait3A_54, %dma_wait3A_55] : memref<125x80xi32, #tpu.memory_space<vmem>> -> memref<1x80xi32, #tpu.memory_space<vmem>>
    %dma_wait3A_57 = tpu.memref_squeeze %dma_wait3A_56 : memref<1x80xi32, #tpu.memory_space<vmem>> -> memref<80xi32, #tpu.memory_space<vmem>>
    %dma_wait3A_58 = arith.constant 0 : i32
    %dma_wait3A_59 = arith.constant 0 : i32
    %dma_wait3A_60 = tpu.memref_slice %arg13[%dma_wait3A_58, %dma_wait3A_59] : memref<10000x128xbf16, #tpu.memory_space<vmem_shared>> -> memref<10000x128xbf16, #tpu.memory_space<vmem_shared>>
    tpu.wait_indirect_dma semaphore(%arg20 : memref<!tpu.dma_semaphore, #tpu.memory_space<semaphore_mem>>) src(%arg9 : memref<80x128xbf16, #tpu.memory_space<vmem>>) dst(%dma_wait3A_60 : memref<10000x128xbf16, #tpu.memory_space<vmem_shared>>)
    %dma_wait3A_61 = arith.constant 122 : i32
    %dma_wait3A_62 = arith.constant 0 : i32
    %dma_wait3A_63 = tpu.memref_slice %arg7[%dma_wait3A_61, %dma_wait3A_62] : memref<125x80xi32, #tpu.memory_space<vmem>> -> memref<1x80xi32, #tpu.memory_space<vmem>>
    %dma_wait3A_64 = tpu.memref_squeeze %dma_wait3A_63 : memref<1x80xi32, #tpu.memory_space<vmem>> -> memref<80xi32, #tpu.memory_space<vmem>>
    %dma_wait3A_65 = arith.constant 0 : i32
    %dma_wait3A_66 = arith.constant 0 : i32
    %dma_wait3A_67 = tpu.memref_slice %arg13[%dma_wait3A_65, %dma_wait3A_66] : memref<10000x128xbf16, #tpu.memory_space<vmem_shared>> -> memref<10000x128xbf16, #tpu.memory_space<vmem_shared>>
    tpu.wait_indirect_dma semaphore(%arg21 : memref<!tpu.dma_semaphore, #tpu.memory_space<semaphore_mem>>) src(%arg10 : memref<80x128xbf16, #tpu.memory_space<vmem>>) dst(%dma_wait3A_67 : memref<10000x128xbf16, #tpu.memory_space<vmem_shared>>)
    %dma_wait3A_68 = arith.constant 123 : i32
    %dma_wait3A_69 = arith.constant 0 : i32
    %dma_wait3A_70 = tpu.memref_slice %arg7[%dma_wait3A_68, %dma_wait3A_69] : memref<125x80xi32, #tpu.memory_space<vmem>> -> memref<1x80xi32, #tpu.memory_space<vmem>>
    %dma_wait3A_71 = tpu.memref_squeeze %dma_wait3A_70 : memref<1x80xi32, #tpu.memory_space<vmem>> -> memref<80xi32, #tpu.memory_space<vmem>>
    %dma_wait3A_72 = arith.constant 0 : i32
    %dma_wait3A_73 = arith.constant 0 : i32
    %dma_wait3A_74 = tpu.memref_slice %arg13[%dma_wait3A_72, %dma_wait3A_73] : memref<10000x128xbf16, #tpu.memory_space<vmem_shared>> -> memref<10000x128xbf16, #tpu.memory_space<vmem_shared>>
    tpu.wait_indirect_dma semaphore(%arg22 : memref<!tpu.dma_semaphore, #tpu.memory_space<semaphore_mem>>) src(%arg11 : memref<80x128xbf16, #tpu.memory_space<vmem>>) dst(%dma_wait3A_74 : memref<10000x128xbf16, #tpu.memory_space<vmem_shared>>)
    %dma_wait3A_75 = arith.constant 124 : i32
    %dma_wait3A_76 = arith.constant 0 : i32
    %dma_wait3A_77 = tpu.memref_slice %arg7[%dma_wait3A_75, %dma_wait3A_76] : memref<125x80xi32, #tpu.memory_space<vmem>> -> memref<1x80xi32, #tpu.memory_space<vmem>>
    %dma_wait3A_78 = tpu.memref_squeeze %dma_wait3A_77 : memref<1x80xi32, #tpu.memory_space<vmem>> -> memref<80xi32, #tpu.memory_space<vmem>>
    %dma_wait3A_79 = arith.constant 0 : i32
    %dma_wait3A_80 = arith.constant 0 : i32
    %dma_wait3A_81 = tpu.memref_slice %arg13[%dma_wait3A_79, %dma_wait3A_80] : memref<10000x128xbf16, #tpu.memory_space<vmem_shared>> -> memref<10000x128xbf16, #tpu.memory_space<vmem_shared>>
    tpu.wait_indirect_dma semaphore(%arg23 : memref<!tpu.dma_semaphore, #tpu.memory_space<semaphore_mem>>) src(%arg12 : memref<80x128xbf16, #tpu.memory_space<vmem>>) dst(%dma_wait3A_81 : memref<10000x128xbf16, #tpu.memory_space<vmem_shared>>)
    %barrier3A_82 = arith.constant 0 : index
    tpu.barrier barrier_id(%barrier3A_82)
    %mul3A_83 = arith.constant 632 : i32
    %mul3A_84 = arith.muli %arg1, %mul3A_83 : i32
    %lt3A_85 = arith.constant 15 : i32
    %lt3A_86 = arith.cmpi slt, %arg1, %lt3A_85 : i32
    %convert_element_type3A_87 = arith.extui %lt3A_86 : i1 to i32
    %cond3A_88 = arith.constant 0 : i32
    %cond3A_89 = arith.cmpi ne, %convert_element_type3A_87, %cond3A_88 : i32
    scf.if %cond3A_89 {
      "tpu.region"() ({
        %run_scoped3A = tpu.sem_alloc : memref<!tpu.dma_semaphore, #tpu.memory_space<semaphore_mem>>
        %dma_start3A_95 = arith.constant 0 : i32
        %dma_start3A_96 = tpu.memref_slice %arg5[%arg0, %mul3A_84, %dma_start3A_95] : memref<2x10000x128xbf16, #tpu.memory_space<hbm>> -> memref<1x632x128xbf16, #tpu.memory_space<hbm>>
        %dma_start3A_97 = tpu.memref_squeeze %dma_start3A_96 : memref<1x632x128xbf16, #tpu.memory_space<hbm>> -> memref<632x128xbf16, #tpu.memory_space<hbm>>
        %dma_start3A_98 = arith.constant 0 : i32
        %dma_start3A_99 = tpu.memref_slice %arg13[%mul3A_84, %dma_start3A_98] : memref<10000x128xbf16, #tpu.memory_space<vmem_shared>> -> memref<632x128xbf16, #tpu.memory_space<vmem_shared>>
        tpu.enqueue_dma source(%dma_start3A_99 : memref<632x128xbf16, #tpu.memory_space<vmem_shared>>) target(%dma_start3A_97 : memref<632x128xbf16, #tpu.memory_space<hbm>>) target_semaphore(%run_scoped3A : memref<!tpu.dma_semaphore, #tpu.memory_space<semaphore_mem>>)
        %dma_wait3A_100 = arith.constant 0 : i32
        %dma_wait3A_101 = tpu.memref_slice %arg5[%arg0, %mul3A_84, %dma_wait3A_100] : memref<2x10000x128xbf16, #tpu.memory_space<hbm>> -> memref<1x632x128xbf16, #tpu.memory_space<hbm>>
        %dma_wait3A_102 = tpu.memref_squeeze %dma_wait3A_101 : memref<1x632x128xbf16, #tpu.memory_space<hbm>> -> memref<632x128xbf16, #tpu.memory_space<hbm>>
        %dma_wait3A_103 = arith.constant 0 : i32
        %dma_wait3A_104 = tpu.memref_slice %arg13[%mul3A_84, %dma_wait3A_103] : memref<10000x128xbf16, #tpu.memory_space<vmem_shared>> -> memref<632x128xbf16, #tpu.memory_space<vmem_shared>>
        tpu.wait_dma2 semaphore(%run_scoped3A : memref<!tpu.dma_semaphore, #tpu.memory_space<semaphore_mem>>) src(%dma_wait3A_104 : memref<632x128xbf16, #tpu.memory_space<vmem_shared>>) dst(%dma_wait3A_102 : memref<632x128xbf16, #tpu.memory_space<hbm>>)
        tpu.yield
      }) : () -> ()
    } else {
    }
    %eq3A_90 = arith.constant 15 : i32
    %eq3A_91 = arith.cmpi eq, %arg1, %eq3A_90 : i32
    %convert_element_type3A_92 = arith.extui %eq3A_91 : i1 to i32
    %cond3A_93 = arith.constant 0 : i32
    %cond3A_94 = arith.cmpi ne, %convert_element_type3A_92, %cond3A_93 : i32
    scf.if %cond3A_94 {
      "tpu.region"() ({
        %run_scoped3A = tpu.sem_alloc : memref<!tpu.dma_semaphore, #tpu.memory_space<semaphore_mem>>
        %dma_start3A_95 = arith.constant 9480 : i32
        %dma_start3A_96 = arith.constant 0 : i32
        %dma_start3A_97 = tpu.memref_slice %arg5[%arg0, %dma_start3A_95, %dma_start3A_96] : memref<2x10000x128xbf16, #tpu.memory_space<hbm>> -> memref<1x520x128xbf16, #tpu.memory_space<hbm>>
        %dma_start3A_98 = tpu.memref_squeeze %dma_start3A_97 : memref<1x520x128xbf16, #tpu.memory_space<hbm>> -> memref<520x128xbf16, #tpu.memory_space<hbm>>
        %dma_start3A_99 = arith.constant 9480 : i32
        %dma_start3A_100 = arith.constant 0 : i32
        %dma_start3A_101 = tpu.memref_slice %arg13[%dma_start3A_99, %dma_start3A_100] : memref<10000x128xbf16, #tpu.memory_space<vmem_shared>> -> memref<520x128xbf16, #tpu.memory_space<vmem_shared>>
        tpu.enqueue_dma source(%dma_start3A_101 : memref<520x128xbf16, #tpu.memory_space<vmem_shared>>) target(%dma_start3A_98 : memref<520x128xbf16, #tpu.memory_space<hbm>>) target_semaphore(%run_scoped3A : memref<!tpu.dma_semaphore, #tpu.memory_space<semaphore_mem>>)
        %dma_wait3A_102 = arith.constant 9480 : i32
        %dma_wait3A_103 = arith.constant 0 : i32
        %dma_wait3A_104 = tpu.memref_slice %arg5[%arg0, %dma_wait3A_102, %dma_wait3A_103] : memref<2x10000x128xbf16, #tpu.memory_space<hbm>> -> memref<1x520x128xbf16, #tpu.memory_space<hbm>>
        %dma_wait3A_105 = tpu.memref_squeeze %dma_wait3A_104 : memref<1x520x128xbf16, #tpu.memory_space<hbm>> -> memref<520x128xbf16, #tpu.memory_space<hbm>>
        %dma_wait3A_106 = arith.constant 9480 : i32
        %dma_wait3A_107 = arith.constant 0 : i32
        %dma_wait3A_108 = tpu.memref_slice %arg13[%dma_wait3A_106, %dma_wait3A_107] : memref<10000x128xbf16, #tpu.memory_space<vmem_shared>> -> memref<520x128xbf16, #tpu.memory_space<vmem_shared>>
        tpu.wait_dma2 semaphore(%run_scoped3A : memref<!tpu.dma_semaphore, #tpu.memory_space<semaphore_mem>>) src(%dma_wait3A_108 : memref<520x128xbf16, #tpu.memory_space<vmem_shared>>) dst(%dma_wait3A_105 : memref<520x128xbf16, #tpu.memory_space<hbm>>)
        tpu.yield
      }) : () -> ()
    } else {
    }
    return
  }
}

#map = affine_map<(d0, d1) -> (0, 0)>
#map1 = affine_map<(d0, d1) -> (0, 0, 0)>
module attributes {stable_mosaic.version = 14 : i64} {
  func.func @body(%arg0: i32, %arg1: i32, %arg2: memref<10000x16xf32, #tpu.memory_space<hbm>>, %arg3: memref<32x250x40xi32, #tpu.memory_space<hbm>>, %arg4: memref<2x10000x16xf32, #tpu.memory_space<hbm>>, %arg5: memref<250x40xi32, #tpu.memory_space<vmem>>, %arg6: memref<40x16xf32, #tpu.memory_space<vmem>>, %arg7: memref<10000x16xf32, #tpu.memory_space<vmem_shared>>, %arg8: memref<!tpu.dma_semaphore, #tpu.memory_space<semaphore_mem>>, %arg9: memref<!tpu.dma_semaphore, #tpu.memory_space<semaphore_mem>>, %arg10: memref<!tpu.dma_semaphore, #tpu.memory_space<semaphore_mem>>, %arg11: memref<!tpu.dma_semaphore, #tpu.memory_space<semaphore_mem>>, %arg12: memref<!tpu.dma_semaphore, #tpu.memory_space<semaphore_mem>>) attributes {dimension_semantics = [#tpu.dimension_semantics<core_parallel>, #tpu.dimension_semantics<subcore_parallel>], iteration_bounds = array<i64: 2, 16>, scalar_prefetch = 0 : i64, scratch_operands = 8 : i64, tpu.core_type = #tpu.core_type<sc_vector_subcore>, window_params = [{transform_indices = #map}, {transform_indices = #map1}, {transform_indices = #map1}]} {
    %mul3A = arith.constant 16 : i32
    %mul3A_0 = arith.muli %arg0, %mul3A : i32
    %add3A = arith.addi %mul3A_0, %arg1 : i32
    "tpu.region"() ({
      %run_scoped3A = tpu.sem_alloc : memref<!tpu.dma_semaphore, #tpu.memory_space<semaphore_mem>>
      %dma_start3A = arith.constant 0 : i32
      %dma_start3A_61 = arith.constant 0 : i32
      %dma_start3A_62 = tpu.memref_slice %arg3[%add3A, %dma_start3A, %dma_start3A_61] : memref<32x250x40xi32, #tpu.memory_space<hbm>> -> memref<1x250x40xi32, #tpu.memory_space<hbm>>
      %dma_start3A_63 = tpu.memref_squeeze %dma_start3A_62 : memref<1x250x40xi32, #tpu.memory_space<hbm>> -> memref<250x40xi32, #tpu.memory_space<hbm>>
      %dma_start3A_64 = arith.constant 0 : i32
      %dma_start3A_65 = arith.constant 0 : i32
      %dma_start3A_66 = tpu.memref_slice %arg3[%add3A, %dma_start3A_64, %dma_start3A_65] : memref<32x250x40xi32, #tpu.memory_space<hbm>> -> memref<1x250x40xi32, #tpu.memory_space<hbm>>
      %dma_start3A_67 = tpu.memref_squeeze %dma_start3A_66 : memref<1x250x40xi32, #tpu.memory_space<hbm>> -> memref<250x40xi32, #tpu.memory_space<hbm>>
      tpu.enqueue_dma source(%dma_start3A_67 : memref<250x40xi32, #tpu.memory_space<hbm>>) target(%arg5 : memref<250x40xi32, #tpu.memory_space<vmem>>) target_semaphore(%run_scoped3A : memref<!tpu.dma_semaphore, #tpu.memory_space<semaphore_mem>>)
      %dma_wait3A_68 = arith.constant 0 : i32
      %dma_wait3A_69 = arith.constant 0 : i32
      %dma_wait3A_70 = tpu.memref_slice %arg3[%add3A, %dma_wait3A_68, %dma_wait3A_69] : memref<32x250x40xi32, #tpu.memory_space<hbm>> -> memref<1x250x40xi32, #tpu.memory_space<hbm>>
      %dma_wait3A_71 = tpu.memref_squeeze %dma_wait3A_70 : memref<1x250x40xi32, #tpu.memory_space<hbm>> -> memref<250x40xi32, #tpu.memory_space<hbm>>
      %dma_wait3A_72 = arith.constant 0 : i32
      %dma_wait3A_73 = arith.constant 0 : i32
      %dma_wait3A_74 = tpu.memref_slice %arg3[%add3A, %dma_wait3A_72, %dma_wait3A_73] : memref<32x250x40xi32, #tpu.memory_space<hbm>> -> memref<1x250x40xi32, #tpu.memory_space<hbm>>
      %dma_wait3A_75 = tpu.memref_squeeze %dma_wait3A_74 : memref<1x250x40xi32, #tpu.memory_space<hbm>> -> memref<250x40xi32, #tpu.memory_space<hbm>>
      tpu.wait_dma2 semaphore(%run_scoped3A : memref<!tpu.dma_semaphore, #tpu.memory_space<semaphore_mem>>) src(%dma_wait3A_75 : memref<250x40xi32, #tpu.memory_space<hbm>>) dst(%arg5 : memref<250x40xi32, #tpu.memory_space<vmem>>)
      tpu.yield
    }) : () -> ()
    "tpu.region"() ({
      %run_scoped3A = tpu.sem_alloc : memref<!tpu.dma_semaphore, #tpu.memory_space<semaphore_mem>>
      %dma_start3A = arith.constant 0 : i32
      %dma_start3A_61 = arith.constant 0 : i32
      %dma_start3A_62 = tpu.memref_slice %arg2[%dma_start3A, %dma_start3A_61] : memref<10000x16xf32, #tpu.memory_space<hbm>> -> memref<40x16xf32, #tpu.memory_space<hbm>>
      %dma_start3A_63 = arith.constant 0 : i32
      %dma_start3A_64 = arith.constant 0 : i32
      %dma_start3A_65 = tpu.memref_slice %arg2[%dma_start3A_63, %dma_start3A_64] : memref<10000x16xf32, #tpu.memory_space<hbm>> -> memref<40x16xf32, #tpu.memory_space<hbm>>
      tpu.enqueue_dma source(%dma_start3A_65 : memref<40x16xf32, #tpu.memory_space<hbm>>) target(%arg6 : memref<40x16xf32, #tpu.memory_space<vmem>>) target_semaphore(%run_scoped3A : memref<!tpu.dma_semaphore, #tpu.memory_space<semaphore_mem>>)
      %dma_wait3A_66 = arith.constant 0 : i32
      %dma_wait3A_67 = arith.constant 0 : i32
      %dma_wait3A_68 = tpu.memref_slice %arg2[%dma_wait3A_66, %dma_wait3A_67] : memref<10000x16xf32, #tpu.memory_space<hbm>> -> memref<40x16xf32, #tpu.memory_space<hbm>>
      %dma_wait3A_69 = arith.constant 0 : i32
      %dma_wait3A_70 = arith.constant 0 : i32
      %dma_wait3A_71 = tpu.memref_slice %arg2[%dma_wait3A_69, %dma_wait3A_70] : memref<10000x16xf32, #tpu.memory_space<hbm>> -> memref<40x16xf32, #tpu.memory_space<hbm>>
      tpu.wait_dma2 semaphore(%run_scoped3A : memref<!tpu.dma_semaphore, #tpu.memory_space<semaphore_mem>>) src(%dma_wait3A_71 : memref<40x16xf32, #tpu.memory_space<hbm>>) dst(%arg6 : memref<40x16xf32, #tpu.memory_space<vmem>>)
      tpu.yield
    }) : () -> ()
    %mul3A_1 = arith.constant 632 : i32
    %mul3A_2 = arith.muli %arg1, %mul3A_1 : i32
    %lt3A = arith.constant 15 : i32
    %lt3A_3 = arith.cmpi slt, %arg1, %lt3A : i32
    %convert_element_type3A = arith.extui %lt3A_3 : i1 to i32
    %cond3A = arith.constant 0 : i32
    %cond3A_4 = arith.cmpi ne, %convert_element_type3A, %cond3A : i32
    scf.if %cond3A_4 {
      "tpu.region"() ({
        %run_scoped3A = tpu.sem_alloc : memref<!tpu.dma_semaphore, #tpu.memory_space<semaphore_mem>>
        %dma_start3A = arith.constant 0 : i32
        %dma_start3A_61 = tpu.memref_slice %arg7[%mul3A_2, %dma_start3A] : memref<10000x16xf32, #tpu.memory_space<vmem_shared>> -> memref<632x16xf32, #tpu.memory_space<vmem_shared>>
        %dma_start3A_62 = arith.constant 0 : i32
        %dma_start3A_63 = tpu.memref_slice %arg2[%mul3A_2, %dma_start3A_62] : memref<10000x16xf32, #tpu.memory_space<hbm>> -> memref<632x16xf32, #tpu.memory_space<hbm>>
        tpu.enqueue_dma source(%dma_start3A_63 : memref<632x16xf32, #tpu.memory_space<hbm>>) target(%dma_start3A_61 : memref<632x16xf32, #tpu.memory_space<vmem_shared>>) target_semaphore(%run_scoped3A : memref<!tpu.dma_semaphore, #tpu.memory_space<semaphore_mem>>)
        %dma_wait3A_64 = arith.constant 0 : i32
        %dma_wait3A_65 = tpu.memref_slice %arg7[%mul3A_2, %dma_wait3A_64] : memref<10000x16xf32, #tpu.memory_space<vmem_shared>> -> memref<632x16xf32, #tpu.memory_space<vmem_shared>>
        %dma_wait3A_66 = arith.constant 0 : i32
        %dma_wait3A_67 = tpu.memref_slice %arg2[%mul3A_2, %dma_wait3A_66] : memref<10000x16xf32, #tpu.memory_space<hbm>> -> memref<632x16xf32, #tpu.memory_space<hbm>>
        tpu.wait_dma2 semaphore(%run_scoped3A : memref<!tpu.dma_semaphore, #tpu.memory_space<semaphore_mem>>) src(%dma_wait3A_67 : memref<632x16xf32, #tpu.memory_space<hbm>>) dst(%dma_wait3A_65 : memref<632x16xf32, #tpu.memory_space<vmem_shared>>)
        tpu.yield
      }) : () -> ()
    } else {
    }
    %eq3A = arith.constant 15 : i32
    %eq3A_5 = arith.cmpi eq, %arg1, %eq3A : i32
    %convert_element_type3A_6 = arith.extui %eq3A_5 : i1 to i32
    %cond3A_7 = arith.constant 0 : i32
    %cond3A_8 = arith.cmpi ne, %convert_element_type3A_6, %cond3A_7 : i32
    scf.if %cond3A_8 {
      "tpu.region"() ({
        %run_scoped3A = tpu.sem_alloc : memref<!tpu.dma_semaphore, #tpu.memory_space<semaphore_mem>>
        %dma_start3A = arith.constant 9480 : i32
        %dma_start3A_61 = arith.constant 0 : i32
        %dma_start3A_62 = tpu.memref_slice %arg7[%dma_start3A, %dma_start3A_61] : memref<10000x16xf32, #tpu.memory_space<vmem_shared>> -> memref<520x16xf32, #tpu.memory_space<vmem_shared>>
        %dma_start3A_63 = arith.constant 9480 : i32
        %dma_start3A_64 = arith.constant 0 : i32
        %dma_start3A_65 = tpu.memref_slice %arg2[%dma_start3A_63, %dma_start3A_64] : memref<10000x16xf32, #tpu.memory_space<hbm>> -> memref<520x16xf32, #tpu.memory_space<hbm>>
        tpu.enqueue_dma source(%dma_start3A_65 : memref<520x16xf32, #tpu.memory_space<hbm>>) target(%dma_start3A_62 : memref<520x16xf32, #tpu.memory_space<vmem_shared>>) target_semaphore(%run_scoped3A : memref<!tpu.dma_semaphore, #tpu.memory_space<semaphore_mem>>)
        %dma_wait3A_66 = arith.constant 9480 : i32
        %dma_wait3A_67 = arith.constant 0 : i32
        %dma_wait3A_68 = tpu.memref_slice %arg7[%dma_wait3A_66, %dma_wait3A_67] : memref<10000x16xf32, #tpu.memory_space<vmem_shared>> -> memref<520x16xf32, #tpu.memory_space<vmem_shared>>
        %dma_wait3A_69 = arith.constant 9480 : i32
        %dma_wait3A_70 = arith.constant 0 : i32
        %dma_wait3A_71 = tpu.memref_slice %arg2[%dma_wait3A_69, %dma_wait3A_70] : memref<10000x16xf32, #tpu.memory_space<hbm>> -> memref<520x16xf32, #tpu.memory_space<hbm>>
        tpu.wait_dma2 semaphore(%run_scoped3A : memref<!tpu.dma_semaphore, #tpu.memory_space<semaphore_mem>>) src(%dma_wait3A_71 : memref<520x16xf32, #tpu.memory_space<hbm>>) dst(%dma_wait3A_68 : memref<520x16xf32, #tpu.memory_space<vmem_shared>>)
        tpu.yield
      }) : () -> ()
    } else {
    }
    %barrier3A = arith.constant 0 : index
    tpu.barrier barrier_id(%barrier3A)
    %scan3A = arith.constant 0 : i32
    %scan3A_9 = arith.constant 0 : i32
    %scan3A_10 = arith.constant 50 : i32
    %scan3A_11 = arith.addi %scan3A_9, %scan3A_10 : i32
    %scan3A_12 = arith.constant 1 : i32
    scf.for %scan3A_61 = %scan3A_9 to %scan3A_11 step %scan3A_12  : i32 {
      %mul3A_62 = arith.constant 5 : i32
      %mul3A_63 = arith.muli %scan3A_61, %mul3A_62 : i32
      %add3A_64 = arith.constant 0 : i32
      %add3A_65 = arith.addi %mul3A_63, %add3A_64 : i32
      %gt3A = arith.constant 0 : i32
      %gt3A_66 = arith.cmpi sgt, %scan3A_61, %gt3A : i32
      %convert_element_type3A_67 = arith.extui %gt3A_66 : i1 to i32
      %cond3A_68 = arith.constant 0 : i32
      %cond3A_69 = arith.cmpi ne, %convert_element_type3A_67, %cond3A_68 : i32
      scf.if %cond3A_69 {
        %dma_wait3A_135 = arith.constant 0 : i32
        %dma_wait3A_136 = tpu.memref_slice %arg5[%add3A_65, %dma_wait3A_135] : memref<250x40xi32, #tpu.memory_space<vmem>> -> memref<1x40xi32, #tpu.memory_space<vmem>>
        %dma_wait3A_137 = tpu.memref_squeeze %dma_wait3A_136 : memref<1x40xi32, #tpu.memory_space<vmem>> -> memref<40xi32, #tpu.memory_space<vmem>>
        %dma_wait3A_138 = arith.constant 0 : i32
        %dma_wait3A_139 = arith.constant 0 : i32
        %dma_wait3A_140 = tpu.memref_slice %arg7[%dma_wait3A_138, %dma_wait3A_139] : memref<10000x16xf32, #tpu.memory_space<vmem_shared>> -> memref<10000x16xf32, #tpu.memory_space<vmem_shared>>
        tpu.wait_indirect_dma semaphore(%arg8 : memref<!tpu.dma_semaphore, #tpu.memory_space<semaphore_mem>>) src(%arg6 : memref<40x16xf32, #tpu.memory_space<vmem>>) dst(%dma_wait3A_140 : memref<10000x16xf32, #tpu.memory_space<vmem_shared>>)
      } else {
      }
      %dma_start3A = arith.constant 0 : i32
      %dma_start3A_70 = tpu.memref_slice %arg5[%add3A_65, %dma_start3A] : memref<250x40xi32, #tpu.memory_space<vmem>> -> memref<1x40xi32, #tpu.memory_space<vmem>>
      %dma_start3A_71 = tpu.memref_squeeze %dma_start3A_70 : memref<1x40xi32, #tpu.memory_space<vmem>> -> memref<40xi32, #tpu.memory_space<vmem>>
      %dma_start3A_72 = arith.constant 0 : i32
      %dma_start3A_73 = arith.constant 0 : i32
      %dma_start3A_74 = tpu.memref_slice %arg7[%dma_start3A_72, %dma_start3A_73] : memref<10000x16xf32, #tpu.memory_space<vmem_shared>> -> memref<10000x16xf32, #tpu.memory_space<vmem_shared>>
      tpu.enqueue_indirect_dma source(%arg6 : memref<40x16xf32, #tpu.memory_space<vmem>>) target(%dma_start3A_74 : memref<10000x16xf32, #tpu.memory_space<vmem_shared>>) offsets(%dma_start3A_71 : memref<40xi32, #tpu.memory_space<vmem>>) semaphore(%arg8 : memref<!tpu.dma_semaphore, #tpu.memory_space<semaphore_mem>>) {add = true}
      %mul3A_75 = arith.constant 5 : i32
      %mul3A_76 = arith.muli %scan3A_61, %mul3A_75 : i32
      %add3A_77 = arith.constant 1 : i32
      %add3A_78 = arith.addi %mul3A_76, %add3A_77 : i32
      %gt3A_79 = arith.constant 0 : i32
      %gt3A_80 = arith.cmpi sgt, %scan3A_61, %gt3A_79 : i32
      %convert_element_type3A_81 = arith.extui %gt3A_80 : i1 to i32
      %cond3A_82 = arith.constant 0 : i32
      %cond3A_83 = arith.cmpi ne, %convert_element_type3A_81, %cond3A_82 : i32
      scf.if %cond3A_83 {
        %dma_wait3A_135 = arith.constant 0 : i32
        %dma_wait3A_136 = tpu.memref_slice %arg5[%add3A_78, %dma_wait3A_135] : memref<250x40xi32, #tpu.memory_space<vmem>> -> memref<1x40xi32, #tpu.memory_space<vmem>>
        %dma_wait3A_137 = tpu.memref_squeeze %dma_wait3A_136 : memref<1x40xi32, #tpu.memory_space<vmem>> -> memref<40xi32, #tpu.memory_space<vmem>>
        %dma_wait3A_138 = arith.constant 0 : i32
        %dma_wait3A_139 = arith.constant 0 : i32
        %dma_wait3A_140 = tpu.memref_slice %arg7[%dma_wait3A_138, %dma_wait3A_139] : memref<10000x16xf32, #tpu.memory_space<vmem_shared>> -> memref<10000x16xf32, #tpu.memory_space<vmem_shared>>
        tpu.wait_indirect_dma semaphore(%arg9 : memref<!tpu.dma_semaphore, #tpu.memory_space<semaphore_mem>>) src(%arg6 : memref<40x16xf32, #tpu.memory_space<vmem>>) dst(%dma_wait3A_140 : memref<10000x16xf32, #tpu.memory_space<vmem_shared>>)
      } else {
      }
      %dma_start3A_84 = arith.constant 0 : i32
      %dma_start3A_85 = tpu.memref_slice %arg5[%add3A_78, %dma_start3A_84] : memref<250x40xi32, #tpu.memory_space<vmem>> -> memref<1x40xi32, #tpu.memory_space<vmem>>
      %dma_start3A_86 = tpu.memref_squeeze %dma_start3A_85 : memref<1x40xi32, #tpu.memory_space<vmem>> -> memref<40xi32, #tpu.memory_space<vmem>>
      %dma_start3A_87 = arith.constant 0 : i32
      %dma_start3A_88 = arith.constant 0 : i32
      %dma_start3A_89 = tpu.memref_slice %arg7[%dma_start3A_87, %dma_start3A_88] : memref<10000x16xf32, #tpu.memory_space<vmem_shared>> -> memref<10000x16xf32, #tpu.memory_space<vmem_shared>>
      tpu.enqueue_indirect_dma source(%arg6 : memref<40x16xf32, #tpu.memory_space<vmem>>) target(%dma_start3A_89 : memref<10000x16xf32, #tpu.memory_space<vmem_shared>>) offsets(%dma_start3A_86 : memref<40xi32, #tpu.memory_space<vmem>>) semaphore(%arg9 : memref<!tpu.dma_semaphore, #tpu.memory_space<semaphore_mem>>) {add = true}
      %mul3A_90 = arith.constant 5 : i32
      %mul3A_91 = arith.muli %scan3A_61, %mul3A_90 : i32
      %add3A_92 = arith.constant 2 : i32
      %add3A_93 = arith.addi %mul3A_91, %add3A_92 : i32
      %gt3A_94 = arith.constant 0 : i32
      %gt3A_95 = arith.cmpi sgt, %scan3A_61, %gt3A_94 : i32
      %convert_element_type3A_96 = arith.extui %gt3A_95 : i1 to i32
      %cond3A_97 = arith.constant 0 : i32
      %cond3A_98 = arith.cmpi ne, %convert_element_type3A_96, %cond3A_97 : i32
      scf.if %cond3A_98 {
        %dma_wait3A_135 = arith.constant 0 : i32
        %dma_wait3A_136 = tpu.memref_slice %arg5[%add3A_93, %dma_wait3A_135] : memref<250x40xi32, #tpu.memory_space<vmem>> -> memref<1x40xi32, #tpu.memory_space<vmem>>
        %dma_wait3A_137 = tpu.memref_squeeze %dma_wait3A_136 : memref<1x40xi32, #tpu.memory_space<vmem>> -> memref<40xi32, #tpu.memory_space<vmem>>
        %dma_wait3A_138 = arith.constant 0 : i32
        %dma_wait3A_139 = arith.constant 0 : i32
        %dma_wait3A_140 = tpu.memref_slice %arg7[%dma_wait3A_138, %dma_wait3A_139] : memref<10000x16xf32, #tpu.memory_space<vmem_shared>> -> memref<10000x16xf32, #tpu.memory_space<vmem_shared>>
        tpu.wait_indirect_dma semaphore(%arg10 : memref<!tpu.dma_semaphore, #tpu.memory_space<semaphore_mem>>) src(%arg6 : memref<40x16xf32, #tpu.memory_space<vmem>>) dst(%dma_wait3A_140 : memref<10000x16xf32, #tpu.memory_space<vmem_shared>>)
      } else {
      }
      %dma_start3A_99 = arith.constant 0 : i32
      %dma_start3A_100 = tpu.memref_slice %arg5[%add3A_93, %dma_start3A_99] : memref<250x40xi32, #tpu.memory_space<vmem>> -> memref<1x40xi32, #tpu.memory_space<vmem>>
      %dma_start3A_101 = tpu.memref_squeeze %dma_start3A_100 : memref<1x40xi32, #tpu.memory_space<vmem>> -> memref<40xi32, #tpu.memory_space<vmem>>
      %dma_start3A_102 = arith.constant 0 : i32
      %dma_start3A_103 = arith.constant 0 : i32
      %dma_start3A_104 = tpu.memref_slice %arg7[%dma_start3A_102, %dma_start3A_103] : memref<10000x16xf32, #tpu.memory_space<vmem_shared>> -> memref<10000x16xf32, #tpu.memory_space<vmem_shared>>
      tpu.enqueue_indirect_dma source(%arg6 : memref<40x16xf32, #tpu.memory_space<vmem>>) target(%dma_start3A_104 : memref<10000x16xf32, #tpu.memory_space<vmem_shared>>) offsets(%dma_start3A_101 : memref<40xi32, #tpu.memory_space<vmem>>) semaphore(%arg10 : memref<!tpu.dma_semaphore, #tpu.memory_space<semaphore_mem>>) {add = true}
      %mul3A_105 = arith.constant 5 : i32
      %mul3A_106 = arith.muli %scan3A_61, %mul3A_105 : i32
      %add3A_107 = arith.constant 3 : i32
      %add3A_108 = arith.addi %mul3A_106, %add3A_107 : i32
      %gt3A_109 = arith.constant 0 : i32
      %gt3A_110 = arith.cmpi sgt, %scan3A_61, %gt3A_109 : i32
      %convert_element_type3A_111 = arith.extui %gt3A_110 : i1 to i32
      %cond3A_112 = arith.constant 0 : i32
      %cond3A_113 = arith.cmpi ne, %convert_element_type3A_111, %cond3A_112 : i32
      scf.if %cond3A_113 {
        %dma_wait3A_135 = arith.constant 0 : i32
        %dma_wait3A_136 = tpu.memref_slice %arg5[%add3A_108, %dma_wait3A_135] : memref<250x40xi32, #tpu.memory_space<vmem>> -> memref<1x40xi32, #tpu.memory_space<vmem>>
        %dma_wait3A_137 = tpu.memref_squeeze %dma_wait3A_136 : memref<1x40xi32, #tpu.memory_space<vmem>> -> memref<40xi32, #tpu.memory_space<vmem>>
        %dma_wait3A_138 = arith.constant 0 : i32
        %dma_wait3A_139 = arith.constant 0 : i32
        %dma_wait3A_140 = tpu.memref_slice %arg7[%dma_wait3A_138, %dma_wait3A_139] : memref<10000x16xf32, #tpu.memory_space<vmem_shared>> -> memref<10000x16xf32, #tpu.memory_space<vmem_shared>>
        tpu.wait_indirect_dma semaphore(%arg11 : memref<!tpu.dma_semaphore, #tpu.memory_space<semaphore_mem>>) src(%arg6 : memref<40x16xf32, #tpu.memory_space<vmem>>) dst(%dma_wait3A_140 : memref<10000x16xf32, #tpu.memory_space<vmem_shared>>)
      } else {
      }
      %dma_start3A_114 = arith.constant 0 : i32
      %dma_start3A_115 = tpu.memref_slice %arg5[%add3A_108, %dma_start3A_114] : memref<250x40xi32, #tpu.memory_space<vmem>> -> memref<1x40xi32, #tpu.memory_space<vmem>>
      %dma_start3A_116 = tpu.memref_squeeze %dma_start3A_115 : memref<1x40xi32, #tpu.memory_space<vmem>> -> memref<40xi32, #tpu.memory_space<vmem>>
      %dma_start3A_117 = arith.constant 0 : i32
      %dma_start3A_118 = arith.constant 0 : i32
      %dma_start3A_119 = tpu.memref_slice %arg7[%dma_start3A_117, %dma_start3A_118] : memref<10000x16xf32, #tpu.memory_space<vmem_shared>> -> memref<10000x16xf32, #tpu.memory_space<vmem_shared>>
      tpu.enqueue_indirect_dma source(%arg6 : memref<40x16xf32, #tpu.memory_space<vmem>>) target(%dma_start3A_119 : memref<10000x16xf32, #tpu.memory_space<vmem_shared>>) offsets(%dma_start3A_116 : memref<40xi32, #tpu.memory_space<vmem>>) semaphore(%arg11 : memref<!tpu.dma_semaphore, #tpu.memory_space<semaphore_mem>>) {add = true}
      %mul3A_120 = arith.constant 5 : i32
      %mul3A_121 = arith.muli %scan3A_61, %mul3A_120 : i32
      %add3A_122 = arith.constant 4 : i32
      %add3A_123 = arith.addi %mul3A_121, %add3A_122 : i32
      %gt3A_124 = arith.constant 0 : i32
      %gt3A_125 = arith.cmpi sgt, %scan3A_61, %gt3A_124 : i32
      %convert_element_type3A_126 = arith.extui %gt3A_125 : i1 to i32
      %cond3A_127 = arith.constant 0 : i32
      %cond3A_128 = arith.cmpi ne, %convert_element_type3A_126, %cond3A_127 : i32
      scf.if %cond3A_128 {
        %dma_wait3A_135 = arith.constant 0 : i32
        %dma_wait3A_136 = tpu.memref_slice %arg5[%add3A_123, %dma_wait3A_135] : memref<250x40xi32, #tpu.memory_space<vmem>> -> memref<1x40xi32, #tpu.memory_space<vmem>>
        %dma_wait3A_137 = tpu.memref_squeeze %dma_wait3A_136 : memref<1x40xi32, #tpu.memory_space<vmem>> -> memref<40xi32, #tpu.memory_space<vmem>>
        %dma_wait3A_138 = arith.constant 0 : i32
        %dma_wait3A_139 = arith.constant 0 : i32
        %dma_wait3A_140 = tpu.memref_slice %arg7[%dma_wait3A_138, %dma_wait3A_139] : memref<10000x16xf32, #tpu.memory_space<vmem_shared>> -> memref<10000x16xf32, #tpu.memory_space<vmem_shared>>
        tpu.wait_indirect_dma semaphore(%arg12 : memref<!tpu.dma_semaphore, #tpu.memory_space<semaphore_mem>>) src(%arg6 : memref<40x16xf32, #tpu.memory_space<vmem>>) dst(%dma_wait3A_140 : memref<10000x16xf32, #tpu.memory_space<vmem_shared>>)
      } else {
      }
      %dma_start3A_129 = arith.constant 0 : i32
      %dma_start3A_130 = tpu.memref_slice %arg5[%add3A_123, %dma_start3A_129] : memref<250x40xi32, #tpu.memory_space<vmem>> -> memref<1x40xi32, #tpu.memory_space<vmem>>
      %dma_start3A_131 = tpu.memref_squeeze %dma_start3A_130 : memref<1x40xi32, #tpu.memory_space<vmem>> -> memref<40xi32, #tpu.memory_space<vmem>>
      %dma_start3A_132 = arith.constant 0 : i32
      %dma_start3A_133 = arith.constant 0 : i32
      %dma_start3A_134 = tpu.memref_slice %arg7[%dma_start3A_132, %dma_start3A_133] : memref<10000x16xf32, #tpu.memory_space<vmem_shared>> -> memref<10000x16xf32, #tpu.memory_space<vmem_shared>>
      tpu.enqueue_indirect_dma source(%arg6 : memref<40x16xf32, #tpu.memory_space<vmem>>) target(%dma_start3A_134 : memref<10000x16xf32, #tpu.memory_space<vmem_shared>>) offsets(%dma_start3A_131 : memref<40xi32, #tpu.memory_space<vmem>>) semaphore(%arg12 : memref<!tpu.dma_semaphore, #tpu.memory_space<semaphore_mem>>) {add = true}
    }
    %scan3A_13 = arith.constant 50 : i32
    %dma_wait3A = arith.constant 0 : i32
    %dma_wait3A_14 = arith.constant 0 : i32
    %dma_wait3A_15 = tpu.memref_slice %arg5[%dma_wait3A, %dma_wait3A_14] : memref<250x40xi32, #tpu.memory_space<vmem>> -> memref<1x40xi32, #tpu.memory_space<vmem>>
    %dma_wait3A_16 = tpu.memref_squeeze %dma_wait3A_15 : memref<1x40xi32, #tpu.memory_space<vmem>> -> memref<40xi32, #tpu.memory_space<vmem>>
    %dma_wait3A_17 = arith.constant 0 : i32
    %dma_wait3A_18 = arith.constant 0 : i32
    %dma_wait3A_19 = tpu.memref_slice %arg7[%dma_wait3A_17, %dma_wait3A_18] : memref<10000x16xf32, #tpu.memory_space<vmem_shared>> -> memref<10000x16xf32, #tpu.memory_space<vmem_shared>>
    tpu.wait_indirect_dma semaphore(%arg8 : memref<!tpu.dma_semaphore, #tpu.memory_space<semaphore_mem>>) src(%arg6 : memref<40x16xf32, #tpu.memory_space<vmem>>) dst(%dma_wait3A_19 : memref<10000x16xf32, #tpu.memory_space<vmem_shared>>)
    %dma_wait3A_20 = arith.constant 0 : i32
    %dma_wait3A_21 = arith.constant 0 : i32
    %dma_wait3A_22 = tpu.memref_slice %arg5[%dma_wait3A_20, %dma_wait3A_21] : memref<250x40xi32, #tpu.memory_space<vmem>> -> memref<1x40xi32, #tpu.memory_space<vmem>>
    %dma_wait3A_23 = tpu.memref_squeeze %dma_wait3A_22 : memref<1x40xi32, #tpu.memory_space<vmem>> -> memref<40xi32, #tpu.memory_space<vmem>>
    %dma_wait3A_24 = arith.constant 0 : i32
    %dma_wait3A_25 = arith.constant 0 : i32
    %dma_wait3A_26 = tpu.memref_slice %arg7[%dma_wait3A_24, %dma_wait3A_25] : memref<10000x16xf32, #tpu.memory_space<vmem_shared>> -> memref<10000x16xf32, #tpu.memory_space<vmem_shared>>
    tpu.wait_indirect_dma semaphore(%arg9 : memref<!tpu.dma_semaphore, #tpu.memory_space<semaphore_mem>>) src(%arg6 : memref<40x16xf32, #tpu.memory_space<vmem>>) dst(%dma_wait3A_26 : memref<10000x16xf32, #tpu.memory_space<vmem_shared>>)
    %dma_wait3A_27 = arith.constant 0 : i32
    %dma_wait3A_28 = arith.constant 0 : i32
    %dma_wait3A_29 = tpu.memref_slice %arg5[%dma_wait3A_27, %dma_wait3A_28] : memref<250x40xi32, #tpu.memory_space<vmem>> -> memref<1x40xi32, #tpu.memory_space<vmem>>
    %dma_wait3A_30 = tpu.memref_squeeze %dma_wait3A_29 : memref<1x40xi32, #tpu.memory_space<vmem>> -> memref<40xi32, #tpu.memory_space<vmem>>
    %dma_wait3A_31 = arith.constant 0 : i32
    %dma_wait3A_32 = arith.constant 0 : i32
    %dma_wait3A_33 = tpu.memref_slice %arg7[%dma_wait3A_31, %dma_wait3A_32] : memref<10000x16xf32, #tpu.memory_space<vmem_shared>> -> memref<10000x16xf32, #tpu.memory_space<vmem_shared>>
    tpu.wait_indirect_dma semaphore(%arg10 : memref<!tpu.dma_semaphore, #tpu.memory_space<semaphore_mem>>) src(%arg6 : memref<40x16xf32, #tpu.memory_space<vmem>>) dst(%dma_wait3A_33 : memref<10000x16xf32, #tpu.memory_space<vmem_shared>>)
    %dma_wait3A_34 = arith.constant 0 : i32
    %dma_wait3A_35 = arith.constant 0 : i32
    %dma_wait3A_36 = tpu.memref_slice %arg5[%dma_wait3A_34, %dma_wait3A_35] : memref<250x40xi32, #tpu.memory_space<vmem>> -> memref<1x40xi32, #tpu.memory_space<vmem>>
    %dma_wait3A_37 = tpu.memref_squeeze %dma_wait3A_36 : memref<1x40xi32, #tpu.memory_space<vmem>> -> memref<40xi32, #tpu.memory_space<vmem>>
    %dma_wait3A_38 = arith.constant 0 : i32
    %dma_wait3A_39 = arith.constant 0 : i32
    %dma_wait3A_40 = tpu.memref_slice %arg7[%dma_wait3A_38, %dma_wait3A_39] : memref<10000x16xf32, #tpu.memory_space<vmem_shared>> -> memref<10000x16xf32, #tpu.memory_space<vmem_shared>>
    tpu.wait_indirect_dma semaphore(%arg11 : memref<!tpu.dma_semaphore, #tpu.memory_space<semaphore_mem>>) src(%arg6 : memref<40x16xf32, #tpu.memory_space<vmem>>) dst(%dma_wait3A_40 : memref<10000x16xf32, #tpu.memory_space<vmem_shared>>)
    %dma_wait3A_41 = arith.constant 0 : i32
    %dma_wait3A_42 = arith.constant 0 : i32
    %dma_wait3A_43 = tpu.memref_slice %arg5[%dma_wait3A_41, %dma_wait3A_42] : memref<250x40xi32, #tpu.memory_space<vmem>> -> memref<1x40xi32, #tpu.memory_space<vmem>>
    %dma_wait3A_44 = tpu.memref_squeeze %dma_wait3A_43 : memref<1x40xi32, #tpu.memory_space<vmem>> -> memref<40xi32, #tpu.memory_space<vmem>>
    %dma_wait3A_45 = arith.constant 0 : i32
    %dma_wait3A_46 = arith.constant 0 : i32
    %dma_wait3A_47 = tpu.memref_slice %arg7[%dma_wait3A_45, %dma_wait3A_46] : memref<10000x16xf32, #tpu.memory_space<vmem_shared>> -> memref<10000x16xf32, #tpu.memory_space<vmem_shared>>
    tpu.wait_indirect_dma semaphore(%arg12 : memref<!tpu.dma_semaphore, #tpu.memory_space<semaphore_mem>>) src(%arg6 : memref<40x16xf32, #tpu.memory_space<vmem>>) dst(%dma_wait3A_47 : memref<10000x16xf32, #tpu.memory_space<vmem_shared>>)
    %barrier3A_48 = arith.constant 0 : index
    tpu.barrier barrier_id(%barrier3A_48)
    %mul3A_49 = arith.constant 632 : i32
    %mul3A_50 = arith.muli %arg1, %mul3A_49 : i32
    %lt3A_51 = arith.constant 15 : i32
    %lt3A_52 = arith.cmpi slt, %arg1, %lt3A_51 : i32
    %convert_element_type3A_53 = arith.extui %lt3A_52 : i1 to i32
    %cond3A_54 = arith.constant 0 : i32
    %cond3A_55 = arith.cmpi ne, %convert_element_type3A_53, %cond3A_54 : i32
    scf.if %cond3A_55 {
      "tpu.region"() ({
        %run_scoped3A = tpu.sem_alloc : memref<!tpu.dma_semaphore, #tpu.memory_space<semaphore_mem>>
        %dma_start3A = arith.constant 0 : i32
        %dma_start3A_61 = tpu.memref_slice %arg4[%arg0, %mul3A_50, %dma_start3A] : memref<2x10000x16xf32, #tpu.memory_space<hbm>> -> memref<1x632x16xf32, #tpu.memory_space<hbm>>
        %dma_start3A_62 = tpu.memref_squeeze %dma_start3A_61 : memref<1x632x16xf32, #tpu.memory_space<hbm>> -> memref<632x16xf32, #tpu.memory_space<hbm>>
        %dma_start3A_63 = arith.constant 0 : i32
        %dma_start3A_64 = tpu.memref_slice %arg7[%mul3A_50, %dma_start3A_63] : memref<10000x16xf32, #tpu.memory_space<vmem_shared>> -> memref<632x16xf32, #tpu.memory_space<vmem_shared>>
        tpu.enqueue_dma source(%dma_start3A_64 : memref<632x16xf32, #tpu.memory_space<vmem_shared>>) target(%dma_start3A_62 : memref<632x16xf32, #tpu.memory_space<hbm>>) target_semaphore(%run_scoped3A : memref<!tpu.dma_semaphore, #tpu.memory_space<semaphore_mem>>)
        %dma_wait3A_65 = arith.constant 0 : i32
        %dma_wait3A_66 = tpu.memref_slice %arg4[%arg0, %mul3A_50, %dma_wait3A_65] : memref<2x10000x16xf32, #tpu.memory_space<hbm>> -> memref<1x632x16xf32, #tpu.memory_space<hbm>>
        %dma_wait3A_67 = tpu.memref_squeeze %dma_wait3A_66 : memref<1x632x16xf32, #tpu.memory_space<hbm>> -> memref<632x16xf32, #tpu.memory_space<hbm>>
        %dma_wait3A_68 = arith.constant 0 : i32
        %dma_wait3A_69 = tpu.memref_slice %arg7[%mul3A_50, %dma_wait3A_68] : memref<10000x16xf32, #tpu.memory_space<vmem_shared>> -> memref<632x16xf32, #tpu.memory_space<vmem_shared>>
        tpu.wait_dma2 semaphore(%run_scoped3A : memref<!tpu.dma_semaphore, #tpu.memory_space<semaphore_mem>>) src(%dma_wait3A_69 : memref<632x16xf32, #tpu.memory_space<vmem_shared>>) dst(%dma_wait3A_67 : memref<632x16xf32, #tpu.memory_space<hbm>>)
        tpu.yield
      }) : () -> ()
    } else {
    }
    %eq3A_56 = arith.constant 15 : i32
    %eq3A_57 = arith.cmpi eq, %arg1, %eq3A_56 : i32
    %convert_element_type3A_58 = arith.extui %eq3A_57 : i1 to i32
    %cond3A_59 = arith.constant 0 : i32
    %cond3A_60 = arith.cmpi ne, %convert_element_type3A_58, %cond3A_59 : i32
    scf.if %cond3A_60 {
      "tpu.region"() ({
        %run_scoped3A = tpu.sem_alloc : memref<!tpu.dma_semaphore, #tpu.memory_space<semaphore_mem>>
        %dma_start3A = arith.constant 9480 : i32
        %dma_start3A_61 = arith.constant 0 : i32
        %dma_start3A_62 = tpu.memref_slice %arg4[%arg0, %dma_start3A, %dma_start3A_61] : memref<2x10000x16xf32, #tpu.memory_space<hbm>> -> memref<1x520x16xf32, #tpu.memory_space<hbm>>
        %dma_start3A_63 = tpu.memref_squeeze %dma_start3A_62 : memref<1x520x16xf32, #tpu.memory_space<hbm>> -> memref<520x16xf32, #tpu.memory_space<hbm>>
        %dma_start3A_64 = arith.constant 9480 : i32
        %dma_start3A_65 = arith.constant 0 : i32
        %dma_start3A_66 = tpu.memref_slice %arg7[%dma_start3A_64, %dma_start3A_65] : memref<10000x16xf32, #tpu.memory_space<vmem_shared>> -> memref<520x16xf32, #tpu.memory_space<vmem_shared>>
        tpu.enqueue_dma source(%dma_start3A_66 : memref<520x16xf32, #tpu.memory_space<vmem_shared>>) target(%dma_start3A_63 : memref<520x16xf32, #tpu.memory_space<hbm>>) target_semaphore(%run_scoped3A : memref<!tpu.dma_semaphore, #tpu.memory_space<semaphore_mem>>)
        %dma_wait3A_67 = arith.constant 9480 : i32
        %dma_wait3A_68 = arith.constant 0 : i32
        %dma_wait3A_69 = tpu.memref_slice %arg4[%arg0, %dma_wait3A_67, %dma_wait3A_68] : memref<2x10000x16xf32, #tpu.memory_space<hbm>> -> memref<1x520x16xf32, #tpu.memory_space<hbm>>
        %dma_wait3A_70 = tpu.memref_squeeze %dma_wait3A_69 : memref<1x520x16xf32, #tpu.memory_space<hbm>> -> memref<520x16xf32, #tpu.memory_space<hbm>>
        %dma_wait3A_71 = arith.constant 9480 : i32
        %dma_wait3A_72 = arith.constant 0 : i32
        %dma_wait3A_73 = tpu.memref_slice %arg7[%dma_wait3A_71, %dma_wait3A_72] : memref<10000x16xf32, #tpu.memory_space<vmem_shared>> -> memref<520x16xf32, #tpu.memory_space<vmem_shared>>
        tpu.wait_dma2 semaphore(%run_scoped3A : memref<!tpu.dma_semaphore, #tpu.memory_space<semaphore_mem>>) src(%dma_wait3A_73 : memref<520x16xf32, #tpu.memory_space<vmem_shared>>) dst(%dma_wait3A_70 : memref<520x16xf32, #tpu.memory_space<hbm>>)
        tpu.yield
      }) : () -> ()
    } else {
    }
    return
  }
}

#map = affine_map<(d0, d1) -> (0, 0)>
#map1 = affine_map<(d0, d1) -> (0, 0, 0)>
module attributes {stable_mosaic.version = 14 : i64} {
  func.func @body(%arg0: i32, %arg1: i32, %arg2: memref<10000x128xbf16, #tpu.memory_space<hbm>>, %arg3: memref<32x125x80xi32, #tpu.memory_space<hbm>>, %arg4: memref<32x125x80xi32, #tpu.memory_space<hbm>>, %arg5: memref<2x10000x128xbf16, #tpu.memory_space<hbm>>, %arg6: memref<125x80xi32, #tpu.memory_space<vmem>>, %arg7: memref<125x80xi32, #tpu.memory_space<vmem>>, %arg8: memref<80x128xbf16, #tpu.memory_space<vmem>>, %arg9: memref<80x128xbf16, #tpu.memory_space<vmem>>, %arg10: memref<80x128xbf16, #tpu.memory_space<vmem>>, %arg11: memref<80x128xbf16, #tpu.memory_space<vmem>>, %arg12: memref<80x128xbf16, #tpu.memory_space<vmem>>, %arg13: memref<10000x128xbf16, #tpu.memory_space<vmem_shared>>, %arg14: memref<!tpu.dma_semaphore, #tpu.memory_space<semaphore_mem>>, %arg15: memref<!tpu.dma_semaphore, #tpu.memory_space<semaphore_mem>>, %arg16: memref<!tpu.dma_semaphore, #tpu.memory_space<semaphore_mem>>, %arg17: memref<!tpu.dma_semaphore, #tpu.memory_space<semaphore_mem>>, %arg18: memref<!tpu.dma_semaphore, #tpu.memory_space<semaphore_mem>>, %arg19: memref<!tpu.dma_semaphore, #tpu.memory_space<semaphore_mem>>, %arg20: memref<!tpu.dma_semaphore, #tpu.memory_space<semaphore_mem>>, %arg21: memref<!tpu.dma_semaphore, #tpu.memory_space<semaphore_mem>>, %arg22: memref<!tpu.dma_semaphore, #tpu.memory_space<semaphore_mem>>, %arg23: memref<!tpu.dma_semaphore, #tpu.memory_space<semaphore_mem>>) attributes {dimension_semantics = [#tpu.dimension_semantics<core_parallel>, #tpu.dimension_semantics<subcore_parallel>], iteration_bounds = array<i64: 2, 16>, scalar_prefetch = 0 : i64, scratch_operands = 18 : i64, tpu.core_type = #tpu.core_type<sc_vector_subcore>, window_params = [{transform_indices = #map}, {transform_indices = #map1}, {transform_indices = #map1}, {transform_indices = #map1}]} {
    %mul3A = arith.constant 16 : i32
    %mul3A_0 = arith.muli %arg0, %mul3A : i32
    %add3A = arith.addi %mul3A_0, %arg1 : i32
    "tpu.region"() ({
      %run_scoped3A = tpu.sem_alloc : memref<!tpu.dma_semaphore, #tpu.memory_space<semaphore_mem>>
      %dma_start3A_95 = arith.constant 0 : i32
      %dma_start3A_96 = arith.constant 0 : i32
      %dma_start3A_97 = tpu.memref_slice %arg3[%add3A, %dma_start3A_95, %dma_start3A_96] : memref<32x125x80xi32, #tpu.memory_space<hbm>> -> memref<1x125x80xi32, #tpu.memory_space<hbm>>
      %dma_start3A_98 = tpu.memref_squeeze %dma_start3A_97 : memref<1x125x80xi32, #tpu.memory_space<hbm>> -> memref<125x80xi32, #tpu.memory_space<hbm>>
      %dma_start3A_99 = arith.constant 0 : i32
      %dma_start3A_100 = arith.constant 0 : i32
      %dma_start3A_101 = tpu.memref_slice %arg3[%add3A, %dma_start3A_99, %dma_start3A_100] : memref<32x125x80xi32, #tpu.memory_space<hbm>> -> memref<1x125x80xi32, #tpu.memory_space<hbm>>
      %dma_start3A_102 = tpu.memref_squeeze %dma_start3A_101 : memref<1x125x80xi32, #tpu.memory_space<hbm>> -> memref<125x80xi32, #tpu.memory_space<hbm>>
      tpu.enqueue_dma source(%dma_start3A_102 : memref<125x80xi32, #tpu.memory_space<hbm>>) target(%arg6 : memref<125x80xi32, #tpu.memory_space<vmem>>) target_semaphore(%run_scoped3A : memref<!tpu.dma_semaphore, #tpu.memory_space<semaphore_mem>>)
      %dma_wait3A_103 = arith.constant 0 : i32
      %dma_wait3A_104 = arith.constant 0 : i32
      %dma_wait3A_105 = tpu.memref_slice %arg3[%add3A, %dma_wait3A_103, %dma_wait3A_104] : memref<32x125x80xi32, #tpu.memory_space<hbm>> -> memref<1x125x80xi32, #tpu.memory_space<hbm>>
      %dma_wait3A_106 = tpu.memref_squeeze %dma_wait3A_105 : memref<1x125x80xi32, #tpu.memory_space<hbm>> -> memref<125x80xi32, #tpu.memory_space<hbm>>
      %dma_wait3A_107 = arith.constant 0 : i32
      %dma_wait3A_108 = arith.constant 0 : i32
      %dma_wait3A_109 = tpu.memref_slice %arg3[%add3A, %dma_wait3A_107, %dma_wait3A_108] : memref<32x125x80xi32, #tpu.memory_space<hbm>> -> memref<1x125x80xi32, #tpu.memory_space<hbm>>
      %dma_wait3A_110 = tpu.memref_squeeze %dma_wait3A_109 : memref<1x125x80xi32, #tpu.memory_space<hbm>> -> memref<125x80xi32, #tpu.memory_space<hbm>>
      tpu.wait_dma2 semaphore(%run_scoped3A : memref<!tpu.dma_semaphore, #tpu.memory_space<semaphore_mem>>) src(%dma_wait3A_110 : memref<125x80xi32, #tpu.memory_space<hbm>>) dst(%arg6 : memref<125x80xi32, #tpu.memory_space<vmem>>)
      tpu.yield
    }) : () -> ()
    "tpu.region"() ({
      %run_scoped3A = tpu.sem_alloc : memref<!tpu.dma_semaphore, #tpu.memory_space<semaphore_mem>>
      %dma_start3A_95 = arith.constant 0 : i32
      %dma_start3A_96 = arith.constant 0 : i32
      %dma_start3A_97 = tpu.memref_slice %arg4[%add3A, %dma_start3A_95, %dma_start3A_96] : memref<32x125x80xi32, #tpu.memory_space<hbm>> -> memref<1x125x80xi32, #tpu.memory_space<hbm>>
      %dma_start3A_98 = tpu.memref_squeeze %dma_start3A_97 : memref<1x125x80xi32, #tpu.memory_space<hbm>> -> memref<125x80xi32, #tpu.memory_space<hbm>>
      %dma_start3A_99 = arith.constant 0 : i32
      %dma_start3A_100 = arith.constant 0 : i32
      %dma_start3A_101 = tpu.memref_slice %arg4[%add3A, %dma_start3A_99, %dma_start3A_100] : memref<32x125x80xi32, #tpu.memory_space<hbm>> -> memref<1x125x80xi32, #tpu.memory_space<hbm>>
      %dma_start3A_102 = tpu.memref_squeeze %dma_start3A_101 : memref<1x125x80xi32, #tpu.memory_space<hbm>> -> memref<125x80xi32, #tpu.memory_space<hbm>>
      tpu.enqueue_dma source(%dma_start3A_102 : memref<125x80xi32, #tpu.memory_space<hbm>>) target(%arg7 : memref<125x80xi32, #tpu.memory_space<vmem>>) target_semaphore(%run_scoped3A : memref<!tpu.dma_semaphore, #tpu.memory_space<semaphore_mem>>)
      %dma_wait3A_103 = arith.constant 0 : i32
      %dma_wait3A_104 = arith.constant 0 : i32
      %dma_wait3A_105 = tpu.memref_slice %arg4[%add3A, %dma_wait3A_103, %dma_wait3A_104] : memref<32x125x80xi32, #tpu.memory_space<hbm>> -> memref<1x125x80xi32, #tpu.memory_space<hbm>>
      %dma_wait3A_106 = tpu.memref_squeeze %dma_wait3A_105 : memref<1x125x80xi32, #tpu.memory_space<hbm>> -> memref<125x80xi32, #tpu.memory_space<hbm>>
      %dma_wait3A_107 = arith.constant 0 : i32
      %dma_wait3A_108 = arith.constant 0 : i32
      %dma_wait3A_109 = tpu.memref_slice %arg4[%add3A, %dma_wait3A_107, %dma_wait3A_108] : memref<32x125x80xi32, #tpu.memory_space<hbm>> -> memref<1x125x80xi32, #tpu.memory_space<hbm>>
      %dma_wait3A_110 = tpu.memref_squeeze %dma_wait3A_109 : memref<1x125x80xi32, #tpu.memory_space<hbm>> -> memref<125x80xi32, #tpu.memory_space<hbm>>
      tpu.wait_dma2 semaphore(%run_scoped3A : memref<!tpu.dma_semaphore, #tpu.memory_space<semaphore_mem>>) src(%dma_wait3A_110 : memref<125x80xi32, #tpu.memory_space<hbm>>) dst(%arg7 : memref<125x80xi32, #tpu.memory_space<vmem>>)
      tpu.yield
    }) : () -> ()
    %mul3A_1 = arith.constant 632 : i32
    %mul3A_2 = arith.muli %arg1, %mul3A_1 : i32
    %lt3A = arith.constant 15 : i32
    %lt3A_3 = arith.cmpi slt, %arg1, %lt3A : i32
    %convert_element_type3A = arith.extui %lt3A_3 : i1 to i32
    %cond3A = arith.constant 0 : i32
    %cond3A_4 = arith.cmpi ne, %convert_element_type3A, %cond3A : i32
    scf.if %cond3A_4 {
      "tpu.region"() ({
        %run_scoped3A = tpu.sem_alloc : memref<!tpu.dma_semaphore, #tpu.memory_space<semaphore_mem>>
        %dma_start3A_95 = arith.constant 0 : i32
        %dma_start3A_96 = tpu.memref_slice %arg13[%mul3A_2, %dma_start3A_95] : memref<10000x128xbf16, #tpu.memory_space<vmem_shared>> -> memref<632x128xbf16, #tpu.memory_space<vmem_shared>>
        %dma_start3A_97 = arith.constant 0 : i32
        %dma_start3A_98 = tpu.memref_slice %arg2[%mul3A_2, %dma_start3A_97] : memref<10000x128xbf16, #tpu.memory_space<hbm>> -> memref<632x128xbf16, #tpu.memory_space<hbm>>
        tpu.enqueue_dma source(%dma_start3A_98 : memref<632x128xbf16, #tpu.memory_space<hbm>>) target(%dma_start3A_96 : memref<632x128xbf16, #tpu.memory_space<vmem_shared>>) target_semaphore(%run_scoped3A : memref<!tpu.dma_semaphore, #tpu.memory_space<semaphore_mem>>)
        %dma_wait3A_99 = arith.constant 0 : i32
        %dma_wait3A_100 = tpu.memref_slice %arg13[%mul3A_2, %dma_wait3A_99] : memref<10000x128xbf16, #tpu.memory_space<vmem_shared>> -> memref<632x128xbf16, #tpu.memory_space<vmem_shared>>
        %dma_wait3A_101 = arith.constant 0 : i32
        %dma_wait3A_102 = tpu.memref_slice %arg2[%mul3A_2, %dma_wait3A_101] : memref<10000x128xbf16, #tpu.memory_space<hbm>> -> memref<632x128xbf16, #tpu.memory_space<hbm>>
        tpu.wait_dma2 semaphore(%run_scoped3A : memref<!tpu.dma_semaphore, #tpu.memory_space<semaphore_mem>>) src(%dma_wait3A_102 : memref<632x128xbf16, #tpu.memory_space<hbm>>) dst(%dma_wait3A_100 : memref<632x128xbf16, #tpu.memory_space<vmem_shared>>)
        tpu.yield
      }) : () -> ()
    } else {
    }
    %eq3A = arith.constant 15 : i32
    %eq3A_5 = arith.cmpi eq, %arg1, %eq3A : i32
    %convert_element_type3A_6 = arith.extui %eq3A_5 : i1 to i32
    %cond3A_7 = arith.constant 0 : i32
    %cond3A_8 = arith.cmpi ne, %convert_element_type3A_6, %cond3A_7 : i32
    scf.if %cond3A_8 {
      "tpu.region"() ({
        %run_scoped3A = tpu.sem_alloc : memref<!tpu.dma_semaphore, #tpu.memory_space<semaphore_mem>>
        %dma_start3A_95 = arith.constant 9480 : i32
        %dma_start3A_96 = arith.constant 0 : i32
        %dma_start3A_97 = tpu.memref_slice %arg13[%dma_start3A_95, %dma_start3A_96] : memref<10000x128xbf16, #tpu.memory_space<vmem_shared>> -> memref<520x128xbf16, #tpu.memory_space<vmem_shared>>
        %dma_start3A_98 = arith.constant 9480 : i32
        %dma_start3A_99 = arith.constant 0 : i32
        %dma_start3A_100 = tpu.memref_slice %arg2[%dma_start3A_98, %dma_start3A_99] : memref<10000x128xbf16, #tpu.memory_space<hbm>> -> memref<520x128xbf16, #tpu.memory_space<hbm>>
        tpu.enqueue_dma source(%dma_start3A_100 : memref<520x128xbf16, #tpu.memory_space<hbm>>) target(%dma_start3A_97 : memref<520x128xbf16, #tpu.memory_space<vmem_shared>>) target_semaphore(%run_scoped3A : memref<!tpu.dma_semaphore, #tpu.memory_space<semaphore_mem>>)
        %dma_wait3A_101 = arith.constant 9480 : i32
        %dma_wait3A_102 = arith.constant 0 : i32
        %dma_wait3A_103 = tpu.memref_slice %arg13[%dma_wait3A_101, %dma_wait3A_102] : memref<10000x128xbf16, #tpu.memory_space<vmem_shared>> -> memref<520x128xbf16, #tpu.memory_space<vmem_shared>>
        %dma_wait3A_104 = arith.constant 9480 : i32
        %dma_wait3A_105 = arith.constant 0 : i32
        %dma_wait3A_106 = tpu.memref_slice %arg2[%dma_wait3A_104, %dma_wait3A_105] : memref<10000x128xbf16, #tpu.memory_space<hbm>> -> memref<520x128xbf16, #tpu.memory_space<hbm>>
        tpu.wait_dma2 semaphore(%run_scoped3A : memref<!tpu.dma_semaphore, #tpu.memory_space<semaphore_mem>>) src(%dma_wait3A_106 : memref<520x128xbf16, #tpu.memory_space<hbm>>) dst(%dma_wait3A_103 : memref<520x128xbf16, #tpu.memory_space<vmem_shared>>)
        tpu.yield
      }) : () -> ()
    } else {
    }
    %barrier3A = arith.constant 0 : index
    tpu.barrier barrier_id(%barrier3A)
    %dma_start3A = arith.constant 0 : i32
    %dma_start3A_9 = arith.constant 0 : i32
    %dma_start3A_10 = tpu.memref_slice %arg6[%dma_start3A, %dma_start3A_9] : memref<125x80xi32, #tpu.memory_space<vmem>> -> memref<1x80xi32, #tpu.memory_space<vmem>>
    %dma_start3A_11 = tpu.memref_squeeze %dma_start3A_10 : memref<1x80xi32, #tpu.memory_space<vmem>> -> memref<80xi32, #tpu.memory_space<vmem>>
    %dma_start3A_12 = arith.constant 0 : i32
    %dma_start3A_13 = arith.constant 0 : i32
    %dma_start3A_14 = tpu.memref_slice %arg2[%dma_start3A_12, %dma_start3A_13] : memref<10000x128xbf16, #tpu.memory_space<hbm>> -> memref<10000x128xbf16, #tpu.memory_space<hbm>>
    tpu.enqueue_indirect_dma source(%dma_start3A_14 : memref<10000x128xbf16, #tpu.memory_space<hbm>>) target(%arg8 : memref<80x128xbf16, #tpu.memory_space<vmem>>) offsets(%dma_start3A_11 : memref<80xi32, #tpu.memory_space<vmem>>) semaphore(%arg14 : memref<!tpu.dma_semaphore, #tpu.memory_space<semaphore_mem>>)
    %dma_start3A_15 = arith.constant 1 : i32
    %dma_start3A_16 = arith.constant 0 : i32
    %dma_start3A_17 = tpu.memref_slice %arg6[%dma_start3A_15, %dma_start3A_16] : memref<125x80xi32, #tpu.memory_space<vmem>> -> memref<1x80xi32, #tpu.memory_space<vmem>>
    %dma_start3A_18 = tpu.memref_squeeze %dma_start3A_17 : memref<1x80xi32, #tpu.memory_space<vmem>> -> memref<80xi32, #tpu.memory_space<vmem>>
    %dma_start3A_19 = arith.constant 0 : i32
    %dma_start3A_20 = arith.constant 0 : i32
    %dma_start3A_21 = tpu.memref_slice %arg2[%dma_start3A_19, %dma_start3A_20] : memref<10000x128xbf16, #tpu.memory_space<hbm>> -> memref<10000x128xbf16, #tpu.memory_space<hbm>>
    tpu.enqueue_indirect_dma source(%dma_start3A_21 : memref<10000x128xbf16, #tpu.memory_space<hbm>>) target(%arg9 : memref<80x128xbf16, #tpu.memory_space<vmem>>) offsets(%dma_start3A_18 : memref<80xi32, #tpu.memory_space<vmem>>) semaphore(%arg15 : memref<!tpu.dma_semaphore, #tpu.memory_space<semaphore_mem>>)
    %dma_start3A_22 = arith.constant 2 : i32
    %dma_start3A_23 = arith.constant 0 : i32
    %dma_start3A_24 = tpu.memref_slice %arg6[%dma_start3A_22, %dma_start3A_23] : memref<125x80xi32, #tpu.memory_space<vmem>> -> memref<1x80xi32, #tpu.memory_space<vmem>>
    %dma_start3A_25 = tpu.memref_squeeze %dma_start3A_24 : memref<1x80xi32, #tpu.memory_space<vmem>> -> memref<80xi32, #tpu.memory_space<vmem>>
    %dma_start3A_26 = arith.constant 0 : i32
    %dma_start3A_27 = arith.constant 0 : i32
    %dma_start3A_28 = tpu.memref_slice %arg2[%dma_start3A_26, %dma_start3A_27] : memref<10000x128xbf16, #tpu.memory_space<hbm>> -> memref<10000x128xbf16, #tpu.memory_space<hbm>>
    tpu.enqueue_indirect_dma source(%dma_start3A_28 : memref<10000x128xbf16, #tpu.memory_space<hbm>>) target(%arg10 : memref<80x128xbf16, #tpu.memory_space<vmem>>) offsets(%dma_start3A_25 : memref<80xi32, #tpu.memory_space<vmem>>) semaphore(%arg16 : memref<!tpu.dma_semaphore, #tpu.memory_space<semaphore_mem>>)
    %dma_start3A_29 = arith.constant 3 : i32
    %dma_start3A_30 = arith.constant 0 : i32
    %dma_start3A_31 = tpu.memref_slice %arg6[%dma_start3A_29, %dma_start3A_30] : memref<125x80xi32, #tpu.memory_space<vmem>> -> memref<1x80xi32, #tpu.memory_space<vmem>>
    %dma_start3A_32 = tpu.memref_squeeze %dma_start3A_31 : memref<1x80xi32, #tpu.memory_space<vmem>> -> memref<80xi32, #tpu.memory_space<vmem>>
    %dma_start3A_33 = arith.constant 0 : i32
    %dma_start3A_34 = arith.constant 0 : i32
    %dma_start3A_35 = tpu.memref_slice %arg2[%dma_start3A_33, %dma_start3A_34] : memref<10000x128xbf16, #tpu.memory_space<hbm>> -> memref<10000x128xbf16, #tpu.memory_space<hbm>>
    tpu.enqueue_indirect_dma source(%dma_start3A_35 : memref<10000x128xbf16, #tpu.memory_space<hbm>>) target(%arg11 : memref<80x128xbf16, #tpu.memory_space<vmem>>) offsets(%dma_start3A_32 : memref<80xi32, #tpu.memory_space<vmem>>) semaphore(%arg17 : memref<!tpu.dma_semaphore, #tpu.memory_space<semaphore_mem>>)
    %dma_start3A_36 = arith.constant 4 : i32
    %dma_start3A_37 = arith.constant 0 : i32
    %dma_start3A_38 = tpu.memref_slice %arg6[%dma_start3A_36, %dma_start3A_37] : memref<125x80xi32, #tpu.memory_space<vmem>> -> memref<1x80xi32, #tpu.memory_space<vmem>>
    %dma_start3A_39 = tpu.memref_squeeze %dma_start3A_38 : memref<1x80xi32, #tpu.memory_space<vmem>> -> memref<80xi32, #tpu.memory_space<vmem>>
    %dma_start3A_40 = arith.constant 0 : i32
    %dma_start3A_41 = arith.constant 0 : i32
    %dma_start3A_42 = tpu.memref_slice %arg2[%dma_start3A_40, %dma_start3A_41] : memref<10000x128xbf16, #tpu.memory_space<hbm>> -> memref<10000x128xbf16, #tpu.memory_space<hbm>>
    tpu.enqueue_indirect_dma source(%dma_start3A_42 : memref<10000x128xbf16, #tpu.memory_space<hbm>>) target(%arg12 : memref<80x128xbf16, #tpu.memory_space<vmem>>) offsets(%dma_start3A_39 : memref<80xi32, #tpu.memory_space<vmem>>) semaphore(%arg18 : memref<!tpu.dma_semaphore, #tpu.memory_space<semaphore_mem>>)
    %scan3A = arith.constant 0 : i32
    %scan3A_43 = arith.constant 0 : i32
    %scan3A_44 = arith.constant 25 : i32
    %scan3A_45 = arith.addi %scan3A_43, %scan3A_44 : i32
    %scan3A_46 = arith.constant 1 : i32
    scf.for %scan3A_95 = %scan3A_43 to %scan3A_45 step %scan3A_46  : i32 {
      %mul3A_96 = arith.constant 5 : i32
      %mul3A_97 = arith.muli %scan3A_95, %mul3A_96 : i32
      %add3A_98 = arith.constant 0 : i32
      %add3A_99 = arith.addi %mul3A_97, %add3A_98 : i32
      %dma_wait3A_100 = arith.constant 0 : i32
      %dma_wait3A_101 = tpu.memref_slice %arg6[%add3A_99, %dma_wait3A_100] : memref<125x80xi32, #tpu.memory_space<vmem>> -> memref<1x80xi32, #tpu.memory_space<vmem>>
      %dma_wait3A_102 = tpu.memref_squeeze %dma_wait3A_101 : memref<1x80xi32, #tpu.memory_space<vmem>> -> memref<80xi32, #tpu.memory_space<vmem>>
      %dma_wait3A_103 = arith.constant 0 : i32
      %dma_wait3A_104 = arith.constant 0 : i32
      %dma_wait3A_105 = tpu.memref_slice %arg2[%dma_wait3A_103, %dma_wait3A_104] : memref<10000x128xbf16, #tpu.memory_space<hbm>> -> memref<10000x128xbf16, #tpu.memory_space<hbm>>
      tpu.wait_indirect_dma semaphore(%arg14 : memref<!tpu.dma_semaphore, #tpu.memory_space<semaphore_mem>>) src(%dma_wait3A_105 : memref<10000x128xbf16, #tpu.memory_space<hbm>>) dst(%arg8 : memref<80x128xbf16, #tpu.memory_space<vmem>>)
      %dma_start3A_106 = arith.constant 0 : i32
      %dma_start3A_107 = tpu.memref_slice %arg7[%add3A_99, %dma_start3A_106] : memref<125x80xi32, #tpu.memory_space<vmem>> -> memref<1x80xi32, #tpu.memory_space<vmem>>
      %dma_start3A_108 = tpu.memref_squeeze %dma_start3A_107 : memref<1x80xi32, #tpu.memory_space<vmem>> -> memref<80xi32, #tpu.memory_space<vmem>>
      %dma_start3A_109 = arith.constant 0 : i32
      %dma_start3A_110 = arith.constant 0 : i32
      %dma_start3A_111 = tpu.memref_slice %arg13[%dma_start3A_109, %dma_start3A_110] : memref<10000x128xbf16, #tpu.memory_space<vmem_shared>> -> memref<10000x128xbf16, #tpu.memory_space<vmem_shared>>
      tpu.enqueue_indirect_dma source(%arg8 : memref<80x128xbf16, #tpu.memory_space<vmem>>) target(%dma_start3A_111 : memref<10000x128xbf16, #tpu.memory_space<vmem_shared>>) offsets(%dma_start3A_108 : memref<80xi32, #tpu.memory_space<vmem>>) semaphore(%arg19 : memref<!tpu.dma_semaphore, #tpu.memory_space<semaphore_mem>>) {add = true}
      %add3A_112 = arith.constant 5 : i32
      %add3A_113 = arith.addi %add3A_99, %add3A_112 : i32
      %lt3A_114 = arith.constant 125 : i32
      %lt3A_115 = arith.cmpi slt, %add3A_113, %lt3A_114 : i32
      %convert_element_type3A_116 = arith.extui %lt3A_115 : i1 to i32
      %cond3A_117 = arith.constant 0 : i32
      %cond3A_118 = arith.cmpi ne, %convert_element_type3A_116, %cond3A_117 : i32
      scf.if %cond3A_118 {
        %dma_wait3A_211 = arith.constant 0 : i32
        %dma_wait3A_212 = tpu.memref_slice %arg7[%add3A_99, %dma_wait3A_211] : memref<125x80xi32, #tpu.memory_space<vmem>> -> memref<1x80xi32, #tpu.memory_space<vmem>>
        %dma_wait3A_213 = tpu.memref_squeeze %dma_wait3A_212 : memref<1x80xi32, #tpu.memory_space<vmem>> -> memref<80xi32, #tpu.memory_space<vmem>>
        %dma_wait3A_214 = arith.constant 0 : i32
        %dma_wait3A_215 = arith.constant 0 : i32
        %dma_wait3A_216 = tpu.memref_slice %arg13[%dma_wait3A_214, %dma_wait3A_215] : memref<10000x128xbf16, #tpu.memory_space<vmem_shared>> -> memref<10000x128xbf16, #tpu.memory_space<vmem_shared>>
        tpu.wait_indirect_dma semaphore(%arg19 : memref<!tpu.dma_semaphore, #tpu.memory_space<semaphore_mem>>) src(%arg8 : memref<80x128xbf16, #tpu.memory_space<vmem>>) dst(%dma_wait3A_216 : memref<10000x128xbf16, #tpu.memory_space<vmem_shared>>)
        %add3A_217 = arith.constant 5 : i32
        %add3A_218 = arith.addi %add3A_99, %add3A_217 : i32
        %dma_start3A_219 = arith.constant 0 : i32
        %dma_start3A_220 = tpu.memref_slice %arg6[%add3A_218, %dma_start3A_219] : memref<125x80xi32, #tpu.memory_space<vmem>> -> memref<1x80xi32, #tpu.memory_space<vmem>>
        %dma_start3A_221 = tpu.memref_squeeze %dma_start3A_220 : memref<1x80xi32, #tpu.memory_space<vmem>> -> memref<80xi32, #tpu.memory_space<vmem>>
        %dma_start3A_222 = arith.constant 0 : i32
        %dma_start3A_223 = arith.constant 0 : i32
        %dma_start3A_224 = tpu.memref_slice %arg2[%dma_start3A_222, %dma_start3A_223] : memref<10000x128xbf16, #tpu.memory_space<hbm>> -> memref<10000x128xbf16, #tpu.memory_space<hbm>>
        tpu.enqueue_indirect_dma source(%dma_start3A_224 : memref<10000x128xbf16, #tpu.memory_space<hbm>>) target(%arg8 : memref<80x128xbf16, #tpu.memory_space<vmem>>) offsets(%dma_start3A_221 : memref<80xi32, #tpu.memory_space<vmem>>) semaphore(%arg14 : memref<!tpu.dma_semaphore, #tpu.memory_space<semaphore_mem>>)
      } else {
      }
      %mul3A_119 = arith.constant 5 : i32
      %mul3A_120 = arith.muli %scan3A_95, %mul3A_119 : i32
      %add3A_121 = arith.constant 1 : i32
      %add3A_122 = arith.addi %mul3A_120, %add3A_121 : i32
      %dma_wait3A_123 = arith.constant 0 : i32
      %dma_wait3A_124 = tpu.memref_slice %arg6[%add3A_122, %dma_wait3A_123] : memref<125x80xi32, #tpu.memory_space<vmem>> -> memref<1x80xi32, #tpu.memory_space<vmem>>
      %dma_wait3A_125 = tpu.memref_squeeze %dma_wait3A_124 : memref<1x80xi32, #tpu.memory_space<vmem>> -> memref<80xi32, #tpu.memory_space<vmem>>
      %dma_wait3A_126 = arith.constant 0 : i32
      %dma_wait3A_127 = arith.constant 0 : i32
      %dma_wait3A_128 = tpu.memref_slice %arg2[%dma_wait3A_126, %dma_wait3A_127] : memref<10000x128xbf16, #tpu.memory_space<hbm>> -> memref<10000x128xbf16, #tpu.memory_space<hbm>>
      tpu.wait_indirect_dma semaphore(%arg15 : memref<!tpu.dma_semaphore, #tpu.memory_space<semaphore_mem>>) src(%dma_wait3A_128 : memref<10000x128xbf16, #tpu.memory_space<hbm>>) dst(%arg9 : memref<80x128xbf16, #tpu.memory_space<vmem>>)
      %dma_start3A_129 = arith.constant 0 : i32
      %dma_start3A_130 = tpu.memref_slice %arg7[%add3A_122, %dma_start3A_129] : memref<125x80xi32, #tpu.memory_space<vmem>> -> memref<1x80xi32, #tpu.memory_space<vmem>>
      %dma_start3A_131 = tpu.memref_squeeze %dma_start3A_130 : memref<1x80xi32, #tpu.memory_space<vmem>> -> memref<80xi32, #tpu.memory_space<vmem>>
      %dma_start3A_132 = arith.constant 0 : i32
      %dma_start3A_133 = arith.constant 0 : i32
      %dma_start3A_134 = tpu.memref_slice %arg13[%dma_start3A_132, %dma_start3A_133] : memref<10000x128xbf16, #tpu.memory_space<vmem_shared>> -> memref<10000x128xbf16, #tpu.memory_space<vmem_shared>>
      tpu.enqueue_indirect_dma source(%arg9 : memref<80x128xbf16, #tpu.memory_space<vmem>>) target(%dma_start3A_134 : memref<10000x128xbf16, #tpu.memory_space<vmem_shared>>) offsets(%dma_start3A_131 : memref<80xi32, #tpu.memory_space<vmem>>) semaphore(%arg20 : memref<!tpu.dma_semaphore, #tpu.memory_space<semaphore_mem>>) {add = true}
      %add3A_135 = arith.constant 5 : i32
      %add3A_136 = arith.addi %add3A_122, %add3A_135 : i32
      %lt3A_137 = arith.constant 125 : i32
      %lt3A_138 = arith.cmpi slt, %add3A_136, %lt3A_137 : i32
      %convert_element_type3A_139 = arith.extui %lt3A_138 : i1 to i32
      %cond3A_140 = arith.constant 0 : i32
      %cond3A_141 = arith.cmpi ne, %convert_element_type3A_139, %cond3A_140 : i32
      scf.if %cond3A_141 {
        %dma_wait3A_211 = arith.constant 0 : i32
        %dma_wait3A_212 = tpu.memref_slice %arg7[%add3A_122, %dma_wait3A_211] : memref<125x80xi32, #tpu.memory_space<vmem>> -> memref<1x80xi32, #tpu.memory_space<vmem>>
        %dma_wait3A_213 = tpu.memref_squeeze %dma_wait3A_212 : memref<1x80xi32, #tpu.memory_space<vmem>> -> memref<80xi32, #tpu.memory_space<vmem>>
        %dma_wait3A_214 = arith.constant 0 : i32
        %dma_wait3A_215 = arith.constant 0 : i32
        %dma_wait3A_216 = tpu.memref_slice %arg13[%dma_wait3A_214, %dma_wait3A_215] : memref<10000x128xbf16, #tpu.memory_space<vmem_shared>> -> memref<10000x128xbf16, #tpu.memory_space<vmem_shared>>
        tpu.wait_indirect_dma semaphore(%arg20 : memref<!tpu.dma_semaphore, #tpu.memory_space<semaphore_mem>>) src(%arg9 : memref<80x128xbf16, #tpu.memory_space<vmem>>) dst(%dma_wait3A_216 : memref<10000x128xbf16, #tpu.memory_space<vmem_shared>>)
        %add3A_217 = arith.constant 5 : i32
        %add3A_218 = arith.addi %add3A_122, %add3A_217 : i32
        %dma_start3A_219 = arith.constant 0 : i32
        %dma_start3A_220 = tpu.memref_slice %arg6[%add3A_218, %dma_start3A_219] : memref<125x80xi32, #tpu.memory_space<vmem>> -> memref<1x80xi32, #tpu.memory_space<vmem>>
        %dma_start3A_221 = tpu.memref_squeeze %dma_start3A_220 : memref<1x80xi32, #tpu.memory_space<vmem>> -> memref<80xi32, #tpu.memory_space<vmem>>
        %dma_start3A_222 = arith.constant 0 : i32
        %dma_start3A_223 = arith.constant 0 : i32
        %dma_start3A_224 = tpu.memref_slice %arg2[%dma_start3A_222, %dma_start3A_223] : memref<10000x128xbf16, #tpu.memory_space<hbm>> -> memref<10000x128xbf16, #tpu.memory_space<hbm>>
        tpu.enqueue_indirect_dma source(%dma_start3A_224 : memref<10000x128xbf16, #tpu.memory_space<hbm>>) target(%arg9 : memref<80x128xbf16, #tpu.memory_space<vmem>>) offsets(%dma_start3A_221 : memref<80xi32, #tpu.memory_space<vmem>>) semaphore(%arg15 : memref<!tpu.dma_semaphore, #tpu.memory_space<semaphore_mem>>)
      } else {
      }
      %mul3A_142 = arith.constant 5 : i32
      %mul3A_143 = arith.muli %scan3A_95, %mul3A_142 : i32
      %add3A_144 = arith.constant 2 : i32
      %add3A_145 = arith.addi %mul3A_143, %add3A_144 : i32
      %dma_wait3A_146 = arith.constant 0 : i32
      %dma_wait3A_147 = tpu.memref_slice %arg6[%add3A_145, %dma_wait3A_146] : memref<125x80xi32, #tpu.memory_space<vmem>> -> memref<1x80xi32, #tpu.memory_space<vmem>>
      %dma_wait3A_148 = tpu.memref_squeeze %dma_wait3A_147 : memref<1x80xi32, #tpu.memory_space<vmem>> -> memref<80xi32, #tpu.memory_space<vmem>>
      %dma_wait3A_149 = arith.constant 0 : i32
      %dma_wait3A_150 = arith.constant 0 : i32
      %dma_wait3A_151 = tpu.memref_slice %arg2[%dma_wait3A_149, %dma_wait3A_150] : memref<10000x128xbf16, #tpu.memory_space<hbm>> -> memref<10000x128xbf16, #tpu.memory_space<hbm>>
      tpu.wait_indirect_dma semaphore(%arg16 : memref<!tpu.dma_semaphore, #tpu.memory_space<semaphore_mem>>) src(%dma_wait3A_151 : memref<10000x128xbf16, #tpu.memory_space<hbm>>) dst(%arg10 : memref<80x128xbf16, #tpu.memory_space<vmem>>)
      %dma_start3A_152 = arith.constant 0 : i32
      %dma_start3A_153 = tpu.memref_slice %arg7[%add3A_145, %dma_start3A_152] : memref<125x80xi32, #tpu.memory_space<vmem>> -> memref<1x80xi32, #tpu.memory_space<vmem>>
      %dma_start3A_154 = tpu.memref_squeeze %dma_start3A_153 : memref<1x80xi32, #tpu.memory_space<vmem>> -> memref<80xi32, #tpu.memory_space<vmem>>
      %dma_start3A_155 = arith.constant 0 : i32
      %dma_start3A_156 = arith.constant 0 : i32
      %dma_start3A_157 = tpu.memref_slice %arg13[%dma_start3A_155, %dma_start3A_156] : memref<10000x128xbf16, #tpu.memory_space<vmem_shared>> -> memref<10000x128xbf16, #tpu.memory_space<vmem_shared>>
      tpu.enqueue_indirect_dma source(%arg10 : memref<80x128xbf16, #tpu.memory_space<vmem>>) target(%dma_start3A_157 : memref<10000x128xbf16, #tpu.memory_space<vmem_shared>>) offsets(%dma_start3A_154 : memref<80xi32, #tpu.memory_space<vmem>>) semaphore(%arg21 : memref<!tpu.dma_semaphore, #tpu.memory_space<semaphore_mem>>) {add = true}
      %add3A_158 = arith.constant 5 : i32
      %add3A_159 = arith.addi %add3A_145, %add3A_158 : i32
      %lt3A_160 = arith.constant 125 : i32
      %lt3A_161 = arith.cmpi slt, %add3A_159, %lt3A_160 : i32
      %convert_element_type3A_162 = arith.extui %lt3A_161 : i1 to i32
      %cond3A_163 = arith.constant 0 : i32
      %cond3A_164 = arith.cmpi ne, %convert_element_type3A_162, %cond3A_163 : i32
      scf.if %cond3A_164 {
        %dma_wait3A_211 = arith.constant 0 : i32
        %dma_wait3A_212 = tpu.memref_slice %arg7[%add3A_145, %dma_wait3A_211] : memref<125x80xi32, #tpu.memory_space<vmem>> -> memref<1x80xi32, #tpu.memory_space<vmem>>
        %dma_wait3A_213 = tpu.memref_squeeze %dma_wait3A_212 : memref<1x80xi32, #tpu.memory_space<vmem>> -> memref<80xi32, #tpu.memory_space<vmem>>
        %dma_wait3A_214 = arith.constant 0 : i32
        %dma_wait3A_215 = arith.constant 0 : i32
        %dma_wait3A_216 = tpu.memref_slice %arg13[%dma_wait3A_214, %dma_wait3A_215] : memref<10000x128xbf16, #tpu.memory_space<vmem_shared>> -> memref<10000x128xbf16, #tpu.memory_space<vmem_shared>>
        tpu.wait_indirect_dma semaphore(%arg21 : memref<!tpu.dma_semaphore, #tpu.memory_space<semaphore_mem>>) src(%arg10 : memref<80x128xbf16, #tpu.memory_space<vmem>>) dst(%dma_wait3A_216 : memref<10000x128xbf16, #tpu.memory_space<vmem_shared>>)
        %add3A_217 = arith.constant 5 : i32
        %add3A_218 = arith.addi %add3A_145, %add3A_217 : i32
        %dma_start3A_219 = arith.constant 0 : i32
        %dma_start3A_220 = tpu.memref_slice %arg6[%add3A_218, %dma_start3A_219] : memref<125x80xi32, #tpu.memory_space<vmem>> -> memref<1x80xi32, #tpu.memory_space<vmem>>
        %dma_start3A_221 = tpu.memref_squeeze %dma_start3A_220 : memref<1x80xi32, #tpu.memory_space<vmem>> -> memref<80xi32, #tpu.memory_space<vmem>>
        %dma_start3A_222 = arith.constant 0 : i32
        %dma_start3A_223 = arith.constant 0 : i32
        %dma_start3A_224 = tpu.memref_slice %arg2[%dma_start3A_222, %dma_start3A_223] : memref<10000x128xbf16, #tpu.memory_space<hbm>> -> memref<10000x128xbf16, #tpu.memory_space<hbm>>
        tpu.enqueue_indirect_dma source(%dma_start3A_224 : memref<10000x128xbf16, #tpu.memory_space<hbm>>) target(%arg10 : memref<80x128xbf16, #tpu.memory_space<vmem>>) offsets(%dma_start3A_221 : memref<80xi32, #tpu.memory_space<vmem>>) semaphore(%arg16 : memref<!tpu.dma_semaphore, #tpu.memory_space<semaphore_mem>>)
      } else {
      }
      %mul3A_165 = arith.constant 5 : i32
      %mul3A_166 = arith.muli %scan3A_95, %mul3A_165 : i32
      %add3A_167 = arith.constant 3 : i32
      %add3A_168 = arith.addi %mul3A_166, %add3A_167 : i32
      %dma_wait3A_169 = arith.constant 0 : i32
      %dma_wait3A_170 = tpu.memref_slice %arg6[%add3A_168, %dma_wait3A_169] : memref<125x80xi32, #tpu.memory_space<vmem>> -> memref<1x80xi32, #tpu.memory_space<vmem>>
      %dma_wait3A_171 = tpu.memref_squeeze %dma_wait3A_170 : memref<1x80xi32, #tpu.memory_space<vmem>> -> memref<80xi32, #tpu.memory_space<vmem>>
      %dma_wait3A_172 = arith.constant 0 : i32
      %dma_wait3A_173 = arith.constant 0 : i32
      %dma_wait3A_174 = tpu.memref_slice %arg2[%dma_wait3A_172, %dma_wait3A_173] : memref<10000x128xbf16, #tpu.memory_space<hbm>> -> memref<10000x128xbf16, #tpu.memory_space<hbm>>
      tpu.wait_indirect_dma semaphore(%arg17 : memref<!tpu.dma_semaphore, #tpu.memory_space<semaphore_mem>>) src(%dma_wait3A_174 : memref<10000x128xbf16, #tpu.memory_space<hbm>>) dst(%arg11 : memref<80x128xbf16, #tpu.memory_space<vmem>>)
      %dma_start3A_175 = arith.constant 0 : i32
      %dma_start3A_176 = tpu.memref_slice %arg7[%add3A_168, %dma_start3A_175] : memref<125x80xi32, #tpu.memory_space<vmem>> -> memref<1x80xi32, #tpu.memory_space<vmem>>
      %dma_start3A_177 = tpu.memref_squeeze %dma_start3A_176 : memref<1x80xi32, #tpu.memory_space<vmem>> -> memref<80xi32, #tpu.memory_space<vmem>>
      %dma_start3A_178 = arith.constant 0 : i32
      %dma_start3A_179 = arith.constant 0 : i32
      %dma_start3A_180 = tpu.memref_slice %arg13[%dma_start3A_178, %dma_start3A_179] : memref<10000x128xbf16, #tpu.memory_space<vmem_shared>> -> memref<10000x128xbf16, #tpu.memory_space<vmem_shared>>
      tpu.enqueue_indirect_dma source(%arg11 : memref<80x128xbf16, #tpu.memory_space<vmem>>) target(%dma_start3A_180 : memref<10000x128xbf16, #tpu.memory_space<vmem_shared>>) offsets(%dma_start3A_177 : memref<80xi32, #tpu.memory_space<vmem>>) semaphore(%arg22 : memref<!tpu.dma_semaphore, #tpu.memory_space<semaphore_mem>>) {add = true}
      %add3A_181 = arith.constant 5 : i32
      %add3A_182 = arith.addi %add3A_168, %add3A_181 : i32
      %lt3A_183 = arith.constant 125 : i32
      %lt3A_184 = arith.cmpi slt, %add3A_182, %lt3A_183 : i32
      %convert_element_type3A_185 = arith.extui %lt3A_184 : i1 to i32
      %cond3A_186 = arith.constant 0 : i32
      %cond3A_187 = arith.cmpi ne, %convert_element_type3A_185, %cond3A_186 : i32
      scf.if %cond3A_187 {
        %dma_wait3A_211 = arith.constant 0 : i32
        %dma_wait3A_212 = tpu.memref_slice %arg7[%add3A_168, %dma_wait3A_211] : memref<125x80xi32, #tpu.memory_space<vmem>> -> memref<1x80xi32, #tpu.memory_space<vmem>>
        %dma_wait3A_213 = tpu.memref_squeeze %dma_wait3A_212 : memref<1x80xi32, #tpu.memory_space<vmem>> -> memref<80xi32, #tpu.memory_space<vmem>>
        %dma_wait3A_214 = arith.constant 0 : i32
        %dma_wait3A_215 = arith.constant 0 : i32
        %dma_wait3A_216 = tpu.memref_slice %arg13[%dma_wait3A_214, %dma_wait3A_215] : memref<10000x128xbf16, #tpu.memory_space<vmem_shared>> -> memref<10000x128xbf16, #tpu.memory_space<vmem_shared>>
        tpu.wait_indirect_dma semaphore(%arg22 : memref<!tpu.dma_semaphore, #tpu.memory_space<semaphore_mem>>) src(%arg11 : memref<80x128xbf16, #tpu.memory_space<vmem>>) dst(%dma_wait3A_216 : memref<10000x128xbf16, #tpu.memory_space<vmem_shared>>)
        %add3A_217 = arith.constant 5 : i32
        %add3A_218 = arith.addi %add3A_168, %add3A_217 : i32
        %dma_start3A_219 = arith.constant 0 : i32
        %dma_start3A_220 = tpu.memref_slice %arg6[%add3A_218, %dma_start3A_219] : memref<125x80xi32, #tpu.memory_space<vmem>> -> memref<1x80xi32, #tpu.memory_space<vmem>>
        %dma_start3A_221 = tpu.memref_squeeze %dma_start3A_220 : memref<1x80xi32, #tpu.memory_space<vmem>> -> memref<80xi32, #tpu.memory_space<vmem>>
        %dma_start3A_222 = arith.constant 0 : i32
        %dma_start3A_223 = arith.constant 0 : i32
        %dma_start3A_224 = tpu.memref_slice %arg2[%dma_start3A_222, %dma_start3A_223] : memref<10000x128xbf16, #tpu.memory_space<hbm>> -> memref<10000x128xbf16, #tpu.memory_space<hbm>>
        tpu.enqueue_indirect_dma source(%dma_start3A_224 : memref<10000x128xbf16, #tpu.memory_space<hbm>>) target(%arg11 : memref<80x128xbf16, #tpu.memory_space<vmem>>) offsets(%dma_start3A_221 : memref<80xi32, #tpu.memory_space<vmem>>) semaphore(%arg17 : memref<!tpu.dma_semaphore, #tpu.memory_space<semaphore_mem>>)
      } else {
      }
      %mul3A_188 = arith.constant 5 : i32
      %mul3A_189 = arith.muli %scan3A_95, %mul3A_188 : i32
      %add3A_190 = arith.constant 4 : i32
      %add3A_191 = arith.addi %mul3A_189, %add3A_190 : i32
      %dma_wait3A_192 = arith.constant 0 : i32
      %dma_wait3A_193 = tpu.memref_slice %arg6[%add3A_191, %dma_wait3A_192] : memref<125x80xi32, #tpu.memory_space<vmem>> -> memref<1x80xi32, #tpu.memory_space<vmem>>
      %dma_wait3A_194 = tpu.memref_squeeze %dma_wait3A_193 : memref<1x80xi32, #tpu.memory_space<vmem>> -> memref<80xi32, #tpu.memory_space<vmem>>
      %dma_wait3A_195 = arith.constant 0 : i32
      %dma_wait3A_196 = arith.constant 0 : i32
      %dma_wait3A_197 = tpu.memref_slice %arg2[%dma_wait3A_195, %dma_wait3A_196] : memref<10000x128xbf16, #tpu.memory_space<hbm>> -> memref<10000x128xbf16, #tpu.memory_space<hbm>>
      tpu.wait_indirect_dma semaphore(%arg18 : memref<!tpu.dma_semaphore, #tpu.memory_space<semaphore_mem>>) src(%dma_wait3A_197 : memref<10000x128xbf16, #tpu.memory_space<hbm>>) dst(%arg12 : memref<80x128xbf16, #tpu.memory_space<vmem>>)
      %dma_start3A_198 = arith.constant 0 : i32
      %dma_start3A_199 = tpu.memref_slice %arg7[%add3A_191, %dma_start3A_198] : memref<125x80xi32, #tpu.memory_space<vmem>> -> memref<1x80xi32, #tpu.memory_space<vmem>>
      %dma_start3A_200 = tpu.memref_squeeze %dma_start3A_199 : memref<1x80xi32, #tpu.memory_space<vmem>> -> memref<80xi32, #tpu.memory_space<vmem>>
      %dma_start3A_201 = arith.constant 0 : i32
      %dma_start3A_202 = arith.constant 0 : i32
      %dma_start3A_203 = tpu.memref_slice %arg13[%dma_start3A_201, %dma_start3A_202] : memref<10000x128xbf16, #tpu.memory_space<vmem_shared>> -> memref<10000x128xbf16, #tpu.memory_space<vmem_shared>>
      tpu.enqueue_indirect_dma source(%arg12 : memref<80x128xbf16, #tpu.memory_space<vmem>>) target(%dma_start3A_203 : memref<10000x128xbf16, #tpu.memory_space<vmem_shared>>) offsets(%dma_start3A_200 : memref<80xi32, #tpu.memory_space<vmem>>) semaphore(%arg23 : memref<!tpu.dma_semaphore, #tpu.memory_space<semaphore_mem>>) {add = true}
      %add3A_204 = arith.constant 5 : i32
      %add3A_205 = arith.addi %add3A_191, %add3A_204 : i32
      %lt3A_206 = arith.constant 125 : i32
      %lt3A_207 = arith.cmpi slt, %add3A_205, %lt3A_206 : i32
      %convert_element_type3A_208 = arith.extui %lt3A_207 : i1 to i32
      %cond3A_209 = arith.constant 0 : i32
      %cond3A_210 = arith.cmpi ne, %convert_element_type3A_208, %cond3A_209 : i32
      scf.if %cond3A_210 {
        %dma_wait3A_211 = arith.constant 0 : i32
        %dma_wait3A_212 = tpu.memref_slice %arg7[%add3A_191, %dma_wait3A_211] : memref<125x80xi32, #tpu.memory_space<vmem>> -> memref<1x80xi32, #tpu.memory_space<vmem>>
        %dma_wait3A_213 = tpu.memref_squeeze %dma_wait3A_212 : memref<1x80xi32, #tpu.memory_space<vmem>> -> memref<80xi32, #tpu.memory_space<vmem>>
        %dma_wait3A_214 = arith.constant 0 : i32
        %dma_wait3A_215 = arith.constant 0 : i32
        %dma_wait3A_216 = tpu.memref_slice %arg13[%dma_wait3A_214, %dma_wait3A_215] : memref<10000x128xbf16, #tpu.memory_space<vmem_shared>> -> memref<10000x128xbf16, #tpu.memory_space<vmem_shared>>
        tpu.wait_indirect_dma semaphore(%arg23 : memref<!tpu.dma_semaphore, #tpu.memory_space<semaphore_mem>>) src(%arg12 : memref<80x128xbf16, #tpu.memory_space<vmem>>) dst(%dma_wait3A_216 : memref<10000x128xbf16, #tpu.memory_space<vmem_shared>>)
        %add3A_217 = arith.constant 5 : i32
        %add3A_218 = arith.addi %add3A_191, %add3A_217 : i32
        %dma_start3A_219 = arith.constant 0 : i32
        %dma_start3A_220 = tpu.memref_slice %arg6[%add3A_218, %dma_start3A_219] : memref<125x80xi32, #tpu.memory_space<vmem>> -> memref<1x80xi32, #tpu.memory_space<vmem>>
        %dma_start3A_221 = tpu.memref_squeeze %dma_start3A_220 : memref<1x80xi32, #tpu.memory_space<vmem>> -> memref<80xi32, #tpu.memory_space<vmem>>
        %dma_start3A_222 = arith.constant 0 : i32
        %dma_start3A_223 = arith.constant 0 : i32
        %dma_start3A_224 = tpu.memref_slice %arg2[%dma_start3A_222, %dma_start3A_223] : memref<10000x128xbf16, #tpu.memory_space<hbm>> -> memref<10000x128xbf16, #tpu.memory_space<hbm>>
        tpu.enqueue_indirect_dma source(%dma_start3A_224 : memref<10000x128xbf16, #tpu.memory_space<hbm>>) target(%arg12 : memref<80x128xbf16, #tpu.memory_space<vmem>>) offsets(%dma_start3A_221 : memref<80xi32, #tpu.memory_space<vmem>>) semaphore(%arg18 : memref<!tpu.dma_semaphore, #tpu.memory_space<semaphore_mem>>)
      } else {
      }
    }
    %scan3A_47 = arith.constant 25 : i32
    %dma_wait3A = arith.constant 120 : i32
    %dma_wait3A_48 = arith.constant 0 : i32
    %dma_wait3A_49 = tpu.memref_slice %arg7[%dma_wait3A, %dma_wait3A_48] : memref<125x80xi32, #tpu.memory_space<vmem>> -> memref<1x80xi32, #tpu.memory_space<vmem>>
    %dma_wait3A_50 = tpu.memref_squeeze %dma_wait3A_49 : memref<1x80xi32, #tpu.memory_space<vmem>> -> memref<80xi32, #tpu.memory_space<vmem>>
    %dma_wait3A_51 = arith.constant 0 : i32
    %dma_wait3A_52 = arith.constant 0 : i32
    %dma_wait3A_53 = tpu.memref_slice %arg13[%dma_wait3A_51, %dma_wait3A_52] : memref<10000x128xbf16, #tpu.memory_space<vmem_shared>> -> memref<10000x128xbf16, #tpu.memory_space<vmem_shared>>
    tpu.wait_indirect_dma semaphore(%arg19 : memref<!tpu.dma_semaphore, #tpu.memory_space<semaphore_mem>>) src(%arg8 : memref<80x128xbf16, #tpu.memory_space<vmem>>) dst(%dma_wait3A_53 : memref<10000x128xbf16, #tpu.memory_space<vmem_shared>>)
    %dma_wait3A_54 = arith.constant 121 : i32
    %dma_wait3A_55 = arith.constant 0 : i32
    %dma_wait3A_56 = tpu.memref_slice %arg7[%dma_wait3A_54, %dma_wait3A_55] : memref<125x80xi32, #tpu.memory_space<vmem>> -> memref<1x80xi32, #tpu.memory_space<vmem>>
    %dma_wait3A_57 = tpu.memref_squeeze %dma_wait3A_56 : memref<1x80xi32, #tpu.memory_space<vmem>> -> memref<80xi32, #tpu.memory_space<vmem>>
    %dma_wait3A_58 = arith.constant 0 : i32
    %dma_wait3A_59 = arith.constant 0 : i32
    %dma_wait3A_60 = tpu.memref_slice %arg13[%dma_wait3A_58, %dma_wait3A_59] : memref<10000x128xbf16, #tpu.memory_space<vmem_shared>> -> memref<10000x128xbf16, #tpu.memory_space<vmem_shared>>
    tpu.wait_indirect_dma semaphore(%arg20 : memref<!tpu.dma_semaphore, #tpu.memory_space<semaphore_mem>>) src(%arg9 : memref<80x128xbf16, #tpu.memory_space<vmem>>) dst(%dma_wait3A_60 : memref<10000x128xbf16, #tpu.memory_space<vmem_shared>>)
    %dma_wait3A_61 = arith.constant 122 : i32
    %dma_wait3A_62 = arith.constant 0 : i32
    %dma_wait3A_63 = tpu.memref_slice %arg7[%dma_wait3A_61, %dma_wait3A_62] : memref<125x80xi32, #tpu.memory_space<vmem>> -> memref<1x80xi32, #tpu.memory_space<vmem>>
    %dma_wait3A_64 = tpu.memref_squeeze %dma_wait3A_63 : memref<1x80xi32, #tpu.memory_space<vmem>> -> memref<80xi32, #tpu.memory_space<vmem>>
    %dma_wait3A_65 = arith.constant 0 : i32
    %dma_wait3A_66 = arith.constant 0 : i32
    %dma_wait3A_67 = tpu.memref_slice %arg13[%dma_wait3A_65, %dma_wait3A_66] : memref<10000x128xbf16, #tpu.memory_space<vmem_shared>> -> memref<10000x128xbf16, #tpu.memory_space<vmem_shared>>
    tpu.wait_indirect_dma semaphore(%arg21 : memref<!tpu.dma_semaphore, #tpu.memory_space<semaphore_mem>>) src(%arg10 : memref<80x128xbf16, #tpu.memory_space<vmem>>) dst(%dma_wait3A_67 : memref<10000x128xbf16, #tpu.memory_space<vmem_shared>>)
    %dma_wait3A_68 = arith.constant 123 : i32
    %dma_wait3A_69 = arith.constant 0 : i32
    %dma_wait3A_70 = tpu.memref_slice %arg7[%dma_wait3A_68, %dma_wait3A_69] : memref<125x80xi32, #tpu.memory_space<vmem>> -> memref<1x80xi32, #tpu.memory_space<vmem>>
    %dma_wait3A_71 = tpu.memref_squeeze %dma_wait3A_70 : memref<1x80xi32, #tpu.memory_space<vmem>> -> memref<80xi32, #tpu.memory_space<vmem>>
    %dma_wait3A_72 = arith.constant 0 : i32
    %dma_wait3A_73 = arith.constant 0 : i32
    %dma_wait3A_74 = tpu.memref_slice %arg13[%dma_wait3A_72, %dma_wait3A_73] : memref<10000x128xbf16, #tpu.memory_space<vmem_shared>> -> memref<10000x128xbf16, #tpu.memory_space<vmem_shared>>
    tpu.wait_indirect_dma semaphore(%arg22 : memref<!tpu.dma_semaphore, #tpu.memory_space<semaphore_mem>>) src(%arg11 : memref<80x128xbf16, #tpu.memory_space<vmem>>) dst(%dma_wait3A_74 : memref<10000x128xbf16, #tpu.memory_space<vmem_shared>>)
    %dma_wait3A_75 = arith.constant 124 : i32
    %dma_wait3A_76 = arith.constant 0 : i32
    %dma_wait3A_77 = tpu.memref_slice %arg7[%dma_wait3A_75, %dma_wait3A_76] : memref<125x80xi32, #tpu.memory_space<vmem>> -> memref<1x80xi32, #tpu.memory_space<vmem>>
    %dma_wait3A_78 = tpu.memref_squeeze %dma_wait3A_77 : memref<1x80xi32, #tpu.memory_space<vmem>> -> memref<80xi32, #tpu.memory_space<vmem>>
    %dma_wait3A_79 = arith.constant 0 : i32
    %dma_wait3A_80 = arith.constant 0 : i32
    %dma_wait3A_81 = tpu.memref_slice %arg13[%dma_wait3A_79, %dma_wait3A_80] : memref<10000x128xbf16, #tpu.memory_space<vmem_shared>> -> memref<10000x128xbf16, #tpu.memory_space<vmem_shared>>
    tpu.wait_indirect_dma semaphore(%arg23 : memref<!tpu.dma_semaphore, #tpu.memory_space<semaphore_mem>>) src(%arg12 : memref<80x128xbf16, #tpu.memory_space<vmem>>) dst(%dma_wait3A_81 : memref<10000x128xbf16, #tpu.memory_space<vmem_shared>>)
    %barrier3A_82 = arith.constant 0 : index
    tpu.barrier barrier_id(%barrier3A_82)
    %mul3A_83 = arith.constant 632 : i32
    %mul3A_84 = arith.muli %arg1, %mul3A_83 : i32
    %lt3A_85 = arith.constant 15 : i32
    %lt3A_86 = arith.cmpi slt, %arg1, %lt3A_85 : i32
    %convert_element_type3A_87 = arith.extui %lt3A_86 : i1 to i32
    %cond3A_88 = arith.constant 0 : i32
    %cond3A_89 = arith.cmpi ne, %convert_element_type3A_87, %cond3A_88 : i32
    scf.if %cond3A_89 {
      "tpu.region"() ({
        %run_scoped3A = tpu.sem_alloc : memref<!tpu.dma_semaphore, #tpu.memory_space<semaphore_mem>>
        %dma_start3A_95 = arith.constant 0 : i32
        %dma_start3A_96 = tpu.memref_slice %arg5[%arg0, %mul3A_84, %dma_start3A_95] : memref<2x10000x128xbf16, #tpu.memory_space<hbm>> -> memref<1x632x128xbf16, #tpu.memory_space<hbm>>
        %dma_start3A_97 = tpu.memref_squeeze %dma_start3A_96 : memref<1x632x128xbf16, #tpu.memory_space<hbm>> -> memref<632x128xbf16, #tpu.memory_space<hbm>>
        %dma_start3A_98 = arith.constant 0 : i32
        %dma_start3A_99 = tpu.memref_slice %arg13[%mul3A_84, %dma_start3A_98] : memref<10000x128xbf16, #tpu.memory_space<vmem_shared>> -> memref<632x128xbf16, #tpu.memory_space<vmem_shared>>
        tpu.enqueue_dma source(%dma_start3A_99 : memref<632x128xbf16, #tpu.memory_space<vmem_shared>>) target(%dma_start3A_97 : memref<632x128xbf16, #tpu.memory_space<hbm>>) target_semaphore(%run_scoped3A : memref<!tpu.dma_semaphore, #tpu.memory_space<semaphore_mem>>)
        %dma_wait3A_100 = arith.constant 0 : i32
        %dma_wait3A_101 = tpu.memref_slice %arg5[%arg0, %mul3A_84, %dma_wait3A_100] : memref<2x10000x128xbf16, #tpu.memory_space<hbm>> -> memref<1x632x128xbf16, #tpu.memory_space<hbm>>
        %dma_wait3A_102 = tpu.memref_squeeze %dma_wait3A_101 : memref<1x632x128xbf16, #tpu.memory_space<hbm>> -> memref<632x128xbf16, #tpu.memory_space<hbm>>
        %dma_wait3A_103 = arith.constant 0 : i32
        %dma_wait3A_104 = tpu.memref_slice %arg13[%mul3A_84, %dma_wait3A_103] : memref<10000x128xbf16, #tpu.memory_space<vmem_shared>> -> memref<632x128xbf16, #tpu.memory_space<vmem_shared>>
        tpu.wait_dma2 semaphore(%run_scoped3A : memref<!tpu.dma_semaphore, #tpu.memory_space<semaphore_mem>>) src(%dma_wait3A_104 : memref<632x128xbf16, #tpu.memory_space<vmem_shared>>) dst(%dma_wait3A_102 : memref<632x128xbf16, #tpu.memory_space<hbm>>)
        tpu.yield
      }) : () -> ()
    } else {
    }
    %eq3A_90 = arith.constant 15 : i32
    %eq3A_91 = arith.cmpi eq, %arg1, %eq3A_90 : i32
    %convert_element_type3A_92 = arith.extui %eq3A_91 : i1 to i32
    %cond3A_93 = arith.constant 0 : i32
    %cond3A_94 = arith.cmpi ne, %convert_element_type3A_92, %cond3A_93 : i32
    scf.if %cond3A_94 {
      "tpu.region"() ({
        %run_scoped3A = tpu.sem_alloc : memref<!tpu.dma_semaphore, #tpu.memory_space<semaphore_mem>>
        %dma_start3A_95 = arith.constant 9480 : i32
        %dma_start3A_96 = arith.constant 0 : i32
        %dma_start3A_97 = tpu.memref_slice %arg5[%arg0, %dma_start3A_95, %dma_start3A_96] : memref<2x10000x128xbf16, #tpu.memory_space<hbm>> -> memref<1x520x128xbf16, #tpu.memory_space<hbm>>
        %dma_start3A_98 = tpu.memref_squeeze %dma_start3A_97 : memref<1x520x128xbf16, #tpu.memory_space<hbm>> -> memref<520x128xbf16, #tpu.memory_space<hbm>>
        %dma_start3A_99 = arith.constant 9480 : i32
        %dma_start3A_100 = arith.constant 0 : i32
        %dma_start3A_101 = tpu.memref_slice %arg13[%dma_start3A_99, %dma_start3A_100] : memref<10000x128xbf16, #tpu.memory_space<vmem_shared>> -> memref<520x128xbf16, #tpu.memory_space<vmem_shared>>
        tpu.enqueue_dma source(%dma_start3A_101 : memref<520x128xbf16, #tpu.memory_space<vmem_shared>>) target(%dma_start3A_98 : memref<520x128xbf16, #tpu.memory_space<hbm>>) target_semaphore(%run_scoped3A : memref<!tpu.dma_semaphore, #tpu.memory_space<semaphore_mem>>)
        %dma_wait3A_102 = arith.constant 9480 : i32
        %dma_wait3A_103 = arith.constant 0 : i32
        %dma_wait3A_104 = tpu.memref_slice %arg5[%arg0, %dma_wait3A_102, %dma_wait3A_103] : memref<2x10000x128xbf16, #tpu.memory_space<hbm>> -> memref<1x520x128xbf16, #tpu.memory_space<hbm>>
        %dma_wait3A_105 = tpu.memref_squeeze %dma_wait3A_104 : memref<1x520x128xbf16, #tpu.memory_space<hbm>> -> memref<520x128xbf16, #tpu.memory_space<hbm>>
        %dma_wait3A_106 = arith.constant 9480 : i32
        %dma_wait3A_107 = arith.constant 0 : i32
        %dma_wait3A_108 = tpu.memref_slice %arg13[%dma_wait3A_106, %dma_wait3A_107] : memref<10000x128xbf16, #tpu.memory_space<vmem_shared>> -> memref<520x128xbf16, #tpu.memory_space<vmem_shared>>
        tpu.wait_dma2 semaphore(%run_scoped3A : memref<!tpu.dma_semaphore, #tpu.memory_space<semaphore_mem>>) src(%dma_wait3A_108 : memref<520x128xbf16, #tpu.memory_space<vmem_shared>>) dst(%dma_wait3A_105 : memref<520x128xbf16, #tpu.memory_space<hbm>>)
        tpu.yield
      }) : () -> ()
    } else {
    }
    return
  }
}

#map = affine_map<(d0, d1) -> (0, 0)>
#map1 = affine_map<(d0, d1) -> (0, 0, 0)>
module attributes {stable_mosaic.version = 14 : i64} {
  func.func @body(%arg0: i32, %arg1: i32, %arg2: memref<10000x64xbf16, #tpu.memory_space<hbm>>, %arg3: memref<32x125x80xi32, #tpu.memory_space<hbm>>, %arg4: memref<32x125x80xi32, #tpu.memory_space<hbm>>, %arg5: memref<2x10000x64xbf16, #tpu.memory_space<hbm>>, %arg6: memref<125x80xi32, #tpu.memory_space<vmem>>, %arg7: memref<125x80xi32, #tpu.memory_space<vmem>>, %arg8: memref<80x64xbf16, #tpu.memory_space<vmem>>, %arg9: memref<80x64xbf16, #tpu.memory_space<vmem>>, %arg10: memref<80x64xbf16, #tpu.memory_space<vmem>>, %arg11: memref<80x64xbf16, #tpu.memory_space<vmem>>, %arg12: memref<80x64xbf16, #tpu.memory_space<vmem>>, %arg13: memref<10000x64xbf16, #tpu.memory_space<vmem_shared>>, %arg14: memref<!tpu.dma_semaphore, #tpu.memory_space<semaphore_mem>>, %arg15: memref<!tpu.dma_semaphore, #tpu.memory_space<semaphore_mem>>, %arg16: memref<!tpu.dma_semaphore, #tpu.memory_space<semaphore_mem>>, %arg17: memref<!tpu.dma_semaphore, #tpu.memory_space<semaphore_mem>>, %arg18: memref<!tpu.dma_semaphore, #tpu.memory_space<semaphore_mem>>, %arg19: memref<!tpu.dma_semaphore, #tpu.memory_space<semaphore_mem>>, %arg20: memref<!tpu.dma_semaphore, #tpu.memory_space<semaphore_mem>>, %arg21: memref<!tpu.dma_semaphore, #tpu.memory_space<semaphore_mem>>, %arg22: memref<!tpu.dma_semaphore, #tpu.memory_space<semaphore_mem>>, %arg23: memref<!tpu.dma_semaphore, #tpu.memory_space<semaphore_mem>>) attributes {dimension_semantics = [#tpu.dimension_semantics<core_parallel>, #tpu.dimension_semantics<subcore_parallel>], iteration_bounds = array<i64: 2, 16>, scalar_prefetch = 0 : i64, scratch_operands = 18 : i64, tpu.core_type = #tpu.core_type<sc_vector_subcore>, window_params = [{transform_indices = #map}, {transform_indices = #map1}, {transform_indices = #map1}, {transform_indices = #map1}]} {
    %mul3A = arith.constant 16 : i32
    %mul3A_0 = arith.muli %arg0, %mul3A : i32
    %add3A = arith.addi %mul3A_0, %arg1 : i32
    "tpu.region"() ({
      %run_scoped3A = tpu.sem_alloc : memref<!tpu.dma_semaphore, #tpu.memory_space<semaphore_mem>>
      %dma_start3A_95 = arith.constant 0 : i32
      %dma_start3A_96 = arith.constant 0 : i32
      %dma_start3A_97 = tpu.memref_slice %arg3[%add3A, %dma_start3A_95, %dma_start3A_96] : memref<32x125x80xi32, #tpu.memory_space<hbm>> -> memref<1x125x80xi32, #tpu.memory_space<hbm>>
      %dma_start3A_98 = tpu.memref_squeeze %dma_start3A_97 : memref<1x125x80xi32, #tpu.memory_space<hbm>> -> memref<125x80xi32, #tpu.memory_space<hbm>>
      %dma_start3A_99 = arith.constant 0 : i32
      %dma_start3A_100 = arith.constant 0 : i32
      %dma_start3A_101 = tpu.memref_slice %arg3[%add3A, %dma_start3A_99, %dma_start3A_100] : memref<32x125x80xi32, #tpu.memory_space<hbm>> -> memref<1x125x80xi32, #tpu.memory_space<hbm>>
      %dma_start3A_102 = tpu.memref_squeeze %dma_start3A_101 : memref<1x125x80xi32, #tpu.memory_space<hbm>> -> memref<125x80xi32, #tpu.memory_space<hbm>>
      tpu.enqueue_dma source(%dma_start3A_102 : memref<125x80xi32, #tpu.memory_space<hbm>>) target(%arg6 : memref<125x80xi32, #tpu.memory_space<vmem>>) target_semaphore(%run_scoped3A : memref<!tpu.dma_semaphore, #tpu.memory_space<semaphore_mem>>)
      %dma_wait3A_103 = arith.constant 0 : i32
      %dma_wait3A_104 = arith.constant 0 : i32
      %dma_wait3A_105 = tpu.memref_slice %arg3[%add3A, %dma_wait3A_103, %dma_wait3A_104] : memref<32x125x80xi32, #tpu.memory_space<hbm>> -> memref<1x125x80xi32, #tpu.memory_space<hbm>>
      %dma_wait3A_106 = tpu.memref_squeeze %dma_wait3A_105 : memref<1x125x80xi32, #tpu.memory_space<hbm>> -> memref<125x80xi32, #tpu.memory_space<hbm>>
      %dma_wait3A_107 = arith.constant 0 : i32
      %dma_wait3A_108 = arith.constant 0 : i32
      %dma_wait3A_109 = tpu.memref_slice %arg3[%add3A, %dma_wait3A_107, %dma_wait3A_108] : memref<32x125x80xi32, #tpu.memory_space<hbm>> -> memref<1x125x80xi32, #tpu.memory_space<hbm>>
      %dma_wait3A_110 = tpu.memref_squeeze %dma_wait3A_109 : memref<1x125x80xi32, #tpu.memory_space<hbm>> -> memref<125x80xi32, #tpu.memory_space<hbm>>
      tpu.wait_dma2 semaphore(%run_scoped3A : memref<!tpu.dma_semaphore, #tpu.memory_space<semaphore_mem>>) src(%dma_wait3A_110 : memref<125x80xi32, #tpu.memory_space<hbm>>) dst(%arg6 : memref<125x80xi32, #tpu.memory_space<vmem>>)
      tpu.yield
    }) : () -> ()
    "tpu.region"() ({
      %run_scoped3A = tpu.sem_alloc : memref<!tpu.dma_semaphore, #tpu.memory_space<semaphore_mem>>
      %dma_start3A_95 = arith.constant 0 : i32
      %dma_start3A_96 = arith.constant 0 : i32
      %dma_start3A_97 = tpu.memref_slice %arg4[%add3A, %dma_start3A_95, %dma_start3A_96] : memref<32x125x80xi32, #tpu.memory_space<hbm>> -> memref<1x125x80xi32, #tpu.memory_space<hbm>>
      %dma_start3A_98 = tpu.memref_squeeze %dma_start3A_97 : memref<1x125x80xi32, #tpu.memory_space<hbm>> -> memref<125x80xi32, #tpu.memory_space<hbm>>
      %dma_start3A_99 = arith.constant 0 : i32
      %dma_start3A_100 = arith.constant 0 : i32
      %dma_start3A_101 = tpu.memref_slice %arg4[%add3A, %dma_start3A_99, %dma_start3A_100] : memref<32x125x80xi32, #tpu.memory_space<hbm>> -> memref<1x125x80xi32, #tpu.memory_space<hbm>>
      %dma_start3A_102 = tpu.memref_squeeze %dma_start3A_101 : memref<1x125x80xi32, #tpu.memory_space<hbm>> -> memref<125x80xi32, #tpu.memory_space<hbm>>
      tpu.enqueue_dma source(%dma_start3A_102 : memref<125x80xi32, #tpu.memory_space<hbm>>) target(%arg7 : memref<125x80xi32, #tpu.memory_space<vmem>>) target_semaphore(%run_scoped3A : memref<!tpu.dma_semaphore, #tpu.memory_space<semaphore_mem>>)
      %dma_wait3A_103 = arith.constant 0 : i32
      %dma_wait3A_104 = arith.constant 0 : i32
      %dma_wait3A_105 = tpu.memref_slice %arg4[%add3A, %dma_wait3A_103, %dma_wait3A_104] : memref<32x125x80xi32, #tpu.memory_space<hbm>> -> memref<1x125x80xi32, #tpu.memory_space<hbm>>
      %dma_wait3A_106 = tpu.memref_squeeze %dma_wait3A_105 : memref<1x125x80xi32, #tpu.memory_space<hbm>> -> memref<125x80xi32, #tpu.memory_space<hbm>>
      %dma_wait3A_107 = arith.constant 0 : i32
      %dma_wait3A_108 = arith.constant 0 : i32
      %dma_wait3A_109 = tpu.memref_slice %arg4[%add3A, %dma_wait3A_107, %dma_wait3A_108] : memref<32x125x80xi32, #tpu.memory_space<hbm>> -> memref<1x125x80xi32, #tpu.memory_space<hbm>>
      %dma_wait3A_110 = tpu.memref_squeeze %dma_wait3A_109 : memref<1x125x80xi32, #tpu.memory_space<hbm>> -> memref<125x80xi32, #tpu.memory_space<hbm>>
      tpu.wait_dma2 semaphore(%run_scoped3A : memref<!tpu.dma_semaphore, #tpu.memory_space<semaphore_mem>>) src(%dma_wait3A_110 : memref<125x80xi32, #tpu.memory_space<hbm>>) dst(%arg7 : memref<125x80xi32, #tpu.memory_space<vmem>>)
      tpu.yield
    }) : () -> ()
    %mul3A_1 = arith.constant 632 : i32
    %mul3A_2 = arith.muli %arg1, %mul3A_1 : i32
    %lt3A = arith.constant 15 : i32
    %lt3A_3 = arith.cmpi slt, %arg1, %lt3A : i32
    %convert_element_type3A = arith.extui %lt3A_3 : i1 to i32
    %cond3A = arith.constant 0 : i32
    %cond3A_4 = arith.cmpi ne, %convert_element_type3A, %cond3A : i32
    scf.if %cond3A_4 {
      "tpu.region"() ({
        %run_scoped3A = tpu.sem_alloc : memref<!tpu.dma_semaphore, #tpu.memory_space<semaphore_mem>>
        %dma_start3A_95 = arith.constant 0 : i32
        %dma_start3A_96 = tpu.memref_slice %arg13[%mul3A_2, %dma_start3A_95] : memref<10000x64xbf16, #tpu.memory_space<vmem_shared>> -> memref<632x64xbf16, #tpu.memory_space<vmem_shared>>
        %dma_start3A_97 = arith.constant 0 : i32
        %dma_start3A_98 = tpu.memref_slice %arg2[%mul3A_2, %dma_start3A_97] : memref<10000x64xbf16, #tpu.memory_space<hbm>> -> memref<632x64xbf16, #tpu.memory_space<hbm>>
        tpu.enqueue_dma source(%dma_start3A_98 : memref<632x64xbf16, #tpu.memory_space<hbm>>) target(%dma_start3A_96 : memref<632x64xbf16, #tpu.memory_space<vmem_shared>>) target_semaphore(%run_scoped3A : memref<!tpu.dma_semaphore, #tpu.memory_space<semaphore_mem>>)
        %dma_wait3A_99 = arith.constant 0 : i32
        %dma_wait3A_100 = tpu.memref_slice %arg13[%mul3A_2, %dma_wait3A_99] : memref<10000x64xbf16, #tpu.memory_space<vmem_shared>> -> memref<632x64xbf16, #tpu.memory_space<vmem_shared>>
        %dma_wait3A_101 = arith.constant 0 : i32
        %dma_wait3A_102 = tpu.memref_slice %arg2[%mul3A_2, %dma_wait3A_101] : memref<10000x64xbf16, #tpu.memory_space<hbm>> -> memref<632x64xbf16, #tpu.memory_space<hbm>>
        tpu.wait_dma2 semaphore(%run_scoped3A : memref<!tpu.dma_semaphore, #tpu.memory_space<semaphore_mem>>) src(%dma_wait3A_102 : memref<632x64xbf16, #tpu.memory_space<hbm>>) dst(%dma_wait3A_100 : memref<632x64xbf16, #tpu.memory_space<vmem_shared>>)
        tpu.yield
      }) : () -> ()
    } else {
    }
    %eq3A = arith.constant 15 : i32
    %eq3A_5 = arith.cmpi eq, %arg1, %eq3A : i32
    %convert_element_type3A_6 = arith.extui %eq3A_5 : i1 to i32
    %cond3A_7 = arith.constant 0 : i32
    %cond3A_8 = arith.cmpi ne, %convert_element_type3A_6, %cond3A_7 : i32
    scf.if %cond3A_8 {
      "tpu.region"() ({
        %run_scoped3A = tpu.sem_alloc : memref<!tpu.dma_semaphore, #tpu.memory_space<semaphore_mem>>
        %dma_start3A_95 = arith.constant 9480 : i32
        %dma_start3A_96 = arith.constant 0 : i32
        %dma_start3A_97 = tpu.memref_slice %arg13[%dma_start3A_95, %dma_start3A_96] : memref<10000x64xbf16, #tpu.memory_space<vmem_shared>> -> memref<520x64xbf16, #tpu.memory_space<vmem_shared>>
        %dma_start3A_98 = arith.constant 9480 : i32
        %dma_start3A_99 = arith.constant 0 : i32
        %dma_start3A_100 = tpu.memref_slice %arg2[%dma_start3A_98, %dma_start3A_99] : memref<10000x64xbf16, #tpu.memory_space<hbm>> -> memref<520x64xbf16, #tpu.memory_space<hbm>>
        tpu.enqueue_dma source(%dma_start3A_100 : memref<520x64xbf16, #tpu.memory_space<hbm>>) target(%dma_start3A_97 : memref<520x64xbf16, #tpu.memory_space<vmem_shared>>) target_semaphore(%run_scoped3A : memref<!tpu.dma_semaphore, #tpu.memory_space<semaphore_mem>>)
        %dma_wait3A_101 = arith.constant 9480 : i32
        %dma_wait3A_102 = arith.constant 0 : i32
        %dma_wait3A_103 = tpu.memref_slice %arg13[%dma_wait3A_101, %dma_wait3A_102] : memref<10000x64xbf16, #tpu.memory_space<vmem_shared>> -> memref<520x64xbf16, #tpu.memory_space<vmem_shared>>
        %dma_wait3A_104 = arith.constant 9480 : i32
        %dma_wait3A_105 = arith.constant 0 : i32
        %dma_wait3A_106 = tpu.memref_slice %arg2[%dma_wait3A_104, %dma_wait3A_105] : memref<10000x64xbf16, #tpu.memory_space<hbm>> -> memref<520x64xbf16, #tpu.memory_space<hbm>>
        tpu.wait_dma2 semaphore(%run_scoped3A : memref<!tpu.dma_semaphore, #tpu.memory_space<semaphore_mem>>) src(%dma_wait3A_106 : memref<520x64xbf16, #tpu.memory_space<hbm>>) dst(%dma_wait3A_103 : memref<520x64xbf16, #tpu.memory_space<vmem_shared>>)
        tpu.yield
      }) : () -> ()
    } else {
    }
    %barrier3A = arith.constant 0 : index
    tpu.barrier barrier_id(%barrier3A)
    %dma_start3A = arith.constant 0 : i32
    %dma_start3A_9 = arith.constant 0 : i32
    %dma_start3A_10 = tpu.memref_slice %arg6[%dma_start3A, %dma_start3A_9] : memref<125x80xi32, #tpu.memory_space<vmem>> -> memref<1x80xi32, #tpu.memory_space<vmem>>
    %dma_start3A_11 = tpu.memref_squeeze %dma_start3A_10 : memref<1x80xi32, #tpu.memory_space<vmem>> -> memref<80xi32, #tpu.memory_space<vmem>>
    %dma_start3A_12 = arith.constant 0 : i32
    %dma_start3A_13 = arith.constant 0 : i32
    %dma_start3A_14 = tpu.memref_slice %arg2[%dma_start3A_12, %dma_start3A_13] : memref<10000x64xbf16, #tpu.memory_space<hbm>> -> memref<10000x64xbf16, #tpu.memory_space<hbm>>
    tpu.enqueue_indirect_dma source(%dma_start3A_14 : memref<10000x64xbf16, #tpu.memory_space<hbm>>) target(%arg8 : memref<80x64xbf16, #tpu.memory_space<vmem>>) offsets(%dma_start3A_11 : memref<80xi32, #tpu.memory_space<vmem>>) semaphore(%arg14 : memref<!tpu.dma_semaphore, #tpu.memory_space<semaphore_mem>>)
    %dma_start3A_15 = arith.constant 1 : i32
    %dma_start3A_16 = arith.constant 0 : i32
    %dma_start3A_17 = tpu.memref_slice %arg6[%dma_start3A_15, %dma_start3A_16] : memref<125x80xi32, #tpu.memory_space<vmem>> -> memref<1x80xi32, #tpu.memory_space<vmem>>
    %dma_start3A_18 = tpu.memref_squeeze %dma_start3A_17 : memref<1x80xi32, #tpu.memory_space<vmem>> -> memref<80xi32, #tpu.memory_space<vmem>>
    %dma_start3A_19 = arith.constant 0 : i32
    %dma_start3A_20 = arith.constant 0 : i32
    %dma_start3A_21 = tpu.memref_slice %arg2[%dma_start3A_19, %dma_start3A_20] : memref<10000x64xbf16, #tpu.memory_space<hbm>> -> memref<10000x64xbf16, #tpu.memory_space<hbm>>
    tpu.enqueue_indirect_dma source(%dma_start3A_21 : memref<10000x64xbf16, #tpu.memory_space<hbm>>) target(%arg9 : memref<80x64xbf16, #tpu.memory_space<vmem>>) offsets(%dma_start3A_18 : memref<80xi32, #tpu.memory_space<vmem>>) semaphore(%arg15 : memref<!tpu.dma_semaphore, #tpu.memory_space<semaphore_mem>>)
    %dma_start3A_22 = arith.constant 2 : i32
    %dma_start3A_23 = arith.constant 0 : i32
    %dma_start3A_24 = tpu.memref_slice %arg6[%dma_start3A_22, %dma_start3A_23] : memref<125x80xi32, #tpu.memory_space<vmem>> -> memref<1x80xi32, #tpu.memory_space<vmem>>
    %dma_start3A_25 = tpu.memref_squeeze %dma_start3A_24 : memref<1x80xi32, #tpu.memory_space<vmem>> -> memref<80xi32, #tpu.memory_space<vmem>>
    %dma_start3A_26 = arith.constant 0 : i32
    %dma_start3A_27 = arith.constant 0 : i32
    %dma_start3A_28 = tpu.memref_slice %arg2[%dma_start3A_26, %dma_start3A_27] : memref<10000x64xbf16, #tpu.memory_space<hbm>> -> memref<10000x64xbf16, #tpu.memory_space<hbm>>
    tpu.enqueue_indirect_dma source(%dma_start3A_28 : memref<10000x64xbf16, #tpu.memory_space<hbm>>) target(%arg10 : memref<80x64xbf16, #tpu.memory_space<vmem>>) offsets(%dma_start3A_25 : memref<80xi32, #tpu.memory_space<vmem>>) semaphore(%arg16 : memref<!tpu.dma_semaphore, #tpu.memory_space<semaphore_mem>>)
    %dma_start3A_29 = arith.constant 3 : i32
    %dma_start3A_30 = arith.constant 0 : i32
    %dma_start3A_31 = tpu.memref_slice %arg6[%dma_start3A_29, %dma_start3A_30] : memref<125x80xi32, #tpu.memory_space<vmem>> -> memref<1x80xi32, #tpu.memory_space<vmem>>
    %dma_start3A_32 = tpu.memref_squeeze %dma_start3A_31 : memref<1x80xi32, #tpu.memory_space<vmem>> -> memref<80xi32, #tpu.memory_space<vmem>>
    %dma_start3A_33 = arith.constant 0 : i32
    %dma_start3A_34 = arith.constant 0 : i32
    %dma_start3A_35 = tpu.memref_slice %arg2[%dma_start3A_33, %dma_start3A_34] : memref<10000x64xbf16, #tpu.memory_space<hbm>> -> memref<10000x64xbf16, #tpu.memory_space<hbm>>
    tpu.enqueue_indirect_dma source(%dma_start3A_35 : memref<10000x64xbf16, #tpu.memory_space<hbm>>) target(%arg11 : memref<80x64xbf16, #tpu.memory_space<vmem>>) offsets(%dma_start3A_32 : memref<80xi32, #tpu.memory_space<vmem>>) semaphore(%arg17 : memref<!tpu.dma_semaphore, #tpu.memory_space<semaphore_mem>>)
    %dma_start3A_36 = arith.constant 4 : i32
    %dma_start3A_37 = arith.constant 0 : i32
    %dma_start3A_38 = tpu.memref_slice %arg6[%dma_start3A_36, %dma_start3A_37] : memref<125x80xi32, #tpu.memory_space<vmem>> -> memref<1x80xi32, #tpu.memory_space<vmem>>
    %dma_start3A_39 = tpu.memref_squeeze %dma_start3A_38 : memref<1x80xi32, #tpu.memory_space<vmem>> -> memref<80xi32, #tpu.memory_space<vmem>>
    %dma_start3A_40 = arith.constant 0 : i32
    %dma_start3A_41 = arith.constant 0 : i32
    %dma_start3A_42 = tpu.memref_slice %arg2[%dma_start3A_40, %dma_start3A_41] : memref<10000x64xbf16, #tpu.memory_space<hbm>> -> memref<10000x64xbf16, #tpu.memory_space<hbm>>
    tpu.enqueue_indirect_dma source(%dma_start3A_42 : memref<10000x64xbf16, #tpu.memory_space<hbm>>) target(%arg12 : memref<80x64xbf16, #tpu.memory_space<vmem>>) offsets(%dma_start3A_39 : memref<80xi32, #tpu.memory_space<vmem>>) semaphore(%arg18 : memref<!tpu.dma_semaphore, #tpu.memory_space<semaphore_mem>>)
    %scan3A = arith.constant 0 : i32
    %scan3A_43 = arith.constant 0 : i32
    %scan3A_44 = arith.constant 25 : i32
    %scan3A_45 = arith.addi %scan3A_43, %scan3A_44 : i32
    %scan3A_46 = arith.constant 1 : i32
    scf.for %scan3A_95 = %scan3A_43 to %scan3A_45 step %scan3A_46  : i32 {
      %mul3A_96 = arith.constant 5 : i32
      %mul3A_97 = arith.muli %scan3A_95, %mul3A_96 : i32
      %add3A_98 = arith.constant 0 : i32
      %add3A_99 = arith.addi %mul3A_97, %add3A_98 : i32
      %dma_wait3A_100 = arith.constant 0 : i32
      %dma_wait3A_101 = tpu.memref_slice %arg6[%add3A_99, %dma_wait3A_100] : memref<125x80xi32, #tpu.memory_space<vmem>> -> memref<1x80xi32, #tpu.memory_space<vmem>>
      %dma_wait3A_102 = tpu.memref_squeeze %dma_wait3A_101 : memref<1x80xi32, #tpu.memory_space<vmem>> -> memref<80xi32, #tpu.memory_space<vmem>>
      %dma_wait3A_103 = arith.constant 0 : i32
      %dma_wait3A_104 = arith.constant 0 : i32
      %dma_wait3A_105 = tpu.memref_slice %arg2[%dma_wait3A_103, %dma_wait3A_104] : memref<10000x64xbf16, #tpu.memory_space<hbm>> -> memref<10000x64xbf16, #tpu.memory_space<hbm>>
      tpu.wait_indirect_dma semaphore(%arg14 : memref<!tpu.dma_semaphore, #tpu.memory_space<semaphore_mem>>) src(%dma_wait3A_105 : memref<10000x64xbf16, #tpu.memory_space<hbm>>) dst(%arg8 : memref<80x64xbf16, #tpu.memory_space<vmem>>)
      %dma_start3A_106 = arith.constant 0 : i32
      %dma_start3A_107 = tpu.memref_slice %arg7[%add3A_99, %dma_start3A_106] : memref<125x80xi32, #tpu.memory_space<vmem>> -> memref<1x80xi32, #tpu.memory_space<vmem>>
      %dma_start3A_108 = tpu.memref_squeeze %dma_start3A_107 : memref<1x80xi32, #tpu.memory_space<vmem>> -> memref<80xi32, #tpu.memory_space<vmem>>
      %dma_start3A_109 = arith.constant 0 : i32
      %dma_start3A_110 = arith.constant 0 : i32
      %dma_start3A_111 = tpu.memref_slice %arg13[%dma_start3A_109, %dma_start3A_110] : memref<10000x64xbf16, #tpu.memory_space<vmem_shared>> -> memref<10000x64xbf16, #tpu.memory_space<vmem_shared>>
      tpu.enqueue_indirect_dma source(%arg8 : memref<80x64xbf16, #tpu.memory_space<vmem>>) target(%dma_start3A_111 : memref<10000x64xbf16, #tpu.memory_space<vmem_shared>>) offsets(%dma_start3A_108 : memref<80xi32, #tpu.memory_space<vmem>>) semaphore(%arg19 : memref<!tpu.dma_semaphore, #tpu.memory_space<semaphore_mem>>) {add = true}
      %add3A_112 = arith.constant 5 : i32
      %add3A_113 = arith.addi %add3A_99, %add3A_112 : i32
      %lt3A_114 = arith.constant 125 : i32
      %lt3A_115 = arith.cmpi slt, %add3A_113, %lt3A_114 : i32
      %convert_element_type3A_116 = arith.extui %lt3A_115 : i1 to i32
      %cond3A_117 = arith.constant 0 : i32
      %cond3A_118 = arith.cmpi ne, %convert_element_type3A_116, %cond3A_117 : i32
      scf.if %cond3A_118 {
        %dma_wait3A_211 = arith.constant 0 : i32
        %dma_wait3A_212 = tpu.memref_slice %arg7[%add3A_99, %dma_wait3A_211] : memref<125x80xi32, #tpu.memory_space<vmem>> -> memref<1x80xi32, #tpu.memory_space<vmem>>
        %dma_wait3A_213 = tpu.memref_squeeze %dma_wait3A_212 : memref<1x80xi32, #tpu.memory_space<vmem>> -> memref<80xi32, #tpu.memory_space<vmem>>
        %dma_wait3A_214 = arith.constant 0 : i32
        %dma_wait3A_215 = arith.constant 0 : i32
        %dma_wait3A_216 = tpu.memref_slice %arg13[%dma_wait3A_214, %dma_wait3A_215] : memref<10000x64xbf16, #tpu.memory_space<vmem_shared>> -> memref<10000x64xbf16, #tpu.memory_space<vmem_shared>>
        tpu.wait_indirect_dma semaphore(%arg19 : memref<!tpu.dma_semaphore, #tpu.memory_space<semaphore_mem>>) src(%arg8 : memref<80x64xbf16, #tpu.memory_space<vmem>>) dst(%dma_wait3A_216 : memref<10000x64xbf16, #tpu.memory_space<vmem_shared>>)
        %add3A_217 = arith.constant 5 : i32
        %add3A_218 = arith.addi %add3A_99, %add3A_217 : i32
        %dma_start3A_219 = arith.constant 0 : i32
        %dma_start3A_220 = tpu.memref_slice %arg6[%add3A_218, %dma_start3A_219] : memref<125x80xi32, #tpu.memory_space<vmem>> -> memref<1x80xi32, #tpu.memory_space<vmem>>
        %dma_start3A_221 = tpu.memref_squeeze %dma_start3A_220 : memref<1x80xi32, #tpu.memory_space<vmem>> -> memref<80xi32, #tpu.memory_space<vmem>>
        %dma_start3A_222 = arith.constant 0 : i32
        %dma_start3A_223 = arith.constant 0 : i32
        %dma_start3A_224 = tpu.memref_slice %arg2[%dma_start3A_222, %dma_start3A_223] : memref<10000x64xbf16, #tpu.memory_space<hbm>> -> memref<10000x64xbf16, #tpu.memory_space<hbm>>
        tpu.enqueue_indirect_dma source(%dma_start3A_224 : memref<10000x64xbf16, #tpu.memory_space<hbm>>) target(%arg8 : memref<80x64xbf16, #tpu.memory_space<vmem>>) offsets(%dma_start3A_221 : memref<80xi32, #tpu.memory_space<vmem>>) semaphore(%arg14 : memref<!tpu.dma_semaphore, #tpu.memory_space<semaphore_mem>>)
      } else {
      }
      %mul3A_119 = arith.constant 5 : i32
      %mul3A_120 = arith.muli %scan3A_95, %mul3A_119 : i32
      %add3A_121 = arith.constant 1 : i32
      %add3A_122 = arith.addi %mul3A_120, %add3A_121 : i32
      %dma_wait3A_123 = arith.constant 0 : i32
      %dma_wait3A_124 = tpu.memref_slice %arg6[%add3A_122, %dma_wait3A_123] : memref<125x80xi32, #tpu.memory_space<vmem>> -> memref<1x80xi32, #tpu.memory_space<vmem>>
      %dma_wait3A_125 = tpu.memref_squeeze %dma_wait3A_124 : memref<1x80xi32, #tpu.memory_space<vmem>> -> memref<80xi32, #tpu.memory_space<vmem>>
      %dma_wait3A_126 = arith.constant 0 : i32
      %dma_wait3A_127 = arith.constant 0 : i32
      %dma_wait3A_128 = tpu.memref_slice %arg2[%dma_wait3A_126, %dma_wait3A_127] : memref<10000x64xbf16, #tpu.memory_space<hbm>> -> memref<10000x64xbf16, #tpu.memory_space<hbm>>
      tpu.wait_indirect_dma semaphore(%arg15 : memref<!tpu.dma_semaphore, #tpu.memory_space<semaphore_mem>>) src(%dma_wait3A_128 : memref<10000x64xbf16, #tpu.memory_space<hbm>>) dst(%arg9 : memref<80x64xbf16, #tpu.memory_space<vmem>>)
      %dma_start3A_129 = arith.constant 0 : i32
      %dma_start3A_130 = tpu.memref_slice %arg7[%add3A_122, %dma_start3A_129] : memref<125x80xi32, #tpu.memory_space<vmem>> -> memref<1x80xi32, #tpu.memory_space<vmem>>
      %dma_start3A_131 = tpu.memref_squeeze %dma_start3A_130 : memref<1x80xi32, #tpu.memory_space<vmem>> -> memref<80xi32, #tpu.memory_space<vmem>>
      %dma_start3A_132 = arith.constant 0 : i32
      %dma_start3A_133 = arith.constant 0 : i32
      %dma_start3A_134 = tpu.memref_slice %arg13[%dma_start3A_132, %dma_start3A_133] : memref<10000x64xbf16, #tpu.memory_space<vmem_shared>> -> memref<10000x64xbf16, #tpu.memory_space<vmem_shared>>
      tpu.enqueue_indirect_dma source(%arg9 : memref<80x64xbf16, #tpu.memory_space<vmem>>) target(%dma_start3A_134 : memref<10000x64xbf16, #tpu.memory_space<vmem_shared>>) offsets(%dma_start3A_131 : memref<80xi32, #tpu.memory_space<vmem>>) semaphore(%arg20 : memref<!tpu.dma_semaphore, #tpu.memory_space<semaphore_mem>>) {add = true}
      %add3A_135 = arith.constant 5 : i32
      %add3A_136 = arith.addi %add3A_122, %add3A_135 : i32
      %lt3A_137 = arith.constant 125 : i32
      %lt3A_138 = arith.cmpi slt, %add3A_136, %lt3A_137 : i32
      %convert_element_type3A_139 = arith.extui %lt3A_138 : i1 to i32
      %cond3A_140 = arith.constant 0 : i32
      %cond3A_141 = arith.cmpi ne, %convert_element_type3A_139, %cond3A_140 : i32
      scf.if %cond3A_141 {
        %dma_wait3A_211 = arith.constant 0 : i32
        %dma_wait3A_212 = tpu.memref_slice %arg7[%add3A_122, %dma_wait3A_211] : memref<125x80xi32, #tpu.memory_space<vmem>> -> memref<1x80xi32, #tpu.memory_space<vmem>>
        %dma_wait3A_213 = tpu.memref_squeeze %dma_wait3A_212 : memref<1x80xi32, #tpu.memory_space<vmem>> -> memref<80xi32, #tpu.memory_space<vmem>>
        %dma_wait3A_214 = arith.constant 0 : i32
        %dma_wait3A_215 = arith.constant 0 : i32
        %dma_wait3A_216 = tpu.memref_slice %arg13[%dma_wait3A_214, %dma_wait3A_215] : memref<10000x64xbf16, #tpu.memory_space<vmem_shared>> -> memref<10000x64xbf16, #tpu.memory_space<vmem_shared>>
        tpu.wait_indirect_dma semaphore(%arg20 : memref<!tpu.dma_semaphore, #tpu.memory_space<semaphore_mem>>) src(%arg9 : memref<80x64xbf16, #tpu.memory_space<vmem>>) dst(%dma_wait3A_216 : memref<10000x64xbf16, #tpu.memory_space<vmem_shared>>)
        %add3A_217 = arith.constant 5 : i32
        %add3A_218 = arith.addi %add3A_122, %add3A_217 : i32
        %dma_start3A_219 = arith.constant 0 : i32
        %dma_start3A_220 = tpu.memref_slice %arg6[%add3A_218, %dma_start3A_219] : memref<125x80xi32, #tpu.memory_space<vmem>> -> memref<1x80xi32, #tpu.memory_space<vmem>>
        %dma_start3A_221 = tpu.memref_squeeze %dma_start3A_220 : memref<1x80xi32, #tpu.memory_space<vmem>> -> memref<80xi32, #tpu.memory_space<vmem>>
        %dma_start3A_222 = arith.constant 0 : i32
        %dma_start3A_223 = arith.constant 0 : i32
        %dma_start3A_224 = tpu.memref_slice %arg2[%dma_start3A_222, %dma_start3A_223] : memref<10000x64xbf16, #tpu.memory_space<hbm>> -> memref<10000x64xbf16, #tpu.memory_space<hbm>>
        tpu.enqueue_indirect_dma source(%dma_start3A_224 : memref<10000x64xbf16, #tpu.memory_space<hbm>>) target(%arg9 : memref<80x64xbf16, #tpu.memory_space<vmem>>) offsets(%dma_start3A_221 : memref<80xi32, #tpu.memory_space<vmem>>) semaphore(%arg15 : memref<!tpu.dma_semaphore, #tpu.memory_space<semaphore_mem>>)
      } else {
      }
      %mul3A_142 = arith.constant 5 : i32
      %mul3A_143 = arith.muli %scan3A_95, %mul3A_142 : i32
      %add3A_144 = arith.constant 2 : i32
      %add3A_145 = arith.addi %mul3A_143, %add3A_144 : i32
      %dma_wait3A_146 = arith.constant 0 : i32
      %dma_wait3A_147 = tpu.memref_slice %arg6[%add3A_145, %dma_wait3A_146] : memref<125x80xi32, #tpu.memory_space<vmem>> -> memref<1x80xi32, #tpu.memory_space<vmem>>
      %dma_wait3A_148 = tpu.memref_squeeze %dma_wait3A_147 : memref<1x80xi32, #tpu.memory_space<vmem>> -> memref<80xi32, #tpu.memory_space<vmem>>
      %dma_wait3A_149 = arith.constant 0 : i32
      %dma_wait3A_150 = arith.constant 0 : i32
      %dma_wait3A_151 = tpu.memref_slice %arg2[%dma_wait3A_149, %dma_wait3A_150] : memref<10000x64xbf16, #tpu.memory_space<hbm>> -> memref<10000x64xbf16, #tpu.memory_space<hbm>>
      tpu.wait_indirect_dma semaphore(%arg16 : memref<!tpu.dma_semaphore, #tpu.memory_space<semaphore_mem>>) src(%dma_wait3A_151 : memref<10000x64xbf16, #tpu.memory_space<hbm>>) dst(%arg10 : memref<80x64xbf16, #tpu.memory_space<vmem>>)
      %dma_start3A_152 = arith.constant 0 : i32
      %dma_start3A_153 = tpu.memref_slice %arg7[%add3A_145, %dma_start3A_152] : memref<125x80xi32, #tpu.memory_space<vmem>> -> memref<1x80xi32, #tpu.memory_space<vmem>>
      %dma_start3A_154 = tpu.memref_squeeze %dma_start3A_153 : memref<1x80xi32, #tpu.memory_space<vmem>> -> memref<80xi32, #tpu.memory_space<vmem>>
      %dma_start3A_155 = arith.constant 0 : i32
      %dma_start3A_156 = arith.constant 0 : i32
      %dma_start3A_157 = tpu.memref_slice %arg13[%dma_start3A_155, %dma_start3A_156] : memref<10000x64xbf16, #tpu.memory_space<vmem_shared>> -> memref<10000x64xbf16, #tpu.memory_space<vmem_shared>>
      tpu.enqueue_indirect_dma source(%arg10 : memref<80x64xbf16, #tpu.memory_space<vmem>>) target(%dma_start3A_157 : memref<10000x64xbf16, #tpu.memory_space<vmem_shared>>) offsets(%dma_start3A_154 : memref<80xi32, #tpu.memory_space<vmem>>) semaphore(%arg21 : memref<!tpu.dma_semaphore, #tpu.memory_space<semaphore_mem>>) {add = true}
      %add3A_158 = arith.constant 5 : i32
      %add3A_159 = arith.addi %add3A_145, %add3A_158 : i32
      %lt3A_160 = arith.constant 125 : i32
      %lt3A_161 = arith.cmpi slt, %add3A_159, %lt3A_160 : i32
      %convert_element_type3A_162 = arith.extui %lt3A_161 : i1 to i32
      %cond3A_163 = arith.constant 0 : i32
      %cond3A_164 = arith.cmpi ne, %convert_element_type3A_162, %cond3A_163 : i32
      scf.if %cond3A_164 {
        %dma_wait3A_211 = arith.constant 0 : i32
        %dma_wait3A_212 = tpu.memref_slice %arg7[%add3A_145, %dma_wait3A_211] : memref<125x80xi32, #tpu.memory_space<vmem>> -> memref<1x80xi32, #tpu.memory_space<vmem>>
        %dma_wait3A_213 = tpu.memref_squeeze %dma_wait3A_212 : memref<1x80xi32, #tpu.memory_space<vmem>> -> memref<80xi32, #tpu.memory_space<vmem>>
        %dma_wait3A_214 = arith.constant 0 : i32
        %dma_wait3A_215 = arith.constant 0 : i32
        %dma_wait3A_216 = tpu.memref_slice %arg13[%dma_wait3A_214, %dma_wait3A_215] : memref<10000x64xbf16, #tpu.memory_space<vmem_shared>> -> memref<10000x64xbf16, #tpu.memory_space<vmem_shared>>
        tpu.wait_indirect_dma semaphore(%arg21 : memref<!tpu.dma_semaphore, #tpu.memory_space<semaphore_mem>>) src(%arg10 : memref<80x64xbf16, #tpu.memory_space<vmem>>) dst(%dma_wait3A_216 : memref<10000x64xbf16, #tpu.memory_space<vmem_shared>>)
        %add3A_217 = arith.constant 5 : i32
        %add3A_218 = arith.addi %add3A_145, %add3A_217 : i32
        %dma_start3A_219 = arith.constant 0 : i32
        %dma_start3A_220 = tpu.memref_slice %arg6[%add3A_218, %dma_start3A_219] : memref<125x80xi32, #tpu.memory_space<vmem>> -> memref<1x80xi32, #tpu.memory_space<vmem>>
        %dma_start3A_221 = tpu.memref_squeeze %dma_start3A_220 : memref<1x80xi32, #tpu.memory_space<vmem>> -> memref<80xi32, #tpu.memory_space<vmem>>
        %dma_start3A_222 = arith.constant 0 : i32
        %dma_start3A_223 = arith.constant 0 : i32
        %dma_start3A_224 = tpu.memref_slice %arg2[%dma_start3A_222, %dma_start3A_223] : memref<10000x64xbf16, #tpu.memory_space<hbm>> -> memref<10000x64xbf16, #tpu.memory_space<hbm>>
        tpu.enqueue_indirect_dma source(%dma_start3A_224 : memref<10000x64xbf16, #tpu.memory_space<hbm>>) target(%arg10 : memref<80x64xbf16, #tpu.memory_space<vmem>>) offsets(%dma_start3A_221 : memref<80xi32, #tpu.memory_space<vmem>>) semaphore(%arg16 : memref<!tpu.dma_semaphore, #tpu.memory_space<semaphore_mem>>)
      } else {
      }
      %mul3A_165 = arith.constant 5 : i32
      %mul3A_166 = arith.muli %scan3A_95, %mul3A_165 : i32
      %add3A_167 = arith.constant 3 : i32
      %add3A_168 = arith.addi %mul3A_166, %add3A_167 : i32
      %dma_wait3A_169 = arith.constant 0 : i32
      %dma_wait3A_170 = tpu.memref_slice %arg6[%add3A_168, %dma_wait3A_169] : memref<125x80xi32, #tpu.memory_space<vmem>> -> memref<1x80xi32, #tpu.memory_space<vmem>>
      %dma_wait3A_171 = tpu.memref_squeeze %dma_wait3A_170 : memref<1x80xi32, #tpu.memory_space<vmem>> -> memref<80xi32, #tpu.memory_space<vmem>>
      %dma_wait3A_172 = arith.constant 0 : i32
      %dma_wait3A_173 = arith.constant 0 : i32
      %dma_wait3A_174 = tpu.memref_slice %arg2[%dma_wait3A_172, %dma_wait3A_173] : memref<10000x64xbf16, #tpu.memory_space<hbm>> -> memref<10000x64xbf16, #tpu.memory_space<hbm>>
      tpu.wait_indirect_dma semaphore(%arg17 : memref<!tpu.dma_semaphore, #tpu.memory_space<semaphore_mem>>) src(%dma_wait3A_174 : memref<10000x64xbf16, #tpu.memory_space<hbm>>) dst(%arg11 : memref<80x64xbf16, #tpu.memory_space<vmem>>)
      %dma_start3A_175 = arith.constant 0 : i32
      %dma_start3A_176 = tpu.memref_slice %arg7[%add3A_168, %dma_start3A_175] : memref<125x80xi32, #tpu.memory_space<vmem>> -> memref<1x80xi32, #tpu.memory_space<vmem>>
      %dma_start3A_177 = tpu.memref_squeeze %dma_start3A_176 : memref<1x80xi32, #tpu.memory_space<vmem>> -> memref<80xi32, #tpu.memory_space<vmem>>
      %dma_start3A_178 = arith.constant 0 : i32
      %dma_start3A_179 = arith.constant 0 : i32
      %dma_start3A_180 = tpu.memref_slice %arg13[%dma_start3A_178, %dma_start3A_179] : memref<10000x64xbf16, #tpu.memory_space<vmem_shared>> -> memref<10000x64xbf16, #tpu.memory_space<vmem_shared>>
      tpu.enqueue_indirect_dma source(%arg11 : memref<80x64xbf16, #tpu.memory_space<vmem>>) target(%dma_start3A_180 : memref<10000x64xbf16, #tpu.memory_space<vmem_shared>>) offsets(%dma_start3A_177 : memref<80xi32, #tpu.memory_space<vmem>>) semaphore(%arg22 : memref<!tpu.dma_semaphore, #tpu.memory_space<semaphore_mem>>) {add = true}
      %add3A_181 = arith.constant 5 : i32
      %add3A_182 = arith.addi %add3A_168, %add3A_181 : i32
      %lt3A_183 = arith.constant 125 : i32
      %lt3A_184 = arith.cmpi slt, %add3A_182, %lt3A_183 : i32
      %convert_element_type3A_185 = arith.extui %lt3A_184 : i1 to i32
      %cond3A_186 = arith.constant 0 : i32
      %cond3A_187 = arith.cmpi ne, %convert_element_type3A_185, %cond3A_186 : i32
      scf.if %cond3A_187 {
        %dma_wait3A_211 = arith.constant 0 : i32
        %dma_wait3A_212 = tpu.memref_slice %arg7[%add3A_168, %dma_wait3A_211] : memref<125x80xi32, #tpu.memory_space<vmem>> -> memref<1x80xi32, #tpu.memory_space<vmem>>
        %dma_wait3A_213 = tpu.memref_squeeze %dma_wait3A_212 : memref<1x80xi32, #tpu.memory_space<vmem>> -> memref<80xi32, #tpu.memory_space<vmem>>
        %dma_wait3A_214 = arith.constant 0 : i32
        %dma_wait3A_215 = arith.constant 0 : i32
        %dma_wait3A_216 = tpu.memref_slice %arg13[%dma_wait3A_214, %dma_wait3A_215] : memref<10000x64xbf16, #tpu.memory_space<vmem_shared>> -> memref<10000x64xbf16, #tpu.memory_space<vmem_shared>>
        tpu.wait_indirect_dma semaphore(%arg22 : memref<!tpu.dma_semaphore, #tpu.memory_space<semaphore_mem>>) src(%arg11 : memref<80x64xbf16, #tpu.memory_space<vmem>>) dst(%dma_wait3A_216 : memref<10000x64xbf16, #tpu.memory_space<vmem_shared>>)
        %add3A_217 = arith.constant 5 : i32
        %add3A_218 = arith.addi %add3A_168, %add3A_217 : i32
        %dma_start3A_219 = arith.constant 0 : i32
        %dma_start3A_220 = tpu.memref_slice %arg6[%add3A_218, %dma_start3A_219] : memref<125x80xi32, #tpu.memory_space<vmem>> -> memref<1x80xi32, #tpu.memory_space<vmem>>
        %dma_start3A_221 = tpu.memref_squeeze %dma_start3A_220 : memref<1x80xi32, #tpu.memory_space<vmem>> -> memref<80xi32, #tpu.memory_space<vmem>>
        %dma_start3A_222 = arith.constant 0 : i32
        %dma_start3A_223 = arith.constant 0 : i32
        %dma_start3A_224 = tpu.memref_slice %arg2[%dma_start3A_222, %dma_start3A_223] : memref<10000x64xbf16, #tpu.memory_space<hbm>> -> memref<10000x64xbf16, #tpu.memory_space<hbm>>
        tpu.enqueue_indirect_dma source(%dma_start3A_224 : memref<10000x64xbf16, #tpu.memory_space<hbm>>) target(%arg11 : memref<80x64xbf16, #tpu.memory_space<vmem>>) offsets(%dma_start3A_221 : memref<80xi32, #tpu.memory_space<vmem>>) semaphore(%arg17 : memref<!tpu.dma_semaphore, #tpu.memory_space<semaphore_mem>>)
      } else {
      }
      %mul3A_188 = arith.constant 5 : i32
      %mul3A_189 = arith.muli %scan3A_95, %mul3A_188 : i32
      %add3A_190 = arith.constant 4 : i32
      %add3A_191 = arith.addi %mul3A_189, %add3A_190 : i32
      %dma_wait3A_192 = arith.constant 0 : i32
      %dma_wait3A_193 = tpu.memref_slice %arg6[%add3A_191, %dma_wait3A_192] : memref<125x80xi32, #tpu.memory_space<vmem>> -> memref<1x80xi32, #tpu.memory_space<vmem>>
      %dma_wait3A_194 = tpu.memref_squeeze %dma_wait3A_193 : memref<1x80xi32, #tpu.memory_space<vmem>> -> memref<80xi32, #tpu.memory_space<vmem>>
      %dma_wait3A_195 = arith.constant 0 : i32
      %dma_wait3A_196 = arith.constant 0 : i32
      %dma_wait3A_197 = tpu.memref_slice %arg2[%dma_wait3A_195, %dma_wait3A_196] : memref<10000x64xbf16, #tpu.memory_space<hbm>> -> memref<10000x64xbf16, #tpu.memory_space<hbm>>
      tpu.wait_indirect_dma semaphore(%arg18 : memref<!tpu.dma_semaphore, #tpu.memory_space<semaphore_mem>>) src(%dma_wait3A_197 : memref<10000x64xbf16, #tpu.memory_space<hbm>>) dst(%arg12 : memref<80x64xbf16, #tpu.memory_space<vmem>>)
      %dma_start3A_198 = arith.constant 0 : i32
      %dma_start3A_199 = tpu.memref_slice %arg7[%add3A_191, %dma_start3A_198] : memref<125x80xi32, #tpu.memory_space<vmem>> -> memref<1x80xi32, #tpu.memory_space<vmem>>
      %dma_start3A_200 = tpu.memref_squeeze %dma_start3A_199 : memref<1x80xi32, #tpu.memory_space<vmem>> -> memref<80xi32, #tpu.memory_space<vmem>>
      %dma_start3A_201 = arith.constant 0 : i32
      %dma_start3A_202 = arith.constant 0 : i32
      %dma_start3A_203 = tpu.memref_slice %arg13[%dma_start3A_201, %dma_start3A_202] : memref<10000x64xbf16, #tpu.memory_space<vmem_shared>> -> memref<10000x64xbf16, #tpu.memory_space<vmem_shared>>
      tpu.enqueue_indirect_dma source(%arg12 : memref<80x64xbf16, #tpu.memory_space<vmem>>) target(%dma_start3A_203 : memref<10000x64xbf16, #tpu.memory_space<vmem_shared>>) offsets(%dma_start3A_200 : memref<80xi32, #tpu.memory_space<vmem>>) semaphore(%arg23 : memref<!tpu.dma_semaphore, #tpu.memory_space<semaphore_mem>>) {add = true}
      %add3A_204 = arith.constant 5 : i32
      %add3A_205 = arith.addi %add3A_191, %add3A_204 : i32
      %lt3A_206 = arith.constant 125 : i32
      %lt3A_207 = arith.cmpi slt, %add3A_205, %lt3A_206 : i32
      %convert_element_type3A_208 = arith.extui %lt3A_207 : i1 to i32
      %cond3A_209 = arith.constant 0 : i32
      %cond3A_210 = arith.cmpi ne, %convert_element_type3A_208, %cond3A_209 : i32
      scf.if %cond3A_210 {
        %dma_wait3A_211 = arith.constant 0 : i32
        %dma_wait3A_212 = tpu.memref_slice %arg7[%add3A_191, %dma_wait3A_211] : memref<125x80xi32, #tpu.memory_space<vmem>> -> memref<1x80xi32, #tpu.memory_space<vmem>>
        %dma_wait3A_213 = tpu.memref_squeeze %dma_wait3A_212 : memref<1x80xi32, #tpu.memory_space<vmem>> -> memref<80xi32, #tpu.memory_space<vmem>>
        %dma_wait3A_214 = arith.constant 0 : i32
        %dma_wait3A_215 = arith.constant 0 : i32
        %dma_wait3A_216 = tpu.memref_slice %arg13[%dma_wait3A_214, %dma_wait3A_215] : memref<10000x64xbf16, #tpu.memory_space<vmem_shared>> -> memref<10000x64xbf16, #tpu.memory_space<vmem_shared>>
        tpu.wait_indirect_dma semaphore(%arg23 : memref<!tpu.dma_semaphore, #tpu.memory_space<semaphore_mem>>) src(%arg12 : memref<80x64xbf16, #tpu.memory_space<vmem>>) dst(%dma_wait3A_216 : memref<10000x64xbf16, #tpu.memory_space<vmem_shared>>)
        %add3A_217 = arith.constant 5 : i32
        %add3A_218 = arith.addi %add3A_191, %add3A_217 : i32
        %dma_start3A_219 = arith.constant 0 : i32
        %dma_start3A_220 = tpu.memref_slice %arg6[%add3A_218, %dma_start3A_219] : memref<125x80xi32, #tpu.memory_space<vmem>> -> memref<1x80xi32, #tpu.memory_space<vmem>>
        %dma_start3A_221 = tpu.memref_squeeze %dma_start3A_220 : memref<1x80xi32, #tpu.memory_space<vmem>> -> memref<80xi32, #tpu.memory_space<vmem>>
        %dma_start3A_222 = arith.constant 0 : i32
        %dma_start3A_223 = arith.constant 0 : i32
        %dma_start3A_224 = tpu.memref_slice %arg2[%dma_start3A_222, %dma_start3A_223] : memref<10000x64xbf16, #tpu.memory_space<hbm>> -> memref<10000x64xbf16, #tpu.memory_space<hbm>>
        tpu.enqueue_indirect_dma source(%dma_start3A_224 : memref<10000x64xbf16, #tpu.memory_space<hbm>>) target(%arg12 : memref<80x64xbf16, #tpu.memory_space<vmem>>) offsets(%dma_start3A_221 : memref<80xi32, #tpu.memory_space<vmem>>) semaphore(%arg18 : memref<!tpu.dma_semaphore, #tpu.memory_space<semaphore_mem>>)
      } else {
      }
    }
    %scan3A_47 = arith.constant 25 : i32
    %dma_wait3A = arith.constant 120 : i32
    %dma_wait3A_48 = arith.constant 0 : i32
    %dma_wait3A_49 = tpu.memref_slice %arg7[%dma_wait3A, %dma_wait3A_48] : memref<125x80xi32, #tpu.memory_space<vmem>> -> memref<1x80xi32, #tpu.memory_space<vmem>>
    %dma_wait3A_50 = tpu.memref_squeeze %dma_wait3A_49 : memref<1x80xi32, #tpu.memory_space<vmem>> -> memref<80xi32, #tpu.memory_space<vmem>>
    %dma_wait3A_51 = arith.constant 0 : i32
    %dma_wait3A_52 = arith.constant 0 : i32
    %dma_wait3A_53 = tpu.memref_slice %arg13[%dma_wait3A_51, %dma_wait3A_52] : memref<10000x64xbf16, #tpu.memory_space<vmem_shared>> -> memref<10000x64xbf16, #tpu.memory_space<vmem_shared>>
    tpu.wait_indirect_dma semaphore(%arg19 : memref<!tpu.dma_semaphore, #tpu.memory_space<semaphore_mem>>) src(%arg8 : memref<80x64xbf16, #tpu.memory_space<vmem>>) dst(%dma_wait3A_53 : memref<10000x64xbf16, #tpu.memory_space<vmem_shared>>)
    %dma_wait3A_54 = arith.constant 121 : i32
    %dma_wait3A_55 = arith.constant 0 : i32
    %dma_wait3A_56 = tpu.memref_slice %arg7[%dma_wait3A_54, %dma_wait3A_55] : memref<125x80xi32, #tpu.memory_space<vmem>> -> memref<1x80xi32, #tpu.memory_space<vmem>>
    %dma_wait3A_57 = tpu.memref_squeeze %dma_wait3A_56 : memref<1x80xi32, #tpu.memory_space<vmem>> -> memref<80xi32, #tpu.memory_space<vmem>>
    %dma_wait3A_58 = arith.constant 0 : i32
    %dma_wait3A_59 = arith.constant 0 : i32
    %dma_wait3A_60 = tpu.memref_slice %arg13[%dma_wait3A_58, %dma_wait3A_59] : memref<10000x64xbf16, #tpu.memory_space<vmem_shared>> -> memref<10000x64xbf16, #tpu.memory_space<vmem_shared>>
    tpu.wait_indirect_dma semaphore(%arg20 : memref<!tpu.dma_semaphore, #tpu.memory_space<semaphore_mem>>) src(%arg9 : memref<80x64xbf16, #tpu.memory_space<vmem>>) dst(%dma_wait3A_60 : memref<10000x64xbf16, #tpu.memory_space<vmem_shared>>)
    %dma_wait3A_61 = arith.constant 122 : i32
    %dma_wait3A_62 = arith.constant 0 : i32
    %dma_wait3A_63 = tpu.memref_slice %arg7[%dma_wait3A_61, %dma_wait3A_62] : memref<125x80xi32, #tpu.memory_space<vmem>> -> memref<1x80xi32, #tpu.memory_space<vmem>>
    %dma_wait3A_64 = tpu.memref_squeeze %dma_wait3A_63 : memref<1x80xi32, #tpu.memory_space<vmem>> -> memref<80xi32, #tpu.memory_space<vmem>>
    %dma_wait3A_65 = arith.constant 0 : i32
    %dma_wait3A_66 = arith.constant 0 : i32
    %dma_wait3A_67 = tpu.memref_slice %arg13[%dma_wait3A_65, %dma_wait3A_66] : memref<10000x64xbf16, #tpu.memory_space<vmem_shared>> -> memref<10000x64xbf16, #tpu.memory_space<vmem_shared>>
    tpu.wait_indirect_dma semaphore(%arg21 : memref<!tpu.dma_semaphore, #tpu.memory_space<semaphore_mem>>) src(%arg10 : memref<80x64xbf16, #tpu.memory_space<vmem>>) dst(%dma_wait3A_67 : memref<10000x64xbf16, #tpu.memory_space<vmem_shared>>)
    %dma_wait3A_68 = arith.constant 123 : i32
    %dma_wait3A_69 = arith.constant 0 : i32
    %dma_wait3A_70 = tpu.memref_slice %arg7[%dma_wait3A_68, %dma_wait3A_69] : memref<125x80xi32, #tpu.memory_space<vmem>> -> memref<1x80xi32, #tpu.memory_space<vmem>>
    %dma_wait3A_71 = tpu.memref_squeeze %dma_wait3A_70 : memref<1x80xi32, #tpu.memory_space<vmem>> -> memref<80xi32, #tpu.memory_space<vmem>>
    %dma_wait3A_72 = arith.constant 0 : i32
    %dma_wait3A_73 = arith.constant 0 : i32
    %dma_wait3A_74 = tpu.memref_slice %arg13[%dma_wait3A_72, %dma_wait3A_73] : memref<10000x64xbf16, #tpu.memory_space<vmem_shared>> -> memref<10000x64xbf16, #tpu.memory_space<vmem_shared>>
    tpu.wait_indirect_dma semaphore(%arg22 : memref<!tpu.dma_semaphore, #tpu.memory_space<semaphore_mem>>) src(%arg11 : memref<80x64xbf16, #tpu.memory_space<vmem>>) dst(%dma_wait3A_74 : memref<10000x64xbf16, #tpu.memory_space<vmem_shared>>)
    %dma_wait3A_75 = arith.constant 124 : i32
    %dma_wait3A_76 = arith.constant 0 : i32
    %dma_wait3A_77 = tpu.memref_slice %arg7[%dma_wait3A_75, %dma_wait3A_76] : memref<125x80xi32, #tpu.memory_space<vmem>> -> memref<1x80xi32, #tpu.memory_space<vmem>>
    %dma_wait3A_78 = tpu.memref_squeeze %dma_wait3A_77 : memref<1x80xi32, #tpu.memory_space<vmem>> -> memref<80xi32, #tpu.memory_space<vmem>>
    %dma_wait3A_79 = arith.constant 0 : i32
    %dma_wait3A_80 = arith.constant 0 : i32
    %dma_wait3A_81 = tpu.memref_slice %arg13[%dma_wait3A_79, %dma_wait3A_80] : memref<10000x64xbf16, #tpu.memory_space<vmem_shared>> -> memref<10000x64xbf16, #tpu.memory_space<vmem_shared>>
    tpu.wait_indirect_dma semaphore(%arg23 : memref<!tpu.dma_semaphore, #tpu.memory_space<semaphore_mem>>) src(%arg12 : memref<80x64xbf16, #tpu.memory_space<vmem>>) dst(%dma_wait3A_81 : memref<10000x64xbf16, #tpu.memory_space<vmem_shared>>)
    %barrier3A_82 = arith.constant 0 : index
    tpu.barrier barrier_id(%barrier3A_82)
    %mul3A_83 = arith.constant 632 : i32
    %mul3A_84 = arith.muli %arg1, %mul3A_83 : i32
    %lt3A_85 = arith.constant 15 : i32
    %lt3A_86 = arith.cmpi slt, %arg1, %lt3A_85 : i32
    %convert_element_type3A_87 = arith.extui %lt3A_86 : i1 to i32
    %cond3A_88 = arith.constant 0 : i32
    %cond3A_89 = arith.cmpi ne, %convert_element_type3A_87, %cond3A_88 : i32
    scf.if %cond3A_89 {
      "tpu.region"() ({
        %run_scoped3A = tpu.sem_alloc : memref<!tpu.dma_semaphore, #tpu.memory_space<semaphore_mem>>
        %dma_start3A_95 = arith.constant 0 : i32
        %dma_start3A_96 = tpu.memref_slice %arg5[%arg0, %mul3A_84, %dma_start3A_95] : memref<2x10000x64xbf16, #tpu.memory_space<hbm>> -> memref<1x632x64xbf16, #tpu.memory_space<hbm>>
        %dma_start3A_97 = tpu.memref_squeeze %dma_start3A_96 : memref<1x632x64xbf16, #tpu.memory_space<hbm>> -> memref<632x64xbf16, #tpu.memory_space<hbm>>
        %dma_start3A_98 = arith.constant 0 : i32
        %dma_start3A_99 = tpu.memref_slice %arg13[%mul3A_84, %dma_start3A_98] : memref<10000x64xbf16, #tpu.memory_space<vmem_shared>> -> memref<632x64xbf16, #tpu.memory_space<vmem_shared>>
        tpu.enqueue_dma source(%dma_start3A_99 : memref<632x64xbf16, #tpu.memory_space<vmem_shared>>) target(%dma_start3A_97 : memref<632x64xbf16, #tpu.memory_space<hbm>>) target_semaphore(%run_scoped3A : memref<!tpu.dma_semaphore, #tpu.memory_space<semaphore_mem>>)
        %dma_wait3A_100 = arith.constant 0 : i32
        %dma_wait3A_101 = tpu.memref_slice %arg5[%arg0, %mul3A_84, %dma_wait3A_100] : memref<2x10000x64xbf16, #tpu.memory_space<hbm>> -> memref<1x632x64xbf16, #tpu.memory_space<hbm>>
        %dma_wait3A_102 = tpu.memref_squeeze %dma_wait3A_101 : memref<1x632x64xbf16, #tpu.memory_space<hbm>> -> memref<632x64xbf16, #tpu.memory_space<hbm>>
        %dma_wait3A_103 = arith.constant 0 : i32
        %dma_wait3A_104 = tpu.memref_slice %arg13[%mul3A_84, %dma_wait3A_103] : memref<10000x64xbf16, #tpu.memory_space<vmem_shared>> -> memref<632x64xbf16, #tpu.memory_space<vmem_shared>>
        tpu.wait_dma2 semaphore(%run_scoped3A : memref<!tpu.dma_semaphore, #tpu.memory_space<semaphore_mem>>) src(%dma_wait3A_104 : memref<632x64xbf16, #tpu.memory_space<vmem_shared>>) dst(%dma_wait3A_102 : memref<632x64xbf16, #tpu.memory_space<hbm>>)
        tpu.yield
      }) : () -> ()
    } else {
    }
    %eq3A_90 = arith.constant 15 : i32
    %eq3A_91 = arith.cmpi eq, %arg1, %eq3A_90 : i32
    %convert_element_type3A_92 = arith.extui %eq3A_91 : i1 to i32
    %cond3A_93 = arith.constant 0 : i32
    %cond3A_94 = arith.cmpi ne, %convert_element_type3A_92, %cond3A_93 : i32
    scf.if %cond3A_94 {
      "tpu.region"() ({
        %run_scoped3A = tpu.sem_alloc : memref<!tpu.dma_semaphore, #tpu.memory_space<semaphore_mem>>
        %dma_start3A_95 = arith.constant 9480 : i32
        %dma_start3A_96 = arith.constant 0 : i32
        %dma_start3A_97 = tpu.memref_slice %arg5[%arg0, %dma_start3A_95, %dma_start3A_96] : memref<2x10000x64xbf16, #tpu.memory_space<hbm>> -> memref<1x520x64xbf16, #tpu.memory_space<hbm>>
        %dma_start3A_98 = tpu.memref_squeeze %dma_start3A_97 : memref<1x520x64xbf16, #tpu.memory_space<hbm>> -> memref<520x64xbf16, #tpu.memory_space<hbm>>
        %dma_start3A_99 = arith.constant 9480 : i32
        %dma_start3A_100 = arith.constant 0 : i32
        %dma_start3A_101 = tpu.memref_slice %arg13[%dma_start3A_99, %dma_start3A_100] : memref<10000x64xbf16, #tpu.memory_space<vmem_shared>> -> memref<520x64xbf16, #tpu.memory_space<vmem_shared>>
        tpu.enqueue_dma source(%dma_start3A_101 : memref<520x64xbf16, #tpu.memory_space<vmem_shared>>) target(%dma_start3A_98 : memref<520x64xbf16, #tpu.memory_space<hbm>>) target_semaphore(%run_scoped3A : memref<!tpu.dma_semaphore, #tpu.memory_space<semaphore_mem>>)
        %dma_wait3A_102 = arith.constant 9480 : i32
        %dma_wait3A_103 = arith.constant 0 : i32
        %dma_wait3A_104 = tpu.memref_slice %arg5[%arg0, %dma_wait3A_102, %dma_wait3A_103] : memref<2x10000x64xbf16, #tpu.memory_space<hbm>> -> memref<1x520x64xbf16, #tpu.memory_space<hbm>>
        %dma_wait3A_105 = tpu.memref_squeeze %dma_wait3A_104 : memref<1x520x64xbf16, #tpu.memory_space<hbm>> -> memref<520x64xbf16, #tpu.memory_space<hbm>>
        %dma_wait3A_106 = arith.constant 9480 : i32
        %dma_wait3A_107 = arith.constant 0 : i32
        %dma_wait3A_108 = tpu.memref_slice %arg13[%dma_wait3A_106, %dma_wait3A_107] : memref<10000x64xbf16, #tpu.memory_space<vmem_shared>> -> memref<520x64xbf16, #tpu.memory_space<vmem_shared>>
        tpu.wait_dma2 semaphore(%run_scoped3A : memref<!tpu.dma_semaphore, #tpu.memory_space<semaphore_mem>>) src(%dma_wait3A_108 : memref<520x64xbf16, #tpu.memory_space<vmem_shared>>) dst(%dma_wait3A_105 : memref<520x64xbf16, #tpu.memory_space<hbm>>)
        tpu.yield
      }) : () -> ()
    } else {
    }
    return
  }
}

module attributes {stable_mosaic.version = 14 : i64} {
  func.func @_mm_first_body(%arg0: i32, %arg1: memref<1000x128xf32, #tpu.memory_space<vmem>>, %arg2: memref<128x128xf32, #tpu.memory_space<vmem>>, %arg3: memref<2x1000x16xf32, #tpu.memory_space<vmem>>, %arg4: memref<1000x128xbf16, #tpu.memory_space<vmem>>) attributes {dimension_semantics = [#tpu.dimension_semantics<arbitrary>], iteration_bounds = array<i64: 10>, scalar_prefetch = 0 : i64, scratch_operands = 0 : i64, tpu.core_type = #tpu.core_type<tc>, window_params = [{transform_indices = @transform_0, window_bounds = array<i64: 1000, 128>}, {pipeline_mode = #tpu.pipeline_mode<synchronous>, transform_indices = @transform_1, window_bounds = array<i64: 128, 128>}, {transform_indices = @transform_2, window_bounds = array<i64: 2, 1000, 16>}, {transform_indices = @transform_3, window_bounds = array<i64: 1000, 128>}]} {
    %get3A = arith.constant 0 : index
    %get3A_0 = arith.constant 0 : index
    %get3A_1 = arith.constant 0 : index
    %get3A_2 = vector.load %arg3[%get3A, %get3A_0, %get3A_1] : memref<2x1000x16xf32, #tpu.memory_space<vmem>>, vector<2x1000x16xf32>
    %slice3A = vector.extract_strided_slice %get3A_2 {offsets = [0, 0, 0], sizes = [1, 1000, 1], strides = [1, 1, 1]} : vector<2x1000x16xf32> to vector<1x1000x1xf32>
    %squeeze3A = vector.shape_cast %slice3A : vector<1x1000x1xf32> to vector<1000x1xf32>
    %slice3A_3 = vector.extract_strided_slice %get3A_2 {offsets = [1, 0, 0], sizes = [1, 1000, 1], strides = [1, 1, 1]} : vector<2x1000x16xf32> to vector<1x1000x1xf32>
    %squeeze3A_4 = vector.shape_cast %slice3A_3 : vector<1x1000x1xf32> to vector<1000x1xf32>
    %add3A = arith.addf %squeeze3A, %squeeze3A_4 : vector<1000x1xf32>
    %sub3A = arith.constant 1.000000e+00 : f32
    %sub3A_5 = vector.broadcast %sub3A : f32 to vector<1000x1xf32>
    %sub3A_6 = arith.subf %add3A, %sub3A_5 : vector<1000x1xf32>
    %max3A = arith.constant 9.99999996E-13 : f32
    %max3A_7 = vector.broadcast %max3A : f32 to vector<1000x1xf32>
    %max3A_8 = arith.maximumf %sub3A_6, %max3A_7 : vector<1000x1xf32>
    %rsqrt3A = math.rsqrt %max3A_8 : vector<1000x1xf32>
    %get3A_9 = arith.constant 0 : index
    %get3A_10 = arith.constant 0 : index
    %get3A_11 = vector.load %arg1[%get3A_9, %get3A_10] : memref<1000x128xf32, #tpu.memory_space<vmem>>, vector<1000x128xf32>
    %get3A_12 = arith.constant 0 : index
    %get3A_13 = arith.constant 0 : index
    %get3A_14 = vector.load %arg2[%get3A_12, %get3A_13] : memref<128x128xf32, #tpu.memory_space<vmem>>, vector<128x128xf32>
    %dot_general3A = arith.constant dense<0.000000e+00> : vector<1000x128xf32>
    %dot_general3A_15 = tpu.matmul %get3A_11, %get3A_14, %dot_general3A {dimension_numbers = #tpu.dot_dimension_numbers<[1], [0], [0], [1], [0, 0, 1, 1], [], []>, transpose_lhs_hint = false} : vector<1000x128xf32>, vector<128x128xf32>, vector<1000x128xf32> -> vector<1000x128xf32>
    %mul3A = vector.broadcast %rsqrt3A : vector<1000x1xf32> to vector<1000x128xf32>
    %mul3A_16 = arith.mulf %mul3A, %dot_general3A_15 : vector<1000x128xf32>
    %convert_element_type3A = arith.truncf %mul3A_16 : vector<1000x128xf32> to vector<1000x128xbf16>
    %swap3A = arith.constant 0 : index
    %swap3A_17 = arith.constant 0 : index
    %swap3A_18 = vector.load %arg4[%swap3A, %swap3A_17] : memref<1000x128xbf16, #tpu.memory_space<vmem>>, vector<1000x128xbf16>
    tpu.vector_store %arg4[%swap3A, %swap3A_17], %convert_element_type3A {strides = array<i32>} : memref<1000x128xbf16, #tpu.memory_space<vmem>>, vector<1000x128xbf16>,
    return
  }
  func.func @transform_0(%arg0: i32) -> (i32, i32) {
    %c0_i32 = arith.constant 0 : i32
    %c0_i32_0 = arith.constant 0 : i32
    return %arg0, %c0_i32 : i32, i32
  }
  func.func @transform_1(%arg0: i32) -> (i32, i32) {
    %c0_i32 = arith.constant 0 : i32
    %c0_i32_0 = arith.constant 0 : i32
    %c0_i32_1 = arith.constant 0 : i32
    return %c0_i32, %c0_i32_0 : i32, i32
  }
  func.func @transform_2(%arg0: i32) -> (i32, i32, i32) {
    %c0_i32 = arith.constant 0 : i32
    %c0_i32_0 = arith.constant 0 : i32
    %c0_i32_1 = arith.constant 0 : i32
    return %c0_i32, %arg0, %c0_i32_0 : i32, i32, i32
  }
  func.func @transform_3(%arg0: i32) -> (i32, i32) {
    %c0_i32 = arith.constant 0 : i32
    %c0_i32_0 = arith.constant 0 : i32
    return %arg0, %c0_i32 : i32, i32
  }
}

module attributes {stable_mosaic.version = 14 : i64} {
  func.func @_mm_mid_body(%arg0: i32, %arg1: memref<2x1000x128xbf16, #tpu.memory_space<vmem>>, %arg2: memref<1000x128xbf16, #tpu.memory_space<vmem>>, %arg3: memref<1x128xf32, #tpu.memory_space<vmem>>, %arg4: memref<128x128xf32, #tpu.memory_space<vmem>>, %arg5: memref<2x1000x16xf32, #tpu.memory_space<vmem>>, %arg6: memref<1000x128xbf16, #tpu.memory_space<vmem>>) attributes {dimension_semantics = [#tpu.dimension_semantics<arbitrary>], iteration_bounds = array<i64: 10>, scalar_prefetch = 0 : i64, scratch_operands = 0 : i64, tpu.core_type = #tpu.core_type<tc>, window_params = [{transform_indices = @transform_0, window_bounds = array<i64: 2, 1000, 128>}, {transform_indices = @transform_1, window_bounds = array<i64: 1000, 128>}, {pipeline_mode = #tpu.pipeline_mode<synchronous>, transform_indices = @transform_2, window_bounds = array<i64: 1, 128>}, {pipeline_mode = #tpu.pipeline_mode<synchronous>, transform_indices = @transform_3, window_bounds = array<i64: 128, 128>}, {transform_indices = @transform_4, window_bounds = array<i64: 2, 1000, 16>}, {transform_indices = @transform_5, window_bounds = array<i64: 1000, 128>}]} {
    %get3A = arith.constant 0 : index
    %get3A_0 = arith.constant 0 : index
    %get3A_1 = arith.constant 0 : index
    %get3A_2 = vector.load %arg5[%get3A, %get3A_0, %get3A_1] : memref<2x1000x16xf32, #tpu.memory_space<vmem>>, vector<2x1000x16xf32>
    %slice3A = vector.extract_strided_slice %get3A_2 {offsets = [0, 0, 0], sizes = [1, 1000, 1], strides = [1, 1, 1]} : vector<2x1000x16xf32> to vector<1x1000x1xf32>
    %squeeze3A = vector.shape_cast %slice3A : vector<1x1000x1xf32> to vector<1000x1xf32>
    %slice3A_3 = vector.extract_strided_slice %get3A_2 {offsets = [1, 0, 0], sizes = [1, 1000, 1], strides = [1, 1, 1]} : vector<2x1000x16xf32> to vector<1x1000x1xf32>
    %squeeze3A_4 = vector.shape_cast %slice3A_3 : vector<1x1000x1xf32> to vector<1000x1xf32>
    %add3A = arith.addf %squeeze3A, %squeeze3A_4 : vector<1000x1xf32>
    %sub3A = arith.constant 1.000000e+00 : f32
    %sub3A_5 = vector.broadcast %sub3A : f32 to vector<1000x1xf32>
    %sub3A_6 = arith.subf %add3A, %sub3A_5 : vector<1000x1xf32>
    %max3A = arith.constant 9.99999996E-13 : f32
    %max3A_7 = vector.broadcast %max3A : f32 to vector<1000x1xf32>
    %max3A_8 = arith.maximumf %sub3A_6, %max3A_7 : vector<1000x1xf32>
    %rsqrt3A = math.rsqrt %max3A_8 : vector<1000x1xf32>
    %get3A_9 = arith.constant 0 : index
    %get3A_10 = arith.constant 0 : index
    %get3A_11 = arith.constant 0 : index
    %get3A_12 = vector.load %arg1[%get3A_9, %get3A_10, %get3A_11] : memref<2x1000x128xbf16, #tpu.memory_space<vmem>>, vector<2x1000x128xbf16>
    %convert_element_type3A = arith.extf %get3A_12 : vector<2x1000x128xbf16> to vector<2x1000x128xf32>
    %slice3A_13 = vector.extract_strided_slice %convert_element_type3A {offsets = [0, 0, 0], sizes = [1, 1000, 128], strides = [1, 1, 1]} : vector<2x1000x128xf32> to vector<1x1000x128xf32>
    %squeeze3A_14 = vector.shape_cast %slice3A_13 : vector<1x1000x128xf32> to vector<1000x128xf32>
    %slice3A_15 = vector.extract_strided_slice %convert_element_type3A {offsets = [1, 0, 0], sizes = [1, 1000, 128], strides = [1, 1, 1]} : vector<2x1000x128xf32> to vector<1x1000x128xf32>
    %squeeze3A_16 = vector.shape_cast %slice3A_15 : vector<1x1000x128xf32> to vector<1000x128xf32>
    %add3A_17 = arith.addf %squeeze3A_14, %squeeze3A_16 : vector<1000x128xf32>
    %get3A_18 = arith.constant 0 : index
    %get3A_19 = arith.constant 0 : index
    %get3A_20 = vector.load %arg2[%get3A_18, %get3A_19] : memref<1000x128xbf16, #tpu.memory_space<vmem>>, vector<1000x128xbf16>
    %convert_element_type3A_21 = arith.extf %get3A_20 : vector<1000x128xbf16> to vector<1000x128xf32>
    %sub3A_22 = arith.subf %add3A_17, %convert_element_type3A_21 : vector<1000x128xf32>
    %mul3A = vector.broadcast %rsqrt3A : vector<1000x1xf32> to vector<1000x128xf32>
    %mul3A_23 = arith.mulf %mul3A, %sub3A_22 : vector<1000x128xf32>
    %get3A_24 = arith.constant 0 : index
    %get3A_25 = arith.constant 0 : index
    %get3A_26 = vector.load %arg3[%get3A_24, %get3A_25] : memref<1x128xf32, #tpu.memory_space<vmem>>, vector<1x128xf32>
    %add3A_27 = vector.broadcast %get3A_26 : vector<1x128xf32> to vector<1000x128xf32>
    %add3A_28 = arith.addf %mul3A_23, %add3A_27 : vector<1000x128xf32>
    %max3A_29 = arith.constant 0.000000e+00 : f32
    %max3A_30 = vector.broadcast %max3A_29 : f32 to vector<1000x128xf32>
    %max3A_31 = arith.maximumf %add3A_28, %max3A_30 : vector<1000x128xf32>
    %get3A_32 = arith.constant 0 : index
    %get3A_33 = arith.constant 0 : index
    %get3A_34 = vector.load %arg4[%get3A_32, %get3A_33] : memref<128x128xf32, #tpu.memory_space<vmem>>, vector<128x128xf32>
    %dot_general3A = arith.constant dense<0.000000e+00> : vector<1000x128xf32>
    %dot_general3A_35 = tpu.matmul %max3A_31, %get3A_34, %dot_general3A {dimension_numbers = #tpu.dot_dimension_numbers<[1], [0], [0], [1], [0, 0, 1, 1], [], []>, transpose_lhs_hint = false} : vector<1000x128xf32>, vector<128x128xf32>, vector<1000x128xf32> -> vector<1000x128xf32>
    %mul3A_36 = vector.broadcast %rsqrt3A : vector<1000x1xf32> to vector<1000x128xf32>
    %mul3A_37 = arith.mulf %mul3A_36, %dot_general3A_35 : vector<1000x128xf32>
    %convert_element_type3A_38 = arith.truncf %mul3A_37 : vector<1000x128xf32> to vector<1000x128xbf16>
    %swap3A = arith.constant 0 : index
    %swap3A_39 = arith.constant 0 : index
    %swap3A_40 = vector.load %arg6[%swap3A, %swap3A_39] : memref<1000x128xbf16, #tpu.memory_space<vmem>>, vector<1000x128xbf16>
    tpu.vector_store %arg6[%swap3A, %swap3A_39], %convert_element_type3A_38 {strides = array<i32>} : memref<1000x128xbf16, #tpu.memory_space<vmem>>, vector<1000x128xbf16>,
    return
  }
  func.func @transform_0(%arg0: i32) -> (i32, i32, i32) {
    %c0_i32 = arith.constant 0 : i32
    %c0_i32_0 = arith.constant 0 : i32
    %c0_i32_1 = arith.constant 0 : i32
    return %c0_i32, %arg0, %c0_i32_0 : i32, i32, i32
  }
  func.func @transform_1(%arg0: i32) -> (i32, i32) {
    %c0_i32 = arith.constant 0 : i32
    %c0_i32_0 = arith.constant 0 : i32
    return %arg0, %c0_i32 : i32, i32
  }
  func.func @transform_2(%arg0: i32) -> (i32, i32) {
    %c0_i32 = arith.constant 0 : i32
    %c0_i32_0 = arith.constant 0 : i32
    %c0_i32_1 = arith.constant 0 : i32
    return %c0_i32, %c0_i32_0 : i32, i32
  }
  func.func @transform_3(%arg0: i32) -> (i32, i32) {
    %c0_i32 = arith.constant 0 : i32
    %c0_i32_0 = arith.constant 0 : i32
    %c0_i32_1 = arith.constant 0 : i32
    return %c0_i32, %c0_i32_0 : i32, i32
  }
  func.func @transform_4(%arg0: i32) -> (i32, i32, i32) {
    %c0_i32 = arith.constant 0 : i32
    %c0_i32_0 = arith.constant 0 : i32
    %c0_i32_1 = arith.constant 0 : i32
    return %c0_i32, %arg0, %c0_i32_0 : i32, i32, i32
  }
  func.func @transform_5(%arg0: i32) -> (i32, i32) {
    %c0_i32 = arith.constant 0 : i32
    %c0_i32_0 = arith.constant 0 : i32
    return %arg0, %c0_i32 : i32, i32
  }
}

module attributes {stable_mosaic.version = 14 : i64} {
  func.func @_mm_mid_body(%arg0: i32, %arg1: memref<2x1000x128xbf16, #tpu.memory_space<vmem>>, %arg2: memref<1000x128xbf16, #tpu.memory_space<vmem>>, %arg3: memref<1x128xf32, #tpu.memory_space<vmem>>, %arg4: memref<128x64xf32, #tpu.memory_space<vmem>>, %arg5: memref<2x1000x16xf32, #tpu.memory_space<vmem>>, %arg6: memref<1000x64xbf16, #tpu.memory_space<vmem>>) attributes {dimension_semantics = [#tpu.dimension_semantics<arbitrary>], iteration_bounds = array<i64: 10>, scalar_prefetch = 0 : i64, scratch_operands = 0 : i64, tpu.core_type = #tpu.core_type<tc>, window_params = [{transform_indices = @transform_0, window_bounds = array<i64: 2, 1000, 128>}, {transform_indices = @transform_1, window_bounds = array<i64: 1000, 128>}, {pipeline_mode = #tpu.pipeline_mode<synchronous>, transform_indices = @transform_2, window_bounds = array<i64: 1, 128>}, {pipeline_mode = #tpu.pipeline_mode<synchronous>, transform_indices = @transform_3, window_bounds = array<i64: 128, 64>}, {transform_indices = @transform_4, window_bounds = array<i64: 2, 1000, 16>}, {transform_indices = @transform_5, window_bounds = array<i64: 1000, 64>}]} {
    %get3A = arith.constant 0 : index
    %get3A_0 = arith.constant 0 : index
    %get3A_1 = arith.constant 0 : index
    %get3A_2 = vector.load %arg5[%get3A, %get3A_0, %get3A_1] : memref<2x1000x16xf32, #tpu.memory_space<vmem>>, vector<2x1000x16xf32>
    %slice3A = vector.extract_strided_slice %get3A_2 {offsets = [0, 0, 0], sizes = [1, 1000, 1], strides = [1, 1, 1]} : vector<2x1000x16xf32> to vector<1x1000x1xf32>
    %squeeze3A = vector.shape_cast %slice3A : vector<1x1000x1xf32> to vector<1000x1xf32>
    %slice3A_3 = vector.extract_strided_slice %get3A_2 {offsets = [1, 0, 0], sizes = [1, 1000, 1], strides = [1, 1, 1]} : vector<2x1000x16xf32> to vector<1x1000x1xf32>
    %squeeze3A_4 = vector.shape_cast %slice3A_3 : vector<1x1000x1xf32> to vector<1000x1xf32>
    %add3A = arith.addf %squeeze3A, %squeeze3A_4 : vector<1000x1xf32>
    %sub3A = arith.constant 1.000000e+00 : f32
    %sub3A_5 = vector.broadcast %sub3A : f32 to vector<1000x1xf32>
    %sub3A_6 = arith.subf %add3A, %sub3A_5 : vector<1000x1xf32>
    %max3A = arith.constant 9.99999996E-13 : f32
    %max3A_7 = vector.broadcast %max3A : f32 to vector<1000x1xf32>
    %max3A_8 = arith.maximumf %sub3A_6, %max3A_7 : vector<1000x1xf32>
    %rsqrt3A = math.rsqrt %max3A_8 : vector<1000x1xf32>
    %get3A_9 = arith.constant 0 : index
    %get3A_10 = arith.constant 0 : index
    %get3A_11 = arith.constant 0 : index
    %get3A_12 = vector.load %arg1[%get3A_9, %get3A_10, %get3A_11] : memref<2x1000x128xbf16, #tpu.memory_space<vmem>>, vector<2x1000x128xbf16>
    %convert_element_type3A = arith.extf %get3A_12 : vector<2x1000x128xbf16> to vector<2x1000x128xf32>
    %slice3A_13 = vector.extract_strided_slice %convert_element_type3A {offsets = [0, 0, 0], sizes = [1, 1000, 128], strides = [1, 1, 1]} : vector<2x1000x128xf32> to vector<1x1000x128xf32>
    %squeeze3A_14 = vector.shape_cast %slice3A_13 : vector<1x1000x128xf32> to vector<1000x128xf32>
    %slice3A_15 = vector.extract_strided_slice %convert_element_type3A {offsets = [1, 0, 0], sizes = [1, 1000, 128], strides = [1, 1, 1]} : vector<2x1000x128xf32> to vector<1x1000x128xf32>
    %squeeze3A_16 = vector.shape_cast %slice3A_15 : vector<1x1000x128xf32> to vector<1000x128xf32>
    %add3A_17 = arith.addf %squeeze3A_14, %squeeze3A_16 : vector<1000x128xf32>
    %get3A_18 = arith.constant 0 : index
    %get3A_19 = arith.constant 0 : index
    %get3A_20 = vector.load %arg2[%get3A_18, %get3A_19] : memref<1000x128xbf16, #tpu.memory_space<vmem>>, vector<1000x128xbf16>
    %convert_element_type3A_21 = arith.extf %get3A_20 : vector<1000x128xbf16> to vector<1000x128xf32>
    %sub3A_22 = arith.subf %add3A_17, %convert_element_type3A_21 : vector<1000x128xf32>
    %mul3A = vector.broadcast %rsqrt3A : vector<1000x1xf32> to vector<1000x128xf32>
    %mul3A_23 = arith.mulf %mul3A, %sub3A_22 : vector<1000x128xf32>
    %get3A_24 = arith.constant 0 : index
    %get3A_25 = arith.constant 0 : index
    %get3A_26 = vector.load %arg3[%get3A_24, %get3A_25] : memref<1x128xf32, #tpu.memory_space<vmem>>, vector<1x128xf32>
    %add3A_27 = vector.broadcast %get3A_26 : vector<1x128xf32> to vector<1000x128xf32>
    %add3A_28 = arith.addf %mul3A_23, %add3A_27 : vector<1000x128xf32>
    %max3A_29 = arith.constant 0.000000e+00 : f32
    %max3A_30 = vector.broadcast %max3A_29 : f32 to vector<1000x128xf32>
    %max3A_31 = arith.maximumf %add3A_28, %max3A_30 : vector<1000x128xf32>
    %get3A_32 = arith.constant 0 : index
    %get3A_33 = arith.constant 0 : index
    %get3A_34 = vector.load %arg4[%get3A_32, %get3A_33] : memref<128x64xf32, #tpu.memory_space<vmem>>, vector<128x64xf32>
    %dot_general3A = arith.constant dense<0.000000e+00> : vector<1000x64xf32>
    %dot_general3A_35 = tpu.matmul %max3A_31, %get3A_34, %dot_general3A {dimension_numbers = #tpu.dot_dimension_numbers<[1], [0], [0], [1], [0, 0, 1, 1], [], []>, transpose_lhs_hint = false} : vector<1000x128xf32>, vector<128x64xf32>, vector<1000x64xf32> -> vector<1000x64xf32>
    %mul3A_36 = vector.broadcast %rsqrt3A : vector<1000x1xf32> to vector<1000x64xf32>
    %mul3A_37 = arith.mulf %mul3A_36, %dot_general3A_35 : vector<1000x64xf32>
    %convert_element_type3A_38 = arith.truncf %mul3A_37 : vector<1000x64xf32> to vector<1000x64xbf16>
    %swap3A = arith.constant 0 : index
    %swap3A_39 = arith.constant 0 : index
    %swap3A_40 = vector.load %arg6[%swap3A, %swap3A_39] : memref<1000x64xbf16, #tpu.memory_space<vmem>>, vector<1000x64xbf16>
    tpu.vector_store %arg6[%swap3A, %swap3A_39], %convert_element_type3A_38 {strides = array<i32>} : memref<1000x64xbf16, #tpu.memory_space<vmem>>, vector<1000x64xbf16>,
    return
  }
  func.func @transform_0(%arg0: i32) -> (i32, i32, i32) {
    %c0_i32 = arith.constant 0 : i32
    %c0_i32_0 = arith.constant 0 : i32
    %c0_i32_1 = arith.constant 0 : i32
    return %c0_i32, %arg0, %c0_i32_0 : i32, i32, i32
  }
  func.func @transform_1(%arg0: i32) -> (i32, i32) {
    %c0_i32 = arith.constant 0 : i32
    %c0_i32_0 = arith.constant 0 : i32
    return %arg0, %c0_i32 : i32, i32
  }
  func.func @transform_2(%arg0: i32) -> (i32, i32) {
    %c0_i32 = arith.constant 0 : i32
    %c0_i32_0 = arith.constant 0 : i32
    %c0_i32_1 = arith.constant 0 : i32
    return %c0_i32, %c0_i32_0 : i32, i32
  }
  func.func @transform_3(%arg0: i32) -> (i32, i32) {
    %c0_i32 = arith.constant 0 : i32
    %c0_i32_0 = arith.constant 0 : i32
    %c0_i32_1 = arith.constant 0 : i32
    return %c0_i32, %c0_i32_0 : i32, i32
  }
  func.func @transform_4(%arg0: i32) -> (i32, i32, i32) {
    %c0_i32 = arith.constant 0 : i32
    %c0_i32_0 = arith.constant 0 : i32
    %c0_i32_1 = arith.constant 0 : i32
    return %c0_i32, %arg0, %c0_i32_0 : i32, i32, i32
  }
  func.func @transform_5(%arg0: i32) -> (i32, i32) {
    %c0_i32 = arith.constant 0 : i32
    %c0_i32_0 = arith.constant 0 : i32
    return %arg0, %c0_i32 : i32, i32
  }
}

module attributes {stable_mosaic.version = 14 : i64} {
  func.func @_soft_body(%arg0: i32, %arg1: memref<2x1000x64xbf16, #tpu.memory_space<vmem>>, %arg2: memref<1000x64xbf16, #tpu.memory_space<vmem>>, %arg3: memref<1x64xf32, #tpu.memory_space<vmem>>, %arg4: memref<2x1000x16xf32, #tpu.memory_space<vmem>>, %arg5: memref<1000x64xf32, #tpu.memory_space<vmem>>) attributes {dimension_semantics = [#tpu.dimension_semantics<arbitrary>], iteration_bounds = array<i64: 10>, scalar_prefetch = 0 : i64, scratch_operands = 0 : i64, tpu.core_type = #tpu.core_type<tc>, window_params = [{transform_indices = @transform_0, window_bounds = array<i64: 2, 1000, 64>}, {transform_indices = @transform_1, window_bounds = array<i64: 1000, 64>}, {pipeline_mode = #tpu.pipeline_mode<synchronous>, transform_indices = @transform_2, window_bounds = array<i64: 1, 64>}, {transform_indices = @transform_3, window_bounds = array<i64: 2, 1000, 16>}, {transform_indices = @transform_4, window_bounds = array<i64: 1000, 64>}]} {
    %get3A = arith.constant 0 : index
    %get3A_0 = arith.constant 0 : index
    %get3A_1 = arith.constant 0 : index
    %get3A_2 = vector.load %arg4[%get3A, %get3A_0, %get3A_1] : memref<2x1000x16xf32, #tpu.memory_space<vmem>>, vector<2x1000x16xf32>
    %slice3A = vector.extract_strided_slice %get3A_2 {offsets = [0, 0, 0], sizes = [1, 1000, 1], strides = [1, 1, 1]} : vector<2x1000x16xf32> to vector<1x1000x1xf32>
    %squeeze3A = vector.shape_cast %slice3A : vector<1x1000x1xf32> to vector<1000x1xf32>
    %slice3A_3 = vector.extract_strided_slice %get3A_2 {offsets = [1, 0, 0], sizes = [1, 1000, 1], strides = [1, 1, 1]} : vector<2x1000x16xf32> to vector<1x1000x1xf32>
    %squeeze3A_4 = vector.shape_cast %slice3A_3 : vector<1x1000x1xf32> to vector<1000x1xf32>
    %add3A = arith.addf %squeeze3A, %squeeze3A_4 : vector<1000x1xf32>
    %sub3A = arith.constant 1.000000e+00 : f32
    %sub3A_5 = vector.broadcast %sub3A : f32 to vector<1000x1xf32>
    %sub3A_6 = arith.subf %add3A, %sub3A_5 : vector<1000x1xf32>
    %max3A = arith.constant 9.99999996E-13 : f32
    %max3A_7 = vector.broadcast %max3A : f32 to vector<1000x1xf32>
    %max3A_8 = arith.maximumf %sub3A_6, %max3A_7 : vector<1000x1xf32>
    %rsqrt3A = math.rsqrt %max3A_8 : vector<1000x1xf32>
    %get3A_9 = arith.constant 0 : index
    %get3A_10 = arith.constant 0 : index
    %get3A_11 = arith.constant 0 : index
    %get3A_12 = vector.load %arg1[%get3A_9, %get3A_10, %get3A_11] : memref<2x1000x64xbf16, #tpu.memory_space<vmem>>, vector<2x1000x64xbf16>
    %convert_element_type3A = arith.extf %get3A_12 : vector<2x1000x64xbf16> to vector<2x1000x64xf32>
    %slice3A_13 = vector.extract_strided_slice %convert_element_type3A {offsets = [0, 0, 0], sizes = [1, 1000, 64], strides = [1, 1, 1]} : vector<2x1000x64xf32> to vector<1x1000x64xf32>
    %squeeze3A_14 = vector.shape_cast %slice3A_13 : vector<1x1000x64xf32> to vector<1000x64xf32>
    %slice3A_15 = vector.extract_strided_slice %convert_element_type3A {offsets = [1, 0, 0], sizes = [1, 1000, 64], strides = [1, 1, 1]} : vector<2x1000x64xf32> to vector<1x1000x64xf32>
    %squeeze3A_16 = vector.shape_cast %slice3A_15 : vector<1x1000x64xf32> to vector<1000x64xf32>
    %add3A_17 = arith.addf %squeeze3A_14, %squeeze3A_16 : vector<1000x64xf32>
    %get3A_18 = arith.constant 0 : index
    %get3A_19 = arith.constant 0 : index
    %get3A_20 = vector.load %arg2[%get3A_18, %get3A_19] : memref<1000x64xbf16, #tpu.memory_space<vmem>>, vector<1000x64xbf16>
    %convert_element_type3A_21 = arith.extf %get3A_20 : vector<1000x64xbf16> to vector<1000x64xf32>
    %sub3A_22 = arith.subf %add3A_17, %convert_element_type3A_21 : vector<1000x64xf32>
    %mul3A = vector.broadcast %rsqrt3A : vector<1000x1xf32> to vector<1000x64xf32>
    %mul3A_23 = arith.mulf %mul3A, %sub3A_22 : vector<1000x64xf32>
    %get3A_24 = arith.constant 0 : index
    %get3A_25 = arith.constant 0 : index
    %get3A_26 = vector.load %arg3[%get3A_24, %get3A_25] : memref<1x64xf32, #tpu.memory_space<vmem>>, vector<1x64xf32>
    %add3A_27 = vector.broadcast %get3A_26 : vector<1x64xf32> to vector<1000x64xf32>
    %add3A_28 = arith.addf %mul3A_23, %add3A_27 : vector<1000x64xf32>
    %reduce_max3A = arith.constant dense<0xFF800000> : vector<1000xf32>
    %reduce_max3A_29 = vector.multi_reduction <maximumf>, %add3A_28, %reduce_max3A [1] : vector<1000x64xf32> to vector<1000xf32>
    %broadcast_in_dim3A = vector.shape_cast %reduce_max3A_29 : vector<1000xf32> to vector<1000x1xf32>
    %sub3A_30 = vector.broadcast %broadcast_in_dim3A : vector<1000x1xf32> to vector<1000x64xf32>
    %sub3A_31 = arith.subf %add3A_28, %sub3A_30 : vector<1000x64xf32>
    %exp3A = math.exp %sub3A_31 : vector<1000x64xf32>
    %reduce_sum3A = arith.constant dense<0.000000e+00> : vector<1000xf32>
    %reduce_sum3A_32 = vector.multi_reduction <add>, %exp3A, %reduce_sum3A [1] : vector<1000x64xf32> to vector<1000xf32>
    %broadcast_in_dim3A_33 = vector.shape_cast %reduce_sum3A_32 : vector<1000xf32> to vector<1000x1xf32>
    %div3A = vector.broadcast %broadcast_in_dim3A_33 : vector<1000x1xf32> to vector<1000x64xf32>
    %div3A_34 = arith.divf %exp3A, %div3A : vector<1000x64xf32>
    %swap3A = arith.constant 0 : index
    %swap3A_35 = arith.constant 0 : index
    %swap3A_36 = vector.load %arg5[%swap3A, %swap3A_35] : memref<1000x64xf32, #tpu.memory_space<vmem>>, vector<1000x64xf32>
    tpu.vector_store %arg5[%swap3A, %swap3A_35], %div3A_34 {strides = array<i32>} : memref<1000x64xf32, #tpu.memory_space<vmem>>, vector<1000x64xf32>,
    return
  }
  func.func @transform_0(%arg0: i32) -> (i32, i32, i32) {
    %c0_i32 = arith.constant 0 : i32
    %c0_i32_0 = arith.constant 0 : i32
    %c0_i32_1 = arith.constant 0 : i32
    return %c0_i32, %arg0, %c0_i32_0 : i32, i32, i32
  }
  func.func @transform_1(%arg0: i32) -> (i32, i32) {
    %c0_i32 = arith.constant 0 : i32
    %c0_i32_0 = arith.constant 0 : i32
    return %arg0, %c0_i32 : i32, i32
  }
  func.func @transform_2(%arg0: i32) -> (i32, i32) {
    %c0_i32 = arith.constant 0 : i32
    %c0_i32_0 = arith.constant 0 : i32
    %c0_i32_1 = arith.constant 0 : i32
    return %c0_i32, %c0_i32_0 : i32, i32
  }
  func.func @transform_3(%arg0: i32) -> (i32, i32, i32) {
    %c0_i32 = arith.constant 0 : i32
    %c0_i32_0 = arith.constant 0 : i32
    %c0_i32_1 = arith.constant 0 : i32
    return %c0_i32, %arg0, %c0_i32_0 : i32, i32, i32
  }
  func.func @transform_4(%arg0: i32) -> (i32, i32) {
    %c0_i32 = arith.constant 0 : i32
    %c0_i32_0 = arith.constant 0 : i32
    return %arg0, %c0_i32 : i32, i32
  }
}

</mosaic_0001>

<sc_bundles>
// kernel: kernel.12.cloned.1.call-start
scs
__scs_entry_jumppad:
0x0: {  	(pc) =	sbr.rel $0x88, $3  }
0x1: {  	(tag) =	ssettag $0x0;
	lr =	simm.s32 $0x1  }
0x2: {  	[smem:$0x3F97] =	sst lr;
	_ =	strace $0xD0000000  }
0x3: {  	_ = 	snop  }
0x4: {  	_ = 	snop  }
0x5: {  	_ = 	snop  }
0x6: {  	_ = 	snop  }
0x7: {  	_ = 	snop  }
__scs_overlays_trampoline_lowered:
0x8: {  	[smem:$0x3FA6] =	sst s0  }
0x9: {  	[smem:$0x3FA7] =	sst s1  }
0xa: {  	[smem:$0x3FA8] =	sst s2  }
0xb: {  	[smem:$0x3FA9] =	sst s3  }
0xc: {  	[smem:$0x3FAA] =	sst s4  }
0xd: {  	[smem:$0x3FAB] =	sst s5  }
0xe: {  	[smem:$0x3FAC] =	sst s6  }
0xf: {  	[smem:$0x3FAD] =	sst s7  }
0x10: {  	[smem:$0x3FAE] =	sst s8  }
0x11: {  	[smem:$0x3FAF] =	sst s9;
	s0 =	simm.s32 @!p0 $0x0  }
0x12: {  	s1 =	sld [smem:$0x3F95];
	s0 =	simm.s32 @p0 $0x1  }
0x13: {  	[smem:$0x3FB0] =	sst s0;
	s0 =	simm.s32 @!p1 $0x0  }
0x14: {  	s2 =	sld [smem:$0x3F94];
	s0 =	simm.s32 @p1 $0x1  }
0x15: {  	[smem:$0x3FB1] =	sst s0;
	s0 =	simm.s32 @!p2 $0x0  }
0x16: {  	s3 =	sld [smem:$0x3FDB];
	s0 =	simm.s32 @p2 $0x1  }
0x17: {  	s4 =	simm.s32 $0x1BF5;
	[smem:$0x3FB3] =	sst s0  }
0x18: {  	s0 =	sld [smem:$0x3F96];
	_ =	swait.ge [sflag:s4], $0x0  }
0x19: {  	s7 =	sld [smem:$0x3F97]  }
0x1a: {  	s8 =	sadd.s32 $0xFFFFE003, lr  }
0x1b: {  	s9 =	sadd.s32 $0xFFFFFEF7, lr;
	s5 =	simm.s32 $0xFFFFFFFF;
	p2 =	slt.u32 s8, $0xFFFFF086  }
0x1c: {  	p1 =	slt.u32 s9, $0xF7A;
	s5 =	simm.s32 @!p2 $0x0  }
0x1d: {  	s5 =	simm.s32 @p1 $0x1;
	p0 =	seq.s32 s7, s2  }
0x1e: {  	s7 =	smul.u32 @!p0 $0xF7A, s2;
	p2 =	seq.s32 @!p0 s5, $0x0  }
0x1f: {  	s9 =	smul.u32 $0xF7A, s1;
	s8 =	simm.s32 @!p0 $0x1BF5;
	p2 =	por !p2, p0  }
0x20: {  	[sflag:s8] =	ssyncset.s32 @!p0 $0xFFFFF086;
	s6 =	sadd.s32 @!p0 s3, s7;
	s7 =	simm.s32 @!p0 $0x108  }
0x21: {  	s3 =	sadd.s32 s3, s9;
	s6 =	sadd.s32 @!p0 $0x88, s6;
	s7 =	simm.s32 @p2 $0x1082  }
0x22: {  	[simem:s7], [sflag:s8] =	dma.local @!p0 [hbm:s6], $0xF7A  }
0x23: {  	s9 =	sor.u32 $0xD0000000, s2;
	s6 =	simm.s32 $0x108;
	_ =	swait.ge @!p0 [sflag:s8], $0x0  }
0x24: {  	s3 =	sadd.s32 $0x88, s3;
	s6 =	simm.s32 @!p1 $0x1082;
	[sflag:s4] =	ssyncset.s32 $0xFFFFF086  }
0x25: {  	[simem:s6], [sflag:s4] =	dma.local [hbm:s3], $0xF7A  }
0x26: {  	[smem:$0x3F97] =	sst s1;
	(tag) =	ssettag s2;
	_ =	strace s9  }
0x27: {  	s1 =	sld [smem:$0x3FA7]  }
0x28: {  	s2 =	sld [smem:$0x3FA8]  }
0x29: {  	s4 =	sld [smem:$0x3FAA]  }
0x2a: {  	p0 =	seq.s32 s5, $0x0;
	s5 =	sld [smem:$0x3FAB]  }
0x2b: {  	s6 =	sld [smem:$0x3FAC]  }
0x2c: {  	s7 =	sld [smem:$0x3FAD]  }
0x2d: {  	s3 =	simm.s32 $0x108;
	s8 =	sld [smem:$0x3FAE]  }
0x2e: {  	s3 =	simm.s32 @!p0 $0x1082;
	s9 =	sld [smem:$0x3FAF]  }
0x2f: {  	lr =	sadd.s32 s0, s3;
	s0 =	sld [smem:$0x3FA6]  }
0x30: {  	s3 =	sld [smem:$0x3FA9]  }
0x31: {  	[smem:$0x3FB2] =	sst s10  }
0x32: {  	s10 =	sld [smem:$0x3FB0];
	_ =	sdelay $0x3  }
0x33: {  	p0 =	seq.s32 s10, $0x1;
	s10 =	sld [smem:$0x3FB2];
	_ =	sdelay $0x3  }
0x34: {  	[smem:$0x3FB2] =	sst s10  }
0x35: {  	s10 =	sld [smem:$0x3FB1];
	_ =	sdelay $0x3  }
0x36: {  	p1 =	seq.s32 s10, $0x1;
	s10 =	sld [smem:$0x3FB2];
	_ =	sdelay $0x3  }
0x37: {  	[smem:$0x3FB2] =	sst s10  }
0x38: {  	s10 =	sld [smem:$0x3FB3]  }
0x39: {  	_ = 	snop;
	(pc) =	sbr.ind lr, $3  }
0x3a: {  	_ = 	snop  }
0x3b: {  	_ = 	snop  }
0x3c: {  	p2 =	seq.s32 s10, $0x1;
	s10 =	sld [smem:$0x3FB2]  }
0x3d: {  	_ =	shalt  }
0x3e: {  	_ =	shalt  }
0x3f: {  	_ =	shalt  }
0x40: {  	_ =	shalt  }
0x41: {  	_ =	shalt  }
0x42: {  	_ =	shalt  }
0x43: {  	_ =	shalt  }
0x44: {  	_ =	shalt  }
0x45: {  	_ =	shalt  }
0x46: {  	_ =	shalt  }
0x47: {  	_ =	shalt  }
0x48: {  	_ =	shalt  }
0x49: {  	_ =	shalt  }
0x4a: {  	_ =	shalt  }
0x4b: {  	_ =	shalt  }
0x4c: {  	_ =	shalt  }
0x4d: {  	_ =	shalt  }
0x4e: {  	_ =	shalt  }
0x4f: {  	_ =	shalt  }
0x50: {  	_ =	shalt  }
0x51: {  	_ =	shalt  }
0x52: {  	_ =	shalt  }
0x53: {  	_ =	shalt  }
0x54: {  	_ =	shalt  }
0x55: {  	_ =	shalt  }
0x56: {  	_ =	shalt  }
0x57: {  	_ =	shalt  }
0x58: {  	_ =	shalt  }
0x59: {  	_ =	shalt  }
0x5a: {  	_ =	shalt  }
0x5b: {  	_ =	shalt  }
0x5c: {  	_ =	shalt  }
0x5d: {  	_ =	shalt  }
0x5e: {  	_ =	shalt  }
0x5f: {  	_ =	shalt  }
0x60: {  	_ =	shalt  }
0x61: {  	_ =	shalt  }
0x62: {  	_ =	shalt  }
0x63: {  	_ =	shalt  }
0x64: {  	_ =	shalt  }
0x65: {  	_ =	shalt  }
0x66: {  	_ =	shalt  }
0x67: {  	_ =	shalt  }
0x68: {  	_ =	shalt  }
0x69: {  	_ =	shalt  }
0x6a: {  	_ =	shalt  }
0x6b: {  	_ =	shalt  }
0x6c: {  	_ =	shalt  }
0x6d: {  	_ =	shalt  }
0x6e: {  	_ =	shalt  }
0x6f: {  	_ =	shalt  }
0x70: {  	_ =	shalt  }
0x71: {  	_ =	shalt  }
0x72: {  	_ =	shalt  }
0x73: {  	_ =	shalt  }
0x74: {  	_ =	shalt  }
0x75: {  	_ =	shalt  }
0x76: {  	_ =	shalt  }
0x77: {  	_ =	shalt  }
0x78: {  	_ =	shalt  }
0x79: {  	_ =	shalt  }
0x7a: {  	_ =	shalt  }
0x7b: {  	_ =	shalt  }
0x7c: {  	_ =	shalt  }
0x7d: {  	_ =	shalt  }
0x7e: {  	_ =	shalt  }
0x7f: {  	_ =	shalt  }
0x80: {  	_ =	shalt  }
0x81: {  	_ =	shalt  }
0x82: {  	_ =	shalt  }
0x83: {  	_ =	shalt  }
0x84: {  	_ =	shalt  }
0x85: {  	_ =	shalt  }
0x86: {  	_ =	shalt  }
0x87: {  	_ =	shalt  }
.Lfunc_end0:
.L_simem_size_0:
called_computation_lowered:
.L_overlay_start_0:
0x88: {  	s2 =	sld [smem:$0x3FD9]  }
0x89: {  	s3 =	sld [smem:$0x3FFE];
	_ =	sdelay $0x1  }
0x8a: {  	s1 =	srdreg.scid  }
0x8b: {  	s0 =	sand.u32 $0x1, s1  }
0x8c: {  	s17 =	sshll.u32 s0, $0xA;
	s2 =	sadd.s32 s3, s2  }
0x8d: {  	s2 =	sadd.s32 s2, s17  }
0x8e: {  	[smem:$0x3FBE] =	sst s2  }
0x8f: {  	_ = 	snop  }
0x90: {  	s2 =	sld [smem:$0x3FD0];
	(tm) =	ssettm $0x1  }
0x91: {  	s18 =	sld [smem:$0x3FFB];
	_ =	sdelay $0x3  }
0x92: {  	_ =	strace s18  }
0x93: {  	s3 =	sld [smem:$0x3FFC];
	_ =	sdelay $0x3  }
0x94: {  	_ =	strace s3  }
0x95: {  	s3 =	sld [smem:$0x3FFD];
	_ =	sdelay $0x3  }
0x96: {  	_ =	strace s3  }
0x97: {  	_ =	strace $0x8FFFFFFF  }
0x98: {  	s19 =	sld [smem:$0x3FDB];
	_ =	sdelay $0x1  }
0x99: {  	s4 =	simm.s32 $_scs_section_size  }
0x9a: {  	s5 =	simm.s32 $_size__tile_overlayer_lowered;
	s6 =	simm.s32 $_tile_overlayer_lowered  }
0x9b: {  	s22 =	simm.s32 $0x1BFF;
	s21 =	sshll.u32 s6, $0x1;
	s3 =	sadd.s32 s4, s19  }
0x9c: {  	s7 =	simm.s32 $0x0;
	s20 =	sshll.u32 s5, $0x1;
	s5 =	sadd.s32 s21, s3  }
0x9d: {  	[timem:s7], [sflag:s22] =	dma.local [hbm:s5], s20  }
0x9e: {  	_ =	swait.ge [sflag:s22], s20  }
0x9f: {  	s4 =	ssub.s32 $0x0, s20;
	[sflag:s22] =	ssyncset.done $0x0  }
0xa0: {  	[sflag:s22] =	ssyncadd.s32 s4;
	_ =	sdelay $0x1  }
0xa1: {  	s23 =	simm.s32 $0x1B8B  }
0xa2: {  	_ =	swait.ge [sflag:s23], $0x1  }
0xa3: {  	[sflag:s23] =	ssyncset.done $0x0  }
0xa4: {  	s25 =	simm.s32 $0x1B8E;
	s24 =	sld [smem:$0x3FFE];
	[sflag:s23] =	ssyncadd.s32 $0xFFFFFFFF  }
0xa5: {  	s26 =	simm.s32 $execute0_lowered;
	[smem:$0x3FD2] =	sst s25  }
0xa6: {  	s5 =	sshll.u32 s26, $0x1;
	_ =	strace $0x80000046;
	[dreg:$0x1] =	wrdreg $0xFFFFFFFF  }
0xa7: {  	s28 =	simm.s32 $_size_execute0_lowered;
	s3 =	sadd.s32 s3, s5;
	[dreg:$0x0] =	wrdreg $0x0  }
0xa8: {  	s5 =	sshll.u32 s28, $0x1;
	[dreg:$0x2] =	wrdreg s3  }
0xa9: {  	[dreg:$0x3] =	wrdreg s5  }
0xaa: {  	[dreg:$0x4] =	wrdreg $0xC0  }
0xab: {  	_ =	task [dreg:s7], $0x5FFFF  }
0xac: {  	[dreg:$0x1] =	wrdreg $0xFFFFFFFF  }
0xad: {  	[dreg:$0x0] =	wrdreg $0x60  }
0xae: {  	[dreg:$0x2] =	wrdreg s24  }
0xaf: {  	[dreg:$0x3] =	wrdreg s2  }
0xb0: {  	[dreg:$0x4] =	wrdreg $0x29900  }
0xb1: {  	[dreg:$0x5] =	wrdreg $0x9  }
0xb2: {  	_ =	task.clear_ibuf [dreg:s7], $0x6FFFF;
	_ =	strace $0x90000046  }
0xb3: {  	s29 =	simm.s32 $0x9;
	_ =	strace $0x80000048  }
0xb4: {  	_ =	swait.ge [sflag:s29], $0x1  }
0xb5: {  	[sflag:s29] =	ssyncadd.s32 $0xFFFFFFFF  }
0xb6: {  	_ =	strace $0x90000048  }
0xb7: {  	_ =	sfence  }
0xb8: {  	s30 =	sld [smem:$0x0];
	_ =	sdelay $0x2  }
0xb9: {  	s31 =	sshll.u32 s1, $0xD;
	s1 =	sshrl.u32 s1, $0x2  }
0xba: {  	s3 =	sand.u32 $0x4000, s31;
	s1 =	sadd.s32 s1, s30  }
0xbb: {  	s0 =	sor.u32 s3, s0;
	s1 =	sshll.u32 s1, $0x11  }
0xbc: {  	s0 =	sor.u32 s1, s0  }
0xbd: {  	s0 =	sadd.s32 $0x8F2B, s0  }
0xbe: {  	[sflag:s0] =	ssyncadd.remote.s32 $0x1  }
0xbf: {  	_ =	sfence.sel $0xFFFF  }
0xc0: {  	[dreg:$0x0] =	wrdreg $0xFFFFFFFF;
	(pc) =	sbr.abs _section_cstart, $3  }
0xc1: {  	[dreg:$0x1] =	wrdreg $0xFFFFFFFF  }
0xc2: {  	_ =	task.clear_ibuf [dreg:s7], $0x2FFFF;
	_ =	strace $0x9FFFFFFF  }
0xc3: {  	(tm) =	ssettm $0x7FFFFFFF  }
tec
execute0_lowered:
.L_overlay_start_1:
0x0: {  	(tag) =	ssettag $0x1  }
0x1: {  	s7 =	rddreg [dreg:$0x0]  }
0x2: {  	s8 =	rddreg [dreg:$0x1]  }
0x3: {  	s1 =	rddreg [dreg:$0x2]  }
0x4: {  	s2 =	srdreg.scid;
	s0 =	rddreg [dreg:$0x3]  }
0x5: {  	s3 =	simm.s32 $0x0;
	s12 =	simm.s32 $0x2710;
	s16 =	simm.s32 $0x28  }
0x6: {  	s17 =	simm.s32 $0x50;
	s18 =	simm.s32 $0x78;
	s19 =	simm.s32 $0xA0  }
0x7: {  	s20 =	simm.s32 $0x1;
	s21 =	simm.s32 $0x2;
	s22 =	simm.s32 $0x3  }
0x8: {  	s23 =	simm.s32 $0x4;
	s24 =	simm.s32 $0x5;
	s25 =	simm.s32 $0x0  }
0x9: {  	s5 =	sand.u32 $0x1, s2;
	s2 =	stileid.u32;
	[smem:$0x7FF] =	sst s3  }
0xa: {  	s13 =	sadd.s32 $0x25080, s1;
	s4 =	sshll.u32 s5, $0x4;
	s11 =	smul.u32 $0x2780, s2  }
0xb: {  	_ =	strace $0x80000047;
	s9 =	ssub.s32 $0x2, s5;
	s30 =	smul.u32 $0x27100, s5  }
0xc: {  	p0 =	seq.s32 s2, $0xF;
	s4 =	sor.u32 s2, s4;
	s10 =	sshrl.u32 s9, $0x1  }
0xd: {  	s13 =	sshrl.u32 @p0 s13, $0x3;
	s14 =	sshll.u32 @!p0 s2, $0x6;
	s6 =	smul.u32 $0x4E2, s4  }
0xe: {  	s4 =	sadd.s32 $0x16200, s7;
	s10 =	ssub.s32 s9, s10;
	s15 =	sadd.s32 s11, s1  }
0xf: {  	s31 =	sshrl.u32 s11, $0x3;
	s11 =	sadd.s32 s11, s30;
	s9 =	sshrl.u32 s30, $0x3  }
0x10: {  	s14 =	sor.u32 @!p0 $0x1C06, s14;
	s11 =	sshrl.u32 s11, $0x3;
	s9 =	sadd.s32 s8, s9  }
0x11: {  	s10 =	smax.u32 s10, $0x1;
	s15 =	sshrl.u32 @!p0 s15, $0x3;
	s6 =	sadd.s32 s6, s7  }
0x12: {  	s7 =	sadd.s32 $0x1AC10, s7;
	s8 =	sadd.s32 s8, s11;
	s9 =	sadd.s32 $0x4A10, s9  }
0x13: {  	s11 =	simm.s32 $0x6;
	s5 =	sadd.s32 $0xC400, s6;
	s6 =	sadd.s32 s4, s31  }
.LBB2_1:
0x14: {  	[tilespmem:s3], [sflag:$0x6] =	stream.linear.gather [hbm4b:s5+s3], $0x2710, $0x38;
	[tilespmem:$0x50A0] =	vst v63  }
0x15: {  	_ =	swait.ge [sflag:s11], $0x2710  }
0x16: {  	[sflag:s11] =	ssyncset.done $0x0  }
0x17: {  	[sflag:s11] =	ssyncadd.s32 $0xFFFFD8F0  }
0x18: {  	[tilespmem:s12], [sflag:$0x6] =	stream.linear.gather [hbm4b:s4+s3], $0x280, $0x38;
	[tilespmem:$0x50A0] =	vst v63  }
0x19: {  	_ =	swait.ge [sflag:s11], $0x280  }
0x1a: {  	[sflag:s11] =	ssyncset.done $0x0  }
0x1b: {  	s26 =	simm.s32 @p0 $0x1FC6;
	[sflag:s11] =	ssyncadd.s32 $0xFFFFFD80  }
0x1c: {  	[spmem:s13], [sflag:s26] =	dma.local @p0 [hbm:s7], $0x410  }
0x1d: {  	s26 =	simm.s32 @p0 $0x6  }
0x1e: {  	_ =	swait.ge @p0 [sflag:s26], $0x410  }
0x1f: {  	[sflag:s26] =	ssyncset.done @p0 $0x0  }
0x20: {  	[sflag:s26] =	ssyncadd.s32 @p0 $0xFFFFFBF0;
	s26 =	simm.s32 @!p0 $0x6  }
0x21: {  	[spmem:s15], [sflag:s14] =	dma.local @!p0 [hbm:s6], $0x4F0  }
0x22: {  	_ =	swait.ge @!p0 [sflag:s26], $0x4F0  }
0x23: {  	[sflag:s26] =	ssyncset.done @!p0 $0x0  }
0x24: {  	[sflag:s26] =	ssyncadd.s32 @!p0 $0xFFFFFB10  }
0x25: {  	[bflag:$0x0] =	sbarrier.arrive $0xFFFF  }
0x26: {  	[spmem:s1] =	stream.indirect.scatter.add.f32 [tilespmem:s12], [sflag:$0x1], $0x10, s3, s16, $0xb8;
	[tilespmem:$0x50A0] =	vst v63  }
0x27: {  	_ = 	snop  }
0x28: {  	[spmem:s1] =	stream.indirect.scatter.add.f32 [tilespmem:s12], [sflag:$0x2], $0x10, s16, s16, $0xb8;
	[tilespmem:$0x50A0] =	vst v63  }
0x29: {  	_ = 	snop  }
0x2a: {  	[spmem:s1] =	stream.indirect.scatter.add.f32 [tilespmem:s12], [sflag:$0x3], $0x10, s17, s16, $0xb8;
	[tilespmem:$0x50A0] =	vst v63  }
0x2b: {  	_ = 	snop  }
0x2c: {  	[spmem:s1] =	stream.indirect.scatter.add.f32 [tilespmem:s12], [sflag:$0x4], $0x10, s18, s16, $0xb8;
	[tilespmem:$0x50A0] =	vst v63  }
0x2d: {  	_ = 	snop  }
0x2e: {  	[spmem:s1] =	stream.indirect.scatter.add.f32 [tilespmem:s12], [sflag:$0x5], $0x10, s19, s16, $0xb8;
	[tilespmem:$0x50A0] =	vst v63  }
0x2f: {  	_ =	swait.ge [sflag:s20], $0x280  }
0x30: {  	[sflag:s20] =	ssyncset.done $0x0  }
0x31: {  	s31 =	simm.s32 $0xC8;
	[sflag:s20] =	ssyncadd.s32 $0xFFFFFD80  }
0x32: {  	[spmem:s1] =	stream.indirect.scatter.add.f32 [tilespmem:s12], [sflag:$0x1], $0x10, s31, s16, $0xb8;
	[tilespmem:$0x50A0] =	vst v63  }
0x33: {  	_ =	swait.ge [sflag:s21], $0x280  }
0x34: {  	[sflag:s21] =	ssyncset.done $0x0  }
0x35: {  	s29 =	simm.s32 $0xF0;
	[sflag:s21] =	ssyncadd.s32 $0xFFFFFD80  }
0x36: {  	[spmem:s1] =	stream.indirect.scatter.add.f32 [tilespmem:s12], [sflag:$0x2], $0x10, s29, s16, $0xb8;
	[tilespmem:$0x50A0] =	vst v63  }
0x37: {  	_ =	swait.ge [sflag:s22], $0x280  }
0x38: {  	[sflag:s22] =	ssyncset.done $0x0  }
0x39: {  	s30 =	simm.s32 $0x118;
	[sflag:s22] =	ssyncadd.s32 $0xFFFFFD80  }
0x3a: {  	[spmem:s1] =	stream.indirect.scatter.add.f32 [tilespmem:s12], [sflag:$0x3], $0x10, s30, s16, $0xb8;
	[tilespmem:$0x50A0] =	vst v63  }
0x3b: {  	_ =	swait.ge [sflag:s23], $0x280  }
0x3c: {  	[sflag:s23] =	ssyncset.done $0x0  }
0x3d: {  	s31 =	simm.s32 $0x140;
	[sflag:s23] =	ssyncadd.s32 $0xFFFFFD80  }
0x3e: {  	[spmem:s1] =	stream.indirect.scatter.add.f32 [tilespmem:s12], [sflag:$0x4], $0x10, s31, s16, $0xb8;
	[tilespmem:$0x50A0] =	vst v63  }
0x3f: {  	_ =	swait.ge [sflag:s24], $0x280  }
0x40: {  	[sflag:s24] =	ssyncset.done $0x0  }
0x41: {  	s28 =	simm.s32 $0x168;
	s26 =	simm.s32 $0xFFFF6A00;
	[sflag:s24] =	ssyncadd.s32 $0xFFFFFD80  }
.LBB2_2:
0x42: {  	[spmem:s1] =	stream.indirect.scatter.add.f32 [tilespmem:s12], [sflag:$0x5], $0x10, s28, s16, $0xb8;
	[tilespmem:$0x50A0] =	vst v63  }
0x43: {  	s28 =	smov.u32 s26  }
0x44: {  	p1 =	sne.s32 s26, $0xFFFFFCE0;
	s26 =	sadd.s32 $0x320, s26;
	_ =	swait.ge [sflag:s20], $0x280  }
0x45: {  	s28 =	sshra.s32 s28, $0x2;
	[sflag:s20] =	ssyncset.done $0x0  }
0x46: {  	s29 =	sadd.s32 $0x2710, s28;
	[sflag:s20] =	ssyncadd.s32 $0xFFFFFD80  }
0x47: {  	[spmem:s1] =	stream.indirect.scatter.add.f32 [tilespmem:s12], [sflag:$0x1], $0x10, s29, s16, $0xb8;
	[tilespmem:$0x50A0] =	vst v63  }
0x48: {  	_ =	swait.ge [sflag:s21], $0x280  }
0x49: {  	[sflag:s21] =	ssyncset.done $0x0  }
0x4a: {  	s29 =	sadd.s32 $0x2738, s28;
	[sflag:s21] =	ssyncadd.s32 $0xFFFFFD80  }
0x4b: {  	[spmem:s1] =	stream.indirect.scatter.add.f32 [tilespmem:s12], [sflag:$0x2], $0x10, s29, s16, $0xb8;
	[tilespmem:$0x50A0] =	vst v63  }
0x4c: {  	_ =	swait.ge [sflag:s22], $0x280  }
0x4d: {  	[sflag:s22] =	ssyncset.done $0x0  }
0x4e: {  	s29 =	sadd.s32 $0x2760, s28;
	[sflag:s22] =	ssyncadd.s32 $0xFFFFFD80  }
0x4f: {  	[spmem:s1] =	stream.indirect.scatter.add.f32 [tilespmem:s12], [sflag:$0x3], $0x10, s29, s16, $0xb8;
	[tilespmem:$0x50A0] =	vst v63  }
0x50: {  	_ =	swait.ge [sflag:s23], $0x280  }
0x51: {  	[sflag:s23] =	ssyncset.done $0x0  }
.Ltmp0:
0x52: {  	s29 =	sadd.s32 $0x2788, s28;
	[sflag:s23] =	ssyncadd.s32 $0xFFFFFD80;
	(pc) =	sbr.rel @p1 .LBB2_2-.Ltmp0, $4  }
0x53: {  	[spmem:s1] =	stream.indirect.scatter.add.f32 [tilespmem:s12], [sflag:$0x4], $0x10, s29, s16, $0xb8;
	[tilespmem:$0x50A0] =	vst v63  }
0x54: {  	_ =	swait.ge [sflag:s24], $0x280  }
0x55: {  	[sflag:s24] =	ssyncset.done $0x0  }
0x56: {  	s28 =	sadd.s32 $0x27B0, s28;
	[sflag:s24] =	ssyncadd.s32 $0xFFFFFD80  }
0x57: {  	[spmem:s1] =	stream.indirect.scatter.add.f32 [tilespmem:s12], [sflag:$0x5], $0x10, s28, s16, $0xb8;
	[tilespmem:$0x50A0] =	vst v63  }
0x58: {  	_ =	swait.ge [sflag:s20], $0x280  }
0x59: {  	[sflag:s20] =	ssyncset.done $0x0  }
0x5a: {  	[sflag:s20] =	ssyncadd.s32 $0xFFFFFD80  }
0x5b: {  	_ =	swait.ge [sflag:s21], $0x280  }
0x5c: {  	[sflag:s21] =	ssyncset.done $0x0  }
0x5d: {  	[sflag:s21] =	ssyncadd.s32 $0xFFFFFD80  }
0x5e: {  	_ =	swait.ge [sflag:s22], $0x280  }
0x5f: {  	[sflag:s22] =	ssyncset.done $0x0  }
0x60: {  	[sflag:s22] =	ssyncadd.s32 $0xFFFFFD80  }
0x61: {  	_ =	swait.ge [sflag:s23], $0x280  }
0x62: {  	[sflag:s23] =	ssyncset.done $0x0  }
0x63: {  	[sflag:s23] =	ssyncadd.s32 $0xFFFFFD80  }
0x64: {  	_ =	swait.ge [sflag:s24], $0x280  }
0x65: {  	[sflag:s24] =	ssyncset.done $0x0  }
0x66: {  	[sflag:s24] =	ssyncadd.s32 $0xFFFFFD80  }
0x67: {  	s26 =	simm.s32 @p0 $0x1FC6;
	[bflag:$0x0] =	sbarrier.arrive $0xFFFF  }
0x68: {  	[hbm:s9], [sflag:s26] =	dma.local @p0 [spmem:s13], $0x410  }
0x69: {  	s26 =	simm.s32 @p0 $0x6  }
0x6a: {  	s25 =	sadd.s32 $0x1, s25;
	_ =	swait.ge @p0 [sflag:s26], $0x410  }
0x6b: {  	p1 =	sne.s32 s25, s10;
	[sflag:s26] =	ssyncset.done @p0 $0x0  }
.Ltmp1:
0x6c: {  	[sflag:s26] =	ssyncadd.s32 @p0 $0xFFFFFBF0;
	s26 =	simm.s32 @!p0 $0x6;
	(pc) =	sbr.rel @p1 .LBB2_1-.Ltmp1, $4  }
0x6d: {  	[hbm:s8], [sflag:s14] =	dma.local @!p0 [spmem:s15], $0x4F0  }
0x6e: {  	_ =	swait.ge @!p0 [sflag:s26], $0x4F0  }
0x6f: {  	[sflag:s26] =	ssyncset.done @!p0 $0x0  }
0x70: {  	[sflag:s26] =	ssyncadd.s32 @!p0 $0xFFFFFB10  }
0x71: {  	_ =	sfence.sel $0x180000  }
0x72: {  	[bflag:$0x0] =	sbarrier.arrive $0xFFFF  }
0x73: {  	p0 =	sne.s32 s2, $0x0;
	_ =	strace $0x90000047  }
0x74: {  	s0 =	sadd.s32 @!p0 $0x100000, s0;
	[bflag:$0x2] =	sbarrier.arrive $0xFFFF  }
0x75: {  	[sflag:s0] =	ssyncadd.tile.s32 @!p0 $0x1;
	_ =	shalt  }
.Lfunc_end2:
_tile_overlayer_lowered:
.L_overlay_start_2:
0x76: {  	(tag) =	ssettag $0x2  }
0x77: {  	s0 =	rddreg [dreg:$0x0];
	s2 =	stileid.u32  }
0x78: {  	s1 =	rddreg [dreg:$0x1];
	p0 =	sne.s32 s2, $0x0  }
0x79: {  	s3 =	rddreg [dreg:$0x2];
	[bflag:$0x3] =	sbarrier.arrive $0xFFFF;
	s2 =	simm.s32 @!p0 $0x1C06  }
0x7a: {  	[timem:s3], [sflag:s2] =	dma.local @!p0 [hbm:s0], s1  }
0x7b: {  	s0 =	simm.s32 @!p0 $0x6  }
0x7c: {  	_ =	swait.ge @!p0 [sflag:s0], s1  }
0x7d: {  	s1 =	ssub.s32 @!p0 $0x0, s1;
	[sflag:s0] =	ssyncset.done @!p0 $0x0  }
0x7e: {  	[sflag:s0] =	ssyncadd.s32 @!p0 s1  }
0x7f: {  	[bflag:$0x3] =	sbarrier.arrive $0xFFFF  }
0x80: {  	_ =	shalt  }

// kernel: kernel.15.cloned.1.call-start
scs
__scs_entry_jumppad:
0x0: {  	(pc) =	sbr.rel $0x88, $3  }
0x1: {  	(tag) =	ssettag $0x0;
	lr =	simm.s32 $0x1  }
0x2: {  	[smem:$0x3F97] =	sst lr;
	_ =	strace $0xD0000000  }
0x3: {  	_ = 	snop  }
0x4: {  	_ = 	snop  }
0x5: {  	_ = 	snop  }
0x6: {  	_ = 	snop  }
0x7: {  	_ = 	snop  }
__scs_overlays_trampoline_lowered:
0x8: {  	[smem:$0x3FA6] =	sst s0  }
0x9: {  	[smem:$0x3FA7] =	sst s1  }
0xa: {  	[smem:$0x3FA8] =	sst s2  }
0xb: {  	[smem:$0x3FA9] =	sst s3  }
0xc: {  	[smem:$0x3FAA] =	sst s4  }
0xd: {  	[smem:$0x3FAB] =	sst s5  }
0xe: {  	[smem:$0x3FAC] =	sst s6  }
0xf: {  	[smem:$0x3FAD] =	sst s7  }
0x10: {  	[smem:$0x3FAE] =	sst s8  }
0x11: {  	[smem:$0x3FAF] =	sst s9;
	s0 =	simm.s32 @!p0 $0x0  }
0x12: {  	s1 =	sld [smem:$0x3F95];
	s0 =	simm.s32 @p0 $0x1  }
0x13: {  	[smem:$0x3FB0] =	sst s0;
	s0 =	simm.s32 @!p1 $0x0  }
0x14: {  	s2 =	sld [smem:$0x3F94];
	s0 =	simm.s32 @p1 $0x1  }
0x15: {  	[smem:$0x3FB1] =	sst s0;
	s0 =	simm.s32 @!p2 $0x0  }
0x16: {  	s3 =	sld [smem:$0x3FDB];
	s0 =	simm.s32 @p2 $0x1  }
0x17: {  	s4 =	simm.s32 $0x1BF5;
	[smem:$0x3FB3] =	sst s0  }
0x18: {  	s0 =	sld [smem:$0x3F96];
	_ =	swait.ge [sflag:s4], $0x0  }
0x19: {  	s7 =	sld [smem:$0x3F97]  }
0x1a: {  	s8 =	sadd.s32 $0xFFFFE003, lr  }
0x1b: {  	s9 =	sadd.s32 $0xFFFFFEF7, lr;
	s5 =	simm.s32 $0xFFFFFFFF;
	p2 =	slt.u32 s8, $0xFFFFF086  }
0x1c: {  	p1 =	slt.u32 s9, $0xF7A;
	s5 =	simm.s32 @!p2 $0x0  }
0x1d: {  	s5 =	simm.s32 @p1 $0x1;
	p0 =	seq.s32 s7, s2  }
0x1e: {  	s7 =	smul.u32 @!p0 $0xF7A, s2;
	p2 =	seq.s32 @!p0 s5, $0x0  }
0x1f: {  	s9 =	smul.u32 $0xF7A, s1;
	s8 =	simm.s32 @!p0 $0x1BF5;
	p2 =	por !p2, p0  }
0x20: {  	[sflag:s8] =	ssyncset.s32 @!p0 $0xFFFFF086;
	s6 =	sadd.s32 @!p0 s3, s7;
	s7 =	simm.s32 @!p0 $0x108  }
0x21: {  	s3 =	sadd.s32 s3, s9;
	s6 =	sadd.s32 @!p0 $0x88, s6;
	s7 =	simm.s32 @p2 $0x1082  }
0x22: {  	[simem:s7], [sflag:s8] =	dma.local @!p0 [hbm:s6], $0xF7A  }
0x23: {  	s9 =	sor.u32 $0xD0000000, s2;
	s6 =	simm.s32 $0x108;
	_ =	swait.ge @!p0 [sflag:s8], $0x0  }
0x24: {  	s3 =	sadd.s32 $0x88, s3;
	s6 =	simm.s32 @!p1 $0x1082;
	[sflag:s4] =	ssyncset.s32 $0xFFFFF086  }
0x25: {  	[simem:s6], [sflag:s4] =	dma.local [hbm:s3], $0xF7A  }
0x26: {  	[smem:$0x3F97] =	sst s1;
	(tag) =	ssettag s2;
	_ =	strace s9  }
0x27: {  	s1 =	sld [smem:$0x3FA7]  }
0x28: {  	s2 =	sld [smem:$0x3FA8]  }
0x29: {  	s4 =	sld [smem:$0x3FAA]  }
0x2a: {  	p0 =	seq.s32 s5, $0x0;
	s5 =	sld [smem:$0x3FAB]  }
0x2b: {  	s6 =	sld [smem:$0x3FAC]  }
0x2c: {  	s7 =	sld [smem:$0x3FAD]  }
0x2d: {  	s3 =	simm.s32 $0x108;
	s8 =	sld [smem:$0x3FAE]  }
0x2e: {  	s3 =	simm.s32 @!p0 $0x1082;
	s9 =	sld [smem:$0x3FAF]  }
0x2f: {  	lr =	sadd.s32 s0, s3;
	s0 =	sld [smem:$0x3FA6]  }
0x30: {  	s3 =	sld [smem:$0x3FA9]  }
0x31: {  	[smem:$0x3FB2] =	sst s10  }
0x32: {  	s10 =	sld [smem:$0x3FB0];
	_ =	sdelay $0x3  }
0x33: {  	p0 =	seq.s32 s10, $0x1;
	s10 =	sld [smem:$0x3FB2];
	_ =	sdelay $0x3  }
0x34: {  	[smem:$0x3FB2] =	sst s10  }
0x35: {  	s10 =	sld [smem:$0x3FB1];
	_ =	sdelay $0x3  }
0x36: {  	p1 =	seq.s32 s10, $0x1;
	s10 =	sld [smem:$0x3FB2];
	_ =	sdelay $0x3  }
0x37: {  	[smem:$0x3FB2] =	sst s10  }
0x38: {  	s10 =	sld [smem:$0x3FB3]  }
0x39: {  	_ = 	snop;
	(pc) =	sbr.ind lr, $3  }
0x3a: {  	_ = 	snop  }
0x3b: {  	_ = 	snop  }
0x3c: {  	p2 =	seq.s32 s10, $0x1;
	s10 =	sld [smem:$0x3FB2]  }
0x3d: {  	_ =	shalt  }
0x3e: {  	_ =	shalt  }
0x3f: {  	_ =	shalt  }
0x40: {  	_ =	shalt  }
0x41: {  	_ =	shalt  }
0x42: {  	_ =	shalt  }
0x43: {  	_ =	shalt  }
0x44: {  	_ =	shalt  }
0x45: {  	_ =	shalt  }
0x46: {  	_ =	shalt  }
0x47: {  	_ =	shalt  }
0x48: {  	_ =	shalt  }
0x49: {  	_ =	shalt  }
0x4a: {  	_ =	shalt  }
0x4b: {  	_ =	shalt  }
0x4c: {  	_ =	shalt  }
0x4d: {  	_ =	shalt  }
0x4e: {  	_ =	shalt  }
0x4f: {  	_ =	shalt  }
0x50: {  	_ =	shalt  }
0x51: {  	_ =	shalt  }
0x52: {  	_ =	shalt  }
0x53: {  	_ =	shalt  }
0x54: {  	_ =	shalt  }
0x55: {  	_ =	shalt  }
0x56: {  	_ =	shalt  }
0x57: {  	_ =	shalt  }
0x58: {  	_ =	shalt  }
0x59: {  	_ =	shalt  }
0x5a: {  	_ =	shalt  }
0x5b: {  	_ =	shalt  }
0x5c: {  	_ =	shalt  }
0x5d: {  	_ =	shalt  }
0x5e: {  	_ =	shalt  }
0x5f: {  	_ =	shalt  }
0x60: {  	_ =	shalt  }
0x61: {  	_ =	shalt  }
0x62: {  	_ =	shalt  }
0x63: {  	_ =	shalt  }
0x64: {  	_ =	shalt  }
0x65: {  	_ =	shalt  }
0x66: {  	_ =	shalt  }
0x67: {  	_ =	shalt  }
0x68: {  	_ =	shalt  }
0x69: {  	_ =	shalt  }
0x6a: {  	_ =	shalt  }
0x6b: {  	_ =	shalt  }
0x6c: {  	_ =	shalt  }
0x6d: {  	_ =	shalt  }
0x6e: {  	_ =	shalt  }
0x6f: {  	_ =	shalt  }
0x70: {  	_ =	shalt  }
0x71: {  	_ =	shalt  }
0x72: {  	_ =	shalt  }
0x73: {  	_ =	shalt  }
0x74: {  	_ =	shalt  }
0x75: {  	_ =	shalt  }
0x76: {  	_ =	shalt  }
0x77: {  	_ =	shalt  }
0x78: {  	_ =	shalt  }
0x79: {  	_ =	shalt  }
0x7a: {  	_ =	shalt  }
0x7b: {  	_ =	shalt  }
0x7c: {  	_ =	shalt  }
0x7d: {  	_ =	shalt  }
0x7e: {  	_ =	shalt  }
0x7f: {  	_ =	shalt  }
0x80: {  	_ =	shalt  }
0x81: {  	_ =	shalt  }
0x82: {  	_ =	shalt  }
0x83: {  	_ =	shalt  }
0x84: {  	_ =	shalt  }
0x85: {  	_ =	shalt  }
0x86: {  	_ =	shalt  }
0x87: {  	_ =	shalt  }
.Lfunc_end0:
.L_simem_size_0:
called_computation.1_lowered:
.L_overlay_start_0:
0x88: {  	s2 =	sld [smem:$0x3FD9]  }
0x89: {  	s3 =	sld [smem:$0x3FFE];
	_ =	sdelay $0x1  }
0x8a: {  	s1 =	srdreg.scid  }
0x8b: {  	s0 =	sand.u32 $0x1, s1  }
0x8c: {  	s17 =	sshll.u32 s0, $0xA;
	s2 =	sadd.s32 s3, s2  }
0x8d: {  	s2 =	sadd.s32 s2, s17  }
0x8e: {  	[smem:$0x3FBE] =	sst s2  }
0x8f: {  	_ = 	snop  }
0x90: {  	s2 =	sld [smem:$0x3FD0];
	(tm) =	ssettm $0x1  }
0x91: {  	s18 =	sld [smem:$0x3FFB];
	_ =	sdelay $0x3  }
0x92: {  	_ =	strace s18  }
0x93: {  	s3 =	sld [smem:$0x3FFC];
	_ =	sdelay $0x3  }
0x94: {  	_ =	strace s3  }
0x95: {  	s3 =	sld [smem:$0x3FFD];
	_ =	sdelay $0x3  }
0x96: {  	_ =	strace s3  }
0x97: {  	_ =	strace $0x8FFFFFFF  }
0x98: {  	s19 =	sld [smem:$0x3FDB];
	_ =	sdelay $0x1  }
0x99: {  	s4 =	simm.s32 $_scs_section_size  }
0x9a: {  	s5 =	simm.s32 $_size__tile_overlayer_lowered;
	s6 =	simm.s32 $_tile_overlayer_lowered  }
0x9b: {  	s22 =	simm.s32 $0x1BFF;
	s21 =	sshll.u32 s6, $0x1;
	s3 =	sadd.s32 s4, s19  }
0x9c: {  	s7 =	simm.s32 $0x0;
	s20 =	sshll.u32 s5, $0x1;
	s5 =	sadd.s32 s21, s3  }
0x9d: {  	[timem:s7], [sflag:s22] =	dma.local [hbm:s5], s20  }
0x9e: {  	_ =	swait.ge [sflag:s22], s20  }
0x9f: {  	s4 =	ssub.s32 $0x0, s20;
	[sflag:s22] =	ssyncset.done $0x0  }
0xa0: {  	[sflag:s22] =	ssyncadd.s32 s4;
	_ =	sdelay $0x1  }
0xa1: {  	s23 =	simm.s32 $0x1B8B  }
0xa2: {  	_ =	swait.ge [sflag:s23], $0x1  }
0xa3: {  	[sflag:s23] =	ssyncset.done $0x0  }
0xa4: {  	s25 =	simm.s32 $0x1B8E;
	s24 =	sld [smem:$0x3FFE];
	[sflag:s23] =	ssyncadd.s32 $0xFFFFFFFF  }
0xa5: {  	s26 =	simm.s32 $execute0_lowered;
	[smem:$0x3FD2] =	sst s25  }
0xa6: {  	s5 =	sshll.u32 s26, $0x1;
	_ =	strace $0x80000049;
	[dreg:$0x1] =	wrdreg $0xFFFFFFFF  }
0xa7: {  	s28 =	simm.s32 $_size_execute0_lowered;
	s3 =	sadd.s32 s3, s5;
	[dreg:$0x0] =	wrdreg $0x0  }
0xa8: {  	s5 =	sshll.u32 s28, $0x1;
	[dreg:$0x2] =	wrdreg s3  }
0xa9: {  	[dreg:$0x3] =	wrdreg s5  }
0xaa: {  	[dreg:$0x4] =	wrdreg $0xC0  }
0xab: {  	_ =	task [dreg:s7], $0x5FFFF  }
0xac: {  	[dreg:$0x1] =	wrdreg $0xFFFFFFFF  }
0xad: {  	[dreg:$0x0] =	wrdreg $0x60  }
0xae: {  	[dreg:$0x2] =	wrdreg s2  }
0xaf: {  	[dreg:$0x3] =	wrdreg s24  }
0xb0: {  	[dreg:$0x4] =	wrdreg $0xB2200  }
0xb1: {  	[dreg:$0x5] =	wrdreg $0x9  }
0xb2: {  	_ =	task.clear_ibuf [dreg:s7], $0x6FFFF;
	_ =	strace $0x90000049  }
0xb3: {  	s29 =	simm.s32 $0x9;
	_ =	strace $0x8000004B  }
0xb4: {  	_ =	swait.ge [sflag:s29], $0x1  }
0xb5: {  	[sflag:s29] =	ssyncadd.s32 $0xFFFFFFFF  }
0xb6: {  	_ =	strace $0x9000004B  }
0xb7: {  	_ =	sfence  }
0xb8: {  	s30 =	sld [smem:$0x0];
	_ =	sdelay $0x2  }
0xb9: {  	s31 =	sshll.u32 s1, $0xD;
	s1 =	sshrl.u32 s1, $0x2  }
0xba: {  	s3 =	sand.u32 $0x4000, s31;
	s1 =	sadd.s32 s1, s30  }
0xbb: {  	s0 =	sor.u32 s3, s0;
	s1 =	sshll.u32 s1, $0x11  }
0xbc: {  	s0 =	sor.u32 s1, s0  }
0xbd: {  	s0 =	sadd.s32 $0x8F2B, s0  }
0xbe: {  	[sflag:s0] =	ssyncadd.remote.s32 $0x1  }
0xbf: {  	_ =	sfence.sel $0xFFFF  }
0xc0: {  	[dreg:$0x0] =	wrdreg $0xFFFFFFFF;
	(pc) =	sbr.abs _section_cstart, $3  }
0xc1: {  	[dreg:$0x1] =	wrdreg $0xFFFFFFFF  }
0xc2: {  	_ =	task.clear_ibuf [dreg:s7], $0x2FFFF;
	_ =	strace $0x9FFFFFFF  }
0xc3: {  	(tm) =	ssettm $0x7FFFFFFF  }
tec
execute0_lowered:
.L_overlay_start_1:
0x0: {  	(tag) =	ssettag $0x1  }
0x1: {  	s0 =	rddreg [dreg:$0x0]  }
0x2: {  	s1 =	srdreg.scid;
	s2 =	rddreg [dreg:$0x1]  }
0x3: {  	s3 =	rddreg [dreg:$0x2];
	s15 =	stileid.u32;
	s4 =	simm.s32 $0x0  }
0x4: {  	s12 =	simm.s32 $0xB;
	s17 =	simm.s32 $0x50;
	s18 =	simm.s32 $0x4E20  }
0x5: {  	s19 =	simm.s32 $0x6220;
	s21 =	simm.s32 $0x7620;
	s23 =	simm.s32 $0x8A20  }
0x6: {  	s28 =	simm.s32 $0x6;
	s29 =	simm.s32 $0x2;
	s30 =	simm.s32 $0x7  }
0x7: {  	s31 =	simm.s32 $0x3;
	s20 =	simm.s32 $0x5;
	s22 =	simm.s32 $0xA  }
0x8: {  	s1 =	sand.u32 $0x1, s1;
	[smem:$0x7FF] =	sst s4;
	s8 =	smul.u32 $0x13C00, s15  }
0x9: {  	s13 =	sadd.s32 $0x94200, s3;
	p0 =	seq.s32 s15, $0xF;
	s5 =	sshll.u32 s1, $0x4  }
0xa: {  	s6 =	ssub.s32 $0x2, s1;
	_ =	strace $0x8000004A;
	s1 =	smul.u32 $0x138800, s1  }
0xb: {  	s14 =	sshrl.u32 @p0 s13, $0x3;
	s13 =	simm.s32 $0x9;
	s5 =	sor.u32 s15, s5  }
0xc: {  	s7 =	sshrl.u32 s6, $0x1;
	s25 =	sshrl.u32 s8, $0x1;
	s26 =	sshrl.u32 s8, $0x4  }
0xd: {  	s5 =	smul.u32 $0x4E2, s5;
	s6 =	ssub.s32 s6, s7;
	s7 =	sadd.s32 s0, s26  }
0xe: {  	s8 =	sadd.s32 s8, s1;
	s1 =	sshrl.u32 s1, $0x4;
	s26 =	simm.s32 $0x1  }
0xf: {  	[dreg:$0x6] =	wrdreg s7;
	s9 =	sshrl.u32 s8, $0x4;
	s8 =	sadd.s32 $0x12840, s0  }
0x10: {  	s11 =	smax.u32 s6, $0x1;
	s5 =	sadd.s32 s5, s2;
	s2 =	sadd.s32 $0x64400, s2  }
0x11: {  	s24 =	sadd.s32 $0x2600, s5;
	s5 =	sadd.s32 $0xC400, s5;
	s1 =	sadd.s32 s2, s1  }
0x12: {  	s9 =	sadd.s32 s2, s9;
	s2 =	simm.s32 $0x4;
	[dreg:$0x4] =	wrdreg s24  }
0x13: {  	[dreg:$0x5] =	wrdreg s5;
	s5 =	sadd.s32 s25, s3;
	s10 =	sadd.s32 $0x12840, s1  }
0x14: {  	s1 =	sshll.u32 @!p0 s15, $0x6;
	s25 =	simm.s32 $0x9E20;
	s24 =	simm.s32 $0x0  }
0x15: {  	s15 =	sor.u32 @!p0 $0x1C0B, s1;
	s16 =	sshrl.u32 @!p0 s5, $0x3;
	s1 =	simm.s32 $0x8  }
.LBB2_1:
0x16: {  	s5 =	rddreg [dreg:$0x4]  }
0x17: {  	[tilespmem:s4], [sflag:$0xB] =	stream.linear.gather [hbm4b:s5+s4], $0x2710, $0x38;
	[tilespmem:$0x14E60] =	vst v63  }
0x18: {  	_ =	swait.ge [sflag:s12], $0x2710  }
0x19: {  	[sflag:s12] =	ssyncset.done $0x0  }
0x1a: {  	s6 =	simm.s32 $0x2710;
	s7 =	rddreg [dreg:$0x5];
	[sflag:s12] =	ssyncadd.s32 $0xFFFFD8F0  }
0x1b: {  	[tilespmem:s6], [sflag:$0xB] =	stream.linear.gather [hbm4b:s7+s4], $0x2710, $0x38;
	[tilespmem:$0x14E60] =	vst v63  }
0x1c: {  	_ =	swait.ge [sflag:s12], $0x2710  }
0x1d: {  	[sflag:s12] =	ssyncset.done $0x0  }
0x1e: {  	s5 =	simm.s32 @p0 $0x1FCB;
	[sflag:s12] =	ssyncadd.s32 $0xFFFFD8F0  }
0x1f: {  	[spmem:s14], [sflag:s5] =	dma.local @p0 [hbm:s8], $0x1040  }
0x20: {  	s5 =	simm.s32 @p0 $0xB  }
0x21: {  	_ =	swait.ge @p0 [sflag:s5], $0x1040  }
0x22: {  	[sflag:s5] =	ssyncset.done @p0 $0x0  }
0x23: {  	[sflag:s5] =	ssyncadd.s32 @p0 $0xFFFFEFC0;
	s5 =	rddreg [dreg:$0x6]  }
0x24: {  	[spmem:s16], [sflag:s15] =	dma.local @!p0 [hbm:s5], $0x13C0  }
0x25: {  	s5 =	simm.s32 @!p0 $0xB  }
0x26: {  	_ =	swait.ge @!p0 [sflag:s5], $0x13C0  }
0x27: {  	[sflag:s5] =	ssyncset.done @!p0 $0x0  }
0x28: {  	[sflag:s5] =	ssyncadd.s32 @!p0 $0xFFFFEC40  }
0x29: {  	[bflag:$0x0] =	sbarrier.arrive $0xFFFF  }
0x2a: {  	[tilespmem:s18], [sflag:$0x1] =	stream.indirect.gather [hbm4b:s0+s17], $0x40, s4, s17, $0xb8;
	[tilespmem:$0x14E60] =	vst v63  }
0x2b: {  	_ = 	snop  }
0x2c: {  	[tilespmem:s19], [sflag:$0x2] =	stream.indirect.gather [hbm4b:s0+s17], $0x40, s17, s17, $0xb8;
	[tilespmem:$0x14E60] =	vst v63  }
0x2d: {  	s6 =	simm.s32 $0xA0  }
0x2e: {  	[tilespmem:s21], [sflag:$0x3] =	stream.indirect.gather [hbm4b:s0+s17], $0x40, s6, s17, $0xb8;
	[tilespmem:$0x14E60] =	vst v63  }
0x2f: {  	s7 =	simm.s32 $0xF0  }
0x30: {  	[tilespmem:s23], [sflag:$0x4] =	stream.indirect.gather [hbm4b:s0+s17], $0x40, s7, s17, $0xb8;
	[tilespmem:$0x14E60] =	vst v63  }
0x31: {  	s6 =	simm.s32 $0x140  }
0x32: {  	[tilespmem:s25], [sflag:$0x5] =	stream.indirect.gather [hbm4b:s0+s17], $0x40, s6, s17, $0xb8;
	[tilespmem:$0x14E60] =	vst v63  }
0x33: {  	_ =	swait.ge [sflag:s26], $0x1400  }
0x34: {  	[sflag:s26] =	ssyncset.done $0x0  }
0x35: {  	s7 =	simm.s32 $0x2710;
	[sflag:s26] =	ssyncadd.s32 $0xFFFFEC00  }
0x36: {  	[spmem:s3] =	stream.indirect.scatter.add.bf16 [tilespmem:s18], [sflag:$0x6], $0x40, s7, s17, $0xb8;
	[tilespmem:$0x14E60] =	vst v63  }
0x37: {  	_ =	swait.ge [sflag:s28], $0x1400  }
0x38: {  	[sflag:s28] =	ssyncset.done $0x0  }
0x39: {  	s6 =	simm.s32 $0x190;
	[sflag:s28] =	ssyncadd.s32 $0xFFFFEC00  }
0x3a: {  	[tilespmem:s18], [sflag:$0x1] =	stream.indirect.gather [hbm4b:s0+s17], $0x40, s6, s17, $0xb8;
	[tilespmem:$0x14E60] =	vst v63  }
0x3b: {  	_ =	swait.ge [sflag:s29], $0x1400  }
0x3c: {  	[sflag:s29] =	ssyncset.done $0x0  }
0x3d: {  	s7 =	simm.s32 $0x2760;
	[sflag:s29] =	ssyncadd.s32 $0xFFFFEC00  }
0x3e: {  	[spmem:s3] =	stream.indirect.scatter.add.bf16 [tilespmem:s19], [sflag:$0x7], $0x40, s7, s17, $0xb8;
	[tilespmem:$0x14E60] =	vst v63  }
0x3f: {  	_ =	swait.ge [sflag:s30], $0x1400  }
0x40: {  	[sflag:s30] =	ssyncset.done $0x0  }
0x41: {  	s6 =	simm.s32 $0x1E0;
	[sflag:s30] =	ssyncadd.s32 $0xFFFFEC00  }
0x42: {  	[tilespmem:s19], [sflag:$0x2] =	stream.indirect.gather [hbm4b:s0+s17], $0x40, s6, s17, $0xb8;
	[tilespmem:$0x14E60] =	vst v63  }
0x43: {  	_ =	swait.ge [sflag:s31], $0x1400  }
0x44: {  	[sflag:s31] =	ssyncset.done $0x0  }
0x45: {  	s7 =	simm.s32 $0x27B0;
	[sflag:s31] =	ssyncadd.s32 $0xFFFFEC00  }
0x46: {  	[spmem:s3] =	stream.indirect.scatter.add.bf16 [tilespmem:s21], [sflag:$0x8], $0x40, s7, s17, $0xb8;
	[tilespmem:$0x14E60] =	vst v63  }
0x47: {  	_ =	swait.ge [sflag:s1], $0x1400  }
0x48: {  	[sflag:s1] =	ssyncset.done $0x0  }
0x49: {  	s6 =	simm.s32 $0x230;
	[sflag:s1] =	ssyncadd.s32 $0xFFFFEC00  }
0x4a: {  	[tilespmem:s21], [sflag:$0x3] =	stream.indirect.gather [hbm4b:s0+s17], $0x40, s6, s17, $0xb8;
	[tilespmem:$0x14E60] =	vst v63  }
0x4b: {  	_ =	swait.ge [sflag:s2], $0x1400  }
0x4c: {  	[sflag:s2] =	ssyncset.done $0x0  }
0x4d: {  	s7 =	simm.s32 $0x2800;
	[sflag:s2] =	ssyncadd.s32 $0xFFFFEC00  }
0x4e: {  	[spmem:s3] =	stream.indirect.scatter.add.bf16 [tilespmem:s23], [sflag:$0x9], $0x40, s7, s17, $0xb8;
	[tilespmem:$0x14E60] =	vst v63  }
0x4f: {  	_ =	swait.ge [sflag:s13], $0x1400  }
0x50: {  	[sflag:s13] =	ssyncset.done $0x0  }
0x51: {  	s6 =	simm.s32 $0x280;
	[sflag:s13] =	ssyncadd.s32 $0xFFFFEC00  }
0x52: {  	[tilespmem:s23], [sflag:$0x4] =	stream.indirect.gather [hbm4b:s0+s17], $0x40, s6, s17, $0xb8;
	[tilespmem:$0x14E60] =	vst v63  }
0x53: {  	_ =	swait.ge [sflag:s20], $0x1400  }
0x54: {  	[sflag:s20] =	ssyncset.done $0x0  }
0x55: {  	s7 =	simm.s32 $0x2850;
	[sflag:s20] =	ssyncadd.s32 $0xFFFFEC00  }
0x56: {  	[spmem:s3] =	stream.indirect.scatter.add.bf16 [tilespmem:s25], [sflag:$0xA], $0x40, s7, s17, $0xb8;
	[tilespmem:$0x14E60] =	vst v63  }
0x57: {  	_ =	swait.ge [sflag:s22], $0x1400  }
0x58: {  	[sflag:s22] =	ssyncset.done $0x0  }
0x59: {  	s5 =	simm.s32 $0x640;
	s6 =	simm.s32 $0x2D0;
	[sflag:s22] =	ssyncadd.s32 $0xFFFFEC00  }
.LBB2_2:
0x5a: {  	[tilespmem:s25], [sflag:$0x5] =	stream.indirect.gather [hbm4b:s0+s17], $0x40, s6, s17, $0xb8;
	[tilespmem:$0x14E60] =	vst v63  }
0x5b: {  	s6 =	smov.u32 s5  }
0x5c: {  	p1 =	sne.s32 s5, $0x8FC0;
	s5 =	sadd.s32 $0x640, s5;
	_ =	swait.ge [sflag:s26], $0x1400  }
0x5d: {  	s6 =	sshra.s32 s6, $0x2;
	[sflag:s26] =	ssyncset.done $0x0  }
0x5e: {  	s7 =	sadd.s32 $0x2710, s6;
	[sflag:s26] =	ssyncadd.s32 $0xFFFFEC00  }
0x5f: {  	[spmem:s3] =	stream.indirect.scatter.add.bf16 [tilespmem:s18], [sflag:$0x6], $0x40, s7, s17, $0xb8;
	[tilespmem:$0x14E60] =	vst v63  }
0x60: {  	_ =	swait.ge [sflag:s28], $0x1400  }
0x61: {  	[sflag:s28] =	ssyncset.done $0x0  }
0x62: {  	s7 =	sadd.s32 $0x190, s6;
	[sflag:s28] =	ssyncadd.s32 $0xFFFFEC00  }
0x63: {  	[tilespmem:s18], [sflag:$0x1] =	stream.indirect.gather [hbm4b:s0+s17], $0x40, s7, s17, $0xb8;
	[tilespmem:$0x14E60] =	vst v63  }
0x64: {  	_ =	swait.ge [sflag:s29], $0x1400  }
0x65: {  	[sflag:s29] =	ssyncset.done $0x0  }
0x66: {  	s7 =	sadd.s32 $0x2760, s6;
	[sflag:s29] =	ssyncadd.s32 $0xFFFFEC00  }
0x67: {  	[spmem:s3] =	stream.indirect.scatter.add.bf16 [tilespmem:s19], [sflag:$0x7], $0x40, s7, s17, $0xb8;
	[tilespmem:$0x14E60] =	vst v63  }
0x68: {  	_ =	swait.ge [sflag:s30], $0x1400  }
0x69: {  	[sflag:s30] =	ssyncset.done $0x0  }
0x6a: {  	s7 =	sadd.s32 $0x1E0, s6;
	[sflag:s30] =	ssyncadd.s32 $0xFFFFEC00  }
0x6b: {  	[tilespmem:s19], [sflag:$0x2] =	stream.indirect.gather [hbm4b:s0+s17], $0x40, s7, s17, $0xb8;
	[tilespmem:$0x14E60] =	vst v63  }
0x6c: {  	_ =	swait.ge [sflag:s31], $0x1400  }
0x6d: {  	[sflag:s31] =	ssyncset.done $0x0  }
0x6e: {  	s7 =	sadd.s32 $0x27B0, s6;
	[sflag:s31] =	ssyncadd.s32 $0xFFFFEC00  }
0x6f: {  	[spmem:s3] =	stream.indirect.scatter.add.bf16 [tilespmem:s21], [sflag:$0x8], $0x40, s7, s17, $0xb8;
	[tilespmem:$0x14E60] =	vst v63  }
0x70: {  	_ =	swait.ge [sflag:s1], $0x1400  }
0x71: {  	[sflag:s1] =	ssyncset.done $0x0  }
0x72: {  	s7 =	sadd.s32 $0x230, s6;
	[sflag:s1] =	ssyncadd.s32 $0xFFFFEC00  }
0x73: {  	[tilespmem:s21], [sflag:$0x3] =	stream.indirect.gather [hbm4b:s0+s17], $0x40, s7, s17, $0xb8;
	[tilespmem:$0x14E60] =	vst v63  }
0x74: {  	_ =	swait.ge [sflag:s2], $0x1400  }
0x75: {  	[sflag:s2] =	ssyncset.done $0x0  }
0x76: {  	s7 =	sadd.s32 $0x2800, s6;
	[sflag:s2] =	ssyncadd.s32 $0xFFFFEC00  }
0x77: {  	[spmem:s3] =	stream.indirect.scatter.add.bf16 [tilespmem:s23], [sflag:$0x9], $0x40, s7, s17, $0xb8;
	[tilespmem:$0x14E60] =	vst v63  }
0x78: {  	_ =	swait.ge [sflag:s13], $0x1400  }
0x79: {  	[sflag:s13] =	ssyncset.done $0x0  }
0x7a: {  	s7 =	sadd.s32 $0x280, s6;
	[sflag:s13] =	ssyncadd.s32 $0xFFFFEC00  }
0x7b: {  	[tilespmem:s23], [sflag:$0x4] =	stream.indirect.gather [hbm4b:s0+s17], $0x40, s7, s17, $0xb8;
	[tilespmem:$0x14E60] =	vst v63  }
0x7c: {  	_ =	swait.ge [sflag:s20], $0x1400  }
0x7d: {  	[sflag:s20] =	ssyncset.done $0x0  }
.Ltmp0:
0x7e: {  	s7 =	sadd.s32 $0x2850, s6;
	[sflag:s20] =	ssyncadd.s32 $0xFFFFEC00;
	(pc) =	sbr.rel @p1 .LBB2_2-.Ltmp0, $4  }
0x7f: {  	[spmem:s3] =	stream.indirect.scatter.add.bf16 [tilespmem:s25], [sflag:$0xA], $0x40, s7, s17, $0xb8;
	[tilespmem:$0x14E60] =	vst v63  }
0x80: {  	_ =	swait.ge [sflag:s22], $0x1400  }
0x81: {  	[sflag:s22] =	ssyncset.done $0x0  }
0x82: {  	s6 =	sadd.s32 $0x2D0, s6;
	[sflag:s22] =	ssyncadd.s32 $0xFFFFEC00  }
0x83: {  	[tilespmem:s25], [sflag:$0x5] =	stream.indirect.gather [hbm4b:s0+s17], $0x40, s6, s17, $0xb8;
	[tilespmem:$0x14E60] =	vst v63  }
0x84: {  	_ =	swait.ge [sflag:s26], $0x1400  }
0x85: {  	[sflag:s26] =	ssyncset.done $0x0  }
0x86: {  	s5 =	simm.s32 $0x4C90;
	[sflag:s26] =	ssyncadd.s32 $0xFFFFEC00  }
0x87: {  	[spmem:s3] =	stream.indirect.scatter.add.bf16 [tilespmem:s18], [sflag:$0x6], $0x40, s5, s17, $0xb8;
	[tilespmem:$0x14E60] =	vst v63  }
0x88: {  	_ =	swait.ge [sflag:s29], $0x1400  }
0x89: {  	[sflag:s29] =	ssyncset.done $0x0  }
0x8a: {  	s6 =	simm.s32 $0x4CE0;
	[sflag:s29] =	ssyncadd.s32 $0xFFFFEC00  }
0x8b: {  	[spmem:s3] =	stream.indirect.scatter.add.bf16 [tilespmem:s19], [sflag:$0x7], $0x40, s6, s17, $0xb8;
	[tilespmem:$0x14E60] =	vst v63  }
0x8c: {  	_ =	swait.ge [sflag:s31], $0x1400  }
0x8d: {  	[sflag:s31] =	ssyncset.done $0x0  }
0x8e: {  	s7 =	simm.s32 $0x4D30;
	[sflag:s31] =	ssyncadd.s32 $0xFFFFEC00  }
0x8f: {  	[spmem:s3] =	stream.indirect.scatter.add.bf16 [tilespmem:s21], [sflag:$0x8], $0x40, s7, s17, $0xb8;
	[tilespmem:$0x14E60] =	vst v63  }
0x90: {  	_ =	swait.ge [sflag:s2], $0x1400  }
0x91: {  	[sflag:s2] =	ssyncset.done $0x0  }
0x92: {  	s6 =	simm.s32 $0x4D80;
	[sflag:s2] =	ssyncadd.s32 $0xFFFFEC00  }
0x93: {  	[spmem:s3] =	stream.indirect.scatter.add.bf16 [tilespmem:s23], [sflag:$0x9], $0x40, s6, s17, $0xb8;
	[tilespmem:$0x14E60] =	vst v63  }
0x94: {  	_ =	swait.ge [sflag:s20], $0x1400  }
0x95: {  	[sflag:s20] =	ssyncset.done $0x0  }
0x96: {  	s7 =	simm.s32 $0x4DD0;
	[sflag:s20] =	ssyncadd.s32 $0xFFFFEC00  }
0x97: {  	[spmem:s3] =	stream.indirect.scatter.add.bf16 [tilespmem:s25], [sflag:$0xA], $0x40, s7, s17, $0xb8;
	[tilespmem:$0x14E60] =	vst v63  }
0x98: {  	_ =	swait.ge [sflag:s28], $0x1400  }
0x99: {  	[sflag:s28] =	ssyncset.done $0x0  }
0x9a: {  	[sflag:s28] =	ssyncadd.s32 $0xFFFFEC00  }
0x9b: {  	_ =	swait.ge [sflag:s30], $0x1400  }
0x9c: {  	[sflag:s30] =	ssyncset.done $0x0  }
0x9d: {  	[sflag:s30] =	ssyncadd.s32 $0xFFFFEC00  }
0x9e: {  	_ =	swait.ge [sflag:s1], $0x1400  }
0x9f: {  	[sflag:s1] =	ssyncset.done $0x0  }
0xa0: {  	[sflag:s1] =	ssyncadd.s32 $0xFFFFEC00  }
0xa1: {  	_ =	swait.ge [sflag:s13], $0x1400  }
0xa2: {  	[sflag:s13] =	ssyncset.done $0x0  }
0xa3: {  	[sflag:s13] =	ssyncadd.s32 $0xFFFFEC00  }
0xa4: {  	_ =	swait.ge [sflag:s22], $0x1400  }
0xa5: {  	[sflag:s22] =	ssyncset.done $0x0  }
0xa6: {  	[sflag:s22] =	ssyncadd.s32 $0xFFFFEC00  }
0xa7: {  	s5 =	simm.s32 @p0 $0x1FCB;
	[bflag:$0x0] =	sbarrier.arrive $0xFFFF  }
0xa8: {  	[hbm:s10], [sflag:s5] =	dma.local @p0 [spmem:s14], $0x1040  }
0xa9: {  	s5 =	simm.s32 @p0 $0xB  }
0xaa: {  	s24 =	sadd.s32 $0x1, s24;
	_ =	swait.ge @p0 [sflag:s5], $0x1040  }
0xab: {  	p1 =	sne.s32 s24, s11;
	[sflag:s5] =	ssyncset.done @p0 $0x0  }
.Ltmp1:
0xac: {  	[sflag:s5] =	ssyncadd.s32 @p0 $0xFFFFEFC0;
	s5 =	simm.s32 @!p0 $0xB;
	(pc) =	sbr.rel @p1 .LBB2_1-.Ltmp1, $4  }
0xad: {  	[hbm:s9], [sflag:s15] =	dma.local @!p0 [spmem:s16], $0x13C0  }
0xae: {  	_ =	swait.ge @!p0 [sflag:s5], $0x13C0  }
0xaf: {  	[sflag:s5] =	ssyncset.done @!p0 $0x0  }
0xb0: {  	[sflag:s5] =	ssyncadd.s32 @!p0 $0xFFFFEC40  }
0xb1: {  	_ =	sfence.sel $0x180000  }
0xb2: {  	[bflag:$0x0] =	sbarrier.arrive $0xFFFF  }
0xb3: {  	_ =	strace $0x9000004A  }
0xb4: {  	s0 =	stileid.u32;
	[bflag:$0x2] =	sbarrier.arrive $0xFFFF  }
0xb5: {  	p0 =	sne.s32 s0, $0x0;
	s0 =	rddreg [dreg:$0x3]  }
0xb6: {  	s0 =	sadd.s32 @!p0 $0x100000, s0  }
0xb7: {  	[sflag:s0] =	ssyncadd.tile.s32 @!p0 $0x1;
	_ =	shalt  }
.Lfunc_end2:
_tile_overlayer_lowered:
.L_overlay_start_2:
0xb8: {  	(tag) =	ssettag $0x2  }
0xb9: {  	s0 =	rddreg [dreg:$0x0];
	s2 =	stileid.u32  }
0xba: {  	s1 =	rddreg [dreg:$0x1];
	p0 =	sne.s32 s2, $0x0  }
0xbb: {  	s3 =	rddreg [dreg:$0x2];
	[bflag:$0x3] =	sbarrier.arrive $0xFFFF;
	s2 =	simm.s32 @!p0 $0x1C0B  }
0xbc: {  	[timem:s3], [sflag:s2] =	dma.local @!p0 [hbm:s0], s1  }
0xbd: {  	s0 =	simm.s32 @!p0 $0xB  }
0xbe: {  	_ =	swait.ge @!p0 [sflag:s0], s1  }
0xbf: {  	s1 =	ssub.s32 @!p0 $0x0, s1;
	[sflag:s0] =	ssyncset.done @!p0 $0x0  }
0xc0: {  	[sflag:s0] =	ssyncadd.s32 @!p0 s1  }
0xc1: {  	[bflag:$0x3] =	sbarrier.arrive $0xFFFF  }
0xc2: {  	_ =	shalt  }

// kernel: kernel.18.cloned.1.call-start
scs
__scs_entry_jumppad:
0x0: {  	(pc) =	sbr.rel $0x88, $3  }
0x1: {  	(tag) =	ssettag $0x0;
	lr =	simm.s32 $0x1  }
0x2: {  	[smem:$0x3F97] =	sst lr;
	_ =	strace $0xD0000000  }
0x3: {  	_ = 	snop  }
0x4: {  	_ = 	snop  }
0x5: {  	_ = 	snop  }
0x6: {  	_ = 	snop  }
0x7: {  	_ = 	snop  }
__scs_overlays_trampoline_lowered:
0x8: {  	[smem:$0x3FA6] =	sst s0  }
0x9: {  	[smem:$0x3FA7] =	sst s1  }
0xa: {  	[smem:$0x3FA8] =	sst s2  }
0xb: {  	[smem:$0x3FA9] =	sst s3  }
0xc: {  	[smem:$0x3FAA] =	sst s4  }
0xd: {  	[smem:$0x3FAB] =	sst s5  }
0xe: {  	[smem:$0x3FAC] =	sst s6  }
0xf: {  	[smem:$0x3FAD] =	sst s7  }
0x10: {  	[smem:$0x3FAE] =	sst s8  }
0x11: {  	[smem:$0x3FAF] =	sst s9;
	s0 =	simm.s32 @!p0 $0x0  }
0x12: {  	s1 =	sld [smem:$0x3F95];
	s0 =	simm.s32 @p0 $0x1  }
0x13: {  	[smem:$0x3FB0] =	sst s0;
	s0 =	simm.s32 @!p1 $0x0  }
0x14: {  	s2 =	sld [smem:$0x3F94];
	s0 =	simm.s32 @p1 $0x1  }
0x15: {  	[smem:$0x3FB1] =	sst s0;
	s0 =	simm.s32 @!p2 $0x0  }
0x16: {  	s3 =	sld [smem:$0x3FDB];
	s0 =	simm.s32 @p2 $0x1  }
0x17: {  	s4 =	simm.s32 $0x1BF5;
	[smem:$0x3FB3] =	sst s0  }
0x18: {  	s0 =	sld [smem:$0x3F96];
	_ =	swait.ge [sflag:s4], $0x0  }
0x19: {  	s7 =	sld [smem:$0x3F97]  }
0x1a: {  	s8 =	sadd.s32 $0xFFFFE003, lr  }
0x1b: {  	s9 =	sadd.s32 $0xFFFFFEF7, lr;
	s5 =	simm.s32 $0xFFFFFFFF;
	p2 =	slt.u32 s8, $0xFFFFF086  }
0x1c: {  	p1 =	slt.u32 s9, $0xF7A;
	s5 =	simm.s32 @!p2 $0x0  }
0x1d: {  	s5 =	simm.s32 @p1 $0x1;
	p0 =	seq.s32 s7, s2  }
0x1e: {  	s7 =	smul.u32 @!p0 $0xF7A, s2;
	p2 =	seq.s32 @!p0 s5, $0x0  }
0x1f: {  	s9 =	smul.u32 $0xF7A, s1;
	s8 =	simm.s32 @!p0 $0x1BF5;
	p2 =	por !p2, p0  }
0x20: {  	[sflag:s8] =	ssyncset.s32 @!p0 $0xFFFFF086;
	s6 =	sadd.s32 @!p0 s3, s7;
	s7 =	simm.s32 @!p0 $0x108  }
0x21: {  	s3 =	sadd.s32 s3, s9;
	s6 =	sadd.s32 @!p0 $0x88, s6;
	s7 =	simm.s32 @p2 $0x1082  }
0x22: {  	[simem:s7], [sflag:s8] =	dma.local @!p0 [hbm:s6], $0xF7A  }
0x23: {  	s9 =	sor.u32 $0xD0000000, s2;
	s6 =	simm.s32 $0x108;
	_ =	swait.ge @!p0 [sflag:s8], $0x0  }
0x24: {  	s3 =	sadd.s32 $0x88, s3;
	s6 =	simm.s32 @!p1 $0x1082;
	[sflag:s4] =	ssyncset.s32 $0xFFFFF086  }
0x25: {  	[simem:s6], [sflag:s4] =	dma.local [hbm:s3], $0xF7A  }
0x26: {  	[smem:$0x3F97] =	sst s1;
	(tag) =	ssettag s2;
	_ =	strace s9  }
0x27: {  	s1 =	sld [smem:$0x3FA7]  }
0x28: {  	s2 =	sld [smem:$0x3FA8]  }
0x29: {  	s4 =	sld [smem:$0x3FAA]  }
0x2a: {  	p0 =	seq.s32 s5, $0x0;
	s5 =	sld [smem:$0x3FAB]  }
0x2b: {  	s6 =	sld [smem:$0x3FAC]  }
0x2c: {  	s7 =	sld [smem:$0x3FAD]  }
0x2d: {  	s3 =	simm.s32 $0x108;
	s8 =	sld [smem:$0x3FAE]  }
0x2e: {  	s3 =	simm.s32 @!p0 $0x1082;
	s9 =	sld [smem:$0x3FAF]  }
0x2f: {  	lr =	sadd.s32 s0, s3;
	s0 =	sld [smem:$0x3FA6]  }
0x30: {  	s3 =	sld [smem:$0x3FA9]  }
0x31: {  	[smem:$0x3FB2] =	sst s10  }
0x32: {  	s10 =	sld [smem:$0x3FB0];
	_ =	sdelay $0x3  }
0x33: {  	p0 =	seq.s32 s10, $0x1;
	s10 =	sld [smem:$0x3FB2];
	_ =	sdelay $0x3  }
0x34: {  	[smem:$0x3FB2] =	sst s10  }
0x35: {  	s10 =	sld [smem:$0x3FB1];
	_ =	sdelay $0x3  }
0x36: {  	p1 =	seq.s32 s10, $0x1;
	s10 =	sld [smem:$0x3FB2];
	_ =	sdelay $0x3  }
0x37: {  	[smem:$0x3FB2] =	sst s10  }
0x38: {  	s10 =	sld [smem:$0x3FB3]  }
0x39: {  	_ = 	snop;
	(pc) =	sbr.ind lr, $3  }
0x3a: {  	_ = 	snop  }
0x3b: {  	_ = 	snop  }
0x3c: {  	p2 =	seq.s32 s10, $0x1;
	s10 =	sld [smem:$0x3FB2]  }
0x3d: {  	_ =	shalt  }
0x3e: {  	_ =	shalt  }
0x3f: {  	_ =	shalt  }
0x40: {  	_ =	shalt  }
0x41: {  	_ =	shalt  }
0x42: {  	_ =	shalt  }
0x43: {  	_ =	shalt  }
0x44: {  	_ =	shalt  }
0x45: {  	_ =	shalt  }
0x46: {  	_ =	shalt  }
0x47: {  	_ =	shalt  }
0x48: {  	_ =	shalt  }
0x49: {  	_ =	shalt  }
0x4a: {  	_ =	shalt  }
0x4b: {  	_ =	shalt  }
0x4c: {  	_ =	shalt  }
0x4d: {  	_ =	shalt  }
0x4e: {  	_ =	shalt  }
0x4f: {  	_ =	shalt  }
0x50: {  	_ =	shalt  }
0x51: {  	_ =	shalt  }
0x52: {  	_ =	shalt  }
0x53: {  	_ =	shalt  }
0x54: {  	_ =	shalt  }
0x55: {  	_ =	shalt  }
0x56: {  	_ =	shalt  }
0x57: {  	_ =	shalt  }
0x58: {  	_ =	shalt  }
0x59: {  	_ =	shalt  }
0x5a: {  	_ =	shalt  }
0x5b: {  	_ =	shalt  }
0x5c: {  	_ =	shalt  }
0x5d: {  	_ =	shalt  }
0x5e: {  	_ =	shalt  }
0x5f: {  	_ =	shalt  }
0x60: {  	_ =	shalt  }
0x61: {  	_ =	shalt  }
0x62: {  	_ =	shalt  }
0x63: {  	_ =	shalt  }
0x64: {  	_ =	shalt  }
0x65: {  	_ =	shalt  }
0x66: {  	_ =	shalt  }
0x67: {  	_ =	shalt  }
0x68: {  	_ =	shalt  }
0x69: {  	_ =	shalt  }
0x6a: {  	_ =	shalt  }
0x6b: {  	_ =	shalt  }
0x6c: {  	_ =	shalt  }
0x6d: {  	_ =	shalt  }
0x6e: {  	_ =	shalt  }
0x6f: {  	_ =	shalt  }
0x70: {  	_ =	shalt  }
0x71: {  	_ =	shalt  }
0x72: {  	_ =	shalt  }
0x73: {  	_ =	shalt  }
0x74: {  	_ =	shalt  }
0x75: {  	_ =	shalt  }
0x76: {  	_ =	shalt  }
0x77: {  	_ =	shalt  }
0x78: {  	_ =	shalt  }
0x79: {  	_ =	shalt  }
0x7a: {  	_ =	shalt  }
0x7b: {  	_ =	shalt  }
0x7c: {  	_ =	shalt  }
0x7d: {  	_ =	shalt  }
0x7e: {  	_ =	shalt  }
0x7f: {  	_ =	shalt  }
0x80: {  	_ =	shalt  }
0x81: {  	_ =	shalt  }
0x82: {  	_ =	shalt  }
0x83: {  	_ =	shalt  }
0x84: {  	_ =	shalt  }
0x85: {  	_ =	shalt  }
0x86: {  	_ =	shalt  }
0x87: {  	_ =	shalt  }
.Lfunc_end0:
.L_simem_size_0:
called_computation.2_lowered:
.L_overlay_start_0:
0x88: {  	s2 =	sld [smem:$0x3FD9]  }
0x89: {  	s3 =	sld [smem:$0x3FFE];
	_ =	sdelay $0x1  }
0x8a: {  	s1 =	srdreg.scid  }
0x8b: {  	s0 =	sand.u32 $0x1, s1  }
0x8c: {  	s17 =	sshll.u32 s0, $0xA;
	s2 =	sadd.s32 s3, s2  }
0x8d: {  	s2 =	sadd.s32 s2, s17  }
0x8e: {  	[smem:$0x3FBE] =	sst s2  }
0x8f: {  	_ = 	snop  }
0x90: {  	s2 =	sld [smem:$0x3FD0];
	(tm) =	ssettm $0x1  }
0x91: {  	s18 =	sld [smem:$0x3FFB];
	_ =	sdelay $0x3  }
0x92: {  	_ =	strace s18  }
0x93: {  	s3 =	sld [smem:$0x3FFC];
	_ =	sdelay $0x3  }
0x94: {  	_ =	strace s3  }
0x95: {  	s3 =	sld [smem:$0x3FFD];
	_ =	sdelay $0x3  }
0x96: {  	_ =	strace s3  }
0x97: {  	_ =	strace $0x8FFFFFFF  }
0x98: {  	s19 =	sld [smem:$0x3FDB];
	_ =	sdelay $0x1  }
0x99: {  	s4 =	simm.s32 $_scs_section_size  }
0x9a: {  	s5 =	simm.s32 $_size__tile_overlayer_lowered;
	s6 =	simm.s32 $_tile_overlayer_lowered  }
0x9b: {  	s22 =	simm.s32 $0x1BFF;
	s21 =	sshll.u32 s6, $0x1;
	s3 =	sadd.s32 s4, s19  }
0x9c: {  	s7 =	simm.s32 $0x0;
	s20 =	sshll.u32 s5, $0x1;
	s5 =	sadd.s32 s21, s3  }
0x9d: {  	[timem:s7], [sflag:s22] =	dma.local [hbm:s5], s20  }
0x9e: {  	_ =	swait.ge [sflag:s22], s20  }
0x9f: {  	s4 =	ssub.s32 $0x0, s20;
	[sflag:s22] =	ssyncset.done $0x0  }
0xa0: {  	[sflag:s22] =	ssyncadd.s32 s4;
	_ =	sdelay $0x1  }
0xa1: {  	s23 =	simm.s32 $0x1B8B  }
0xa2: {  	_ =	swait.ge [sflag:s23], $0x1  }
0xa3: {  	[sflag:s23] =	ssyncset.done $0x0  }
0xa4: {  	s25 =	simm.s32 $0x1B8E;
	s24 =	sld [smem:$0x3FFE];
	[sflag:s23] =	ssyncadd.s32 $0xFFFFFFFF  }
0xa5: {  	s26 =	simm.s32 $execute0_lowered;
	[smem:$0x3FD2] =	sst s25  }
0xa6: {  	s5 =	sshll.u32 s26, $0x1;
	_ =	strace $0x8000004C;
	[dreg:$0x1] =	wrdreg $0xFFFFFFFF  }
0xa7: {  	s28 =	simm.s32 $_size_execute0_lowered;
	s3 =	sadd.s32 s3, s5;
	[dreg:$0x0] =	wrdreg $0x0  }
0xa8: {  	s5 =	sshll.u32 s28, $0x1;
	[dreg:$0x2] =	wrdreg s3  }
0xa9: {  	[dreg:$0x3] =	wrdreg s5  }
0xaa: {  	[dreg:$0x4] =	wrdreg $0xC0  }
0xab: {  	_ =	task [dreg:s7], $0x5FFFF  }
0xac: {  	[dreg:$0x1] =	wrdreg $0xFFFFFFFF  }
0xad: {  	[dreg:$0x0] =	wrdreg $0x60  }
0xae: {  	[dreg:$0x2] =	wrdreg s2  }
0xaf: {  	[dreg:$0x3] =	wrdreg s24  }
0xb0: {  	[dreg:$0x4] =	wrdreg $0xB2200  }
0xb1: {  	[dreg:$0x5] =	wrdreg $0x9  }
0xb2: {  	_ =	task.clear_ibuf [dreg:s7], $0x6FFFF;
	_ =	strace $0x9000004C  }
0xb3: {  	s29 =	simm.s32 $0x9;
	_ =	strace $0x8000004E  }
0xb4: {  	_ =	swait.ge [sflag:s29], $0x1  }
0xb5: {  	[sflag:s29] =	ssyncadd.s32 $0xFFFFFFFF  }
0xb6: {  	_ =	strace $0x9000004E  }
0xb7: {  	_ =	sfence  }
0xb8: {  	s30 =	sld [smem:$0x0];
	_ =	sdelay $0x2  }
0xb9: {  	s31 =	sshll.u32 s1, $0xD;
	s1 =	sshrl.u32 s1, $0x2  }
0xba: {  	s3 =	sand.u32 $0x4000, s31;
	s1 =	sadd.s32 s1, s30  }
0xbb: {  	s0 =	sor.u32 s3, s0;
	s1 =	sshll.u32 s1, $0x11  }
0xbc: {  	s0 =	sor.u32 s1, s0  }
0xbd: {  	s0 =	sadd.s32 $0x8F2B, s0  }
0xbe: {  	[sflag:s0] =	ssyncadd.remote.s32 $0x1  }
0xbf: {  	_ =	sfence.sel $0xFFFF  }
0xc0: {  	[dreg:$0x0] =	wrdreg $0xFFFFFFFF;
	(pc) =	sbr.abs _section_cstart, $3  }
0xc1: {  	[dreg:$0x1] =	wrdreg $0xFFFFFFFF  }
0xc2: {  	_ =	task.clear_ibuf [dreg:s7], $0x2FFFF;
	_ =	strace $0x9FFFFFFF  }
0xc3: {  	(tm) =	ssettm $0x7FFFFFFF  }
tec
execute0_lowered:
.L_overlay_start_1:
0x0: {  	(tag) =	ssettag $0x1  }
0x1: {  	s0 =	rddreg [dreg:$0x0]  }
0x2: {  	s1 =	srdreg.scid;
	s2 =	rddreg [dreg:$0x1]  }
0x3: {  	s3 =	rddreg [dreg:$0x2];
	s15 =	stileid.u32;
	s4 =	simm.s32 $0x0  }
0x4: {  	s12 =	simm.s32 $0xB;
	s17 =	simm.s32 $0x50;
	s18 =	simm.s32 $0x4E20  }
0x5: {  	s19 =	simm.s32 $0x6220;
	s21 =	simm.s32 $0x7620;
	s23 =	simm.s32 $0x8A20  }
0x6: {  	s28 =	simm.s32 $0x6;
	s29 =	simm.s32 $0x2;
	s30 =	simm.s32 $0x7  }
0x7: {  	s31 =	simm.s32 $0x3;
	s20 =	simm.s32 $0x5;
	s22 =	simm.s32 $0xA  }
0x8: {  	s1 =	sand.u32 $0x1, s1;
	[smem:$0x7FF] =	sst s4;
	s8 =	smul.u32 $0x13C00, s15  }
0x9: {  	s13 =	sadd.s32 $0x94200, s3;
	p0 =	seq.s32 s15, $0xF;
	s5 =	sshll.u32 s1, $0x4  }
0xa: {  	s6 =	ssub.s32 $0x2, s1;
	_ =	strace $0x8000004D;
	s1 =	smul.u32 $0x138800, s1  }
0xb: {  	s14 =	sshrl.u32 @p0 s13, $0x3;
	s13 =	simm.s32 $0x9;
	s5 =	sor.u32 s15, s5  }
0xc: {  	s7 =	sshrl.u32 s6, $0x1;
	s25 =	sshrl.u32 s8, $0x1;
	s26 =	sshrl.u32 s8, $0x4  }
0xd: {  	s5 =	smul.u32 $0x4E2, s5;
	s6 =	ssub.s32 s6, s7;
	s7 =	sadd.s32 s0, s26  }
0xe: {  	s8 =	sadd.s32 s8, s1;
	s1 =	sshrl.u32 s1, $0x4;
	s26 =	simm.s32 $0x1  }
0xf: {  	[dreg:$0x6] =	wrdreg s7;
	s9 =	sshrl.u32 s8, $0x4;
	s8 =	sadd.s32 $0x12840, s0  }
0x10: {  	s11 =	smax.u32 s6, $0x1;
	s5 =	sadd.s32 s5, s2;
	s2 =	sadd.s32 $0x64400, s2  }
0x11: {  	s24 =	sadd.s32 $0x2600, s5;
	s5 =	sadd.s32 $0xC400, s5;
	s1 =	sadd.s32 s2, s1  }
0x12: {  	s9 =	sadd.s32 s2, s9;
	s2 =	simm.s32 $0x4;
	[dreg:$0x4] =	wrdreg s24  }
0x13: {  	[dreg:$0x5] =	wrdreg s5;
	s5 =	sadd.s32 s25, s3;
	s10 =	sadd.s32 $0x12840, s1  }
0x14: {  	s1 =	sshll.u32 @!p0 s15, $0x6;
	s25 =	simm.s32 $0x9E20;
	s24 =	simm.s32 $0x0  }
0x15: {  	s15 =	sor.u32 @!p0 $0x1C0B, s1;
	s16 =	sshrl.u32 @!p0 s5, $0x3;
	s1 =	simm.s32 $0x8  }
.LBB2_1:
0x16: {  	s5 =	rddreg [dreg:$0x4]  }
0x17: {  	[tilespmem:s4], [sflag:$0xB] =	stream.linear.gather [hbm4b:s5+s4], $0x2710, $0x38;
	[tilespmem:$0x14E60] =	vst v63  }
0x18: {  	_ =	swait.ge [sflag:s12], $0x2710  }
0x19: {  	[sflag:s12] =	ssyncset.done $0x0  }
0x1a: {  	s6 =	simm.s32 $0x2710;
	s7 =	rddreg [dreg:$0x5];
	[sflag:s12] =	ssyncadd.s32 $0xFFFFD8F0  }
0x1b: {  	[tilespmem:s6], [sflag:$0xB] =	stream.linear.gather [hbm4b:s7+s4], $0x2710, $0x38;
	[tilespmem:$0x14E60] =	vst v63  }
0x1c: {  	_ =	swait.ge [sflag:s12], $0x2710  }
0x1d: {  	[sflag:s12] =	ssyncset.done $0x0  }
0x1e: {  	s5 =	simm.s32 @p0 $0x1FCB;
	[sflag:s12] =	ssyncadd.s32 $0xFFFFD8F0  }
0x1f: {  	[spmem:s14], [sflag:s5] =	dma.local @p0 [hbm:s8], $0x1040  }
0x20: {  	s5 =	simm.s32 @p0 $0xB  }
0x21: {  	_ =	swait.ge @p0 [sflag:s5], $0x1040  }
0x22: {  	[sflag:s5] =	ssyncset.done @p0 $0x0  }
0x23: {  	[sflag:s5] =	ssyncadd.s32 @p0 $0xFFFFEFC0;
	s5 =	rddreg [dreg:$0x6]  }
0x24: {  	[spmem:s16], [sflag:s15] =	dma.local @!p0 [hbm:s5], $0x13C0  }
0x25: {  	s5 =	simm.s32 @!p0 $0xB  }
0x26: {  	_ =	swait.ge @!p0 [sflag:s5], $0x13C0  }
0x27: {  	[sflag:s5] =	ssyncset.done @!p0 $0x0  }
0x28: {  	[sflag:s5] =	ssyncadd.s32 @!p0 $0xFFFFEC40  }
0x29: {  	[bflag:$0x0] =	sbarrier.arrive $0xFFFF  }
0x2a: {  	[tilespmem:s18], [sflag:$0x1] =	stream.indirect.gather [hbm4b:s0+s17], $0x40, s4, s17, $0xb8;
	[tilespmem:$0x14E60] =	vst v63  }
0x2b: {  	_ = 	snop  }
0x2c: {  	[tilespmem:s19], [sflag:$0x2] =	stream.indirect.gather [hbm4b:s0+s17], $0x40, s17, s17, $0xb8;
	[tilespmem:$0x14E60] =	vst v63  }
0x2d: {  	s6 =	simm.s32 $0xA0  }
0x2e: {  	[tilespmem:s21], [sflag:$0x3] =	stream.indirect.gather [hbm4b:s0+s17], $0x40, s6, s17, $0xb8;
	[tilespmem:$0x14E60] =	vst v63  }
0x2f: {  	s7 =	simm.s32 $0xF0  }
0x30: {  	[tilespmem:s23], [sflag:$0x4] =	stream.indirect.gather [hbm4b:s0+s17], $0x40, s7, s17, $0xb8;
	[tilespmem:$0x14E60] =	vst v63  }
0x31: {  	s6 =	simm.s32 $0x140  }
0x32: {  	[tilespmem:s25], [sflag:$0x5] =	stream.indirect.gather [hbm4b:s0+s17], $0x40, s6, s17, $0xb8;
	[tilespmem:$0x14E60] =	vst v63  }
0x33: {  	_ =	swait.ge [sflag:s26], $0x1400  }
0x34: {  	[sflag:s26] =	ssyncset.done $0x0  }
0x35: {  	s7 =	simm.s32 $0x2710;
	[sflag:s26] =	ssyncadd.s32 $0xFFFFEC00  }
0x36: {  	[spmem:s3] =	stream.indirect.scatter.add.bf16 [tilespmem:s18], [sflag:$0x6], $0x40, s7, s17, $0xb8;
	[tilespmem:$0x14E60] =	vst v63  }
0x37: {  	_ =	swait.ge [sflag:s28], $0x1400  }
0x38: {  	[sflag:s28] =	ssyncset.done $0x0  }
0x39: {  	s6 =	simm.s32 $0x190;
	[sflag:s28] =	ssyncadd.s32 $0xFFFFEC00  }
0x3a: {  	[tilespmem:s18], [sflag:$0x1] =	stream.indirect.gather [hbm4b:s0+s17], $0x40, s6, s17, $0xb8;
	[tilespmem:$0x14E60] =	vst v63  }
0x3b: {  	_ =	swait.ge [sflag:s29], $0x1400  }
0x3c: {  	[sflag:s29] =	ssyncset.done $0x0  }
0x3d: {  	s7 =	simm.s32 $0x2760;
	[sflag:s29] =	ssyncadd.s32 $0xFFFFEC00  }
0x3e: {  	[spmem:s3] =	stream.indirect.scatter.add.bf16 [tilespmem:s19], [sflag:$0x7], $0x40, s7, s17, $0xb8;
	[tilespmem:$0x14E60] =	vst v63  }
0x3f: {  	_ =	swait.ge [sflag:s30], $0x1400  }
0x40: {  	[sflag:s30] =	ssyncset.done $0x0  }
0x41: {  	s6 =	simm.s32 $0x1E0;
	[sflag:s30] =	ssyncadd.s32 $0xFFFFEC00  }
0x42: {  	[tilespmem:s19], [sflag:$0x2] =	stream.indirect.gather [hbm4b:s0+s17], $0x40, s6, s17, $0xb8;
	[tilespmem:$0x14E60] =	vst v63  }
0x43: {  	_ =	swait.ge [sflag:s31], $0x1400  }
0x44: {  	[sflag:s31] =	ssyncset.done $0x0  }
0x45: {  	s7 =	simm.s32 $0x27B0;
	[sflag:s31] =	ssyncadd.s32 $0xFFFFEC00  }
0x46: {  	[spmem:s3] =	stream.indirect.scatter.add.bf16 [tilespmem:s21], [sflag:$0x8], $0x40, s7, s17, $0xb8;
	[tilespmem:$0x14E60] =	vst v63  }
0x47: {  	_ =	swait.ge [sflag:s1], $0x1400  }
0x48: {  	[sflag:s1] =	ssyncset.done $0x0  }
0x49: {  	s6 =	simm.s32 $0x230;
	[sflag:s1] =	ssyncadd.s32 $0xFFFFEC00  }
0x4a: {  	[tilespmem:s21], [sflag:$0x3] =	stream.indirect.gather [hbm4b:s0+s17], $0x40, s6, s17, $0xb8;
	[tilespmem:$0x14E60] =	vst v63  }
0x4b: {  	_ =	swait.ge [sflag:s2], $0x1400  }
0x4c: {  	[sflag:s2] =	ssyncset.done $0x0  }
0x4d: {  	s7 =	simm.s32 $0x2800;
	[sflag:s2] =	ssyncadd.s32 $0xFFFFEC00  }
0x4e: {  	[spmem:s3] =	stream.indirect.scatter.add.bf16 [tilespmem:s23], [sflag:$0x9], $0x40, s7, s17, $0xb8;
	[tilespmem:$0x14E60] =	vst v63  }
0x4f: {  	_ =	swait.ge [sflag:s13], $0x1400  }
0x50: {  	[sflag:s13] =	ssyncset.done $0x0  }
0x51: {  	s6 =	simm.s32 $0x280;
	[sflag:s13] =	ssyncadd.s32 $0xFFFFEC00  }
0x52: {  	[tilespmem:s23], [sflag:$0x4] =	stream.indirect.gather [hbm4b:s0+s17], $0x40, s6, s17, $0xb8;
	[tilespmem:$0x14E60] =	vst v63  }
0x53: {  	_ =	swait.ge [sflag:s20], $0x1400  }
0x54: {  	[sflag:s20] =	ssyncset.done $0x0  }
0x55: {  	s7 =	simm.s32 $0x2850;
	[sflag:s20] =	ssyncadd.s32 $0xFFFFEC00  }
0x56: {  	[spmem:s3] =	stream.indirect.scatter.add.bf16 [tilespmem:s25], [sflag:$0xA], $0x40, s7, s17, $0xb8;
	[tilespmem:$0x14E60] =	vst v63  }
0x57: {  	_ =	swait.ge [sflag:s22], $0x1400  }
0x58: {  	[sflag:s22] =	ssyncset.done $0x0  }
0x59: {  	s5 =	simm.s32 $0x640;
	s6 =	simm.s32 $0x2D0;
	[sflag:s22] =	ssyncadd.s32 $0xFFFFEC00  }
.LBB2_2:
0x5a: {  	[tilespmem:s25], [sflag:$0x5] =	stream.indirect.gather [hbm4b:s0+s17], $0x40, s6, s17, $0xb8;
	[tilespmem:$0x14E60] =	vst v63  }
0x5b: {  	s6 =	smov.u32 s5  }
0x5c: {  	p1 =	sne.s32 s5, $0x8FC0;
	s5 =	sadd.s32 $0x640, s5;
	_ =	swait.ge [sflag:s26], $0x1400  }
0x5d: {  	s6 =	sshra.s32 s6, $0x2;
	[sflag:s26] =	ssyncset.done $0x0  }
0x5e: {  	s7 =	sadd.s32 $0x2710, s6;
	[sflag:s26] =	ssyncadd.s32 $0xFFFFEC00  }
0x5f: {  	[spmem:s3] =	stream.indirect.scatter.add.bf16 [tilespmem:s18], [sflag:$0x6], $0x40, s7, s17, $0xb8;
	[tilespmem:$0x14E60] =	vst v63  }
0x60: {  	_ =	swait.ge [sflag:s28], $0x1400  }
0x61: {  	[sflag:s28] =	ssyncset.done $0x0  }
0x62: {  	s7 =	sadd.s32 $0x190, s6;
	[sflag:s28] =	ssyncadd.s32 $0xFFFFEC00  }
0x63: {  	[tilespmem:s18], [sflag:$0x1] =	stream.indirect.gather [hbm4b:s0+s17], $0x40, s7, s17, $0xb8;
	[tilespmem:$0x14E60] =	vst v63  }
0x64: {  	_ =	swait.ge [sflag:s29], $0x1400  }
0x65: {  	[sflag:s29] =	ssyncset.done $0x0  }
0x66: {  	s7 =	sadd.s32 $0x2760, s6;
	[sflag:s29] =	ssyncadd.s32 $0xFFFFEC00  }
0x67: {  	[spmem:s3] =	stream.indirect.scatter.add.bf16 [tilespmem:s19], [sflag:$0x7], $0x40, s7, s17, $0xb8;
	[tilespmem:$0x14E60] =	vst v63  }
0x68: {  	_ =	swait.ge [sflag:s30], $0x1400  }
0x69: {  	[sflag:s30] =	ssyncset.done $0x0  }
0x6a: {  	s7 =	sadd.s32 $0x1E0, s6;
	[sflag:s30] =	ssyncadd.s32 $0xFFFFEC00  }
0x6b: {  	[tilespmem:s19], [sflag:$0x2] =	stream.indirect.gather [hbm4b:s0+s17], $0x40, s7, s17, $0xb8;
	[tilespmem:$0x14E60] =	vst v63  }
0x6c: {  	_ =	swait.ge [sflag:s31], $0x1400  }
0x6d: {  	[sflag:s31] =	ssyncset.done $0x0  }
0x6e: {  	s7 =	sadd.s32 $0x27B0, s6;
	[sflag:s31] =	ssyncadd.s32 $0xFFFFEC00  }
0x6f: {  	[spmem:s3] =	stream.indirect.scatter.add.bf16 [tilespmem:s21], [sflag:$0x8], $0x40, s7, s17, $0xb8;
	[tilespmem:$0x14E60] =	vst v63  }
0x70: {  	_ =	swait.ge [sflag:s1], $0x1400  }
0x71: {  	[sflag:s1] =	ssyncset.done $0x0  }
0x72: {  	s7 =	sadd.s32 $0x230, s6;
	[sflag:s1] =	ssyncadd.s32 $0xFFFFEC00  }
0x73: {  	[tilespmem:s21], [sflag:$0x3] =	stream.indirect.gather [hbm4b:s0+s17], $0x40, s7, s17, $0xb8;
	[tilespmem:$0x14E60] =	vst v63  }
0x74: {  	_ =	swait.ge [sflag:s2], $0x1400  }
0x75: {  	[sflag:s2] =	ssyncset.done $0x0  }
0x76: {  	s7 =	sadd.s32 $0x2800, s6;
	[sflag:s2] =	ssyncadd.s32 $0xFFFFEC00  }
0x77: {  	[spmem:s3] =	stream.indirect.scatter.add.bf16 [tilespmem:s23], [sflag:$0x9], $0x40, s7, s17, $0xb8;
	[tilespmem:$0x14E60] =	vst v63  }
0x78: {  	_ =	swait.ge [sflag:s13], $0x1400  }
0x79: {  	[sflag:s13] =	ssyncset.done $0x0  }
0x7a: {  	s7 =	sadd.s32 $0x280, s6;
	[sflag:s13] =	ssyncadd.s32 $0xFFFFEC00  }
0x7b: {  	[tilespmem:s23], [sflag:$0x4] =	stream.indirect.gather [hbm4b:s0+s17], $0x40, s7, s17, $0xb8;
	[tilespmem:$0x14E60] =	vst v63  }
0x7c: {  	_ =	swait.ge [sflag:s20], $0x1400  }
0x7d: {  	[sflag:s20] =	ssyncset.done $0x0  }
.Ltmp0:
0x7e: {  	s7 =	sadd.s32 $0x2850, s6;
	[sflag:s20] =	ssyncadd.s32 $0xFFFFEC00;
	(pc) =	sbr.rel @p1 .LBB2_2-.Ltmp0, $4  }
0x7f: {  	[spmem:s3] =	stream.indirect.scatter.add.bf16 [tilespmem:s25], [sflag:$0xA], $0x40, s7, s17, $0xb8;
	[tilespmem:$0x14E60] =	vst v63  }
0x80: {  	_ =	swait.ge [sflag:s22], $0x1400  }
0x81: {  	[sflag:s22] =	ssyncset.done $0x0  }
0x82: {  	s6 =	sadd.s32 $0x2D0, s6;
	[sflag:s22] =	ssyncadd.s32 $0xFFFFEC00  }
0x83: {  	[tilespmem:s25], [sflag:$0x5] =	stream.indirect.gather [hbm4b:s0+s17], $0x40, s6, s17, $0xb8;
	[tilespmem:$0x14E60] =	vst v63  }
0x84: {  	_ =	swait.ge [sflag:s26], $0x1400  }
0x85: {  	[sflag:s26] =	ssyncset.done $0x0  }
0x86: {  	s5 =	simm.s32 $0x4C90;
	[sflag:s26] =	ssyncadd.s32 $0xFFFFEC00  }
0x87: {  	[spmem:s3] =	stream.indirect.scatter.add.bf16 [tilespmem:s18], [sflag:$0x6], $0x40, s5, s17, $0xb8;
	[tilespmem:$0x14E60] =	vst v63  }
0x88: {  	_ =	swait.ge [sflag:s29], $0x1400  }
0x89: {  	[sflag:s29] =	ssyncset.done $0x0  }
0x8a: {  	s6 =	simm.s32 $0x4CE0;
	[sflag:s29] =	ssyncadd.s32 $0xFFFFEC00  }
0x8b: {  	[spmem:s3] =	stream.indirect.scatter.add.bf16 [tilespmem:s19], [sflag:$0x7], $0x40, s6, s17, $0xb8;
	[tilespmem:$0x14E60] =	vst v63  }
0x8c: {  	_ =	swait.ge [sflag:s31], $0x1400  }
0x8d: {  	[sflag:s31] =	ssyncset.done $0x0  }
0x8e: {  	s7 =	simm.s32 $0x4D30;
	[sflag:s31] =	ssyncadd.s32 $0xFFFFEC00  }
0x8f: {  	[spmem:s3] =	stream.indirect.scatter.add.bf16 [tilespmem:s21], [sflag:$0x8], $0x40, s7, s17, $0xb8;
	[tilespmem:$0x14E60] =	vst v63  }
0x90: {  	_ =	swait.ge [sflag:s2], $0x1400  }
0x91: {  	[sflag:s2] =	ssyncset.done $0x0  }
0x92: {  	s6 =	simm.s32 $0x4D80;
	[sflag:s2] =	ssyncadd.s32 $0xFFFFEC00  }
0x93: {  	[spmem:s3] =	stream.indirect.scatter.add.bf16 [tilespmem:s23], [sflag:$0x9], $0x40, s6, s17, $0xb8;
	[tilespmem:$0x14E60] =	vst v63  }
0x94: {  	_ =	swait.ge [sflag:s20], $0x1400  }
0x95: {  	[sflag:s20] =	ssyncset.done $0x0  }
0x96: {  	s7 =	simm.s32 $0x4DD0;
	[sflag:s20] =	ssyncadd.s32 $0xFFFFEC00  }
0x97: {  	[spmem:s3] =	stream.indirect.scatter.add.bf16 [tilespmem:s25], [sflag:$0xA], $0x40, s7, s17, $0xb8;
	[tilespmem:$0x14E60] =	vst v63  }
0x98: {  	_ =	swait.ge [sflag:s28], $0x1400  }
0x99: {  	[sflag:s28] =	ssyncset.done $0x0  }
0x9a: {  	[sflag:s28] =	ssyncadd.s32 $0xFFFFEC00  }
0x9b: {  	_ =	swait.ge [sflag:s30], $0x1400  }
0x9c: {  	[sflag:s30] =	ssyncset.done $0x0  }
0x9d: {  	[sflag:s30] =	ssyncadd.s32 $0xFFFFEC00  }
0x9e: {  	_ =	swait.ge [sflag:s1], $0x1400  }
0x9f: {  	[sflag:s1] =	ssyncset.done $0x0  }
0xa0: {  	[sflag:s1] =	ssyncadd.s32 $0xFFFFEC00  }
0xa1: {  	_ =	swait.ge [sflag:s13], $0x1400  }
0xa2: {  	[sflag:s13] =	ssyncset.done $0x0  }
0xa3: {  	[sflag:s13] =	ssyncadd.s32 $0xFFFFEC00  }
0xa4: {  	_ =	swait.ge [sflag:s22], $0x1400  }
0xa5: {  	[sflag:s22] =	ssyncset.done $0x0  }
0xa6: {  	[sflag:s22] =	ssyncadd.s32 $0xFFFFEC00  }
0xa7: {  	s5 =	simm.s32 @p0 $0x1FCB;
	[bflag:$0x0] =	sbarrier.arrive $0xFFFF  }
0xa8: {  	[hbm:s10], [sflag:s5] =	dma.local @p0 [spmem:s14], $0x1040  }
0xa9: {  	s5 =	simm.s32 @p0 $0xB  }
0xaa: {  	s24 =	sadd.s32 $0x1, s24;
	_ =	swait.ge @p0 [sflag:s5], $0x1040  }
0xab: {  	p1 =	sne.s32 s24, s11;
	[sflag:s5] =	ssyncset.done @p0 $0x0  }
.Ltmp1:
0xac: {  	[sflag:s5] =	ssyncadd.s32 @p0 $0xFFFFEFC0;
	s5 =	simm.s32 @!p0 $0xB;
	(pc) =	sbr.rel @p1 .LBB2_1-.Ltmp1, $4  }
0xad: {  	[hbm:s9], [sflag:s15] =	dma.local @!p0 [spmem:s16], $0x13C0  }
0xae: {  	_ =	swait.ge @!p0 [sflag:s5], $0x13C0  }
0xaf: {  	[sflag:s5] =	ssyncset.done @!p0 $0x0  }
0xb0: {  	[sflag:s5] =	ssyncadd.s32 @!p0 $0xFFFFEC40  }
0xb1: {  	_ =	sfence.sel $0x180000  }
0xb2: {  	[bflag:$0x0] =	sbarrier.arrive $0xFFFF  }
0xb3: {  	_ =	strace $0x9000004D  }
0xb4: {  	s0 =	stileid.u32;
	[bflag:$0x2] =	sbarrier.arrive $0xFFFF  }
0xb5: {  	p0 =	sne.s32 s0, $0x0;
	s0 =	rddreg [dreg:$0x3]  }
0xb6: {  	s0 =	sadd.s32 @!p0 $0x100000, s0  }
0xb7: {  	[sflag:s0] =	ssyncadd.tile.s32 @!p0 $0x1;
	_ =	shalt  }
.Lfunc_end2:
_tile_overlayer_lowered:
.L_overlay_start_2:
0xb8: {  	(tag) =	ssettag $0x2  }
0xb9: {  	s0 =	rddreg [dreg:$0x0];
	s2 =	stileid.u32  }
0xba: {  	s1 =	rddreg [dreg:$0x1];
	p0 =	sne.s32 s2, $0x0  }
0xbb: {  	s3 =	rddreg [dreg:$0x2];
	[bflag:$0x3] =	sbarrier.arrive $0xFFFF;
	s2 =	simm.s32 @!p0 $0x1C0B  }
0xbc: {  	[timem:s3], [sflag:s2] =	dma.local @!p0 [hbm:s0], s1  }
0xbd: {  	s0 =	simm.s32 @!p0 $0xB  }
0xbe: {  	_ =	swait.ge @!p0 [sflag:s0], s1  }
0xbf: {  	s1 =	ssub.s32 @!p0 $0x0, s1;
	[sflag:s0] =	ssyncset.done @!p0 $0x0  }
0xc0: {  	[sflag:s0] =	ssyncadd.s32 @!p0 s1  }
0xc1: {  	[bflag:$0x3] =	sbarrier.arrive $0xFFFF  }
0xc2: {  	_ =	shalt  }

// kernel: kernel.21.cloned.1.call-start
scs
__scs_entry_jumppad:
0x0: {  	(pc) =	sbr.rel $0x88, $3  }
0x1: {  	(tag) =	ssettag $0x0;
	lr =	simm.s32 $0x1  }
0x2: {  	[smem:$0x3F97] =	sst lr;
	_ =	strace $0xD0000000  }
0x3: {  	_ = 	snop  }
0x4: {  	_ = 	snop  }
0x5: {  	_ = 	snop  }
0x6: {  	_ = 	snop  }
0x7: {  	_ = 	snop  }
__scs_overlays_trampoline_lowered:
0x8: {  	[smem:$0x3FA6] =	sst s0  }
0x9: {  	[smem:$0x3FA7] =	sst s1  }
0xa: {  	[smem:$0x3FA8] =	sst s2  }
0xb: {  	[smem:$0x3FA9] =	sst s3  }
0xc: {  	[smem:$0x3FAA] =	sst s4  }
0xd: {  	[smem:$0x3FAB] =	sst s5  }
0xe: {  	[smem:$0x3FAC] =	sst s6  }
0xf: {  	[smem:$0x3FAD] =	sst s7  }
0x10: {  	[smem:$0x3FAE] =	sst s8  }
0x11: {  	[smem:$0x3FAF] =	sst s9;
	s0 =	simm.s32 @!p0 $0x0  }
0x12: {  	s1 =	sld [smem:$0x3F95];
	s0 =	simm.s32 @p0 $0x1  }
0x13: {  	[smem:$0x3FB0] =	sst s0;
	s0 =	simm.s32 @!p1 $0x0  }
0x14: {  	s2 =	sld [smem:$0x3F94];
	s0 =	simm.s32 @p1 $0x1  }
0x15: {  	[smem:$0x3FB1] =	sst s0;
	s0 =	simm.s32 @!p2 $0x0  }
0x16: {  	s3 =	sld [smem:$0x3FDB];
	s0 =	simm.s32 @p2 $0x1  }
0x17: {  	s4 =	simm.s32 $0x1BF5;
	[smem:$0x3FB3] =	sst s0  }
0x18: {  	s0 =	sld [smem:$0x3F96];
	_ =	swait.ge [sflag:s4], $0x0  }
0x19: {  	s7 =	sld [smem:$0x3F97]  }
0x1a: {  	s8 =	sadd.s32 $0xFFFFE003, lr  }
0x1b: {  	s9 =	sadd.s32 $0xFFFFFEF7, lr;
	s5 =	simm.s32 $0xFFFFFFFF;
	p2 =	slt.u32 s8, $0xFFFFF086  }
0x1c: {  	p1 =	slt.u32 s9, $0xF7A;
	s5 =	simm.s32 @!p2 $0x0  }
0x1d: {  	s5 =	simm.s32 @p1 $0x1;
	p0 =	seq.s32 s7, s2  }
0x1e: {  	s7 =	smul.u32 @!p0 $0xF7A, s2;
	p2 =	seq.s32 @!p0 s5, $0x0  }
0x1f: {  	s9 =	smul.u32 $0xF7A, s1;
	s8 =	simm.s32 @!p0 $0x1BF5;
	p2 =	por !p2, p0  }
0x20: {  	[sflag:s8] =	ssyncset.s32 @!p0 $0xFFFFF086;
	s6 =	sadd.s32 @!p0 s3, s7;
	s7 =	simm.s32 @!p0 $0x108  }
0x21: {  	s3 =	sadd.s32 s3, s9;
	s6 =	sadd.s32 @!p0 $0x88, s6;
	s7 =	simm.s32 @p2 $0x1082  }
0x22: {  	[simem:s7], [sflag:s8] =	dma.local @!p0 [hbm:s6], $0xF7A  }
0x23: {  	s9 =	sor.u32 $0xD0000000, s2;
	s6 =	simm.s32 $0x108;
	_ =	swait.ge @!p0 [sflag:s8], $0x0  }
0x24: {  	s3 =	sadd.s32 $0x88, s3;
	s6 =	simm.s32 @!p1 $0x1082;
	[sflag:s4] =	ssyncset.s32 $0xFFFFF086  }
0x25: {  	[simem:s6], [sflag:s4] =	dma.local [hbm:s3], $0xF7A  }
0x26: {  	[smem:$0x3F97] =	sst s1;
	(tag) =	ssettag s2;
	_ =	strace s9  }
0x27: {  	s1 =	sld [smem:$0x3FA7]  }
0x28: {  	s2 =	sld [smem:$0x3FA8]  }
0x29: {  	s4 =	sld [smem:$0x3FAA]  }
0x2a: {  	p0 =	seq.s32 s5, $0x0;
	s5 =	sld [smem:$0x3FAB]  }
0x2b: {  	s6 =	sld [smem:$0x3FAC]  }
0x2c: {  	s7 =	sld [smem:$0x3FAD]  }
0x2d: {  	s3 =	simm.s32 $0x108;
	s8 =	sld [smem:$0x3FAE]  }
0x2e: {  	s3 =	simm.s32 @!p0 $0x1082;
	s9 =	sld [smem:$0x3FAF]  }
0x2f: {  	lr =	sadd.s32 s0, s3;
	s0 =	sld [smem:$0x3FA6]  }
0x30: {  	s3 =	sld [smem:$0x3FA9]  }
0x31: {  	[smem:$0x3FB2] =	sst s10  }
0x32: {  	s10 =	sld [smem:$0x3FB0];
	_ =	sdelay $0x3  }
0x33: {  	p0 =	seq.s32 s10, $0x1;
	s10 =	sld [smem:$0x3FB2];
	_ =	sdelay $0x3  }
0x34: {  	[smem:$0x3FB2] =	sst s10  }
0x35: {  	s10 =	sld [smem:$0x3FB1];
	_ =	sdelay $0x3  }
0x36: {  	p1 =	seq.s32 s10, $0x1;
	s10 =	sld [smem:$0x3FB2];
	_ =	sdelay $0x3  }
0x37: {  	[smem:$0x3FB2] =	sst s10  }
0x38: {  	s10 =	sld [smem:$0x3FB3]  }
0x39: {  	_ = 	snop;
	(pc) =	sbr.ind lr, $3  }
0x3a: {  	_ = 	snop  }
0x3b: {  	_ = 	snop  }
0x3c: {  	p2 =	seq.s32 s10, $0x1;
	s10 =	sld [smem:$0x3FB2]  }
0x3d: {  	_ =	shalt  }
0x3e: {  	_ =	shalt  }
0x3f: {  	_ =	shalt  }
0x40: {  	_ =	shalt  }
0x41: {  	_ =	shalt  }
0x42: {  	_ =	shalt  }
0x43: {  	_ =	shalt  }
0x44: {  	_ =	shalt  }
0x45: {  	_ =	shalt  }
0x46: {  	_ =	shalt  }
0x47: {  	_ =	shalt  }
0x48: {  	_ =	shalt  }
0x49: {  	_ =	shalt  }
0x4a: {  	_ =	shalt  }
0x4b: {  	_ =	shalt  }
0x4c: {  	_ =	shalt  }
0x4d: {  	_ =	shalt  }
0x4e: {  	_ =	shalt  }
0x4f: {  	_ =	shalt  }
0x50: {  	_ =	shalt  }
0x51: {  	_ =	shalt  }
0x52: {  	_ =	shalt  }
0x53: {  	_ =	shalt  }
0x54: {  	_ =	shalt  }
0x55: {  	_ =	shalt  }
0x56: {  	_ =	shalt  }
0x57: {  	_ =	shalt  }
0x58: {  	_ =	shalt  }
0x59: {  	_ =	shalt  }
0x5a: {  	_ =	shalt  }
0x5b: {  	_ =	shalt  }
0x5c: {  	_ =	shalt  }
0x5d: {  	_ =	shalt  }
0x5e: {  	_ =	shalt  }
0x5f: {  	_ =	shalt  }
0x60: {  	_ =	shalt  }
0x61: {  	_ =	shalt  }
0x62: {  	_ =	shalt  }
0x63: {  	_ =	shalt  }
0x64: {  	_ =	shalt  }
0x65: {  	_ =	shalt  }
0x66: {  	_ =	shalt  }
0x67: {  	_ =	shalt  }
0x68: {  	_ =	shalt  }
0x69: {  	_ =	shalt  }
0x6a: {  	_ =	shalt  }
0x6b: {  	_ =	shalt  }
0x6c: {  	_ =	shalt  }
0x6d: {  	_ =	shalt  }
0x6e: {  	_ =	shalt  }
0x6f: {  	_ =	shalt  }
0x70: {  	_ =	shalt  }
0x71: {  	_ =	shalt  }
0x72: {  	_ =	shalt  }
0x73: {  	_ =	shalt  }
0x74: {  	_ =	shalt  }
0x75: {  	_ =	shalt  }
0x76: {  	_ =	shalt  }
0x77: {  	_ =	shalt  }
0x78: {  	_ =	shalt  }
0x79: {  	_ =	shalt  }
0x7a: {  	_ =	shalt  }
0x7b: {  	_ =	shalt  }
0x7c: {  	_ =	shalt  }
0x7d: {  	_ =	shalt  }
0x7e: {  	_ =	shalt  }
0x7f: {  	_ =	shalt  }
0x80: {  	_ =	shalt  }
0x81: {  	_ =	shalt  }
0x82: {  	_ =	shalt  }
0x83: {  	_ =	shalt  }
0x84: {  	_ =	shalt  }
0x85: {  	_ =	shalt  }
0x86: {  	_ =	shalt  }
0x87: {  	_ =	shalt  }
.Lfunc_end0:
.L_simem_size_0:
called_computation.3_lowered:
.L_overlay_start_0:
0x88: {  	s2 =	sld [smem:$0x3FD9]  }
0x89: {  	s3 =	sld [smem:$0x3FFE];
	_ =	sdelay $0x1  }
0x8a: {  	s1 =	srdreg.scid  }
0x8b: {  	s0 =	sand.u32 $0x1, s1  }
0x8c: {  	s17 =	sshll.u32 s0, $0xA;
	s2 =	sadd.s32 s3, s2  }
0x8d: {  	s2 =	sadd.s32 s2, s17  }
0x8e: {  	[smem:$0x3FBE] =	sst s2  }
0x8f: {  	_ = 	snop  }
0x90: {  	s2 =	sld [smem:$0x3FD0];
	(tm) =	ssettm $0x1  }
0x91: {  	s18 =	sld [smem:$0x3FFB];
	_ =	sdelay $0x3  }
0x92: {  	_ =	strace s18  }
0x93: {  	s3 =	sld [smem:$0x3FFC];
	_ =	sdelay $0x3  }
0x94: {  	_ =	strace s3  }
0x95: {  	s3 =	sld [smem:$0x3FFD];
	_ =	sdelay $0x3  }
0x96: {  	_ =	strace s3  }
0x97: {  	_ =	strace $0x8FFFFFFF  }
0x98: {  	s19 =	sld [smem:$0x3FDB];
	_ =	sdelay $0x1  }
0x99: {  	s4 =	simm.s32 $_scs_section_size  }
0x9a: {  	s5 =	simm.s32 $_size__tile_overlayer_lowered;
	s6 =	simm.s32 $_tile_overlayer_lowered  }
0x9b: {  	s22 =	simm.s32 $0x1BFF;
	s21 =	sshll.u32 s6, $0x1;
	s3 =	sadd.s32 s4, s19  }
0x9c: {  	s7 =	simm.s32 $0x0;
	s20 =	sshll.u32 s5, $0x1;
	s5 =	sadd.s32 s21, s3  }
0x9d: {  	[timem:s7], [sflag:s22] =	dma.local [hbm:s5], s20  }
0x9e: {  	_ =	swait.ge [sflag:s22], s20  }
0x9f: {  	s4 =	ssub.s32 $0x0, s20;
	[sflag:s22] =	ssyncset.done $0x0  }
0xa0: {  	[sflag:s22] =	ssyncadd.s32 s4;
	_ =	sdelay $0x1  }
0xa1: {  	s23 =	simm.s32 $0x1B8B  }
0xa2: {  	_ =	swait.ge [sflag:s23], $0x1  }
0xa3: {  	[sflag:s23] =	ssyncset.done $0x0  }
0xa4: {  	s25 =	simm.s32 $0x1B8E;
	s24 =	sld [smem:$0x3FFE];
	[sflag:s23] =	ssyncadd.s32 $0xFFFFFFFF  }
0xa5: {  	s26 =	simm.s32 $execute0_lowered;
	[smem:$0x3FD2] =	sst s25  }
0xa6: {  	s5 =	sshll.u32 s26, $0x1;
	_ =	strace $0x8000004F;
	[dreg:$0x1] =	wrdreg $0xFFFFFFFF  }
0xa7: {  	s28 =	simm.s32 $_size_execute0_lowered;
	s3 =	sadd.s32 s3, s5;
	[dreg:$0x0] =	wrdreg $0x0  }
0xa8: {  	s5 =	sshll.u32 s28, $0x1;
	[dreg:$0x2] =	wrdreg s3  }
0xa9: {  	[dreg:$0x3] =	wrdreg s5  }
0xaa: {  	[dreg:$0x4] =	wrdreg $0xC0  }
0xab: {  	_ =	task [dreg:s7], $0x5FFFF  }
0xac: {  	[dreg:$0x1] =	wrdreg $0xFFFFFFFF  }
0xad: {  	[dreg:$0x0] =	wrdreg $0x60  }
0xae: {  	[dreg:$0x2] =	wrdreg s2  }
0xaf: {  	[dreg:$0x3] =	wrdreg s24  }
0xb0: {  	[dreg:$0x4] =	wrdreg $0xB2200  }
0xb1: {  	[dreg:$0x5] =	wrdreg $0x9  }
0xb2: {  	_ =	task.clear_ibuf [dreg:s7], $0x6FFFF;
	_ =	strace $0x9000004F  }
0xb3: {  	s29 =	simm.s32 $0x9;
	_ =	strace $0x80000051  }
0xb4: {  	_ =	swait.ge [sflag:s29], $0x1  }
0xb5: {  	[sflag:s29] =	ssyncadd.s32 $0xFFFFFFFF  }
0xb6: {  	_ =	strace $0x90000051  }
0xb7: {  	_ =	sfence  }
0xb8: {  	s30 =	sld [smem:$0x0];
	_ =	sdelay $0x2  }
0xb9: {  	s31 =	sshll.u32 s1, $0xD;
	s1 =	sshrl.u32 s1, $0x2  }
0xba: {  	s3 =	sand.u32 $0x4000, s31;
	s1 =	sadd.s32 s1, s30  }
0xbb: {  	s0 =	sor.u32 s3, s0;
	s1 =	sshll.u32 s1, $0x11  }
0xbc: {  	s0 =	sor.u32 s1, s0  }
0xbd: {  	s0 =	sadd.s32 $0x8F2B, s0  }
0xbe: {  	[sflag:s0] =	ssyncadd.remote.s32 $0x1  }
0xbf: {  	_ =	sfence.sel $0xFFFF  }
0xc0: {  	[dreg:$0x0] =	wrdreg $0xFFFFFFFF;
	(pc) =	sbr.abs _section_cstart, $3  }
0xc1: {  	[dreg:$0x1] =	wrdreg $0xFFFFFFFF  }
0xc2: {  	_ =	task.clear_ibuf [dreg:s7], $0x2FFFF;
	_ =	strace $0x9FFFFFFF  }
0xc3: {  	(tm) =	ssettm $0x7FFFFFFF  }
tec
execute0_lowered:
.L_overlay_start_1:
0x0: {  	(tag) =	ssettag $0x1  }
0x1: {  	s0 =	rddreg [dreg:$0x0]  }
0x2: {  	s1 =	srdreg.scid;
	s2 =	rddreg [dreg:$0x1]  }
0x3: {  	s3 =	rddreg [dreg:$0x2];
	s15 =	stileid.u32;
	s4 =	simm.s32 $0x0  }
0x4: {  	s12 =	simm.s32 $0xB;
	s17 =	simm.s32 $0x50;
	s18 =	simm.s32 $0x4E20  }
0x5: {  	s19 =	simm.s32 $0x6220;
	s21 =	simm.s32 $0x7620;
	s23 =	simm.s32 $0x8A20  }
0x6: {  	s28 =	simm.s32 $0x6;
	s29 =	simm.s32 $0x2;
	s30 =	simm.s32 $0x7  }
0x7: {  	s31 =	simm.s32 $0x3;
	s20 =	simm.s32 $0x5;
	s22 =	simm.s32 $0xA  }
0x8: {  	s1 =	sand.u32 $0x1, s1;
	[smem:$0x7FF] =	sst s4;
	s8 =	smul.u32 $0x13C00, s15  }
0x9: {  	s13 =	sadd.s32 $0x94200, s3;
	p0 =	seq.s32 s15, $0xF;
	s5 =	sshll.u32 s1, $0x4  }
0xa: {  	s6 =	ssub.s32 $0x2, s1;
	_ =	strace $0x80000050;
	s1 =	smul.u32 $0x138800, s1  }
0xb: {  	s14 =	sshrl.u32 @p0 s13, $0x3;
	s13 =	simm.s32 $0x9;
	s5 =	sor.u32 s15, s5  }
0xc: {  	s7 =	sshrl.u32 s6, $0x1;
	s25 =	sshrl.u32 s8, $0x1;
	s26 =	sshrl.u32 s8, $0x4  }
0xd: {  	s5 =	smul.u32 $0x4E2, s5;
	s6 =	ssub.s32 s6, s7;
	s7 =	sadd.s32 s0, s26  }
0xe: {  	s8 =	sadd.s32 s8, s1;
	s1 =	sshrl.u32 s1, $0x4;
	s26 =	simm.s32 $0x1  }
0xf: {  	[dreg:$0x6] =	wrdreg s7;
	s9 =	sshrl.u32 s8, $0x4;
	s8 =	sadd.s32 $0x12840, s0  }
0x10: {  	s11 =	smax.u32 s6, $0x1;
	s5 =	sadd.s32 s5, s2;
	s2 =	sadd.s32 $0x64400, s2  }
0x11: {  	s24 =	sadd.s32 $0x2600, s5;
	s5 =	sadd.s32 $0xC400, s5;
	s1 =	sadd.s32 s2, s1  }
0x12: {  	s9 =	sadd.s32 s2, s9;
	s2 =	simm.s32 $0x4;
	[dreg:$0x4] =	wrdreg s24  }
0x13: {  	[dreg:$0x5] =	wrdreg s5;
	s5 =	sadd.s32 s25, s3;
	s10 =	sadd.s32 $0x12840, s1  }
0x14: {  	s1 =	sshll.u32 @!p0 s15, $0x6;
	s25 =	simm.s32 $0x9E20;
	s24 =	simm.s32 $0x0  }
0x15: {  	s15 =	sor.u32 @!p0 $0x1C0B, s1;
	s16 =	sshrl.u32 @!p0 s5, $0x3;
	s1 =	simm.s32 $0x8  }
.LBB2_1:
0x16: {  	s5 =	rddreg [dreg:$0x4]  }
0x17: {  	[tilespmem:s4], [sflag:$0xB] =	stream.linear.gather [hbm4b:s5+s4], $0x2710, $0x38;
	[tilespmem:$0x14E60] =	vst v63  }
0x18: {  	_ =	swait.ge [sflag:s12], $0x2710  }
0x19: {  	[sflag:s12] =	ssyncset.done $0x0  }
0x1a: {  	s6 =	simm.s32 $0x2710;
	s7 =	rddreg [dreg:$0x5];
	[sflag:s12] =	ssyncadd.s32 $0xFFFFD8F0  }
0x1b: {  	[tilespmem:s6], [sflag:$0xB] =	stream.linear.gather [hbm4b:s7+s4], $0x2710, $0x38;
	[tilespmem:$0x14E60] =	vst v63  }
0x1c: {  	_ =	swait.ge [sflag:s12], $0x2710  }
0x1d: {  	[sflag:s12] =	ssyncset.done $0x0  }
0x1e: {  	s5 =	simm.s32 @p0 $0x1FCB;
	[sflag:s12] =	ssyncadd.s32 $0xFFFFD8F0  }
0x1f: {  	[spmem:s14], [sflag:s5] =	dma.local @p0 [hbm:s8], $0x1040  }
0x20: {  	s5 =	simm.s32 @p0 $0xB  }
0x21: {  	_ =	swait.ge @p0 [sflag:s5], $0x1040  }
0x22: {  	[sflag:s5] =	ssyncset.done @p0 $0x0  }
0x23: {  	[sflag:s5] =	ssyncadd.s32 @p0 $0xFFFFEFC0;
	s5 =	rddreg [dreg:$0x6]  }
0x24: {  	[spmem:s16], [sflag:s15] =	dma.local @!p0 [hbm:s5], $0x13C0  }
0x25: {  	s5 =	simm.s32 @!p0 $0xB  }
0x26: {  	_ =	swait.ge @!p0 [sflag:s5], $0x13C0  }
0x27: {  	[sflag:s5] =	ssyncset.done @!p0 $0x0  }
0x28: {  	[sflag:s5] =	ssyncadd.s32 @!p0 $0xFFFFEC40  }
0x29: {  	[bflag:$0x0] =	sbarrier.arrive $0xFFFF  }
0x2a: {  	[tilespmem:s18], [sflag:$0x1] =	stream.indirect.gather [hbm4b:s0+s17], $0x40, s4, s17, $0xb8;
	[tilespmem:$0x14E60] =	vst v63  }
0x2b: {  	_ = 	snop  }
0x2c: {  	[tilespmem:s19], [sflag:$0x2] =	stream.indirect.gather [hbm4b:s0+s17], $0x40, s17, s17, $0xb8;
	[tilespmem:$0x14E60] =	vst v63  }
0x2d: {  	s6 =	simm.s32 $0xA0  }
0x2e: {  	[tilespmem:s21], [sflag:$0x3] =	stream.indirect.gather [hbm4b:s0+s17], $0x40, s6, s17, $0xb8;
	[tilespmem:$0x14E60] =	vst v63  }
0x2f: {  	s7 =	simm.s32 $0xF0  }
0x30: {  	[tilespmem:s23], [sflag:$0x4] =	stream.indirect.gather [hbm4b:s0+s17], $0x40, s7, s17, $0xb8;
	[tilespmem:$0x14E60] =	vst v63  }
0x31: {  	s6 =	simm.s32 $0x140  }
0x32: {  	[tilespmem:s25], [sflag:$0x5] =	stream.indirect.gather [hbm4b:s0+s17], $0x40, s6, s17, $0xb8;
	[tilespmem:$0x14E60] =	vst v63  }
0x33: {  	_ =	swait.ge [sflag:s26], $0x1400  }
0x34: {  	[sflag:s26] =	ssyncset.done $0x0  }
0x35: {  	s7 =	simm.s32 $0x2710;
	[sflag:s26] =	ssyncadd.s32 $0xFFFFEC00  }
0x36: {  	[spmem:s3] =	stream.indirect.scatter.add.bf16 [tilespmem:s18], [sflag:$0x6], $0x40, s7, s17, $0xb8;
	[tilespmem:$0x14E60] =	vst v63  }
0x37: {  	_ =	swait.ge [sflag:s28], $0x1400  }
0x38: {  	[sflag:s28] =	ssyncset.done $0x0  }
0x39: {  	s6 =	simm.s32 $0x190;
	[sflag:s28] =	ssyncadd.s32 $0xFFFFEC00  }
0x3a: {  	[tilespmem:s18], [sflag:$0x1] =	stream.indirect.gather [hbm4b:s0+s17], $0x40, s6, s17, $0xb8;
	[tilespmem:$0x14E60] =	vst v63  }
0x3b: {  	_ =	swait.ge [sflag:s29], $0x1400  }
0x3c: {  	[sflag:s29] =	ssyncset.done $0x0  }
0x3d: {  	s7 =	simm.s32 $0x2760;
	[sflag:s29] =	ssyncadd.s32 $0xFFFFEC00  }
0x3e: {  	[spmem:s3] =	stream.indirect.scatter.add.bf16 [tilespmem:s19], [sflag:$0x7], $0x40, s7, s17, $0xb8;
	[tilespmem:$0x14E60] =	vst v63  }
0x3f: {  	_ =	swait.ge [sflag:s30], $0x1400  }
0x40: {  	[sflag:s30] =	ssyncset.done $0x0  }
0x41: {  	s6 =	simm.s32 $0x1E0;
	[sflag:s30] =	ssyncadd.s32 $0xFFFFEC00  }
0x42: {  	[tilespmem:s19], [sflag:$0x2] =	stream.indirect.gather [hbm4b:s0+s17], $0x40, s6, s17, $0xb8;
	[tilespmem:$0x14E60] =	vst v63  }
0x43: {  	_ =	swait.ge [sflag:s31], $0x1400  }
0x44: {  	[sflag:s31] =	ssyncset.done $0x0  }
0x45: {  	s7 =	simm.s32 $0x27B0;
	[sflag:s31] =	ssyncadd.s32 $0xFFFFEC00  }
0x46: {  	[spmem:s3] =	stream.indirect.scatter.add.bf16 [tilespmem:s21], [sflag:$0x8], $0x40, s7, s17, $0xb8;
	[tilespmem:$0x14E60] =	vst v63  }
0x47: {  	_ =	swait.ge [sflag:s1], $0x1400  }
0x48: {  	[sflag:s1] =	ssyncset.done $0x0  }
0x49: {  	s6 =	simm.s32 $0x230;
	[sflag:s1] =	ssyncadd.s32 $0xFFFFEC00  }
0x4a: {  	[tilespmem:s21], [sflag:$0x3] =	stream.indirect.gather [hbm4b:s0+s17], $0x40, s6, s17, $0xb8;
	[tilespmem:$0x14E60] =	vst v63  }
0x4b: {  	_ =	swait.ge [sflag:s2], $0x1400  }
0x4c: {  	[sflag:s2] =	ssyncset.done $0x0  }
0x4d: {  	s7 =	simm.s32 $0x2800;
	[sflag:s2] =	ssyncadd.s32 $0xFFFFEC00  }
0x4e: {  	[spmem:s3] =	stream.indirect.scatter.add.bf16 [tilespmem:s23], [sflag:$0x9], $0x40, s7, s17, $0xb8;
	[tilespmem:$0x14E60] =	vst v63  }
0x4f: {  	_ =	swait.ge [sflag:s13], $0x1400  }
0x50: {  	[sflag:s13] =	ssyncset.done $0x0  }
0x51: {  	s6 =	simm.s32 $0x280;
	[sflag:s13] =	ssyncadd.s32 $0xFFFFEC00  }
0x52: {  	[tilespmem:s23], [sflag:$0x4] =	stream.indirect.gather [hbm4b:s0+s17], $0x40, s6, s17, $0xb8;
	[tilespmem:$0x14E60] =	vst v63  }
0x53: {  	_ =	swait.ge [sflag:s20], $0x1400  }
0x54: {  	[sflag:s20] =	ssyncset.done $0x0  }
0x55: {  	s7 =	simm.s32 $0x2850;
	[sflag:s20] =	ssyncadd.s32 $0xFFFFEC00  }
0x56: {  	[spmem:s3] =	stream.indirect.scatter.add.bf16 [tilespmem:s25], [sflag:$0xA], $0x40, s7, s17, $0xb8;
	[tilespmem:$0x14E60] =	vst v63  }
0x57: {  	_ =	swait.ge [sflag:s22], $0x1400  }
0x58: {  	[sflag:s22] =	ssyncset.done $0x0  }
0x59: {  	s5 =	simm.s32 $0x640;
	s6 =	simm.s32 $0x2D0;
	[sflag:s22] =	ssyncadd.s32 $0xFFFFEC00  }
.LBB2_2:
0x5a: {  	[tilespmem:s25], [sflag:$0x5] =	stream.indirect.gather [hbm4b:s0+s17], $0x40, s6, s17, $0xb8;
	[tilespmem:$0x14E60] =	vst v63  }
0x5b: {  	s6 =	smov.u32 s5  }
0x5c: {  	p1 =	sne.s32 s5, $0x8FC0;
	s5 =	sadd.s32 $0x640, s5;
	_ =	swait.ge [sflag:s26], $0x1400  }
0x5d: {  	s6 =	sshra.s32 s6, $0x2;
	[sflag:s26] =	ssyncset.done $0x0  }
0x5e: {  	s7 =	sadd.s32 $0x2710, s6;
	[sflag:s26] =	ssyncadd.s32 $0xFFFFEC00  }
0x5f: {  	[spmem:s3] =	stream.indirect.scatter.add.bf16 [tilespmem:s18], [sflag:$0x6], $0x40, s7, s17, $0xb8;
	[tilespmem:$0x14E60] =	vst v63  }
0x60: {  	_ =	swait.ge [sflag:s28], $0x1400  }
0x61: {  	[sflag:s28] =	ssyncset.done $0x0  }
0x62: {  	s7 =	sadd.s32 $0x190, s6;
	[sflag:s28] =	ssyncadd.s32 $0xFFFFEC00  }
0x63: {  	[tilespmem:s18], [sflag:$0x1] =	stream.indirect.gather [hbm4b:s0+s17], $0x40, s7, s17, $0xb8;
	[tilespmem:$0x14E60] =	vst v63  }
0x64: {  	_ =	swait.ge [sflag:s29], $0x1400  }
0x65: {  	[sflag:s29] =	ssyncset.done $0x0  }
0x66: {  	s7 =	sadd.s32 $0x2760, s6;
	[sflag:s29] =	ssyncadd.s32 $0xFFFFEC00  }
0x67: {  	[spmem:s3] =	stream.indirect.scatter.add.bf16 [tilespmem:s19], [sflag:$0x7], $0x40, s7, s17, $0xb8;
	[tilespmem:$0x14E60] =	vst v63  }
0x68: {  	_ =	swait.ge [sflag:s30], $0x1400  }
0x69: {  	[sflag:s30] =	ssyncset.done $0x0  }
0x6a: {  	s7 =	sadd.s32 $0x1E0, s6;
	[sflag:s30] =	ssyncadd.s32 $0xFFFFEC00  }
0x6b: {  	[tilespmem:s19], [sflag:$0x2] =	stream.indirect.gather [hbm4b:s0+s17], $0x40, s7, s17, $0xb8;
	[tilespmem:$0x14E60] =	vst v63  }
0x6c: {  	_ =	swait.ge [sflag:s31], $0x1400  }
0x6d: {  	[sflag:s31] =	ssyncset.done $0x0  }
0x6e: {  	s7 =	sadd.s32 $0x27B0, s6;
	[sflag:s31] =	ssyncadd.s32 $0xFFFFEC00  }
0x6f: {  	[spmem:s3] =	stream.indirect.scatter.add.bf16 [tilespmem:s21], [sflag:$0x8], $0x40, s7, s17, $0xb8;
	[tilespmem:$0x14E60] =	vst v63  }
0x70: {  	_ =	swait.ge [sflag:s1], $0x1400  }
0x71: {  	[sflag:s1] =	ssyncset.done $0x0  }
0x72: {  	s7 =	sadd.s32 $0x230, s6;
	[sflag:s1] =	ssyncadd.s32 $0xFFFFEC00  }
0x73: {  	[tilespmem:s21], [sflag:$0x3] =	stream.indirect.gather [hbm4b:s0+s17], $0x40, s7, s17, $0xb8;
	[tilespmem:$0x14E60] =	vst v63  }
0x74: {  	_ =	swait.ge [sflag:s2], $0x1400  }
0x75: {  	[sflag:s2] =	ssyncset.done $0x0  }
0x76: {  	s7 =	sadd.s32 $0x2800, s6;
	[sflag:s2] =	ssyncadd.s32 $0xFFFFEC00  }
0x77: {  	[spmem:s3] =	stream.indirect.scatter.add.bf16 [tilespmem:s23], [sflag:$0x9], $0x40, s7, s17, $0xb8;
	[tilespmem:$0x14E60] =	vst v63  }
0x78: {  	_ =	swait.ge [sflag:s13], $0x1400  }
0x79: {  	[sflag:s13] =	ssyncset.done $0x0  }
0x7a: {  	s7 =	sadd.s32 $0x280, s6;
	[sflag:s13] =	ssyncadd.s32 $0xFFFFEC00  }
0x7b: {  	[tilespmem:s23], [sflag:$0x4] =	stream.indirect.gather [hbm4b:s0+s17], $0x40, s7, s17, $0xb8;
	[tilespmem:$0x14E60] =	vst v63  }
0x7c: {  	_ =	swait.ge [sflag:s20], $0x1400  }
0x7d: {  	[sflag:s20] =	ssyncset.done $0x0  }
.Ltmp0:
0x7e: {  	s7 =	sadd.s32 $0x2850, s6;
	[sflag:s20] =	ssyncadd.s32 $0xFFFFEC00;
	(pc) =	sbr.rel @p1 .LBB2_2-.Ltmp0, $4  }
0x7f: {  	[spmem:s3] =	stream.indirect.scatter.add.bf16 [tilespmem:s25], [sflag:$0xA], $0x40, s7, s17, $0xb8;
	[tilespmem:$0x14E60] =	vst v63  }
0x80: {  	_ =	swait.ge [sflag:s22], $0x1400  }
0x81: {  	[sflag:s22] =	ssyncset.done $0x0  }
0x82: {  	s6 =	sadd.s32 $0x2D0, s6;
	[sflag:s22] =	ssyncadd.s32 $0xFFFFEC00  }
0x83: {  	[tilespmem:s25], [sflag:$0x5] =	stream.indirect.gather [hbm4b:s0+s17], $0x40, s6, s17, $0xb8;
	[tilespmem:$0x14E60] =	vst v63  }
0x84: {  	_ =	swait.ge [sflag:s26], $0x1400  }
0x85: {  	[sflag:s26] =	ssyncset.done $0x0  }
0x86: {  	s5 =	simm.s32 $0x4C90;
	[sflag:s26] =	ssyncadd.s32 $0xFFFFEC00  }
0x87: {  	[spmem:s3] =	stream.indirect.scatter.add.bf16 [tilespmem:s18], [sflag:$0x6], $0x40, s5, s17, $0xb8;
	[tilespmem:$0x14E60] =	vst v63  }
0x88: {  	_ =	swait.ge [sflag:s29], $0x1400  }
0x89: {  	[sflag:s29] =	ssyncset.done $0x0  }
0x8a: {  	s6 =	simm.s32 $0x4CE0;
	[sflag:s29] =	ssyncadd.s32 $0xFFFFEC00  }
0x8b: {  	[spmem:s3] =	stream.indirect.scatter.add.bf16 [tilespmem:s19], [sflag:$0x7], $0x40, s6, s17, $0xb8;
	[tilespmem:$0x14E60] =	vst v63  }
0x8c: {  	_ =	swait.ge [sflag:s31], $0x1400  }
0x8d: {  	[sflag:s31] =	ssyncset.done $0x0  }
0x8e: {  	s7 =	simm.s32 $0x4D30;
	[sflag:s31] =	ssyncadd.s32 $0xFFFFEC00  }
0x8f: {  	[spmem:s3] =	stream.indirect.scatter.add.bf16 [tilespmem:s21], [sflag:$0x8], $0x40, s7, s17, $0xb8;
	[tilespmem:$0x14E60] =	vst v63  }
0x90: {  	_ =	swait.ge [sflag:s2], $0x1400  }
0x91: {  	[sflag:s2] =	ssyncset.done $0x0  }
0x92: {  	s6 =	simm.s32 $0x4D80;
	[sflag:s2] =	ssyncadd.s32 $0xFFFFEC00  }
0x93: {  	[spmem:s3] =	stream.indirect.scatter.add.bf16 [tilespmem:s23], [sflag:$0x9], $0x40, s6, s17, $0xb8;
	[tilespmem:$0x14E60] =	vst v63  }
0x94: {  	_ =	swait.ge [sflag:s20], $0x1400  }
0x95: {  	[sflag:s20] =	ssyncset.done $0x0  }
0x96: {  	s7 =	simm.s32 $0x4DD0;
	[sflag:s20] =	ssyncadd.s32 $0xFFFFEC00  }
0x97: {  	[spmem:s3] =	stream.indirect.scatter.add.bf16 [tilespmem:s25], [sflag:$0xA], $0x40, s7, s17, $0xb8;
	[tilespmem:$0x14E60] =	vst v63  }
0x98: {  	_ =	swait.ge [sflag:s28], $0x1400  }
0x99: {  	[sflag:s28] =	ssyncset.done $0x0  }
0x9a: {  	[sflag:s28] =	ssyncadd.s32 $0xFFFFEC00  }
0x9b: {  	_ =	swait.ge [sflag:s30], $0x1400  }
0x9c: {  	[sflag:s30] =	ssyncset.done $0x0  }
0x9d: {  	[sflag:s30] =	ssyncadd.s32 $0xFFFFEC00  }
0x9e: {  	_ =	swait.ge [sflag:s1], $0x1400  }
0x9f: {  	[sflag:s1] =	ssyncset.done $0x0  }
0xa0: {  	[sflag:s1] =	ssyncadd.s32 $0xFFFFEC00  }
0xa1: {  	_ =	swait.ge [sflag:s13], $0x1400  }
0xa2: {  	[sflag:s13] =	ssyncset.done $0x0  }
0xa3: {  	[sflag:s13] =	ssyncadd.s32 $0xFFFFEC00  }
0xa4: {  	_ =	swait.ge [sflag:s22], $0x1400  }
0xa5: {  	[sflag:s22] =	ssyncset.done $0x0  }
0xa6: {  	[sflag:s22] =	ssyncadd.s32 $0xFFFFEC00  }
0xa7: {  	s5 =	simm.s32 @p0 $0x1FCB;
	[bflag:$0x0] =	sbarrier.arrive $0xFFFF  }
0xa8: {  	[hbm:s10], [sflag:s5] =	dma.local @p0 [spmem:s14], $0x1040  }
0xa9: {  	s5 =	simm.s32 @p0 $0xB  }
0xaa: {  	s24 =	sadd.s32 $0x1, s24;
	_ =	swait.ge @p0 [sflag:s5], $0x1040  }
0xab: {  	p1 =	sne.s32 s24, s11;
	[sflag:s5] =	ssyncset.done @p0 $0x0  }
.Ltmp1:
0xac: {  	[sflag:s5] =	ssyncadd.s32 @p0 $0xFFFFEFC0;
	s5 =	simm.s32 @!p0 $0xB;
	(pc) =	sbr.rel @p1 .LBB2_1-.Ltmp1, $4  }
0xad: {  	[hbm:s9], [sflag:s15] =	dma.local @!p0 [spmem:s16], $0x13C0  }
0xae: {  	_ =	swait.ge @!p0 [sflag:s5], $0x13C0  }
0xaf: {  	[sflag:s5] =	ssyncset.done @!p0 $0x0  }
0xb0: {  	[sflag:s5] =	ssyncadd.s32 @!p0 $0xFFFFEC40  }
0xb1: {  	_ =	sfence.sel $0x180000  }
0xb2: {  	[bflag:$0x0] =	sbarrier.arrive $0xFFFF  }
0xb3: {  	_ =	strace $0x90000050  }
0xb4: {  	s0 =	stileid.u32;
	[bflag:$0x2] =	sbarrier.arrive $0xFFFF  }
0xb5: {  	p0 =	sne.s32 s0, $0x0;
	s0 =	rddreg [dreg:$0x3]  }
0xb6: {  	s0 =	sadd.s32 @!p0 $0x100000, s0  }
0xb7: {  	[sflag:s0] =	ssyncadd.tile.s32 @!p0 $0x1;
	_ =	shalt  }
.Lfunc_end2:
_tile_overlayer_lowered:
.L_overlay_start_2:
0xb8: {  	(tag) =	ssettag $0x2  }
0xb9: {  	s0 =	rddreg [dreg:$0x0];
	s2 =	stileid.u32  }
0xba: {  	s1 =	rddreg [dreg:$0x1];
	p0 =	sne.s32 s2, $0x0  }
0xbb: {  	s3 =	rddreg [dreg:$0x2];
	[bflag:$0x3] =	sbarrier.arrive $0xFFFF;
	s2 =	simm.s32 @!p0 $0x1C0B  }
0xbc: {  	[timem:s3], [sflag:s2] =	dma.local @!p0 [hbm:s0], s1  }
0xbd: {  	s0 =	simm.s32 @!p0 $0xB  }
0xbe: {  	_ =	swait.ge @!p0 [sflag:s0], s1  }
0xbf: {  	s1 =	ssub.s32 @!p0 $0x0, s1;
	[sflag:s0] =	ssyncset.done @!p0 $0x0  }
0xc0: {  	[sflag:s0] =	ssyncadd.s32 @!p0 s1  }
0xc1: {  	[bflag:$0x3] =	sbarrier.arrive $0xFFFF  }
0xc2: {  	_ =	shalt  }

// kernel: kernel.24.cloned.1.call-start
scs
__scs_entry_jumppad:
0x0: {  	(pc) =	sbr.rel $0x88, $3  }
0x1: {  	(tag) =	ssettag $0x0;
	lr =	simm.s32 $0x1  }
0x2: {  	[smem:$0x3F97] =	sst lr;
	_ =	strace $0xD0000000  }
0x3: {  	_ = 	snop  }
0x4: {  	_ = 	snop  }
0x5: {  	_ = 	snop  }
0x6: {  	_ = 	snop  }
0x7: {  	_ = 	snop  }
__scs_overlays_trampoline_lowered:
0x8: {  	[smem:$0x3FA6] =	sst s0  }
0x9: {  	[smem:$0x3FA7] =	sst s1  }
0xa: {  	[smem:$0x3FA8] =	sst s2  }
0xb: {  	[smem:$0x3FA9] =	sst s3  }
0xc: {  	[smem:$0x3FAA] =	sst s4  }
0xd: {  	[smem:$0x3FAB] =	sst s5  }
0xe: {  	[smem:$0x3FAC] =	sst s6  }
0xf: {  	[smem:$0x3FAD] =	sst s7  }
0x10: {  	[smem:$0x3FAE] =	sst s8  }
0x11: {  	[smem:$0x3FAF] =	sst s9;
	s0 =	simm.s32 @!p0 $0x0  }
0x12: {  	s1 =	sld [smem:$0x3F95];
	s0 =	simm.s32 @p0 $0x1  }
0x13: {  	[smem:$0x3FB0] =	sst s0;
	s0 =	simm.s32 @!p1 $0x0  }
0x14: {  	s2 =	sld [smem:$0x3F94];
	s0 =	simm.s32 @p1 $0x1  }
0x15: {  	[smem:$0x3FB1] =	sst s0;
	s0 =	simm.s32 @!p2 $0x0  }
0x16: {  	s3 =	sld [smem:$0x3FDB];
	s0 =	simm.s32 @p2 $0x1  }
0x17: {  	s4 =	simm.s32 $0x1BF5;
	[smem:$0x3FB3] =	sst s0  }
0x18: {  	s0 =	sld [smem:$0x3F96];
	_ =	swait.ge [sflag:s4], $0x0  }
0x19: {  	s7 =	sld [smem:$0x3F97]  }
0x1a: {  	s8 =	sadd.s32 $0xFFFFE003, lr  }
0x1b: {  	s9 =	sadd.s32 $0xFFFFFEF7, lr;
	s5 =	simm.s32 $0xFFFFFFFF;
	p2 =	slt.u32 s8, $0xFFFFF086  }
0x1c: {  	p1 =	slt.u32 s9, $0xF7A;
	s5 =	simm.s32 @!p2 $0x0  }
0x1d: {  	s5 =	simm.s32 @p1 $0x1;
	p0 =	seq.s32 s7, s2  }
0x1e: {  	s7 =	smul.u32 @!p0 $0xF7A, s2;
	p2 =	seq.s32 @!p0 s5, $0x0  }
0x1f: {  	s9 =	smul.u32 $0xF7A, s1;
	s8 =	simm.s32 @!p0 $0x1BF5;
	p2 =	por !p2, p0  }
0x20: {  	[sflag:s8] =	ssyncset.s32 @!p0 $0xFFFFF086;
	s6 =	sadd.s32 @!p0 s3, s7;
	s7 =	simm.s32 @!p0 $0x108  }
0x21: {  	s3 =	sadd.s32 s3, s9;
	s6 =	sadd.s32 @!p0 $0x88, s6;
	s7 =	simm.s32 @p2 $0x1082  }
0x22: {  	[simem:s7], [sflag:s8] =	dma.local @!p0 [hbm:s6], $0xF7A  }
0x23: {  	s9 =	sor.u32 $0xD0000000, s2;
	s6 =	simm.s32 $0x108;
	_ =	swait.ge @!p0 [sflag:s8], $0x0  }
0x24: {  	s3 =	sadd.s32 $0x88, s3;
	s6 =	simm.s32 @!p1 $0x1082;
	[sflag:s4] =	ssyncset.s32 $0xFFFFF086  }
0x25: {  	[simem:s6], [sflag:s4] =	dma.local [hbm:s3], $0xF7A  }
0x26: {  	[smem:$0x3F97] =	sst s1;
	(tag) =	ssettag s2;
	_ =	strace s9  }
0x27: {  	s1 =	sld [smem:$0x3FA7]  }
0x28: {  	s2 =	sld [smem:$0x3FA8]  }
0x29: {  	s4 =	sld [smem:$0x3FAA]  }
0x2a: {  	p0 =	seq.s32 s5, $0x0;
	s5 =	sld [smem:$0x3FAB]  }
0x2b: {  	s6 =	sld [smem:$0x3FAC]  }
0x2c: {  	s7 =	sld [smem:$0x3FAD]  }
0x2d: {  	s3 =	simm.s32 $0x108;
	s8 =	sld [smem:$0x3FAE]  }
0x2e: {  	s3 =	simm.s32 @!p0 $0x1082;
	s9 =	sld [smem:$0x3FAF]  }
0x2f: {  	lr =	sadd.s32 s0, s3;
	s0 =	sld [smem:$0x3FA6]  }
0x30: {  	s3 =	sld [smem:$0x3FA9]  }
0x31: {  	[smem:$0x3FB2] =	sst s10  }
0x32: {  	s10 =	sld [smem:$0x3FB0];
	_ =	sdelay $0x3  }
0x33: {  	p0 =	seq.s32 s10, $0x1;
	s10 =	sld [smem:$0x3FB2];
	_ =	sdelay $0x3  }
0x34: {  	[smem:$0x3FB2] =	sst s10  }
0x35: {  	s10 =	sld [smem:$0x3FB1];
	_ =	sdelay $0x3  }
0x36: {  	p1 =	seq.s32 s10, $0x1;
	s10 =	sld [smem:$0x3FB2];
	_ =	sdelay $0x3  }
0x37: {  	[smem:$0x3FB2] =	sst s10  }
0x38: {  	s10 =	sld [smem:$0x3FB3]  }
0x39: {  	_ = 	snop;
	(pc) =	sbr.ind lr, $3  }
0x3a: {  	_ = 	snop  }
0x3b: {  	_ = 	snop  }
0x3c: {  	p2 =	seq.s32 s10, $0x1;
	s10 =	sld [smem:$0x3FB2]  }
0x3d: {  	_ =	shalt  }
0x3e: {  	_ =	shalt  }
0x3f: {  	_ =	shalt  }
0x40: {  	_ =	shalt  }
0x41: {  	_ =	shalt  }
0x42: {  	_ =	shalt  }
0x43: {  	_ =	shalt  }
0x44: {  	_ =	shalt  }
0x45: {  	_ =	shalt  }
0x46: {  	_ =	shalt  }
0x47: {  	_ =	shalt  }
0x48: {  	_ =	shalt  }
0x49: {  	_ =	shalt  }
0x4a: {  	_ =	shalt  }
0x4b: {  	_ =	shalt  }
0x4c: {  	_ =	shalt  }
0x4d: {  	_ =	shalt  }
0x4e: {  	_ =	shalt  }
0x4f: {  	_ =	shalt  }
0x50: {  	_ =	shalt  }
0x51: {  	_ =	shalt  }
0x52: {  	_ =	shalt  }
0x53: {  	_ =	shalt  }
0x54: {  	_ =	shalt  }
0x55: {  	_ =	shalt  }
0x56: {  	_ =	shalt  }
0x57: {  	_ =	shalt  }
0x58: {  	_ =	shalt  }
0x59: {  	_ =	shalt  }
0x5a: {  	_ =	shalt  }
0x5b: {  	_ =	shalt  }
0x5c: {  	_ =	shalt  }
0x5d: {  	_ =	shalt  }
0x5e: {  	_ =	shalt  }
0x5f: {  	_ =	shalt  }
0x60: {  	_ =	shalt  }
0x61: {  	_ =	shalt  }
0x62: {  	_ =	shalt  }
0x63: {  	_ =	shalt  }
0x64: {  	_ =	shalt  }
0x65: {  	_ =	shalt  }
0x66: {  	_ =	shalt  }
0x67: {  	_ =	shalt  }
0x68: {  	_ =	shalt  }
0x69: {  	_ =	shalt  }
0x6a: {  	_ =	shalt  }
0x6b: {  	_ =	shalt  }
0x6c: {  	_ =	shalt  }
0x6d: {  	_ =	shalt  }
0x6e: {  	_ =	shalt  }
0x6f: {  	_ =	shalt  }
0x70: {  	_ =	shalt  }
0x71: {  	_ =	shalt  }
0x72: {  	_ =	shalt  }
0x73: {  	_ =	shalt  }
0x74: {  	_ =	shalt  }
0x75: {  	_ =	shalt  }
0x76: {  	_ =	shalt  }
0x77: {  	_ =	shalt  }
0x78: {  	_ =	shalt  }
0x79: {  	_ =	shalt  }
0x7a: {  	_ =	shalt  }
0x7b: {  	_ =	shalt  }
0x7c: {  	_ =	shalt  }
0x7d: {  	_ =	shalt  }
0x7e: {  	_ =	shalt  }
0x7f: {  	_ =	shalt  }
0x80: {  	_ =	shalt  }
0x81: {  	_ =	shalt  }
0x82: {  	_ =	shalt  }
0x83: {  	_ =	shalt  }
0x84: {  	_ =	shalt  }
0x85: {  	_ =	shalt  }
0x86: {  	_ =	shalt  }
0x87: {  	_ =	shalt  }
.Lfunc_end0:
.L_simem_size_0:
called_computation.4_lowered:
.L_overlay_start_0:
0x88: {  	s2 =	sld [smem:$0x3FD9]  }
0x89: {  	s3 =	sld [smem:$0x3FFE];
	_ =	sdelay $0x1  }
0x8a: {  	s1 =	srdreg.scid  }
0x8b: {  	s0 =	sand.u32 $0x1, s1  }
0x8c: {  	s17 =	sshll.u32 s0, $0xA;
	s2 =	sadd.s32 s3, s2  }
0x8d: {  	s2 =	sadd.s32 s2, s17  }
0x8e: {  	[smem:$0x3FBE] =	sst s2  }
0x8f: {  	_ = 	snop  }
0x90: {  	s2 =	sld [smem:$0x3FD0];
	(tm) =	ssettm $0x1  }
0x91: {  	s18 =	sld [smem:$0x3FFB];
	_ =	sdelay $0x3  }
0x92: {  	_ =	strace s18  }
0x93: {  	s3 =	sld [smem:$0x3FFC];
	_ =	sdelay $0x3  }
0x94: {  	_ =	strace s3  }
0x95: {  	s3 =	sld [smem:$0x3FFD];
	_ =	sdelay $0x3  }
0x96: {  	_ =	strace s3  }
0x97: {  	_ =	strace $0x8FFFFFFF  }
0x98: {  	s19 =	sld [smem:$0x3FDB];
	_ =	sdelay $0x1  }
0x99: {  	s4 =	simm.s32 $_scs_section_size  }
0x9a: {  	s5 =	simm.s32 $_size__tile_overlayer_lowered;
	s6 =	simm.s32 $_tile_overlayer_lowered  }
0x9b: {  	s22 =	simm.s32 $0x1BFF;
	s21 =	sshll.u32 s6, $0x1;
	s3 =	sadd.s32 s4, s19  }
0x9c: {  	s7 =	simm.s32 $0x0;
	s20 =	sshll.u32 s5, $0x1;
	s5 =	sadd.s32 s21, s3  }
0x9d: {  	[timem:s7], [sflag:s22] =	dma.local [hbm:s5], s20  }
0x9e: {  	_ =	swait.ge [sflag:s22], s20  }
0x9f: {  	s4 =	ssub.s32 $0x0, s20;
	[sflag:s22] =	ssyncset.done $0x0  }
0xa0: {  	[sflag:s22] =	ssyncadd.s32 s4;
	_ =	sdelay $0x1  }
0xa1: {  	s23 =	simm.s32 $0x1B8B  }
0xa2: {  	_ =	swait.ge [sflag:s23], $0x1  }
0xa3: {  	[sflag:s23] =	ssyncset.done $0x0  }
0xa4: {  	s25 =	simm.s32 $0x1B8E;
	s24 =	sld [smem:$0x3FFE];
	[sflag:s23] =	ssyncadd.s32 $0xFFFFFFFF  }
0xa5: {  	s26 =	simm.s32 $execute0_lowered;
	[smem:$0x3FD2] =	sst s25  }
0xa6: {  	s5 =	sshll.u32 s26, $0x1;
	_ =	strace $0x80000052;
	[dreg:$0x1] =	wrdreg $0xFFFFFFFF  }
0xa7: {  	s28 =	simm.s32 $_size_execute0_lowered;
	s3 =	sadd.s32 s3, s5;
	[dreg:$0x0] =	wrdreg $0x0  }
0xa8: {  	s5 =	sshll.u32 s28, $0x1;
	[dreg:$0x2] =	wrdreg s3  }
0xa9: {  	[dreg:$0x3] =	wrdreg s5  }
0xaa: {  	[dreg:$0x4] =	wrdreg $0xC0  }
0xab: {  	_ =	task [dreg:s7], $0x5FFFF  }
0xac: {  	[dreg:$0x1] =	wrdreg $0xFFFFFFFF  }
0xad: {  	[dreg:$0x0] =	wrdreg $0x60  }
0xae: {  	[dreg:$0x2] =	wrdreg s24  }
0xaf: {  	[dreg:$0x3] =	wrdreg s2  }
0xb0: {  	[dreg:$0x4] =	wrdreg $0x80200  }
0xb1: {  	[dreg:$0x5] =	wrdreg $0x9  }
0xb2: {  	_ =	task.clear_ibuf [dreg:s7], $0x6FFFF;
	_ =	strace $0x90000052  }
0xb3: {  	s29 =	simm.s32 $0x9;
	_ =	strace $0x80000054  }
0xb4: {  	_ =	swait.ge [sflag:s29], $0x1  }
0xb5: {  	[sflag:s29] =	ssyncadd.s32 $0xFFFFFFFF  }
0xb6: {  	_ =	strace $0x90000054  }
0xb7: {  	_ =	sfence  }
0xb8: {  	s30 =	sld [smem:$0x0];
	_ =	sdelay $0x2  }
0xb9: {  	s31 =	sshll.u32 s1, $0xD;
	s1 =	sshrl.u32 s1, $0x2  }
0xba: {  	s3 =	sand.u32 $0x4000, s31;
	s1 =	sadd.s32 s1, s30  }
0xbb: {  	s0 =	sor.u32 s3, s0;
	s1 =	sshll.u32 s1, $0x11  }
0xbc: {  	s0 =	sor.u32 s1, s0  }
0xbd: {  	s0 =	sadd.s32 $0x8F2B, s0  }
0xbe: {  	[sflag:s0] =	ssyncadd.remote.s32 $0x1  }
0xbf: {  	_ =	sfence.sel $0xFFFF  }
0xc0: {  	[dreg:$0x0] =	wrdreg $0xFFFFFFFF;
	(pc) =	sbr.abs _section_cstart, $3  }
0xc1: {  	[dreg:$0x1] =	wrdreg $0xFFFFFFFF  }
0xc2: {  	_ =	task.clear_ibuf [dreg:s7], $0x2FFFF;
	_ =	strace $0x9FFFFFFF  }
0xc3: {  	(tm) =	ssettm $0x7FFFFFFF  }
tec
execute0_lowered:
.L_overlay_start_1:
0x0: {  	(tag) =	ssettag $0x1  }
0x1: {  	s0 =	rddreg [dreg:$0x0]  }
0x2: {  	s1 =	srdreg.scid;
	s5 =	rddreg [dreg:$0x1]  }
0x3: {  	s2 =	rddreg [dreg:$0x2];
	s15 =	stileid.u32;
	s3 =	simm.s32 $0x0  }
0x4: {  	s12 =	simm.s32 $0xB;
	s17 =	simm.s32 $0x50;
	s18 =	simm.s32 $0x4E20  }
0x5: {  	s19 =	simm.s32 $0x5820;
	s21 =	simm.s32 $0x6220;
	s28 =	simm.s32 $0x6  }
0x6: {  	s29 =	simm.s32 $0x2;
	s30 =	simm.s32 $0x7;
	s31 =	simm.s32 $0x3  }
0x7: {  	s20 =	simm.s32 $0x5;
	s22 =	simm.s32 $0xA;
	s1 =	sand.u32 $0x1, s1  }
0x8: {  	[smem:$0x7FF] =	sst s3;
	s9 =	smul.u32 $0x9E00, s15;
	s13 =	sadd.s32 $0x4A100, s2  }
0x9: {  	p0 =	seq.s32 s15, $0xF;
	s4 =	sshll.u32 s1, $0x4;
	s7 =	ssub.s32 $0x2, s1  }
0xa: {  	_ =	strace $0x80000053;
	s1 =	smul.u32 $0x9C400, s1;
	s14 =	sshrl.u32 @p0 s13, $0x3  }
0xb: {  	s13 =	simm.s32 $0x9;
	s4 =	sor.u32 s15, s4;
	s8 =	sshrl.u32 s7, $0x1  }
0xc: {  	s24 =	sshrl.u32 s9, $0x1;
	s25 =	sshrl.u32 s9, $0x4;
	s6 =	smul.u32 $0x4E2, s4  }
0xd: {  	s4 =	sadd.s32 $0x64400, s0;
	s11 =	ssub.s32 s7, s8;
	s26 =	sadd.s32 s9, s1  }
0xe: {  	s1 =	sshrl.u32 s1, $0x4;
	s8 =	sadd.s32 $0x6D820, s0;
	s7 =	sadd.s32 s4, s25  }
0xf: {  	s9 =	sshrl.u32 s26, $0x4;
	s1 =	sadd.s32 s5, s1;
	s11 =	smax.u32 s11, $0x1  }
0x10: {  	s25 =	simm.s32 $0x7620;
	s26 =	simm.s32 $0x1;
	s6 =	sadd.s32 s6, s0  }
0x11: {  	[dreg:$0x6] =	wrdreg s7;
	s9 =	sadd.s32 s5, s9;
	s10 =	sadd.s32 $0x9420, s1  }
0x12: {  	s0 =	sshll.u32 @!p0 s15, $0x6;
	s1 =	simm.s32 $0x4;
	s23 =	sadd.s32 $0x2600, s6  }
0x13: {  	s6 =	sadd.s32 $0xC400, s6;
	s15 =	sor.u32 @!p0 $0x1C0B, s0;
	[dreg:$0x4] =	wrdreg s23  }
0x14: {  	s0 =	simm.s32 $0x8;
	[dreg:$0x5] =	wrdreg s6;
	s6 =	sadd.s32 s24, s2  }
0x15: {  	s23 =	simm.s32 $0x6C20;
	s24 =	simm.s32 $0x0;
	s16 =	sshrl.u32 @!p0 s6, $0x3  }
.LBB2_1:
0x16: {  	s5 =	rddreg [dreg:$0x4]  }
0x17: {  	[tilespmem:s3], [sflag:$0xB] =	stream.linear.gather [hbm4b:s5+s3], $0x2710, $0x38;
	[tilespmem:$0xCE40] =	vst v63  }
0x18: {  	_ =	swait.ge [sflag:s12], $0x2710  }
0x19: {  	[sflag:s12] =	ssyncset.done $0x0  }
0x1a: {  	s6 =	simm.s32 $0x2710;
	s7 =	rddreg [dreg:$0x5];
	[sflag:s12] =	ssyncadd.s32 $0xFFFFD8F0  }
0x1b: {  	[tilespmem:s6], [sflag:$0xB] =	stream.linear.gather [hbm4b:s7+s3], $0x2710, $0x38;
	[tilespmem:$0xCE40] =	vst v63  }
0x1c: {  	_ =	swait.ge [sflag:s12], $0x2710  }
0x1d: {  	[sflag:s12] =	ssyncset.done $0x0  }
0x1e: {  	s5 =	simm.s32 @p0 $0x1FCB;
	[sflag:s12] =	ssyncadd.s32 $0xFFFFD8F0  }
0x1f: {  	[spmem:s14], [sflag:s5] =	dma.local @p0 [hbm:s8], $0x820  }
0x20: {  	s5 =	simm.s32 @p0 $0xB  }
0x21: {  	_ =	swait.ge @p0 [sflag:s5], $0x820  }
0x22: {  	[sflag:s5] =	ssyncset.done @p0 $0x0  }
0x23: {  	[sflag:s5] =	ssyncadd.s32 @p0 $0xFFFFF7E0;
	s5 =	rddreg [dreg:$0x6]  }
0x24: {  	[spmem:s16], [sflag:s15] =	dma.local @!p0 [hbm:s5], $0x9E0  }
0x25: {  	s5 =	simm.s32 @!p0 $0xB  }
0x26: {  	_ =	swait.ge @!p0 [sflag:s5], $0x9E0  }
0x27: {  	[sflag:s5] =	ssyncset.done @!p0 $0x0  }
0x28: {  	[sflag:s5] =	ssyncadd.s32 @!p0 $0xFFFFF620  }
0x29: {  	[bflag:$0x0] =	sbarrier.arrive $0xFFFF  }
0x2a: {  	[tilespmem:s18], [sflag:$0x1] =	stream.indirect.gather [hbm4b:s4+s17], $0x20, s3, s17, $0xb8;
	[tilespmem:$0xCE40] =	vst v63  }
0x2b: {  	_ = 	snop  }
0x2c: {  	[tilespmem:s19], [sflag:$0x2] =	stream.indirect.gather [hbm4b:s4+s17], $0x20, s17, s17, $0xb8;
	[tilespmem:$0xCE40] =	vst v63  }
0x2d: {  	s6 =	simm.s32 $0xA0  }
0x2e: {  	[tilespmem:s21], [sflag:$0x3] =	stream.indirect.gather [hbm4b:s4+s17], $0x20, s6, s17, $0xb8;
	[tilespmem:$0xCE40] =	vst v63  }
0x2f: {  	s7 =	simm.s32 $0xF0  }
0x30: {  	[tilespmem:s23], [sflag:$0x4] =	stream.indirect.gather [hbm4b:s4+s17], $0x20, s7, s17, $0xb8;
	[tilespmem:$0xCE40] =	vst v63  }
0x31: {  	s6 =	simm.s32 $0x140  }
0x32: {  	[tilespmem:s25], [sflag:$0x5] =	stream.indirect.gather [hbm4b:s4+s17], $0x20, s6, s17, $0xb8;
	[tilespmem:$0xCE40] =	vst v63  }
0x33: {  	_ =	swait.ge [sflag:s26], $0xA00  }
0x34: {  	[sflag:s26] =	ssyncset.done $0x0  }
0x35: {  	s7 =	simm.s32 $0x2710;
	[sflag:s26] =	ssyncadd.s32 $0xFFFFF600  }
0x36: {  	[spmem:s2] =	stream.indirect.scatter.add.bf16 [tilespmem:s18], [sflag:$0x6], $0x20, s7, s17, $0xb8;
	[tilespmem:$0xCE40] =	vst v63  }
0x37: {  	_ =	swait.ge [sflag:s28], $0xA00  }
0x38: {  	[sflag:s28] =	ssyncset.done $0x0  }
0x39: {  	s6 =	simm.s32 $0x190;
	[sflag:s28] =	ssyncadd.s32 $0xFFFFF600  }
0x3a: {  	[tilespmem:s18], [sflag:$0x1] =	stream.indirect.gather [hbm4b:s4+s17], $0x20, s6, s17, $0xb8;
	[tilespmem:$0xCE40] =	vst v63  }
0x3b: {  	_ =	swait.ge [sflag:s29], $0xA00  }
0x3c: {  	[sflag:s29] =	ssyncset.done $0x0  }
0x3d: {  	s7 =	simm.s32 $0x2760;
	[sflag:s29] =	ssyncadd.s32 $0xFFFFF600  }
0x3e: {  	[spmem:s2] =	stream.indirect.scatter.add.bf16 [tilespmem:s19], [sflag:$0x7], $0x20, s7, s17, $0xb8;
	[tilespmem:$0xCE40] =	vst v63  }
0x3f: {  	_ =	swait.ge [sflag:s30], $0xA00  }
0x40: {  	[sflag:s30] =	ssyncset.done $0x0  }
0x41: {  	s6 =	simm.s32 $0x1E0;
	[sflag:s30] =	ssyncadd.s32 $0xFFFFF600  }
0x42: {  	[tilespmem:s19], [sflag:$0x2] =	stream.indirect.gather [hbm4b:s4+s17], $0x20, s6, s17, $0xb8;
	[tilespmem:$0xCE40] =	vst v63  }
0x43: {  	_ =	swait.ge [sflag:s31], $0xA00  }
0x44: {  	[sflag:s31] =	ssyncset.done $0x0  }
0x45: {  	s7 =	simm.s32 $0x27B0;
	[sflag:s31] =	ssyncadd.s32 $0xFFFFF600  }
0x46: {  	[spmem:s2] =	stream.indirect.scatter.add.bf16 [tilespmem:s21], [sflag:$0x8], $0x20, s7, s17, $0xb8;
	[tilespmem:$0xCE40] =	vst v63  }
0x47: {  	_ =	swait.ge [sflag:s0], $0xA00  }
0x48: {  	[sflag:s0] =	ssyncset.done $0x0  }
0x49: {  	s6 =	simm.s32 $0x230;
	[sflag:s0] =	ssyncadd.s32 $0xFFFFF600  }
0x4a: {  	[tilespmem:s21], [sflag:$0x3] =	stream.indirect.gather [hbm4b:s4+s17], $0x20, s6, s17, $0xb8;
	[tilespmem:$0xCE40] =	vst v63  }
0x4b: {  	_ =	swait.ge [sflag:s1], $0xA00  }
0x4c: {  	[sflag:s1] =	ssyncset.done $0x0  }
0x4d: {  	s7 =	simm.s32 $0x2800;
	[sflag:s1] =	ssyncadd.s32 $0xFFFFF600  }
0x4e: {  	[spmem:s2] =	stream.indirect.scatter.add.bf16 [tilespmem:s23], [sflag:$0x9], $0x20, s7, s17, $0xb8;
	[tilespmem:$0xCE40] =	vst v63  }
0x4f: {  	_ =	swait.ge [sflag:s13], $0xA00  }
0x50: {  	[sflag:s13] =	ssyncset.done $0x0  }
0x51: {  	s6 =	simm.s32 $0x280;
	[sflag:s13] =	ssyncadd.s32 $0xFFFFF600  }
0x52: {  	[tilespmem:s23], [sflag:$0x4] =	stream.indirect.gather [hbm4b:s4+s17], $0x20, s6, s17, $0xb8;
	[tilespmem:$0xCE40] =	vst v63  }
0x53: {  	_ =	swait.ge [sflag:s20], $0xA00  }
0x54: {  	[sflag:s20] =	ssyncset.done $0x0  }
0x55: {  	s7 =	simm.s32 $0x2850;
	[sflag:s20] =	ssyncadd.s32 $0xFFFFF600  }
0x56: {  	[spmem:s2] =	stream.indirect.scatter.add.bf16 [tilespmem:s25], [sflag:$0xA], $0x20, s7, s17, $0xb8;
	[tilespmem:$0xCE40] =	vst v63  }
0x57: {  	_ =	swait.ge [sflag:s22], $0xA00  }
0x58: {  	[sflag:s22] =	ssyncset.done $0x0  }
0x59: {  	s5 =	simm.s32 $0x640;
	s6 =	simm.s32 $0x2D0;
	[sflag:s22] =	ssyncadd.s32 $0xFFFFF600  }
.LBB2_2:
0x5a: {  	[tilespmem:s25], [sflag:$0x5] =	stream.indirect.gather [hbm4b:s4+s17], $0x20, s6, s17, $0xb8;
	[tilespmem:$0xCE40] =	vst v63  }
0x5b: {  	s6 =	smov.u32 s5  }
0x5c: {  	p1 =	sne.s32 s5, $0x8FC0;
	s5 =	sadd.s32 $0x640, s5;
	_ =	swait.ge [sflag:s26], $0xA00  }
0x5d: {  	s6 =	sshra.s32 s6, $0x2;
	[sflag:s26] =	ssyncset.done $0x0  }
0x5e: {  	s7 =	sadd.s32 $0x2710, s6;
	[sflag:s26] =	ssyncadd.s32 $0xFFFFF600  }
0x5f: {  	[spmem:s2] =	stream.indirect.scatter.add.bf16 [tilespmem:s18], [sflag:$0x6], $0x20, s7, s17, $0xb8;
	[tilespmem:$0xCE40] =	vst v63  }
0x60: {  	_ =	swait.ge [sflag:s28], $0xA00  }
0x61: {  	[sflag:s28] =	ssyncset.done $0x0  }
0x62: {  	s7 =	sadd.s32 $0x190, s6;
	[sflag:s28] =	ssyncadd.s32 $0xFFFFF600  }
0x63: {  	[tilespmem:s18], [sflag:$0x1] =	stream.indirect.gather [hbm4b:s4+s17], $0x20, s7, s17, $0xb8;
	[tilespmem:$0xCE40] =	vst v63  }
0x64: {  	_ =	swait.ge [sflag:s29], $0xA00  }
0x65: {  	[sflag:s29] =	ssyncset.done $0x0  }
0x66: {  	s7 =	sadd.s32 $0x2760, s6;
	[sflag:s29] =	ssyncadd.s32 $0xFFFFF600  }
0x67: {  	[spmem:s2] =	stream.indirect.scatter.add.bf16 [tilespmem:s19], [sflag:$0x7], $0x20, s7, s17, $0xb8;
	[tilespmem:$0xCE40] =	vst v63  }
0x68: {  	_ =	swait.ge [sflag:s30], $0xA00  }
0x69: {  	[sflag:s30] =	ssyncset.done $0x0  }
0x6a: {  	s7 =	sadd.s32 $0x1E0, s6;
	[sflag:s30] =	ssyncadd.s32 $0xFFFFF600  }
0x6b: {  	[tilespmem:s19], [sflag:$0x2] =	stream.indirect.gather [hbm4b:s4+s17], $0x20, s7, s17, $0xb8;
	[tilespmem:$0xCE40] =	vst v63  }
0x6c: {  	_ =	swait.ge [sflag:s31], $0xA00  }
0x6d: {  	[sflag:s31] =	ssyncset.done $0x0  }
0x6e: {  	s7 =	sadd.s32 $0x27B0, s6;
	[sflag:s31] =	ssyncadd.s32 $0xFFFFF600  }
0x6f: {  	[spmem:s2] =	stream.indirect.scatter.add.bf16 [tilespmem:s21], [sflag:$0x8], $0x20, s7, s17, $0xb8;
	[tilespmem:$0xCE40] =	vst v63  }
0x70: {  	_ =	swait.ge [sflag:s0], $0xA00  }
0x71: {  	[sflag:s0] =	ssyncset.done $0x0  }
0x72: {  	s7 =	sadd.s32 $0x230, s6;
	[sflag:s0] =	ssyncadd.s32 $0xFFFFF600  }
0x73: {  	[tilespmem:s21], [sflag:$0x3] =	stream.indirect.gather [hbm4b:s4+s17], $0x20, s7, s17, $0xb8;
	[tilespmem:$0xCE40] =	vst v63  }
0x74: {  	_ =	swait.ge [sflag:s1], $0xA00  }
0x75: {  	[sflag:s1] =	ssyncset.done $0x0  }
0x76: {  	s7 =	sadd.s32 $0x2800, s6;
	[sflag:s1] =	ssyncadd.s32 $0xFFFFF600  }
0x77: {  	[spmem:s2] =	stream.indirect.scatter.add.bf16 [tilespmem:s23], [sflag:$0x9], $0x20, s7, s17, $0xb8;
	[tilespmem:$0xCE40] =	vst v63  }
0x78: {  	_ =	swait.ge [sflag:s13], $0xA00  }
0x79: {  	[sflag:s13] =	ssyncset.done $0x0  }
0x7a: {  	s7 =	sadd.s32 $0x280, s6;
	[sflag:s13] =	ssyncadd.s32 $0xFFFFF600  }
0x7b: {  	[tilespmem:s23], [sflag:$0x4] =	stream.indirect.gather [hbm4b:s4+s17], $0x20, s7, s17, $0xb8;
	[tilespmem:$0xCE40] =	vst v63  }
0x7c: {  	_ =	swait.ge [sflag:s20], $0xA00  }
0x7d: {  	[sflag:s20] =	ssyncset.done $0x0  }
.Ltmp0:
0x7e: {  	s7 =	sadd.s32 $0x2850, s6;
	[sflag:s20] =	ssyncadd.s32 $0xFFFFF600;
	(pc) =	sbr.rel @p1 .LBB2_2-.Ltmp0, $4  }
0x7f: {  	[spmem:s2] =	stream.indirect.scatter.add.bf16 [tilespmem:s25], [sflag:$0xA], $0x20, s7, s17, $0xb8;
	[tilespmem:$0xCE40] =	vst v63  }
0x80: {  	_ =	swait.ge [sflag:s22], $0xA00  }
0x81: {  	[sflag:s22] =	ssyncset.done $0x0  }
0x82: {  	s6 =	sadd.s32 $0x2D0, s6;
	[sflag:s22] =	ssyncadd.s32 $0xFFFFF600  }
0x83: {  	[tilespmem:s25], [sflag:$0x5] =	stream.indirect.gather [hbm4b:s4+s17], $0x20, s6, s17, $0xb8;
	[tilespmem:$0xCE40] =	vst v63  }
0x84: {  	_ =	swait.ge [sflag:s26], $0xA00  }
0x85: {  	[sflag:s26] =	ssyncset.done $0x0  }
0x86: {  	s5 =	simm.s32 $0x4C90;
	[sflag:s26] =	ssyncadd.s32 $0xFFFFF600  }
0x87: {  	[spmem:s2] =	stream.indirect.scatter.add.bf16 [tilespmem:s18], [sflag:$0x6], $0x20, s5, s17, $0xb8;
	[tilespmem:$0xCE40] =	vst v63  }
0x88: {  	_ =	swait.ge [sflag:s29], $0xA00  }
0x89: {  	[sflag:s29] =	ssyncset.done $0x0  }
0x8a: {  	s6 =	simm.s32 $0x4CE0;
	[sflag:s29] =	ssyncadd.s32 $0xFFFFF600  }
0x8b: {  	[spmem:s2] =	stream.indirect.scatter.add.bf16 [tilespmem:s19], [sflag:$0x7], $0x20, s6, s17, $0xb8;
	[tilespmem:$0xCE40] =	vst v63  }
0x8c: {  	_ =	swait.ge [sflag:s31], $0xA00  }
0x8d: {  	[sflag:s31] =	ssyncset.done $0x0  }
0x8e: {  	s7 =	simm.s32 $0x4D30;
	[sflag:s31] =	ssyncadd.s32 $0xFFFFF600  }
0x8f: {  	[spmem:s2] =	stream.indirect.scatter.add.bf16 [tilespmem:s21], [sflag:$0x8], $0x20, s7, s17, $0xb8;
	[tilespmem:$0xCE40] =	vst v63  }
0x90: {  	_ =	swait.ge [sflag:s1], $0xA00  }
0x91: {  	[sflag:s1] =	ssyncset.done $0x0  }
0x92: {  	s6 =	simm.s32 $0x4D80;
	[sflag:s1] =	ssyncadd.s32 $0xFFFFF600  }
0x93: {  	[spmem:s2] =	stream.indirect.scatter.add.bf16 [tilespmem:s23], [sflag:$0x9], $0x20, s6, s17, $0xb8;
	[tilespmem:$0xCE40] =	vst v63  }
0x94: {  	_ =	swait.ge [sflag:s20], $0xA00  }
0x95: {  	[sflag:s20] =	ssyncset.done $0x0  }
0x96: {  	s7 =	simm.s32 $0x4DD0;
	[sflag:s20] =	ssyncadd.s32 $0xFFFFF600  }
0x97: {  	[spmem:s2] =	stream.indirect.scatter.add.bf16 [tilespmem:s25], [sflag:$0xA], $0x20, s7, s17, $0xb8;
	[tilespmem:$0xCE40] =	vst v63  }
0x98: {  	_ =	swait.ge [sflag:s28], $0xA00  }
0x99: {  	[sflag:s28] =	ssyncset.done $0x0  }
0x9a: {  	[sflag:s28] =	ssyncadd.s32 $0xFFFFF600  }
0x9b: {  	_ =	swait.ge [sflag:s30], $0xA00  }
0x9c: {  	[sflag:s30] =	ssyncset.done $0x0  }
0x9d: {  	[sflag:s30] =	ssyncadd.s32 $0xFFFFF600  }
0x9e: {  	_ =	swait.ge [sflag:s0], $0xA00  }
0x9f: {  	[sflag:s0] =	ssyncset.done $0x0  }
0xa0: {  	[sflag:s0] =	ssyncadd.s32 $0xFFFFF600  }
0xa1: {  	_ =	swait.ge [sflag:s13], $0xA00  }
0xa2: {  	[sflag:s13] =	ssyncset.done $0x0  }
0xa3: {  	[sflag:s13] =	ssyncadd.s32 $0xFFFFF600  }
0xa4: {  	_ =	swait.ge [sflag:s22], $0xA00  }
0xa5: {  	[sflag:s22] =	ssyncset.done $0x0  }
0xa6: {  	[sflag:s22] =	ssyncadd.s32 $0xFFFFF600  }
0xa7: {  	s5 =	simm.s32 @p0 $0x1FCB;
	[bflag:$0x0] =	sbarrier.arrive $0xFFFF  }
0xa8: {  	[hbm:s10], [sflag:s5] =	dma.local @p0 [spmem:s14], $0x820  }
0xa9: {  	s5 =	simm.s32 @p0 $0xB  }
0xaa: {  	s24 =	sadd.s32 $0x1, s24;
	_ =	swait.ge @p0 [sflag:s5], $0x820  }
0xab: {  	p1 =	sne.s32 s24, s11;
	[sflag:s5] =	ssyncset.done @p0 $0x0  }
.Ltmp1:
0xac: {  	[sflag:s5] =	ssyncadd.s32 @p0 $0xFFFFF7E0;
	s5 =	simm.s32 @!p0 $0xB;
	(pc) =	sbr.rel @p1 .LBB2_1-.Ltmp1, $4  }
0xad: {  	[hbm:s9], [sflag:s15] =	dma.local @!p0 [spmem:s16], $0x9E0  }
0xae: {  	_ =	swait.ge @!p0 [sflag:s5], $0x9E0  }
0xaf: {  	[sflag:s5] =	ssyncset.done @!p0 $0x0  }
0xb0: {  	[sflag:s5] =	ssyncadd.s32 @!p0 $0xFFFFF620  }
0xb1: {  	_ =	sfence.sel $0x180000  }
0xb2: {  	[bflag:$0x0] =	sbarrier.arrive $0xFFFF  }
0xb3: {  	_ =	strace $0x90000053  }
0xb4: {  	s0 =	stileid.u32;
	[bflag:$0x2] =	sbarrier.arrive $0xFFFF  }
0xb5: {  	p0 =	sne.s32 s0, $0x0;
	s0 =	rddreg [dreg:$0x3]  }
0xb6: {  	s0 =	sadd.s32 @!p0 $0x100000, s0  }
0xb7: {  	[sflag:s0] =	ssyncadd.tile.s32 @!p0 $0x1;
	_ =	shalt  }
.Lfunc_end2:
_tile_overlayer_lowered:
.L_overlay_start_2:
0xb8: {  	(tag) =	ssettag $0x2  }
0xb9: {  	s0 =	rddreg [dreg:$0x0];
	s2 =	stileid.u32  }
0xba: {  	s1 =	rddreg [dreg:$0x1];
	p0 =	sne.s32 s2, $0x0  }
0xbb: {  	s3 =	rddreg [dreg:$0x2];
	[bflag:$0x3] =	sbarrier.arrive $0xFFFF;
	s2 =	simm.s32 @!p0 $0x1C0B  }
0xbc: {  	[timem:s3], [sflag:s2] =	dma.local @!p0 [hbm:s0], s1  }
0xbd: {  	s0 =	simm.s32 @!p0 $0xB  }
0xbe: {  	_ =	swait.ge @!p0 [sflag:s0], s1  }
0xbf: {  	s1 =	ssub.s32 @!p0 $0x0, s1;
	[sflag:s0] =	ssyncset.done @!p0 $0x0  }
0xc0: {  	[sflag:s0] =	ssyncadd.s32 @!p0 s1  }
0xc1: {  	[bflag:$0x3] =	sbarrier.arrive $0xFFFF  }
0xc2: {  	_ =	shalt  }

</sc_bundles>
